<compile_context>
chip_gen: v7x
topology: tpu7x:2x2x1
jax: 0.10.2.dev20260603
libtpu: 0.0.44.dev20260713+nightly
codegen_flags: <defaults>
</compile_context>

<pallas_src>
import functools

import jax
import jax.numpy as jnp
from jax import lax
from jax.experimental import pallas as pl
from jax.experimental.pallas import tpu as pltpu
from jax.experimental.pallas import tpu_sc as plsc

EMBED = 16
L = 16
NC = 2
NS = 16
NW = NC * NS
CH = 16
BLK = 128


def _build_sc_call(B):
  b_per_w = B // NW
  n_rounds = b_per_w // CH
  n_groups = b_per_w // L
  mesh = plsc.VectorSubcoreMesh(
      core_axis_name="c", subcore_axis_name="s",
      num_cores=NC, num_subcores=NS)

  @functools.partial(
      pl.kernel,
      out_type=jax.ShapeDtypeStruct((B,), jnp.float32),
      mesh=mesh,
      compiler_params=pltpu.CompilerParams(
          needs_layout_passes=False, use_tc_tiling_on_sc=True),
      scratch_types=[
          pltpu.VMEM((b_per_w,), jnp.int32),
          pltpu.VMEM((b_per_w,), jnp.int32),
          pltpu.VMEM((2, CH * EMBED, BLK), jnp.float32),
          pltpu.VMEM((b_per_w * EMBED,), jnp.float32),
          pltpu.VMEM((b_per_w * EMBED,), jnp.float32),
          pltpu.VMEM((b_per_w,), jnp.float32),
          pltpu.VMEM((EMBED, L), jnp.float32),
          pltpu.VMEM((L,), jnp.float32),
          pltpu.SemaphoreType.DMA,
          pltpu.SemaphoreType.DMA,
      ],
  )
  def gmf(user_h, item_h, u_t, i_t, w_h, b_h, out_h,
          uidx, iidx, blk, urows, irows, outv, wv, bv, sem0, sem1):
    wid = lax.axis_index("s") * NC + lax.axis_index("c")
    base = pl.multiple_of(wid * b_per_w, b_per_w)

    pltpu.sync_copy(user_h.at[pl.ds(base, b_per_w)], uidx)
    pltpu.sync_copy(item_h.at[pl.ds(base, b_per_w)], iidx)
    pltpu.sync_copy(w_h, wv)
    pltpu.sync_copy(b_h, bv)

    iot = lax.iota(jnp.int32, L)
    lanes_mask = jnp.full((L,), BLK - 1, jnp.int32)

    sems = (sem0, sem1)

    def fire(tab, idx_ref, c, b):
      c0 = pl.multiple_of(c * CH, CH)
      vec = idx_ref[pl.ds(c0, L)]
      for j in range(CH):
        r = vec[j]
        col0 = pl.multiple_of(
            lax.shift_left(lax.shift_right_logical(r, 7), 7), BLK)
        pltpu.async_copy(
            tab.at[:, pl.ds(col0, BLK)],
            blk.at[b, pl.ds(j * EMBED, EMBED), :], sems[b])

    def drain(tab, b):
      for j in range(CH):
        pltpu.make_async_copy(
            tab.at[:, pl.ds(0, BLK)],
            blk.at[b, pl.ds(j * EMBED, EMBED), :], sems[b]).wait()

    def extract(idx_ref, rows_ref, c, b):
      c0 = pl.multiple_of(c * CH, CH)
      cols = lax.bitwise_and(idx_ref[pl.ds(c0, L)], lanes_mask)
      bvec = jnp.full((L,), b, jnp.int32)
      for j in range(CH):
        rows = iot + j * EMBED
        col = jnp.broadcast_to(cols[j], (L,))
        vec = plsc.load_gather(blk, [bvec, rows, col])
        rows_ref[pl.ds((c0 + j) * EMBED, EMBED)] = vec

    def table_pass(tab, idx_ref, rows_ref):
      fire(tab, idx_ref, 0, 0)

      def body(k, carry):
        k2 = k * 2
        fire(tab, idx_ref, k2 + 1, 1)
        drain(tab, 0)
        extract(idx_ref, rows_ref, k2, 0)

        @pl.when(k < n_rounds // 2 - 1)
        def _():
          fire(tab, idx_ref, k2 + 2, 0)

        drain(tab, 1)
        extract(idx_ref, rows_ref, k2 + 1, 1)
        return carry

      lax.fori_loop(0, n_rounds // 2, body, 0)

    table_pass(u_t, uidx, urows)
    table_pass(i_t, iidx, irows)

    bias_vec = bv[...]
    wsp = [wv[e] for e in range(EMBED)]
    iot16 = iot * EMBED
    zero = jnp.zeros((L,), jnp.float32)

    def group(g, carry):
      g16 = pl.multiple_of(g * L, L)
      base_i = iot16 + g16 * EMBED
      accs = [bias_vec, zero, zero, zero]
      for e in range(EMBED):
        idx = base_i + e
        uc = plsc.load_gather(urows, [idx])
        ic = plsc.load_gather(irows, [idx])
        accs[e % 4] = accs[e % 4] + (uc * ic) * wsp[e]
      outv[pl.ds(g16, L)] = (accs[0] + accs[1]) + (accs[2] + accs[3])
      return carry

    lax.fori_loop(0, n_groups, group, 0)

    pltpu.sync_copy(outv, out_h.at[pl.ds(base, b_per_w)])

  return gmf


def kernel(user, item, U, I, fc_w, fc_b):
  B = user.shape[0]
  u_t = U.T
  i_t = I.T
  user1 = user.astype(jnp.int32)
  item1 = item.astype(jnp.int32)
  w_vec = jnp.broadcast_to(
      fc_w.reshape(EMBED, 1).astype(jnp.float32), (EMBED, L))
  b_vec = jnp.broadcast_to(fc_b.reshape(()), (L,)).astype(jnp.float32)
  return _build_sc_call(B)(user1, item1, u_t, i_t, w_vec, b_vec)

# --- scband reference (transcript-rebuilt; emitter-appended) ---
"""Pipeline reference for scband-gmf-66932770341447 (READ-ONLY COPY).

The authoritative reference and input builder live on the scoring server;
editing this copy changes nothing except your own understanding.
"""

import jax, jax.numpy as jnp
import numpy as np

USER_SIZE = 1000000
ITEM_SIZE = 1000000
EMBED = 16
BATCH = 16384

def setup_inputs(seed: int = 0) -> dict:
    key = jax.random.key(seed)
    k1, k2, k3, k4, k5, k6 = jax.random.split(key, 6)
    user = jax.random.randint(k1, (BATCH,), 0, USER_SIZE, dtype=jnp.int64 if jax.config.jax_enable_x64 else jnp.int32)
    item = jax.random.randint(k2, (BATCH,), 0, ITEM_SIZE, dtype=jnp.int64 if jax.config.jax_enable_x64 else jnp.int32)
    U = jax.random.normal(k3, (USER_SIZE, EMBED), dtype=jnp.float32) * 0.01
    I = jax.random.normal(k4, (ITEM_SIZE, EMBED), dtype=jnp.float32) * 0.01
    # kaiming uniform with a=1: bound = sqrt(6 / ((1 + a^2) * fan_in)) = sqrt(3/fan_in)
    bound = float(np.sqrt(3.0 / EMBED))
    fc_w = jax.random.uniform(k5, (1, EMBED), dtype=jnp.float32, minval=-bound, maxval=bound)
    fc_b = jnp.zeros((1,), dtype=jnp.float32)
    return {"user": user, "item": item, "U": U, "I": I, "fc_w": fc_w, "fc_b": fc_b}

def reference(user, item, U, I, fc_w, fc_b):
    user_vec = jnp.take(U, user, axis=0)          # [B, E] gather
    item_vec = jnp.take(I, item, axis=0)          # [B, E] gather
    prod = item_vec * user_vec                    # [B, E]
    dot = prod @ fc_w.T + fc_b                    # [B, 1]
    return dot.reshape(-1)

if __name__ == "__main__":
    import jax
    _d = setup_inputs()
    print(jax.jit(kernel)(*tuple(_d.values())))

</pallas_src>

<mosaic_0001>
#map = affine_map<(d0, d1) -> (0)>
#map1 = affine_map<(d0, d1) -> (0, 0)>
module attributes {stable_mosaic.version = 14 : i64} {
  func.func @gmf(%arg0: i32, %arg1: i32, %arg2: memref<16384xi32, #tpu.memory_space<hbm>>, %arg3: memref<16384xi32, #tpu.memory_space<hbm>>, %arg4: memref<16x1000000xf32, #tpu.memory_space<hbm>>, %arg5: memref<16x1000000xf32, #tpu.memory_space<hbm>>, %arg6: memref<16x16xf32, #tpu.memory_space<hbm>>, %arg7: memref<16xf32, #tpu.memory_space<hbm>>, %arg8: memref<16384xf32, #tpu.memory_space<hbm>>, %arg9: memref<512xi32, #tpu.memory_space<vmem>>, %arg10: memref<512xi32, #tpu.memory_space<vmem>>, %arg11: memref<2x256x128xf32, #tpu.memory_space<vmem>>, %arg12: memref<8192xf32, #tpu.memory_space<vmem>>, %arg13: memref<8192xf32, #tpu.memory_space<vmem>>, %arg14: memref<512xf32, #tpu.memory_space<vmem>>, %arg15: memref<16x16xf32, #tpu.memory_space<vmem>>, %arg16: memref<16xf32, #tpu.memory_space<vmem>>, %arg17: memref<!tpu.dma_semaphore, #tpu.memory_space<semaphore_mem>>, %arg18: memref<!tpu.dma_semaphore, #tpu.memory_space<semaphore_mem>>) attributes {dimension_semantics = [#tpu.dimension_semantics<core_parallel>, #tpu.dimension_semantics<subcore_parallel>], iteration_bounds = array<i64: 2, 16>, scalar_prefetch = 0 : i64, scratch_operands = 10 : i64, tpu.core_type = #tpu.core_type<sc_vector_subcore>, window_params = [{transform_indices = #map}, {transform_indices = #map}, {transform_indices = #map1}, {transform_indices = #map1}, {transform_indices = #map1}, {transform_indices = #map}, {transform_indices = #map}]} {
    %mul3A = arith.constant 2 : i32
    %mul3A_0 = arith.muli %arg1, %mul3A : i32
    %add3A = arith.addi %mul3A_0, %arg0 : i32
    %mul3A_1 = arith.constant 512 : i32
    %mul3A_2 = arith.muli %add3A, %mul3A_1 : i32
    %multiple_of3A = tpu.assume_multiple %mul3A_2, 512 : i32
    "tpu.region"() ({
      %run_scoped3A = tpu.sem_alloc : memref<!tpu.dma_semaphore, #tpu.memory_space<semaphore_mem>>
      %dma_start3A_734 = tpu.memref_slice %arg2[%multiple_of3A] : memref<16384xi32, #tpu.memory_space<hbm>> -> memref<512xi32, #tpu.memory_space<hbm>>
      %dma_start3A_735 = tpu.memref_slice %arg2[%multiple_of3A] : memref<16384xi32, #tpu.memory_space<hbm>> -> memref<512xi32, #tpu.memory_space<hbm>>
      tpu.enqueue_dma source(%dma_start3A_735 : memref<512xi32, #tpu.memory_space<hbm>>) target(%arg9 : memref<512xi32, #tpu.memory_space<vmem>>) target_semaphore(%run_scoped3A : memref<!tpu.dma_semaphore, #tpu.memory_space<semaphore_mem>>)
      %dma_wait3A = tpu.memref_slice %arg2[%multiple_of3A] : memref<16384xi32, #tpu.memory_space<hbm>> -> memref<512xi32, #tpu.memory_space<hbm>>
      %dma_wait3A_736 = tpu.memref_slice %arg2[%multiple_of3A] : memref<16384xi32, #tpu.memory_space<hbm>> -> memref<512xi32, #tpu.memory_space<hbm>>
      tpu.wait_dma2 semaphore(%run_scoped3A : memref<!tpu.dma_semaphore, #tpu.memory_space<semaphore_mem>>) src(%dma_wait3A_736 : memref<512xi32, #tpu.memory_space<hbm>>) dst(%arg9 : memref<512xi32, #tpu.memory_space<vmem>>)
      tpu.yield
    }) : () -> ()
    "tpu.region"() ({
      %run_scoped3A = tpu.sem_alloc : memref<!tpu.dma_semaphore, #tpu.memory_space<semaphore_mem>>
      %dma_start3A_734 = tpu.memref_slice %arg3[%multiple_of3A] : memref<16384xi32, #tpu.memory_space<hbm>> -> memref<512xi32, #tpu.memory_space<hbm>>
      %dma_start3A_735 = tpu.memref_slice %arg3[%multiple_of3A] : memref<16384xi32, #tpu.memory_space<hbm>> -> memref<512xi32, #tpu.memory_space<hbm>>
      tpu.enqueue_dma source(%dma_start3A_735 : memref<512xi32, #tpu.memory_space<hbm>>) target(%arg10 : memref<512xi32, #tpu.memory_space<vmem>>) target_semaphore(%run_scoped3A : memref<!tpu.dma_semaphore, #tpu.memory_space<semaphore_mem>>)
      %dma_wait3A = tpu.memref_slice %arg3[%multiple_of3A] : memref<16384xi32, #tpu.memory_space<hbm>> -> memref<512xi32, #tpu.memory_space<hbm>>
      %dma_wait3A_736 = tpu.memref_slice %arg3[%multiple_of3A] : memref<16384xi32, #tpu.memory_space<hbm>> -> memref<512xi32, #tpu.memory_space<hbm>>
      tpu.wait_dma2 semaphore(%run_scoped3A : memref<!tpu.dma_semaphore, #tpu.memory_space<semaphore_mem>>) src(%dma_wait3A_736 : memref<512xi32, #tpu.memory_space<hbm>>) dst(%arg10 : memref<512xi32, #tpu.memory_space<vmem>>)
      tpu.yield
    }) : () -> ()
    "tpu.region"() ({
      %run_scoped3A = tpu.sem_alloc : memref<!tpu.dma_semaphore, #tpu.memory_space<semaphore_mem>>
      tpu.enqueue_dma source(%arg6 : memref<16x16xf32, #tpu.memory_space<hbm>>) target(%arg15 : memref<16x16xf32, #tpu.memory_space<vmem>>) target_semaphore(%run_scoped3A : memref<!tpu.dma_semaphore, #tpu.memory_space<semaphore_mem>>)
      tpu.wait_dma2 semaphore(%run_scoped3A : memref<!tpu.dma_semaphore, #tpu.memory_space<semaphore_mem>>) src(%arg6 : memref<16x16xf32, #tpu.memory_space<hbm>>) dst(%arg15 : memref<16x16xf32, #tpu.memory_space<vmem>>)
      tpu.yield
    }) : () -> ()
    "tpu.region"() ({
      %run_scoped3A = tpu.sem_alloc : memref<!tpu.dma_semaphore, #tpu.memory_space<semaphore_mem>>
      tpu.enqueue_dma source(%arg7 : memref<16xf32, #tpu.memory_space<hbm>>) target(%arg16 : memref<16xf32, #tpu.memory_space<vmem>>) target_semaphore(%run_scoped3A : memref<!tpu.dma_semaphore, #tpu.memory_space<semaphore_mem>>)
      tpu.wait_dma2 semaphore(%run_scoped3A : memref<!tpu.dma_semaphore, #tpu.memory_space<semaphore_mem>>) src(%arg7 : memref<16xf32, #tpu.memory_space<hbm>>) dst(%arg16 : memref<16xf32, #tpu.memory_space<vmem>>)
      tpu.yield
    }) : () -> ()
    %iota3A = tpu.iota {dimensions = array<i32: 0>} : vector<16xi32>
    %broadcast_in_dim3A = arith.constant 127 : i32
    %broadcast_in_dim3A_3 = vector.broadcast %broadcast_in_dim3A : i32 to vector<16xi32>
    %multiple_of3A_4 = arith.constant 0 : i32
    %multiple_of3A_5 = tpu.assume_multiple %multiple_of3A_4, 16 : i32
    %get3A = arith.index_cast %multiple_of3A_5 : i32 to index
    %get3A_6 = tpu.vector_load %arg9[%get3A] {strides = array<i32>} : memref<512xi32, #tpu.memory_space<vmem>>, vector<16xi32>,
    %slice3A = vector.extract_strided_slice %get3A_6 {offsets = [0], sizes = [1], strides = [1]} : vector<16xi32> to vector<1xi32>
    %squeeze3A = vector.extract %slice3A[0] : i32 from vector<1xi32>
    %shift_right_logical3A = arith.constant 7 : i32
    %shift_right_logical3A_7 = arith.shrui %squeeze3A, %shift_right_logical3A : i32
    %shift_left3A = arith.constant 7 : i32
    %shift_left3A_8 = arith.shli %shift_right_logical3A_7, %shift_left3A : i32
    %multiple_of3A_9 = tpu.assume_multiple %shift_left3A_8, 128 : i32
    %dma_start3A = arith.constant 0 : i32
    %dma_start3A_10 = arith.constant 0 : i32
    %dma_start3A_11 = arith.constant 0 : i32
    %dma_start3A_12 = tpu.memref_slice %arg11[%dma_start3A, %dma_start3A_10, %dma_start3A_11] : memref<2x256x128xf32, #tpu.memory_space<vmem>> -> memref<1x16x128xf32, #tpu.memory_space<vmem>>
    %dma_start3A_13 = tpu.memref_squeeze %dma_start3A_12 : memref<1x16x128xf32, #tpu.memory_space<vmem>> -> memref<16x128xf32, #tpu.memory_space<vmem>>
    %dma_start3A_14 = arith.constant 0 : i32
    %dma_start3A_15 = tpu.memref_slice %arg4[%dma_start3A_14, %multiple_of3A_9] : memref<16x1000000xf32, #tpu.memory_space<hbm>> -> memref<16x128xf32, #tpu.memory_space<hbm>>
    %dma_start3A_16 = arith.constant 0 : i32
    %dma_start3A_17 = arith.constant 0 : i32
    %dma_start3A_18 = tpu.memref_slice %arg11[%dma_start3A, %dma_start3A_16, %dma_start3A_17] : memref<2x256x128xf32, #tpu.memory_space<vmem>> -> memref<1x16x128xf32, #tpu.memory_space<vmem>>
    %dma_start3A_19 = tpu.memref_squeeze %dma_start3A_18 : memref<1x16x128xf32, #tpu.memory_space<vmem>> -> memref<16x128xf32, #tpu.memory_space<vmem>>
    %dma_start3A_20 = arith.constant 0 : i32
    %dma_start3A_21 = tpu.memref_slice %arg4[%dma_start3A_20, %multiple_of3A_9] : memref<16x1000000xf32, #tpu.memory_space<hbm>> -> memref<16x128xf32, #tpu.memory_space<hbm>>
    tpu.enqueue_dma source(%dma_start3A_21 : memref<16x128xf32, #tpu.memory_space<hbm>>) target(%dma_start3A_19 : memref<16x128xf32, #tpu.memory_space<vmem>>) target_semaphore(%arg17 : memref<!tpu.dma_semaphore, #tpu.memory_space<semaphore_mem>>)
    %slice3A_22 = vector.extract_strided_slice %get3A_6 {offsets = [1], sizes = [1], strides = [1]} : vector<16xi32> to vector<1xi32>
    %squeeze3A_23 = vector.extract %slice3A_22[0] : i32 from vector<1xi32>
    %shift_right_logical3A_24 = arith.constant 7 : i32
    %shift_right_logical3A_25 = arith.shrui %squeeze3A_23, %shift_right_logical3A_24 : i32
    %shift_left3A_26 = arith.constant 7 : i32
    %shift_left3A_27 = arith.shli %shift_right_logical3A_25, %shift_left3A_26 : i32
    %multiple_of3A_28 = tpu.assume_multiple %shift_left3A_27, 128 : i32
    %dma_start3A_29 = arith.constant 0 : i32
    %dma_start3A_30 = arith.constant 16 : i32
    %dma_start3A_31 = arith.constant 0 : i32
    %dma_start3A_32 = tpu.memref_slice %arg11[%dma_start3A_29, %dma_start3A_30, %dma_start3A_31] : memref<2x256x128xf32, #tpu.memory_space<vmem>> -> memref<1x16x128xf32, #tpu.memory_space<vmem>>
    %dma_start3A_33 = tpu.memref_squeeze %dma_start3A_32 : memref<1x16x128xf32, #tpu.memory_space<vmem>> -> memref<16x128xf32, #tpu.memory_space<vmem>>
    %dma_start3A_34 = arith.constant 0 : i32
    %dma_start3A_35 = tpu.memref_slice %arg4[%dma_start3A_34, %multiple_of3A_28] : memref<16x1000000xf32, #tpu.memory_space<hbm>> -> memref<16x128xf32, #tpu.memory_space<hbm>>
    %dma_start3A_36 = arith.constant 16 : i32
    %dma_start3A_37 = arith.constant 0 : i32
    %dma_start3A_38 = tpu.memref_slice %arg11[%dma_start3A_29, %dma_start3A_36, %dma_start3A_37] : memref<2x256x128xf32, #tpu.memory_space<vmem>> -> memref<1x16x128xf32, #tpu.memory_space<vmem>>
    %dma_start3A_39 = tpu.memref_squeeze %dma_start3A_38 : memref<1x16x128xf32, #tpu.memory_space<vmem>> -> memref<16x128xf32, #tpu.memory_space<vmem>>
    %dma_start3A_40 = arith.constant 0 : i32
    %dma_start3A_41 = tpu.memref_slice %arg4[%dma_start3A_40, %multiple_of3A_28] : memref<16x1000000xf32, #tpu.memory_space<hbm>> -> memref<16x128xf32, #tpu.memory_space<hbm>>
    tpu.enqueue_dma source(%dma_start3A_41 : memref<16x128xf32, #tpu.memory_space<hbm>>) target(%dma_start3A_39 : memref<16x128xf32, #tpu.memory_space<vmem>>) target_semaphore(%arg17 : memref<!tpu.dma_semaphore, #tpu.memory_space<semaphore_mem>>)
    %slice3A_42 = vector.extract_strided_slice %get3A_6 {offsets = [2], sizes = [1], strides = [1]} : vector<16xi32> to vector<1xi32>
    %squeeze3A_43 = vector.extract %slice3A_42[0] : i32 from vector<1xi32>
    %shift_right_logical3A_44 = arith.constant 7 : i32
    %shift_right_logical3A_45 = arith.shrui %squeeze3A_43, %shift_right_logical3A_44 : i32
    %shift_left3A_46 = arith.constant 7 : i32
    %shift_left3A_47 = arith.shli %shift_right_logical3A_45, %shift_left3A_46 : i32
    %multiple_of3A_48 = tpu.assume_multiple %shift_left3A_47, 128 : i32
    %dma_start3A_49 = arith.constant 0 : i32
    %dma_start3A_50 = arith.constant 32 : i32
    %dma_start3A_51 = arith.constant 0 : i32
    %dma_start3A_52 = tpu.memref_slice %arg11[%dma_start3A_49, %dma_start3A_50, %dma_start3A_51] : memref<2x256x128xf32, #tpu.memory_space<vmem>> -> memref<1x16x128xf32, #tpu.memory_space<vmem>>
    %dma_start3A_53 = tpu.memref_squeeze %dma_start3A_52 : memref<1x16x128xf32, #tpu.memory_space<vmem>> -> memref<16x128xf32, #tpu.memory_space<vmem>>
    %dma_start3A_54 = arith.constant 0 : i32
    %dma_start3A_55 = tpu.memref_slice %arg4[%dma_start3A_54, %multiple_of3A_48] : memref<16x1000000xf32, #tpu.memory_space<hbm>> -> memref<16x128xf32, #tpu.memory_space<hbm>>
    %dma_start3A_56 = arith.constant 32 : i32
    %dma_start3A_57 = arith.constant 0 : i32
    %dma_start3A_58 = tpu.memref_slice %arg11[%dma_start3A_49, %dma_start3A_56, %dma_start3A_57] : memref<2x256x128xf32, #tpu.memory_space<vmem>> -> memref<1x16x128xf32, #tpu.memory_space<vmem>>
    %dma_start3A_59 = tpu.memref_squeeze %dma_start3A_58 : memref<1x16x128xf32, #tpu.memory_space<vmem>> -> memref<16x128xf32, #tpu.memory_space<vmem>>
    %dma_start3A_60 = arith.constant 0 : i32
    %dma_start3A_61 = tpu.memref_slice %arg4[%dma_start3A_60, %multiple_of3A_48] : memref<16x1000000xf32, #tpu.memory_space<hbm>> -> memref<16x128xf32, #tpu.memory_space<hbm>>
    tpu.enqueue_dma source(%dma_start3A_61 : memref<16x128xf32, #tpu.memory_space<hbm>>) target(%dma_start3A_59 : memref<16x128xf32, #tpu.memory_space<vmem>>) target_semaphore(%arg17 : memref<!tpu.dma_semaphore, #tpu.memory_space<semaphore_mem>>)
    %slice3A_62 = vector.extract_strided_slice %get3A_6 {offsets = [3], sizes = [1], strides = [1]} : vector<16xi32> to vector<1xi32>
    %squeeze3A_63 = vector.extract %slice3A_62[0] : i32 from vector<1xi32>
    %shift_right_logical3A_64 = arith.constant 7 : i32
    %shift_right_logical3A_65 = arith.shrui %squeeze3A_63, %shift_right_logical3A_64 : i32
    %shift_left3A_66 = arith.constant 7 : i32
    %shift_left3A_67 = arith.shli %shift_right_logical3A_65, %shift_left3A_66 : i32
    %multiple_of3A_68 = tpu.assume_multiple %shift_left3A_67, 128 : i32
    %dma_start3A_69 = arith.constant 0 : i32
    %dma_start3A_70 = arith.constant 48 : i32
    %dma_start3A_71 = arith.constant 0 : i32
    %dma_start3A_72 = tpu.memref_slice %arg11[%dma_start3A_69, %dma_start3A_70, %dma_start3A_71] : memref<2x256x128xf32, #tpu.memory_space<vmem>> -> memref<1x16x128xf32, #tpu.memory_space<vmem>>
    %dma_start3A_73 = tpu.memref_squeeze %dma_start3A_72 : memref<1x16x128xf32, #tpu.memory_space<vmem>> -> memref<16x128xf32, #tpu.memory_space<vmem>>
    %dma_start3A_74 = arith.constant 0 : i32
    %dma_start3A_75 = tpu.memref_slice %arg4[%dma_start3A_74, %multiple_of3A_68] : memref<16x1000000xf32, #tpu.memory_space<hbm>> -> memref<16x128xf32, #tpu.memory_space<hbm>>
    %dma_start3A_76 = arith.constant 48 : i32
    %dma_start3A_77 = arith.constant 0 : i32
    %dma_start3A_78 = tpu.memref_slice %arg11[%dma_start3A_69, %dma_start3A_76, %dma_start3A_77] : memref<2x256x128xf32, #tpu.memory_space<vmem>> -> memref<1x16x128xf32, #tpu.memory_space<vmem>>
    %dma_start3A_79 = tpu.memref_squeeze %dma_start3A_78 : memref<1x16x128xf32, #tpu.memory_space<vmem>> -> memref<16x128xf32, #tpu.memory_space<vmem>>
    %dma_start3A_80 = arith.constant 0 : i32
    %dma_start3A_81 = tpu.memref_slice %arg4[%dma_start3A_80, %multiple_of3A_68] : memref<16x1000000xf32, #tpu.memory_space<hbm>> -> memref<16x128xf32, #tpu.memory_space<hbm>>
    tpu.enqueue_dma source(%dma_start3A_81 : memref<16x128xf32, #tpu.memory_space<hbm>>) target(%dma_start3A_79 : memref<16x128xf32, #tpu.memory_space<vmem>>) target_semaphore(%arg17 : memref<!tpu.dma_semaphore, #tpu.memory_space<semaphore_mem>>)
    %slice3A_82 = vector.extract_strided_slice %get3A_6 {offsets = [4], sizes = [1], strides = [1]} : vector<16xi32> to vector<1xi32>
    %squeeze3A_83 = vector.extract %slice3A_82[0] : i32 from vector<1xi32>
    %shift_right_logical3A_84 = arith.constant 7 : i32
    %shift_right_logical3A_85 = arith.shrui %squeeze3A_83, %shift_right_logical3A_84 : i32
    %shift_left3A_86 = arith.constant 7 : i32
    %shift_left3A_87 = arith.shli %shift_right_logical3A_85, %shift_left3A_86 : i32
    %multiple_of3A_88 = tpu.assume_multiple %shift_left3A_87, 128 : i32
    %dma_start3A_89 = arith.constant 0 : i32
    %dma_start3A_90 = arith.constant 64 : i32
    %dma_start3A_91 = arith.constant 0 : i32
    %dma_start3A_92 = tpu.memref_slice %arg11[%dma_start3A_89, %dma_start3A_90, %dma_start3A_91] : memref<2x256x128xf32, #tpu.memory_space<vmem>> -> memref<1x16x128xf32, #tpu.memory_space<vmem>>
    %dma_start3A_93 = tpu.memref_squeeze %dma_start3A_92 : memref<1x16x128xf32, #tpu.memory_space<vmem>> -> memref<16x128xf32, #tpu.memory_space<vmem>>
    %dma_start3A_94 = arith.constant 0 : i32
    %dma_start3A_95 = tpu.memref_slice %arg4[%dma_start3A_94, %multiple_of3A_88] : memref<16x1000000xf32, #tpu.memory_space<hbm>> -> memref<16x128xf32, #tpu.memory_space<hbm>>
    %dma_start3A_96 = arith.constant 64 : i32
    %dma_start3A_97 = arith.constant 0 : i32
    %dma_start3A_98 = tpu.memref_slice %arg11[%dma_start3A_89, %dma_start3A_96, %dma_start3A_97] : memref<2x256x128xf32, #tpu.memory_space<vmem>> -> memref<1x16x128xf32, #tpu.memory_space<vmem>>
    %dma_start3A_99 = tpu.memref_squeeze %dma_start3A_98 : memref<1x16x128xf32, #tpu.memory_space<vmem>> -> memref<16x128xf32, #tpu.memory_space<vmem>>
    %dma_start3A_100 = arith.constant 0 : i32
    %dma_start3A_101 = tpu.memref_slice %arg4[%dma_start3A_100, %multiple_of3A_88] : memref<16x1000000xf32, #tpu.memory_space<hbm>> -> memref<16x128xf32, #tpu.memory_space<hbm>>
    tpu.enqueue_dma source(%dma_start3A_101 : memref<16x128xf32, #tpu.memory_space<hbm>>) target(%dma_start3A_99 : memref<16x128xf32, #tpu.memory_space<vmem>>) target_semaphore(%arg17 : memref<!tpu.dma_semaphore, #tpu.memory_space<semaphore_mem>>)
    %slice3A_102 = vector.extract_strided_slice %get3A_6 {offsets = [5], sizes = [1], strides = [1]} : vector<16xi32> to vector<1xi32>
    %squeeze3A_103 = vector.extract %slice3A_102[0] : i32 from vector<1xi32>
    %shift_right_logical3A_104 = arith.constant 7 : i32
    %shift_right_logical3A_105 = arith.shrui %squeeze3A_103, %shift_right_logical3A_104 : i32
    %shift_left3A_106 = arith.constant 7 : i32
    %shift_left3A_107 = arith.shli %shift_right_logical3A_105, %shift_left3A_106 : i32
    %multiple_of3A_108 = tpu.assume_multiple %shift_left3A_107, 128 : i32
    %dma_start3A_109 = arith.constant 0 : i32
    %dma_start3A_110 = arith.constant 80 : i32
    %dma_start3A_111 = arith.constant 0 : i32
    %dma_start3A_112 = tpu.memref_slice %arg11[%dma_start3A_109, %dma_start3A_110, %dma_start3A_111] : memref<2x256x128xf32, #tpu.memory_space<vmem>> -> memref<1x16x128xf32, #tpu.memory_space<vmem>>
    %dma_start3A_113 = tpu.memref_squeeze %dma_start3A_112 : memref<1x16x128xf32, #tpu.memory_space<vmem>> -> memref<16x128xf32, #tpu.memory_space<vmem>>
    %dma_start3A_114 = arith.constant 0 : i32
    %dma_start3A_115 = tpu.memref_slice %arg4[%dma_start3A_114, %multiple_of3A_108] : memref<16x1000000xf32, #tpu.memory_space<hbm>> -> memref<16x128xf32, #tpu.memory_space<hbm>>
    %dma_start3A_116 = arith.constant 80 : i32
    %dma_start3A_117 = arith.constant 0 : i32
    %dma_start3A_118 = tpu.memref_slice %arg11[%dma_start3A_109, %dma_start3A_116, %dma_start3A_117] : memref<2x256x128xf32, #tpu.memory_space<vmem>> -> memref<1x16x128xf32, #tpu.memory_space<vmem>>
    %dma_start3A_119 = tpu.memref_squeeze %dma_start3A_118 : memref<1x16x128xf32, #tpu.memory_space<vmem>> -> memref<16x128xf32, #tpu.memory_space<vmem>>
    %dma_start3A_120 = arith.constant 0 : i32
    %dma_start3A_121 = tpu.memref_slice %arg4[%dma_start3A_120, %multiple_of3A_108] : memref<16x1000000xf32, #tpu.memory_space<hbm>> -> memref<16x128xf32, #tpu.memory_space<hbm>>
    tpu.enqueue_dma source(%dma_start3A_121 : memref<16x128xf32, #tpu.memory_space<hbm>>) target(%dma_start3A_119 : memref<16x128xf32, #tpu.memory_space<vmem>>) target_semaphore(%arg17 : memref<!tpu.dma_semaphore, #tpu.memory_space<semaphore_mem>>)
    %slice3A_122 = vector.extract_strided_slice %get3A_6 {offsets = [6], sizes = [1], strides = [1]} : vector<16xi32> to vector<1xi32>
    %squeeze3A_123 = vector.extract %slice3A_122[0] : i32 from vector<1xi32>
    %shift_right_logical3A_124 = arith.constant 7 : i32
    %shift_right_logical3A_125 = arith.shrui %squeeze3A_123, %shift_right_logical3A_124 : i32
    %shift_left3A_126 = arith.constant 7 : i32
    %shift_left3A_127 = arith.shli %shift_right_logical3A_125, %shift_left3A_126 : i32
    %multiple_of3A_128 = tpu.assume_multiple %shift_left3A_127, 128 : i32
    %dma_start3A_129 = arith.constant 0 : i32
    %dma_start3A_130 = arith.constant 96 : i32
    %dma_start3A_131 = arith.constant 0 : i32
    %dma_start3A_132 = tpu.memref_slice %arg11[%dma_start3A_129, %dma_start3A_130, %dma_start3A_131] : memref<2x256x128xf32, #tpu.memory_space<vmem>> -> memref<1x16x128xf32, #tpu.memory_space<vmem>>
    %dma_start3A_133 = tpu.memref_squeeze %dma_start3A_132 : memref<1x16x128xf32, #tpu.memory_space<vmem>> -> memref<16x128xf32, #tpu.memory_space<vmem>>
    %dma_start3A_134 = arith.constant 0 : i32
    %dma_start3A_135 = tpu.memref_slice %arg4[%dma_start3A_134, %multiple_of3A_128] : memref<16x1000000xf32, #tpu.memory_space<hbm>> -> memref<16x128xf32, #tpu.memory_space<hbm>>
    %dma_start3A_136 = arith.constant 96 : i32
    %dma_start3A_137 = arith.constant 0 : i32
    %dma_start3A_138 = tpu.memref_slice %arg11[%dma_start3A_129, %dma_start3A_136, %dma_start3A_137] : memref<2x256x128xf32, #tpu.memory_space<vmem>> -> memref<1x16x128xf32, #tpu.memory_space<vmem>>
    %dma_start3A_139 = tpu.memref_squeeze %dma_start3A_138 : memref<1x16x128xf32, #tpu.memory_space<vmem>> -> memref<16x128xf32, #tpu.memory_space<vmem>>
    %dma_start3A_140 = arith.constant 0 : i32
    %dma_start3A_141 = tpu.memref_slice %arg4[%dma_start3A_140, %multiple_of3A_128] : memref<16x1000000xf32, #tpu.memory_space<hbm>> -> memref<16x128xf32, #tpu.memory_space<hbm>>
    tpu.enqueue_dma source(%dma_start3A_141 : memref<16x128xf32, #tpu.memory_space<hbm>>) target(%dma_start3A_139 : memref<16x128xf32, #tpu.memory_space<vmem>>) target_semaphore(%arg17 : memref<!tpu.dma_semaphore, #tpu.memory_space<semaphore_mem>>)
    %slice3A_142 = vector.extract_strided_slice %get3A_6 {offsets = [7], sizes = [1], strides = [1]} : vector<16xi32> to vector<1xi32>
    %squeeze3A_143 = vector.extract %slice3A_142[0] : i32 from vector<1xi32>
    %shift_right_logical3A_144 = arith.constant 7 : i32
    %shift_right_logical3A_145 = arith.shrui %squeeze3A_143, %shift_right_logical3A_144 : i32
    %shift_left3A_146 = arith.constant 7 : i32
    %shift_left3A_147 = arith.shli %shift_right_logical3A_145, %shift_left3A_146 : i32
    %multiple_of3A_148 = tpu.assume_multiple %shift_left3A_147, 128 : i32
    %dma_start3A_149 = arith.constant 0 : i32
    %dma_start3A_150 = arith.constant 112 : i32
    %dma_start3A_151 = arith.constant 0 : i32
    %dma_start3A_152 = tpu.memref_slice %arg11[%dma_start3A_149, %dma_start3A_150, %dma_start3A_151] : memref<2x256x128xf32, #tpu.memory_space<vmem>> -> memref<1x16x128xf32, #tpu.memory_space<vmem>>
    %dma_start3A_153 = tpu.memref_squeeze %dma_start3A_152 : memref<1x16x128xf32, #tpu.memory_space<vmem>> -> memref<16x128xf32, #tpu.memory_space<vmem>>
    %dma_start3A_154 = arith.constant 0 : i32
    %dma_start3A_155 = tpu.memref_slice %arg4[%dma_start3A_154, %multiple_of3A_148] : memref<16x1000000xf32, #tpu.memory_space<hbm>> -> memref<16x128xf32, #tpu.memory_space<hbm>>
    %dma_start3A_156 = arith.constant 112 : i32
    %dma_start3A_157 = arith.constant 0 : i32
    %dma_start3A_158 = tpu.memref_slice %arg11[%dma_start3A_149, %dma_start3A_156, %dma_start3A_157] : memref<2x256x128xf32, #tpu.memory_space<vmem>> -> memref<1x16x128xf32, #tpu.memory_space<vmem>>
    %dma_start3A_159 = tpu.memref_squeeze %dma_start3A_158 : memref<1x16x128xf32, #tpu.memory_space<vmem>> -> memref<16x128xf32, #tpu.memory_space<vmem>>
    %dma_start3A_160 = arith.constant 0 : i32
    %dma_start3A_161 = tpu.memref_slice %arg4[%dma_start3A_160, %multiple_of3A_148] : memref<16x1000000xf32, #tpu.memory_space<hbm>> -> memref<16x128xf32, #tpu.memory_space<hbm>>
    tpu.enqueue_dma source(%dma_start3A_161 : memref<16x128xf32, #tpu.memory_space<hbm>>) target(%dma_start3A_159 : memref<16x128xf32, #tpu.memory_space<vmem>>) target_semaphore(%arg17 : memref<!tpu.dma_semaphore, #tpu.memory_space<semaphore_mem>>)
    %slice3A_162 = vector.extract_strided_slice %get3A_6 {offsets = [8], sizes = [1], strides = [1]} : vector<16xi32> to vector<1xi32>
    %squeeze3A_163 = vector.extract %slice3A_162[0] : i32 from vector<1xi32>
    %shift_right_logical3A_164 = arith.constant 7 : i32
    %shift_right_logical3A_165 = arith.shrui %squeeze3A_163, %shift_right_logical3A_164 : i32
    %shift_left3A_166 = arith.constant 7 : i32
    %shift_left3A_167 = arith.shli %shift_right_logical3A_165, %shift_left3A_166 : i32
    %multiple_of3A_168 = tpu.assume_multiple %shift_left3A_167, 128 : i32
    %dma_start3A_169 = arith.constant 0 : i32
    %dma_start3A_170 = arith.constant 128 : i32
    %dma_start3A_171 = arith.constant 0 : i32
    %dma_start3A_172 = tpu.memref_slice %arg11[%dma_start3A_169, %dma_start3A_170, %dma_start3A_171] : memref<2x256x128xf32, #tpu.memory_space<vmem>> -> memref<1x16x128xf32, #tpu.memory_space<vmem>>
    %dma_start3A_173 = tpu.memref_squeeze %dma_start3A_172 : memref<1x16x128xf32, #tpu.memory_space<vmem>> -> memref<16x128xf32, #tpu.memory_space<vmem>>
    %dma_start3A_174 = arith.constant 0 : i32
    %dma_start3A_175 = tpu.memref_slice %arg4[%dma_start3A_174, %multiple_of3A_168] : memref<16x1000000xf32, #tpu.memory_space<hbm>> -> memref<16x128xf32, #tpu.memory_space<hbm>>
    %dma_start3A_176 = arith.constant 128 : i32
    %dma_start3A_177 = arith.constant 0 : i32
    %dma_start3A_178 = tpu.memref_slice %arg11[%dma_start3A_169, %dma_start3A_176, %dma_start3A_177] : memref<2x256x128xf32, #tpu.memory_space<vmem>> -> memref<1x16x128xf32, #tpu.memory_space<vmem>>
    %dma_start3A_179 = tpu.memref_squeeze %dma_start3A_178 : memref<1x16x128xf32, #tpu.memory_space<vmem>> -> memref<16x128xf32, #tpu.memory_space<vmem>>
    %dma_start3A_180 = arith.constant 0 : i32
    %dma_start3A_181 = tpu.memref_slice %arg4[%dma_start3A_180, %multiple_of3A_168] : memref<16x1000000xf32, #tpu.memory_space<hbm>> -> memref<16x128xf32, #tpu.memory_space<hbm>>
    tpu.enqueue_dma source(%dma_start3A_181 : memref<16x128xf32, #tpu.memory_space<hbm>>) target(%dma_start3A_179 : memref<16x128xf32, #tpu.memory_space<vmem>>) target_semaphore(%arg17 : memref<!tpu.dma_semaphore, #tpu.memory_space<semaphore_mem>>)
    %slice3A_182 = vector.extract_strided_slice %get3A_6 {offsets = [9], sizes = [1], strides = [1]} : vector<16xi32> to vector<1xi32>
    %squeeze3A_183 = vector.extract %slice3A_182[0] : i32 from vector<1xi32>
    %shift_right_logical3A_184 = arith.constant 7 : i32
    %shift_right_logical3A_185 = arith.shrui %squeeze3A_183, %shift_right_logical3A_184 : i32
    %shift_left3A_186 = arith.constant 7 : i32
    %shift_left3A_187 = arith.shli %shift_right_logical3A_185, %shift_left3A_186 : i32
    %multiple_of3A_188 = tpu.assume_multiple %shift_left3A_187, 128 : i32
    %dma_start3A_189 = arith.constant 0 : i32
    %dma_start3A_190 = arith.constant 144 : i32
    %dma_start3A_191 = arith.constant 0 : i32
    %dma_start3A_192 = tpu.memref_slice %arg11[%dma_start3A_189, %dma_start3A_190, %dma_start3A_191] : memref<2x256x128xf32, #tpu.memory_space<vmem>> -> memref<1x16x128xf32, #tpu.memory_space<vmem>>
    %dma_start3A_193 = tpu.memref_squeeze %dma_start3A_192 : memref<1x16x128xf32, #tpu.memory_space<vmem>> -> memref<16x128xf32, #tpu.memory_space<vmem>>
    %dma_start3A_194 = arith.constant 0 : i32
    %dma_start3A_195 = tpu.memref_slice %arg4[%dma_start3A_194, %multiple_of3A_188] : memref<16x1000000xf32, #tpu.memory_space<hbm>> -> memref<16x128xf32, #tpu.memory_space<hbm>>
    %dma_start3A_196 = arith.constant 144 : i32
    %dma_start3A_197 = arith.constant 0 : i32
    %dma_start3A_198 = tpu.memref_slice %arg11[%dma_start3A_189, %dma_start3A_196, %dma_start3A_197] : memref<2x256x128xf32, #tpu.memory_space<vmem>> -> memref<1x16x128xf32, #tpu.memory_space<vmem>>
    %dma_start3A_199 = tpu.memref_squeeze %dma_start3A_198 : memref<1x16x128xf32, #tpu.memory_space<vmem>> -> memref<16x128xf32, #tpu.memory_space<vmem>>
    %dma_start3A_200 = arith.constant 0 : i32
    %dma_start3A_201 = tpu.memref_slice %arg4[%dma_start3A_200, %multiple_of3A_188] : memref<16x1000000xf32, #tpu.memory_space<hbm>> -> memref<16x128xf32, #tpu.memory_space<hbm>>
    tpu.enqueue_dma source(%dma_start3A_201 : memref<16x128xf32, #tpu.memory_space<hbm>>) target(%dma_start3A_199 : memref<16x128xf32, #tpu.memory_space<vmem>>) target_semaphore(%arg17 : memref<!tpu.dma_semaphore, #tpu.memory_space<semaphore_mem>>)
    %slice3A_202 = vector.extract_strided_slice %get3A_6 {offsets = [10], sizes = [1], strides = [1]} : vector<16xi32> to vector<1xi32>
    %squeeze3A_203 = vector.extract %slice3A_202[0] : i32 from vector<1xi32>
    %shift_right_logical3A_204 = arith.constant 7 : i32
    %shift_right_logical3A_205 = arith.shrui %squeeze3A_203, %shift_right_logical3A_204 : i32
    %shift_left3A_206 = arith.constant 7 : i32
    %shift_left3A_207 = arith.shli %shift_right_logical3A_205, %shift_left3A_206 : i32
    %multiple_of3A_208 = tpu.assume_multiple %shift_left3A_207, 128 : i32
    %dma_start3A_209 = arith.constant 0 : i32
    %dma_start3A_210 = arith.constant 160 : i32
    %dma_start3A_211 = arith.constant 0 : i32
    %dma_start3A_212 = tpu.memref_slice %arg11[%dma_start3A_209, %dma_start3A_210, %dma_start3A_211] : memref<2x256x128xf32, #tpu.memory_space<vmem>> -> memref<1x16x128xf32, #tpu.memory_space<vmem>>
    %dma_start3A_213 = tpu.memref_squeeze %dma_start3A_212 : memref<1x16x128xf32, #tpu.memory_space<vmem>> -> memref<16x128xf32, #tpu.memory_space<vmem>>
    %dma_start3A_214 = arith.constant 0 : i32
    %dma_start3A_215 = tpu.memref_slice %arg4[%dma_start3A_214, %multiple_of3A_208] : memref<16x1000000xf32, #tpu.memory_space<hbm>> -> memref<16x128xf32, #tpu.memory_space<hbm>>
    %dma_start3A_216 = arith.constant 160 : i32
    %dma_start3A_217 = arith.constant 0 : i32
    %dma_start3A_218 = tpu.memref_slice %arg11[%dma_start3A_209, %dma_start3A_216, %dma_start3A_217] : memref<2x256x128xf32, #tpu.memory_space<vmem>> -> memref<1x16x128xf32, #tpu.memory_space<vmem>>
    %dma_start3A_219 = tpu.memref_squeeze %dma_start3A_218 : memref<1x16x128xf32, #tpu.memory_space<vmem>> -> memref<16x128xf32, #tpu.memory_space<vmem>>
    %dma_start3A_220 = arith.constant 0 : i32
    %dma_start3A_221 = tpu.memref_slice %arg4[%dma_start3A_220, %multiple_of3A_208] : memref<16x1000000xf32, #tpu.memory_space<hbm>> -> memref<16x128xf32, #tpu.memory_space<hbm>>
    tpu.enqueue_dma source(%dma_start3A_221 : memref<16x128xf32, #tpu.memory_space<hbm>>) target(%dma_start3A_219 : memref<16x128xf32, #tpu.memory_space<vmem>>) target_semaphore(%arg17 : memref<!tpu.dma_semaphore, #tpu.memory_space<semaphore_mem>>)
    %slice3A_222 = vector.extract_strided_slice %get3A_6 {offsets = [11], sizes = [1], strides = [1]} : vector<16xi32> to vector<1xi32>
    %squeeze3A_223 = vector.extract %slice3A_222[0] : i32 from vector<1xi32>
    %shift_right_logical3A_224 = arith.constant 7 : i32
    %shift_right_logical3A_225 = arith.shrui %squeeze3A_223, %shift_right_logical3A_224 : i32
    %shift_left3A_226 = arith.constant 7 : i32
    %shift_left3A_227 = arith.shli %shift_right_logical3A_225, %shift_left3A_226 : i32
    %multiple_of3A_228 = tpu.assume_multiple %shift_left3A_227, 128 : i32
    %dma_start3A_229 = arith.constant 0 : i32
    %dma_start3A_230 = arith.constant 176 : i32
    %dma_start3A_231 = arith.constant 0 : i32
    %dma_start3A_232 = tpu.memref_slice %arg11[%dma_start3A_229, %dma_start3A_230, %dma_start3A_231] : memref<2x256x128xf32, #tpu.memory_space<vmem>> -> memref<1x16x128xf32, #tpu.memory_space<vmem>>
    %dma_start3A_233 = tpu.memref_squeeze %dma_start3A_232 : memref<1x16x128xf32, #tpu.memory_space<vmem>> -> memref<16x128xf32, #tpu.memory_space<vmem>>
    %dma_start3A_234 = arith.constant 0 : i32
    %dma_start3A_235 = tpu.memref_slice %arg4[%dma_start3A_234, %multiple_of3A_228] : memref<16x1000000xf32, #tpu.memory_space<hbm>> -> memref<16x128xf32, #tpu.memory_space<hbm>>
    %dma_start3A_236 = arith.constant 176 : i32
    %dma_start3A_237 = arith.constant 0 : i32
    %dma_start3A_238 = tpu.memref_slice %arg11[%dma_start3A_229, %dma_start3A_236, %dma_start3A_237] : memref<2x256x128xf32, #tpu.memory_space<vmem>> -> memref<1x16x128xf32, #tpu.memory_space<vmem>>
    %dma_start3A_239 = tpu.memref_squeeze %dma_start3A_238 : memref<1x16x128xf32, #tpu.memory_space<vmem>> -> memref<16x128xf32, #tpu.memory_space<vmem>>
    %dma_start3A_240 = arith.constant 0 : i32
    %dma_start3A_241 = tpu.memref_slice %arg4[%dma_start3A_240, %multiple_of3A_228] : memref<16x1000000xf32, #tpu.memory_space<hbm>> -> memref<16x128xf32, #tpu.memory_space<hbm>>
    tpu.enqueue_dma source(%dma_start3A_241 : memref<16x128xf32, #tpu.memory_space<hbm>>) target(%dma_start3A_239 : memref<16x128xf32, #tpu.memory_space<vmem>>) target_semaphore(%arg17 : memref<!tpu.dma_semaphore, #tpu.memory_space<semaphore_mem>>)
    %slice3A_242 = vector.extract_strided_slice %get3A_6 {offsets = [12], sizes = [1], strides = [1]} : vector<16xi32> to vector<1xi32>
    %squeeze3A_243 = vector.extract %slice3A_242[0] : i32 from vector<1xi32>
    %shift_right_logical3A_244 = arith.constant 7 : i32
    %shift_right_logical3A_245 = arith.shrui %squeeze3A_243, %shift_right_logical3A_244 : i32
    %shift_left3A_246 = arith.constant 7 : i32
    %shift_left3A_247 = arith.shli %shift_right_logical3A_245, %shift_left3A_246 : i32
    %multiple_of3A_248 = tpu.assume_multiple %shift_left3A_247, 128 : i32
    %dma_start3A_249 = arith.constant 0 : i32
    %dma_start3A_250 = arith.constant 192 : i32
    %dma_start3A_251 = arith.constant 0 : i32
    %dma_start3A_252 = tpu.memref_slice %arg11[%dma_start3A_249, %dma_start3A_250, %dma_start3A_251] : memref<2x256x128xf32, #tpu.memory_space<vmem>> -> memref<1x16x128xf32, #tpu.memory_space<vmem>>
    %dma_start3A_253 = tpu.memref_squeeze %dma_start3A_252 : memref<1x16x128xf32, #tpu.memory_space<vmem>> -> memref<16x128xf32, #tpu.memory_space<vmem>>
    %dma_start3A_254 = arith.constant 0 : i32
    %dma_start3A_255 = tpu.memref_slice %arg4[%dma_start3A_254, %multiple_of3A_248] : memref<16x1000000xf32, #tpu.memory_space<hbm>> -> memref<16x128xf32, #tpu.memory_space<hbm>>
    %dma_start3A_256 = arith.constant 192 : i32
    %dma_start3A_257 = arith.constant 0 : i32
    %dma_start3A_258 = tpu.memref_slice %arg11[%dma_start3A_249, %dma_start3A_256, %dma_start3A_257] : memref<2x256x128xf32, #tpu.memory_space<vmem>> -> memref<1x16x128xf32, #tpu.memory_space<vmem>>
    %dma_start3A_259 = tpu.memref_squeeze %dma_start3A_258 : memref<1x16x128xf32, #tpu.memory_space<vmem>> -> memref<16x128xf32, #tpu.memory_space<vmem>>
    %dma_start3A_260 = arith.constant 0 : i32
    %dma_start3A_261 = tpu.memref_slice %arg4[%dma_start3A_260, %multiple_of3A_248] : memref<16x1000000xf32, #tpu.memory_space<hbm>> -> memref<16x128xf32, #tpu.memory_space<hbm>>
    tpu.enqueue_dma source(%dma_start3A_261 : memref<16x128xf32, #tpu.memory_space<hbm>>) target(%dma_start3A_259 : memref<16x128xf32, #tpu.memory_space<vmem>>) target_semaphore(%arg17 : memref<!tpu.dma_semaphore, #tpu.memory_space<semaphore_mem>>)
    %slice3A_262 = vector.extract_strided_slice %get3A_6 {offsets = [13], sizes = [1], strides = [1]} : vector<16xi32> to vector<1xi32>
    %squeeze3A_263 = vector.extract %slice3A_262[0] : i32 from vector<1xi32>
    %shift_right_logical3A_264 = arith.constant 7 : i32
    %shift_right_logical3A_265 = arith.shrui %squeeze3A_263, %shift_right_logical3A_264 : i32
    %shift_left3A_266 = arith.constant 7 : i32
    %shift_left3A_267 = arith.shli %shift_right_logical3A_265, %shift_left3A_266 : i32
    %multiple_of3A_268 = tpu.assume_multiple %shift_left3A_267, 128 : i32
    %dma_start3A_269 = arith.constant 0 : i32
    %dma_start3A_270 = arith.constant 208 : i32
    %dma_start3A_271 = arith.constant 0 : i32
    %dma_start3A_272 = tpu.memref_slice %arg11[%dma_start3A_269, %dma_start3A_270, %dma_start3A_271] : memref<2x256x128xf32, #tpu.memory_space<vmem>> -> memref<1x16x128xf32, #tpu.memory_space<vmem>>
    %dma_start3A_273 = tpu.memref_squeeze %dma_start3A_272 : memref<1x16x128xf32, #tpu.memory_space<vmem>> -> memref<16x128xf32, #tpu.memory_space<vmem>>
    %dma_start3A_274 = arith.constant 0 : i32
    %dma_start3A_275 = tpu.memref_slice %arg4[%dma_start3A_274, %multiple_of3A_268] : memref<16x1000000xf32, #tpu.memory_space<hbm>> -> memref<16x128xf32, #tpu.memory_space<hbm>>
    %dma_start3A_276 = arith.constant 208 : i32
    %dma_start3A_277 = arith.constant 0 : i32
    %dma_start3A_278 = tpu.memref_slice %arg11[%dma_start3A_269, %dma_start3A_276, %dma_start3A_277] : memref<2x256x128xf32, #tpu.memory_space<vmem>> -> memref<1x16x128xf32, #tpu.memory_space<vmem>>
    %dma_start3A_279 = tpu.memref_squeeze %dma_start3A_278 : memref<1x16x128xf32, #tpu.memory_space<vmem>> -> memref<16x128xf32, #tpu.memory_space<vmem>>
    %dma_start3A_280 = arith.constant 0 : i32
    %dma_start3A_281 = tpu.memref_slice %arg4[%dma_start3A_280, %multiple_of3A_268] : memref<16x1000000xf32, #tpu.memory_space<hbm>> -> memref<16x128xf32, #tpu.memory_space<hbm>>
    tpu.enqueue_dma source(%dma_start3A_281 : memref<16x128xf32, #tpu.memory_space<hbm>>) target(%dma_start3A_279 : memref<16x128xf32, #tpu.memory_space<vmem>>) target_semaphore(%arg17 : memref<!tpu.dma_semaphore, #tpu.memory_space<semaphore_mem>>)
    %slice3A_282 = vector.extract_strided_slice %get3A_6 {offsets = [14], sizes = [1], strides = [1]} : vector<16xi32> to vector<1xi32>
    %squeeze3A_283 = vector.extract %slice3A_282[0] : i32 from vector<1xi32>
    %shift_right_logical3A_284 = arith.constant 7 : i32
    %shift_right_logical3A_285 = arith.shrui %squeeze3A_283, %shift_right_logical3A_284 : i32
    %shift_left3A_286 = arith.constant 7 : i32
    %shift_left3A_287 = arith.shli %shift_right_logical3A_285, %shift_left3A_286 : i32
    %multiple_of3A_288 = tpu.assume_multiple %shift_left3A_287, 128 : i32
    %dma_start3A_289 = arith.constant 0 : i32
    %dma_start3A_290 = arith.constant 224 : i32
    %dma_start3A_291 = arith.constant 0 : i32
    %dma_start3A_292 = tpu.memref_slice %arg11[%dma_start3A_289, %dma_start3A_290, %dma_start3A_291] : memref<2x256x128xf32, #tpu.memory_space<vmem>> -> memref<1x16x128xf32, #tpu.memory_space<vmem>>
    %dma_start3A_293 = tpu.memref_squeeze %dma_start3A_292 : memref<1x16x128xf32, #tpu.memory_space<vmem>> -> memref<16x128xf32, #tpu.memory_space<vmem>>
    %dma_start3A_294 = arith.constant 0 : i32
    %dma_start3A_295 = tpu.memref_slice %arg4[%dma_start3A_294, %multiple_of3A_288] : memref<16x1000000xf32, #tpu.memory_space<hbm>> -> memref<16x128xf32, #tpu.memory_space<hbm>>
    %dma_start3A_296 = arith.constant 224 : i32
    %dma_start3A_297 = arith.constant 0 : i32
    %dma_start3A_298 = tpu.memref_slice %arg11[%dma_start3A_289, %dma_start3A_296, %dma_start3A_297] : memref<2x256x128xf32, #tpu.memory_space<vmem>> -> memref<1x16x128xf32, #tpu.memory_space<vmem>>
    %dma_start3A_299 = tpu.memref_squeeze %dma_start3A_298 : memref<1x16x128xf32, #tpu.memory_space<vmem>> -> memref<16x128xf32, #tpu.memory_space<vmem>>
    %dma_start3A_300 = arith.constant 0 : i32
    %dma_start3A_301 = tpu.memref_slice %arg4[%dma_start3A_300, %multiple_of3A_288] : memref<16x1000000xf32, #tpu.memory_space<hbm>> -> memref<16x128xf32, #tpu.memory_space<hbm>>
    tpu.enqueue_dma source(%dma_start3A_301 : memref<16x128xf32, #tpu.memory_space<hbm>>) target(%dma_start3A_299 : memref<16x128xf32, #tpu.memory_space<vmem>>) target_semaphore(%arg17 : memref<!tpu.dma_semaphore, #tpu.memory_space<semaphore_mem>>)
    %slice3A_302 = vector.extract_strided_slice %get3A_6 {offsets = [15], sizes = [1], strides = [1]} : vector<16xi32> to vector<1xi32>
    %squeeze3A_303 = vector.extract %slice3A_302[0] : i32 from vector<1xi32>
    %shift_right_logical3A_304 = arith.constant 7 : i32
    %shift_right_logical3A_305 = arith.shrui %squeeze3A_303, %shift_right_logical3A_304 : i32
    %shift_left3A_306 = arith.constant 7 : i32
    %shift_left3A_307 = arith.shli %shift_right_logical3A_305, %shift_left3A_306 : i32
    %multiple_of3A_308 = tpu.assume_multiple %shift_left3A_307, 128 : i32
    %dma_start3A_309 = arith.constant 0 : i32
    %dma_start3A_310 = arith.constant 240 : i32
    %dma_start3A_311 = arith.constant 0 : i32
    %dma_start3A_312 = tpu.memref_slice %arg11[%dma_start3A_309, %dma_start3A_310, %dma_start3A_311] : memref<2x256x128xf32, #tpu.memory_space<vmem>> -> memref<1x16x128xf32, #tpu.memory_space<vmem>>
    %dma_start3A_313 = tpu.memref_squeeze %dma_start3A_312 : memref<1x16x128xf32, #tpu.memory_space<vmem>> -> memref<16x128xf32, #tpu.memory_space<vmem>>
    %dma_start3A_314 = arith.constant 0 : i32
    %dma_start3A_315 = tpu.memref_slice %arg4[%dma_start3A_314, %multiple_of3A_308] : memref<16x1000000xf32, #tpu.memory_space<hbm>> -> memref<16x128xf32, #tpu.memory_space<hbm>>
    %dma_start3A_316 = arith.constant 240 : i32
    %dma_start3A_317 = arith.constant 0 : i32
    %dma_start3A_318 = tpu.memref_slice %arg11[%dma_start3A_309, %dma_start3A_316, %dma_start3A_317] : memref<2x256x128xf32, #tpu.memory_space<vmem>> -> memref<1x16x128xf32, #tpu.memory_space<vmem>>
    %dma_start3A_319 = tpu.memref_squeeze %dma_start3A_318 : memref<1x16x128xf32, #tpu.memory_space<vmem>> -> memref<16x128xf32, #tpu.memory_space<vmem>>
    %dma_start3A_320 = arith.constant 0 : i32
    %dma_start3A_321 = tpu.memref_slice %arg4[%dma_start3A_320, %multiple_of3A_308] : memref<16x1000000xf32, #tpu.memory_space<hbm>> -> memref<16x128xf32, #tpu.memory_space<hbm>>
    tpu.enqueue_dma source(%dma_start3A_321 : memref<16x128xf32, #tpu.memory_space<hbm>>) target(%dma_start3A_319 : memref<16x128xf32, #tpu.memory_space<vmem>>) target_semaphore(%arg17 : memref<!tpu.dma_semaphore, #tpu.memory_space<semaphore_mem>>)
    %scan3A = arith.constant 0 : i32
    %scan3A_322 = arith.constant 0 : i32
    %scan3A_323 = arith.constant 16 : i32
    %scan3A_324 = arith.addi %scan3A_322, %scan3A_323 : i32
    %scan3A_325 = arith.constant 1 : i32
    scf.for %scan3A_734 = %scan3A_322 to %scan3A_324 step %scan3A_325  : i32 {
      %mul3A_735 = arith.constant 2 : i32
      %mul3A_736 = arith.muli %scan3A_734, %mul3A_735 : i32
      %add3A_737 = arith.constant 1 : i32
      %add3A_738 = arith.addi %mul3A_736, %add3A_737 : i32
      %mul3A_739 = arith.constant 16 : i32
      %mul3A_740 = arith.muli %add3A_738, %mul3A_739 : i32
      %multiple_of3A_741 = tpu.assume_multiple %mul3A_740, 16 : i32
      %get3A_742 = arith.index_cast %multiple_of3A_741 : i32 to index
      %get3A_743 = tpu.vector_load %arg9[%get3A_742] {strides = array<i32>} : memref<512xi32, #tpu.memory_space<vmem>>, vector<16xi32>,
      %slice3A_744 = vector.extract_strided_slice %get3A_743 {offsets = [0], sizes = [1], strides = [1]} : vector<16xi32> to vector<1xi32>
      %squeeze3A_745 = vector.extract %slice3A_744[0] : i32 from vector<1xi32>
      %shift_right_logical3A_746 = arith.constant 7 : i32
      %shift_right_logical3A_747 = arith.shrui %squeeze3A_745, %shift_right_logical3A_746 : i32
      %shift_left3A_748 = arith.constant 7 : i32
      %shift_left3A_749 = arith.shli %shift_right_logical3A_747, %shift_left3A_748 : i32
      %multiple_of3A_750 = tpu.assume_multiple %shift_left3A_749, 128 : i32
      %dma_start3A_751 = arith.constant 1 : i32
      %dma_start3A_752 = arith.constant 0 : i32
      %dma_start3A_753 = arith.constant 0 : i32
      %dma_start3A_754 = tpu.memref_slice %arg11[%dma_start3A_751, %dma_start3A_752, %dma_start3A_753] : memref<2x256x128xf32, #tpu.memory_space<vmem>> -> memref<1x16x128xf32, #tpu.memory_space<vmem>>
      %dma_start3A_755 = tpu.memref_squeeze %dma_start3A_754 : memref<1x16x128xf32, #tpu.memory_space<vmem>> -> memref<16x128xf32, #tpu.memory_space<vmem>>
      %dma_start3A_756 = arith.constant 0 : i32
      %dma_start3A_757 = tpu.memref_slice %arg4[%dma_start3A_756, %multiple_of3A_750] : memref<16x1000000xf32, #tpu.memory_space<hbm>> -> memref<16x128xf32, #tpu.memory_space<hbm>>
      %dma_start3A_758 = arith.constant 0 : i32
      %dma_start3A_759 = arith.constant 0 : i32
      %dma_start3A_760 = tpu.memref_slice %arg11[%dma_start3A_751, %dma_start3A_758, %dma_start3A_759] : memref<2x256x128xf32, #tpu.memory_space<vmem>> -> memref<1x16x128xf32, #tpu.memory_space<vmem>>
      %dma_start3A_761 = tpu.memref_squeeze %dma_start3A_760 : memref<1x16x128xf32, #tpu.memory_space<vmem>> -> memref<16x128xf32, #tpu.memory_space<vmem>>
      %dma_start3A_762 = arith.constant 0 : i32
      %dma_start3A_763 = tpu.memref_slice %arg4[%dma_start3A_762, %multiple_of3A_750] : memref<16x1000000xf32, #tpu.memory_space<hbm>> -> memref<16x128xf32, #tpu.memory_space<hbm>>
      tpu.enqueue_dma source(%dma_start3A_763 : memref<16x128xf32, #tpu.memory_space<hbm>>) target(%dma_start3A_761 : memref<16x128xf32, #tpu.memory_space<vmem>>) target_semaphore(%arg18 : memref<!tpu.dma_semaphore, #tpu.memory_space<semaphore_mem>>)
      %slice3A_764 = vector.extract_strided_slice %get3A_743 {offsets = [1], sizes = [1], strides = [1]} : vector<16xi32> to vector<1xi32>
      %squeeze3A_765 = vector.extract %slice3A_764[0] : i32 from vector<1xi32>
      %shift_right_logical3A_766 = arith.constant 7 : i32
      %shift_right_logical3A_767 = arith.shrui %squeeze3A_765, %shift_right_logical3A_766 : i32
      %shift_left3A_768 = arith.constant 7 : i32
      %shift_left3A_769 = arith.shli %shift_right_logical3A_767, %shift_left3A_768 : i32
      %multiple_of3A_770 = tpu.assume_multiple %shift_left3A_769, 128 : i32
      %dma_start3A_771 = arith.constant 1 : i32
      %dma_start3A_772 = arith.constant 16 : i32
      %dma_start3A_773 = arith.constant 0 : i32
      %dma_start3A_774 = tpu.memref_slice %arg11[%dma_start3A_771, %dma_start3A_772, %dma_start3A_773] : memref<2x256x128xf32, #tpu.memory_space<vmem>> -> memref<1x16x128xf32, #tpu.memory_space<vmem>>
      %dma_start3A_775 = tpu.memref_squeeze %dma_start3A_774 : memref<1x16x128xf32, #tpu.memory_space<vmem>> -> memref<16x128xf32, #tpu.memory_space<vmem>>
      %dma_start3A_776 = arith.constant 0 : i32
      %dma_start3A_777 = tpu.memref_slice %arg4[%dma_start3A_776, %multiple_of3A_770] : memref<16x1000000xf32, #tpu.memory_space<hbm>> -> memref<16x128xf32, #tpu.memory_space<hbm>>
      %dma_start3A_778 = arith.constant 16 : i32
      %dma_start3A_779 = arith.constant 0 : i32
      %dma_start3A_780 = tpu.memref_slice %arg11[%dma_start3A_771, %dma_start3A_778, %dma_start3A_779] : memref<2x256x128xf32, #tpu.memory_space<vmem>> -> memref<1x16x128xf32, #tpu.memory_space<vmem>>
      %dma_start3A_781 = tpu.memref_squeeze %dma_start3A_780 : memref<1x16x128xf32, #tpu.memory_space<vmem>> -> memref<16x128xf32, #tpu.memory_space<vmem>>
      %dma_start3A_782 = arith.constant 0 : i32
      %dma_start3A_783 = tpu.memref_slice %arg4[%dma_start3A_782, %multiple_of3A_770] : memref<16x1000000xf32, #tpu.memory_space<hbm>> -> memref<16x128xf32, #tpu.memory_space<hbm>>
      tpu.enqueue_dma source(%dma_start3A_783 : memref<16x128xf32, #tpu.memory_space<hbm>>) target(%dma_start3A_781 : memref<16x128xf32, #tpu.memory_space<vmem>>) target_semaphore(%arg18 : memref<!tpu.dma_semaphore, #tpu.memory_space<semaphore_mem>>)
      %slice3A_784 = vector.extract_strided_slice %get3A_743 {offsets = [2], sizes = [1], strides = [1]} : vector<16xi32> to vector<1xi32>
      %squeeze3A_785 = vector.extract %slice3A_784[0] : i32 from vector<1xi32>
      %shift_right_logical3A_786 = arith.constant 7 : i32
      %shift_right_logical3A_787 = arith.shrui %squeeze3A_785, %shift_right_logical3A_786 : i32
      %shift_left3A_788 = arith.constant 7 : i32
      %shift_left3A_789 = arith.shli %shift_right_logical3A_787, %shift_left3A_788 : i32
      %multiple_of3A_790 = tpu.assume_multiple %shift_left3A_789, 128 : i32
      %dma_start3A_791 = arith.constant 1 : i32
      %dma_start3A_792 = arith.constant 32 : i32
      %dma_start3A_793 = arith.constant 0 : i32
      %dma_start3A_794 = tpu.memref_slice %arg11[%dma_start3A_791, %dma_start3A_792, %dma_start3A_793] : memref<2x256x128xf32, #tpu.memory_space<vmem>> -> memref<1x16x128xf32, #tpu.memory_space<vmem>>
      %dma_start3A_795 = tpu.memref_squeeze %dma_start3A_794 : memref<1x16x128xf32, #tpu.memory_space<vmem>> -> memref<16x128xf32, #tpu.memory_space<vmem>>
      %dma_start3A_796 = arith.constant 0 : i32
      %dma_start3A_797 = tpu.memref_slice %arg4[%dma_start3A_796, %multiple_of3A_790] : memref<16x1000000xf32, #tpu.memory_space<hbm>> -> memref<16x128xf32, #tpu.memory_space<hbm>>
      %dma_start3A_798 = arith.constant 32 : i32
      %dma_start3A_799 = arith.constant 0 : i32
      %dma_start3A_800 = tpu.memref_slice %arg11[%dma_start3A_791, %dma_start3A_798, %dma_start3A_799] : memref<2x256x128xf32, #tpu.memory_space<vmem>> -> memref<1x16x128xf32, #tpu.memory_space<vmem>>
      %dma_start3A_801 = tpu.memref_squeeze %dma_start3A_800 : memref<1x16x128xf32, #tpu.memory_space<vmem>> -> memref<16x128xf32, #tpu.memory_space<vmem>>
      %dma_start3A_802 = arith.constant 0 : i32
      %dma_start3A_803 = tpu.memref_slice %arg4[%dma_start3A_802, %multiple_of3A_790] : memref<16x1000000xf32, #tpu.memory_space<hbm>> -> memref<16x128xf32, #tpu.memory_space<hbm>>
      tpu.enqueue_dma source(%dma_start3A_803 : memref<16x128xf32, #tpu.memory_space<hbm>>) target(%dma_start3A_801 : memref<16x128xf32, #tpu.memory_space<vmem>>) target_semaphore(%arg18 : memref<!tpu.dma_semaphore, #tpu.memory_space<semaphore_mem>>)
      %slice3A_804 = vector.extract_strided_slice %get3A_743 {offsets = [3], sizes = [1], strides = [1]} : vector<16xi32> to vector<1xi32>
      %squeeze3A_805 = vector.extract %slice3A_804[0] : i32 from vector<1xi32>
      %shift_right_logical3A_806 = arith.constant 7 : i32
      %shift_right_logical3A_807 = arith.shrui %squeeze3A_805, %shift_right_logical3A_806 : i32
      %shift_left3A_808 = arith.constant 7 : i32
      %shift_left3A_809 = arith.shli %shift_right_logical3A_807, %shift_left3A_808 : i32
      %multiple_of3A_810 = tpu.assume_multiple %shift_left3A_809, 128 : i32
      %dma_start3A_811 = arith.constant 1 : i32
      %dma_start3A_812 = arith.constant 48 : i32
      %dma_start3A_813 = arith.constant 0 : i32
      %dma_start3A_814 = tpu.memref_slice %arg11[%dma_start3A_811, %dma_start3A_812, %dma_start3A_813] : memref<2x256x128xf32, #tpu.memory_space<vmem>> -> memref<1x16x128xf32, #tpu.memory_space<vmem>>
      %dma_start3A_815 = tpu.memref_squeeze %dma_start3A_814 : memref<1x16x128xf32, #tpu.memory_space<vmem>> -> memref<16x128xf32, #tpu.memory_space<vmem>>
      %dma_start3A_816 = arith.constant 0 : i32
      %dma_start3A_817 = tpu.memref_slice %arg4[%dma_start3A_816, %multiple_of3A_810] : memref<16x1000000xf32, #tpu.memory_space<hbm>> -> memref<16x128xf32, #tpu.memory_space<hbm>>
      %dma_start3A_818 = arith.constant 48 : i32
      %dma_start3A_819 = arith.constant 0 : i32
      %dma_start3A_820 = tpu.memref_slice %arg11[%dma_start3A_811, %dma_start3A_818, %dma_start3A_819] : memref<2x256x128xf32, #tpu.memory_space<vmem>> -> memref<1x16x128xf32, #tpu.memory_space<vmem>>
      %dma_start3A_821 = tpu.memref_squeeze %dma_start3A_820 : memref<1x16x128xf32, #tpu.memory_space<vmem>> -> memref<16x128xf32, #tpu.memory_space<vmem>>
      %dma_start3A_822 = arith.constant 0 : i32
      %dma_start3A_823 = tpu.memref_slice %arg4[%dma_start3A_822, %multiple_of3A_810] : memref<16x1000000xf32, #tpu.memory_space<hbm>> -> memref<16x128xf32, #tpu.memory_space<hbm>>
      tpu.enqueue_dma source(%dma_start3A_823 : memref<16x128xf32, #tpu.memory_space<hbm>>) target(%dma_start3A_821 : memref<16x128xf32, #tpu.memory_space<vmem>>) target_semaphore(%arg18 : memref<!tpu.dma_semaphore, #tpu.memory_space<semaphore_mem>>)
      %slice3A_824 = vector.extract_strided_slice %get3A_743 {offsets = [4], sizes = [1], strides = [1]} : vector<16xi32> to vector<1xi32>
      %squeeze3A_825 = vector.extract %slice3A_824[0] : i32 from vector<1xi32>
      %shift_right_logical3A_826 = arith.constant 7 : i32
      %shift_right_logical3A_827 = arith.shrui %squeeze3A_825, %shift_right_logical3A_826 : i32
      %shift_left3A_828 = arith.constant 7 : i32
      %shift_left3A_829 = arith.shli %shift_right_logical3A_827, %shift_left3A_828 : i32
      %multiple_of3A_830 = tpu.assume_multiple %shift_left3A_829, 128 : i32
      %dma_start3A_831 = arith.constant 1 : i32
      %dma_start3A_832 = arith.constant 64 : i32
      %dma_start3A_833 = arith.constant 0 : i32
      %dma_start3A_834 = tpu.memref_slice %arg11[%dma_start3A_831, %dma_start3A_832, %dma_start3A_833] : memref<2x256x128xf32, #tpu.memory_space<vmem>> -> memref<1x16x128xf32, #tpu.memory_space<vmem>>
      %dma_start3A_835 = tpu.memref_squeeze %dma_start3A_834 : memref<1x16x128xf32, #tpu.memory_space<vmem>> -> memref<16x128xf32, #tpu.memory_space<vmem>>
      %dma_start3A_836 = arith.constant 0 : i32
      %dma_start3A_837 = tpu.memref_slice %arg4[%dma_start3A_836, %multiple_of3A_830] : memref<16x1000000xf32, #tpu.memory_space<hbm>> -> memref<16x128xf32, #tpu.memory_space<hbm>>
      %dma_start3A_838 = arith.constant 64 : i32
      %dma_start3A_839 = arith.constant 0 : i32
      %dma_start3A_840 = tpu.memref_slice %arg11[%dma_start3A_831, %dma_start3A_838, %dma_start3A_839] : memref<2x256x128xf32, #tpu.memory_space<vmem>> -> memref<1x16x128xf32, #tpu.memory_space<vmem>>
      %dma_start3A_841 = tpu.memref_squeeze %dma_start3A_840 : memref<1x16x128xf32, #tpu.memory_space<vmem>> -> memref<16x128xf32, #tpu.memory_space<vmem>>
      %dma_start3A_842 = arith.constant 0 : i32
      %dma_start3A_843 = tpu.memref_slice %arg4[%dma_start3A_842, %multiple_of3A_830] : memref<16x1000000xf32, #tpu.memory_space<hbm>> -> memref<16x128xf32, #tpu.memory_space<hbm>>
      tpu.enqueue_dma source(%dma_start3A_843 : memref<16x128xf32, #tpu.memory_space<hbm>>) target(%dma_start3A_841 : memref<16x128xf32, #tpu.memory_space<vmem>>) target_semaphore(%arg18 : memref<!tpu.dma_semaphore, #tpu.memory_space<semaphore_mem>>)
      %slice3A_844 = vector.extract_strided_slice %get3A_743 {offsets = [5], sizes = [1], strides = [1]} : vector<16xi32> to vector<1xi32>
      %squeeze3A_845 = vector.extract %slice3A_844[0] : i32 from vector<1xi32>
      %shift_right_logical3A_846 = arith.constant 7 : i32
      %shift_right_logical3A_847 = arith.shrui %squeeze3A_845, %shift_right_logical3A_846 : i32
      %shift_left3A_848 = arith.constant 7 : i32
      %shift_left3A_849 = arith.shli %shift_right_logical3A_847, %shift_left3A_848 : i32
      %multiple_of3A_850 = tpu.assume_multiple %shift_left3A_849, 128 : i32
      %dma_start3A_851 = arith.constant 1 : i32
      %dma_start3A_852 = arith.constant 80 : i32
      %dma_start3A_853 = arith.constant 0 : i32
      %dma_start3A_854 = tpu.memref_slice %arg11[%dma_start3A_851, %dma_start3A_852, %dma_start3A_853] : memref<2x256x128xf32, #tpu.memory_space<vmem>> -> memref<1x16x128xf32, #tpu.memory_space<vmem>>
      %dma_start3A_855 = tpu.memref_squeeze %dma_start3A_854 : memref<1x16x128xf32, #tpu.memory_space<vmem>> -> memref<16x128xf32, #tpu.memory_space<vmem>>
      %dma_start3A_856 = arith.constant 0 : i32
      %dma_start3A_857 = tpu.memref_slice %arg4[%dma_start3A_856, %multiple_of3A_850] : memref<16x1000000xf32, #tpu.memory_space<hbm>> -> memref<16x128xf32, #tpu.memory_space<hbm>>
      %dma_start3A_858 = arith.constant 80 : i32
      %dma_start3A_859 = arith.constant 0 : i32
      %dma_start3A_860 = tpu.memref_slice %arg11[%dma_start3A_851, %dma_start3A_858, %dma_start3A_859] : memref<2x256x128xf32, #tpu.memory_space<vmem>> -> memref<1x16x128xf32, #tpu.memory_space<vmem>>
      %dma_start3A_861 = tpu.memref_squeeze %dma_start3A_860 : memref<1x16x128xf32, #tpu.memory_space<vmem>> -> memref<16x128xf32, #tpu.memory_space<vmem>>
      %dma_start3A_862 = arith.constant 0 : i32
      %dma_start3A_863 = tpu.memref_slice %arg4[%dma_start3A_862, %multiple_of3A_850] : memref<16x1000000xf32, #tpu.memory_space<hbm>> -> memref<16x128xf32, #tpu.memory_space<hbm>>
      tpu.enqueue_dma source(%dma_start3A_863 : memref<16x128xf32, #tpu.memory_space<hbm>>) target(%dma_start3A_861 : memref<16x128xf32, #tpu.memory_space<vmem>>) target_semaphore(%arg18 : memref<!tpu.dma_semaphore, #tpu.memory_space<semaphore_mem>>)
      %slice3A_864 = vector.extract_strided_slice %get3A_743 {offsets = [6], sizes = [1], strides = [1]} : vector<16xi32> to vector<1xi32>
      %squeeze3A_865 = vector.extract %slice3A_864[0] : i32 from vector<1xi32>
      %shift_right_logical3A_866 = arith.constant 7 : i32
      %shift_right_logical3A_867 = arith.shrui %squeeze3A_865, %shift_right_logical3A_866 : i32
      %shift_left3A_868 = arith.constant 7 : i32
      %shift_left3A_869 = arith.shli %shift_right_logical3A_867, %shift_left3A_868 : i32
      %multiple_of3A_870 = tpu.assume_multiple %shift_left3A_869, 128 : i32
      %dma_start3A_871 = arith.constant 1 : i32
      %dma_start3A_872 = arith.constant 96 : i32
      %dma_start3A_873 = arith.constant 0 : i32
      %dma_start3A_874 = tpu.memref_slice %arg11[%dma_start3A_871, %dma_start3A_872, %dma_start3A_873] : memref<2x256x128xf32, #tpu.memory_space<vmem>> -> memref<1x16x128xf32, #tpu.memory_space<vmem>>
      %dma_start3A_875 = tpu.memref_squeeze %dma_start3A_874 : memref<1x16x128xf32, #tpu.memory_space<vmem>> -> memref<16x128xf32, #tpu.memory_space<vmem>>
      %dma_start3A_876 = arith.constant 0 : i32
      %dma_start3A_877 = tpu.memref_slice %arg4[%dma_start3A_876, %multiple_of3A_870] : memref<16x1000000xf32, #tpu.memory_space<hbm>> -> memref<16x128xf32, #tpu.memory_space<hbm>>
      %dma_start3A_878 = arith.constant 96 : i32
      %dma_start3A_879 = arith.constant 0 : i32
      %dma_start3A_880 = tpu.memref_slice %arg11[%dma_start3A_871, %dma_start3A_878, %dma_start3A_879] : memref<2x256x128xf32, #tpu.memory_space<vmem>> -> memref<1x16x128xf32, #tpu.memory_space<vmem>>
      %dma_start3A_881 = tpu.memref_squeeze %dma_start3A_880 : memref<1x16x128xf32, #tpu.memory_space<vmem>> -> memref<16x128xf32, #tpu.memory_space<vmem>>
      %dma_start3A_882 = arith.constant 0 : i32
      %dma_start3A_883 = tpu.memref_slice %arg4[%dma_start3A_882, %multiple_of3A_870] : memref<16x1000000xf32, #tpu.memory_space<hbm>> -> memref<16x128xf32, #tpu.memory_space<hbm>>
      tpu.enqueue_dma source(%dma_start3A_883 : memref<16x128xf32, #tpu.memory_space<hbm>>) target(%dma_start3A_881 : memref<16x128xf32, #tpu.memory_space<vmem>>) target_semaphore(%arg18 : memref<!tpu.dma_semaphore, #tpu.memory_space<semaphore_mem>>)
      %slice3A_884 = vector.extract_strided_slice %get3A_743 {offsets = [7], sizes = [1], strides = [1]} : vector<16xi32> to vector<1xi32>
      %squeeze3A_885 = vector.extract %slice3A_884[0] : i32 from vector<1xi32>
      %shift_right_logical3A_886 = arith.constant 7 : i32
      %shift_right_logical3A_887 = arith.shrui %squeeze3A_885, %shift_right_logical3A_886 : i32
      %shift_left3A_888 = arith.constant 7 : i32
      %shift_left3A_889 = arith.shli %shift_right_logical3A_887, %shift_left3A_888 : i32
      %multiple_of3A_890 = tpu.assume_multiple %shift_left3A_889, 128 : i32
      %dma_start3A_891 = arith.constant 1 : i32
      %dma_start3A_892 = arith.constant 112 : i32
      %dma_start3A_893 = arith.constant 0 : i32
      %dma_start3A_894 = tpu.memref_slice %arg11[%dma_start3A_891, %dma_start3A_892, %dma_start3A_893] : memref<2x256x128xf32, #tpu.memory_space<vmem>> -> memref<1x16x128xf32, #tpu.memory_space<vmem>>
      %dma_start3A_895 = tpu.memref_squeeze %dma_start3A_894 : memref<1x16x128xf32, #tpu.memory_space<vmem>> -> memref<16x128xf32, #tpu.memory_space<vmem>>
      %dma_start3A_896 = arith.constant 0 : i32
      %dma_start3A_897 = tpu.memref_slice %arg4[%dma_start3A_896, %multiple_of3A_890] : memref<16x1000000xf32, #tpu.memory_space<hbm>> -> memref<16x128xf32, #tpu.memory_space<hbm>>
      %dma_start3A_898 = arith.constant 112 : i32
      %dma_start3A_899 = arith.constant 0 : i32
      %dma_start3A_900 = tpu.memref_slice %arg11[%dma_start3A_891, %dma_start3A_898, %dma_start3A_899] : memref<2x256x128xf32, #tpu.memory_space<vmem>> -> memref<1x16x128xf32, #tpu.memory_space<vmem>>
      %dma_start3A_901 = tpu.memref_squeeze %dma_start3A_900 : memref<1x16x128xf32, #tpu.memory_space<vmem>> -> memref<16x128xf32, #tpu.memory_space<vmem>>
      %dma_start3A_902 = arith.constant 0 : i32
      %dma_start3A_903 = tpu.memref_slice %arg4[%dma_start3A_902, %multiple_of3A_890] : memref<16x1000000xf32, #tpu.memory_space<hbm>> -> memref<16x128xf32, #tpu.memory_space<hbm>>
      tpu.enqueue_dma source(%dma_start3A_903 : memref<16x128xf32, #tpu.memory_space<hbm>>) target(%dma_start3A_901 : memref<16x128xf32, #tpu.memory_space<vmem>>) target_semaphore(%arg18 : memref<!tpu.dma_semaphore, #tpu.memory_space<semaphore_mem>>)
      %slice3A_904 = vector.extract_strided_slice %get3A_743 {offsets = [8], sizes = [1], strides = [1]} : vector<16xi32> to vector<1xi32>
      %squeeze3A_905 = vector.extract %slice3A_904[0] : i32 from vector<1xi32>
      %shift_right_logical3A_906 = arith.constant 7 : i32
      %shift_right_logical3A_907 = arith.shrui %squeeze3A_905, %shift_right_logical3A_906 : i32
      %shift_left3A_908 = arith.constant 7 : i32
      %shift_left3A_909 = arith.shli %shift_right_logical3A_907, %shift_left3A_908 : i32
      %multiple_of3A_910 = tpu.assume_multiple %shift_left3A_909, 128 : i32
      %dma_start3A_911 = arith.constant 1 : i32
      %dma_start3A_912 = arith.constant 128 : i32
      %dma_start3A_913 = arith.constant 0 : i32
      %dma_start3A_914 = tpu.memref_slice %arg11[%dma_start3A_911, %dma_start3A_912, %dma_start3A_913] : memref<2x256x128xf32, #tpu.memory_space<vmem>> -> memref<1x16x128xf32, #tpu.memory_space<vmem>>
      %dma_start3A_915 = tpu.memref_squeeze %dma_start3A_914 : memref<1x16x128xf32, #tpu.memory_space<vmem>> -> memref<16x128xf32, #tpu.memory_space<vmem>>
      %dma_start3A_916 = arith.constant 0 : i32
      %dma_start3A_917 = tpu.memref_slice %arg4[%dma_start3A_916, %multiple_of3A_910] : memref<16x1000000xf32, #tpu.memory_space<hbm>> -> memref<16x128xf32, #tpu.memory_space<hbm>>
      %dma_start3A_918 = arith.constant 128 : i32
      %dma_start3A_919 = arith.constant 0 : i32
      %dma_start3A_920 = tpu.memref_slice %arg11[%dma_start3A_911, %dma_start3A_918, %dma_start3A_919] : memref<2x256x128xf32, #tpu.memory_space<vmem>> -> memref<1x16x128xf32, #tpu.memory_space<vmem>>
      %dma_start3A_921 = tpu.memref_squeeze %dma_start3A_920 : memref<1x16x128xf32, #tpu.memory_space<vmem>> -> memref<16x128xf32, #tpu.memory_space<vmem>>
      %dma_start3A_922 = arith.constant 0 : i32
      %dma_start3A_923 = tpu.memref_slice %arg4[%dma_start3A_922, %multiple_of3A_910] : memref<16x1000000xf32, #tpu.memory_space<hbm>> -> memref<16x128xf32, #tpu.memory_space<hbm>>
      tpu.enqueue_dma source(%dma_start3A_923 : memref<16x128xf32, #tpu.memory_space<hbm>>) target(%dma_start3A_921 : memref<16x128xf32, #tpu.memory_space<vmem>>) target_semaphore(%arg18 : memref<!tpu.dma_semaphore, #tpu.memory_space<semaphore_mem>>)
      %slice3A_924 = vector.extract_strided_slice %get3A_743 {offsets = [9], sizes = [1], strides = [1]} : vector<16xi32> to vector<1xi32>
      %squeeze3A_925 = vector.extract %slice3A_924[0] : i32 from vector<1xi32>
      %shift_right_logical3A_926 = arith.constant 7 : i32
      %shift_right_logical3A_927 = arith.shrui %squeeze3A_925, %shift_right_logical3A_926 : i32
      %shift_left3A_928 = arith.constant 7 : i32
      %shift_left3A_929 = arith.shli %shift_right_logical3A_927, %shift_left3A_928 : i32
      %multiple_of3A_930 = tpu.assume_multiple %shift_left3A_929, 128 : i32
      %dma_start3A_931 = arith.constant 1 : i32
      %dma_start3A_932 = arith.constant 144 : i32
      %dma_start3A_933 = arith.constant 0 : i32
      %dma_start3A_934 = tpu.memref_slice %arg11[%dma_start3A_931, %dma_start3A_932, %dma_start3A_933] : memref<2x256x128xf32, #tpu.memory_space<vmem>> -> memref<1x16x128xf32, #tpu.memory_space<vmem>>
      %dma_start3A_935 = tpu.memref_squeeze %dma_start3A_934 : memref<1x16x128xf32, #tpu.memory_space<vmem>> -> memref<16x128xf32, #tpu.memory_space<vmem>>
      %dma_start3A_936 = arith.constant 0 : i32
      %dma_start3A_937 = tpu.memref_slice %arg4[%dma_start3A_936, %multiple_of3A_930] : memref<16x1000000xf32, #tpu.memory_space<hbm>> -> memref<16x128xf32, #tpu.memory_space<hbm>>
      %dma_start3A_938 = arith.constant 144 : i32
      %dma_start3A_939 = arith.constant 0 : i32
      %dma_start3A_940 = tpu.memref_slice %arg11[%dma_start3A_931, %dma_start3A_938, %dma_start3A_939] : memref<2x256x128xf32, #tpu.memory_space<vmem>> -> memref<1x16x128xf32, #tpu.memory_space<vmem>>
      %dma_start3A_941 = tpu.memref_squeeze %dma_start3A_940 : memref<1x16x128xf32, #tpu.memory_space<vmem>> -> memref<16x128xf32, #tpu.memory_space<vmem>>
      %dma_start3A_942 = arith.constant 0 : i32
      %dma_start3A_943 = tpu.memref_slice %arg4[%dma_start3A_942, %multiple_of3A_930] : memref<16x1000000xf32, #tpu.memory_space<hbm>> -> memref<16x128xf32, #tpu.memory_space<hbm>>
      tpu.enqueue_dma source(%dma_start3A_943 : memref<16x128xf32, #tpu.memory_space<hbm>>) target(%dma_start3A_941 : memref<16x128xf32, #tpu.memory_space<vmem>>) target_semaphore(%arg18 : memref<!tpu.dma_semaphore, #tpu.memory_space<semaphore_mem>>)
      %slice3A_944 = vector.extract_strided_slice %get3A_743 {offsets = [10], sizes = [1], strides = [1]} : vector<16xi32> to vector<1xi32>
      %squeeze3A_945 = vector.extract %slice3A_944[0] : i32 from vector<1xi32>
      %shift_right_logical3A_946 = arith.constant 7 : i32
      %shift_right_logical3A_947 = arith.shrui %squeeze3A_945, %shift_right_logical3A_946 : i32
      %shift_left3A_948 = arith.constant 7 : i32
      %shift_left3A_949 = arith.shli %shift_right_logical3A_947, %shift_left3A_948 : i32
      %multiple_of3A_950 = tpu.assume_multiple %shift_left3A_949, 128 : i32
      %dma_start3A_951 = arith.constant 1 : i32
      %dma_start3A_952 = arith.constant 160 : i32
      %dma_start3A_953 = arith.constant 0 : i32
      %dma_start3A_954 = tpu.memref_slice %arg11[%dma_start3A_951, %dma_start3A_952, %dma_start3A_953] : memref<2x256x128xf32, #tpu.memory_space<vmem>> -> memref<1x16x128xf32, #tpu.memory_space<vmem>>
      %dma_start3A_955 = tpu.memref_squeeze %dma_start3A_954 : memref<1x16x128xf32, #tpu.memory_space<vmem>> -> memref<16x128xf32, #tpu.memory_space<vmem>>
      %dma_start3A_956 = arith.constant 0 : i32
      %dma_start3A_957 = tpu.memref_slice %arg4[%dma_start3A_956, %multiple_of3A_950] : memref<16x1000000xf32, #tpu.memory_space<hbm>> -> memref<16x128xf32, #tpu.memory_space<hbm>>
      %dma_start3A_958 = arith.constant 160 : i32
      %dma_start3A_959 = arith.constant 0 : i32
      %dma_start3A_960 = tpu.memref_slice %arg11[%dma_start3A_951, %dma_start3A_958, %dma_start3A_959] : memref<2x256x128xf32, #tpu.memory_space<vmem>> -> memref<1x16x128xf32, #tpu.memory_space<vmem>>
      %dma_start3A_961 = tpu.memref_squeeze %dma_start3A_960 : memref<1x16x128xf32, #tpu.memory_space<vmem>> -> memref<16x128xf32, #tpu.memory_space<vmem>>
      %dma_start3A_962 = arith.constant 0 : i32
      %dma_start3A_963 = tpu.memref_slice %arg4[%dma_start3A_962, %multiple_of3A_950] : memref<16x1000000xf32, #tpu.memory_space<hbm>> -> memref<16x128xf32, #tpu.memory_space<hbm>>
      tpu.enqueue_dma source(%dma_start3A_963 : memref<16x128xf32, #tpu.memory_space<hbm>>) target(%dma_start3A_961 : memref<16x128xf32, #tpu.memory_space<vmem>>) target_semaphore(%arg18 : memref<!tpu.dma_semaphore, #tpu.memory_space<semaphore_mem>>)
      %slice3A_964 = vector.extract_strided_slice %get3A_743 {offsets = [11], sizes = [1], strides = [1]} : vector<16xi32> to vector<1xi32>
      %squeeze3A_965 = vector.extract %slice3A_964[0] : i32 from vector<1xi32>
      %shift_right_logical3A_966 = arith.constant 7 : i32
      %shift_right_logical3A_967 = arith.shrui %squeeze3A_965, %shift_right_logical3A_966 : i32
      %shift_left3A_968 = arith.constant 7 : i32
      %shift_left3A_969 = arith.shli %shift_right_logical3A_967, %shift_left3A_968 : i32
      %multiple_of3A_970 = tpu.assume_multiple %shift_left3A_969, 128 : i32
      %dma_start3A_971 = arith.constant 1 : i32
      %dma_start3A_972 = arith.constant 176 : i32
      %dma_start3A_973 = arith.constant 0 : i32
      %dma_start3A_974 = tpu.memref_slice %arg11[%dma_start3A_971, %dma_start3A_972, %dma_start3A_973] : memref<2x256x128xf32, #tpu.memory_space<vmem>> -> memref<1x16x128xf32, #tpu.memory_space<vmem>>
      %dma_start3A_975 = tpu.memref_squeeze %dma_start3A_974 : memref<1x16x128xf32, #tpu.memory_space<vmem>> -> memref<16x128xf32, #tpu.memory_space<vmem>>
      %dma_start3A_976 = arith.constant 0 : i32
      %dma_start3A_977 = tpu.memref_slice %arg4[%dma_start3A_976, %multiple_of3A_970] : memref<16x1000000xf32, #tpu.memory_space<hbm>> -> memref<16x128xf32, #tpu.memory_space<hbm>>
      %dma_start3A_978 = arith.constant 176 : i32
      %dma_start3A_979 = arith.constant 0 : i32
      %dma_start3A_980 = tpu.memref_slice %arg11[%dma_start3A_971, %dma_start3A_978, %dma_start3A_979] : memref<2x256x128xf32, #tpu.memory_space<vmem>> -> memref<1x16x128xf32, #tpu.memory_space<vmem>>
      %dma_start3A_981 = tpu.memref_squeeze %dma_start3A_980 : memref<1x16x128xf32, #tpu.memory_space<vmem>> -> memref<16x128xf32, #tpu.memory_space<vmem>>
      %dma_start3A_982 = arith.constant 0 : i32
      %dma_start3A_983 = tpu.memref_slice %arg4[%dma_start3A_982, %multiple_of3A_970] : memref<16x1000000xf32, #tpu.memory_space<hbm>> -> memref<16x128xf32, #tpu.memory_space<hbm>>
      tpu.enqueue_dma source(%dma_start3A_983 : memref<16x128xf32, #tpu.memory_space<hbm>>) target(%dma_start3A_981 : memref<16x128xf32, #tpu.memory_space<vmem>>) target_semaphore(%arg18 : memref<!tpu.dma_semaphore, #tpu.memory_space<semaphore_mem>>)
      %slice3A_984 = vector.extract_strided_slice %get3A_743 {offsets = [12], sizes = [1], strides = [1]} : vector<16xi32> to vector<1xi32>
      %squeeze3A_985 = vector.extract %slice3A_984[0] : i32 from vector<1xi32>
      %shift_right_logical3A_986 = arith.constant 7 : i32
      %shift_right_logical3A_987 = arith.shrui %squeeze3A_985, %shift_right_logical3A_986 : i32
      %shift_left3A_988 = arith.constant 7 : i32
      %shift_left3A_989 = arith.shli %shift_right_logical3A_987, %shift_left3A_988 : i32
      %multiple_of3A_990 = tpu.assume_multiple %shift_left3A_989, 128 : i32
      %dma_start3A_991 = arith.constant 1 : i32
      %dma_start3A_992 = arith.constant 192 : i32
      %dma_start3A_993 = arith.constant 0 : i32
      %dma_start3A_994 = tpu.memref_slice %arg11[%dma_start3A_991, %dma_start3A_992, %dma_start3A_993] : memref<2x256x128xf32, #tpu.memory_space<vmem>> -> memref<1x16x128xf32, #tpu.memory_space<vmem>>
      %dma_start3A_995 = tpu.memref_squeeze %dma_start3A_994 : memref<1x16x128xf32, #tpu.memory_space<vmem>> -> memref<16x128xf32, #tpu.memory_space<vmem>>
      %dma_start3A_996 = arith.constant 0 : i32
      %dma_start3A_997 = tpu.memref_slice %arg4[%dma_start3A_996, %multiple_of3A_990] : memref<16x1000000xf32, #tpu.memory_space<hbm>> -> memref<16x128xf32, #tpu.memory_space<hbm>>
      %dma_start3A_998 = arith.constant 192 : i32
      %dma_start3A_999 = arith.constant 0 : i32
      %dma_start3A_1000 = tpu.memref_slice %arg11[%dma_start3A_991, %dma_start3A_998, %dma_start3A_999] : memref<2x256x128xf32, #tpu.memory_space<vmem>> -> memref<1x16x128xf32, #tpu.memory_space<vmem>>
      %dma_start3A_1001 = tpu.memref_squeeze %dma_start3A_1000 : memref<1x16x128xf32, #tpu.memory_space<vmem>> -> memref<16x128xf32, #tpu.memory_space<vmem>>
      %dma_start3A_1002 = arith.constant 0 : i32
      %dma_start3A_1003 = tpu.memref_slice %arg4[%dma_start3A_1002, %multiple_of3A_990] : memref<16x1000000xf32, #tpu.memory_space<hbm>> -> memref<16x128xf32, #tpu.memory_space<hbm>>
      tpu.enqueue_dma source(%dma_start3A_1003 : memref<16x128xf32, #tpu.memory_space<hbm>>) target(%dma_start3A_1001 : memref<16x128xf32, #tpu.memory_space<vmem>>) target_semaphore(%arg18 : memref<!tpu.dma_semaphore, #tpu.memory_space<semaphore_mem>>)
      %slice3A_1004 = vector.extract_strided_slice %get3A_743 {offsets = [13], sizes = [1], strides = [1]} : vector<16xi32> to vector<1xi32>
      %squeeze3A_1005 = vector.extract %slice3A_1004[0] : i32 from vector<1xi32>
      %shift_right_logical3A_1006 = arith.constant 7 : i32
      %shift_right_logical3A_1007 = arith.shrui %squeeze3A_1005, %shift_right_logical3A_1006 : i32
      %shift_left3A_1008 = arith.constant 7 : i32
      %shift_left3A_1009 = arith.shli %shift_right_logical3A_1007, %shift_left3A_1008 : i32
      %multiple_of3A_1010 = tpu.assume_multiple %shift_left3A_1009, 128 : i32
      %dma_start3A_1011 = arith.constant 1 : i32
      %dma_start3A_1012 = arith.constant 208 : i32
      %dma_start3A_1013 = arith.constant 0 : i32
      %dma_start3A_1014 = tpu.memref_slice %arg11[%dma_start3A_1011, %dma_start3A_1012, %dma_start3A_1013] : memref<2x256x128xf32, #tpu.memory_space<vmem>> -> memref<1x16x128xf32, #tpu.memory_space<vmem>>
      %dma_start3A_1015 = tpu.memref_squeeze %dma_start3A_1014 : memref<1x16x128xf32, #tpu.memory_space<vmem>> -> memref<16x128xf32, #tpu.memory_space<vmem>>
      %dma_start3A_1016 = arith.constant 0 : i32
      %dma_start3A_1017 = tpu.memref_slice %arg4[%dma_start3A_1016, %multiple_of3A_1010] : memref<16x1000000xf32, #tpu.memory_space<hbm>> -> memref<16x128xf32, #tpu.memory_space<hbm>>
      %dma_start3A_1018 = arith.constant 208 : i32
      %dma_start3A_1019 = arith.constant 0 : i32
      %dma_start3A_1020 = tpu.memref_slice %arg11[%dma_start3A_1011, %dma_start3A_1018, %dma_start3A_1019] : memref<2x256x128xf32, #tpu.memory_space<vmem>> -> memref<1x16x128xf32, #tpu.memory_space<vmem>>
      %dma_start3A_1021 = tpu.memref_squeeze %dma_start3A_1020 : memref<1x16x128xf32, #tpu.memory_space<vmem>> -> memref<16x128xf32, #tpu.memory_space<vmem>>
      %dma_start3A_1022 = arith.constant 0 : i32
      %dma_start3A_1023 = tpu.memref_slice %arg4[%dma_start3A_1022, %multiple_of3A_1010] : memref<16x1000000xf32, #tpu.memory_space<hbm>> -> memref<16x128xf32, #tpu.memory_space<hbm>>
      tpu.enqueue_dma source(%dma_start3A_1023 : memref<16x128xf32, #tpu.memory_space<hbm>>) target(%dma_start3A_1021 : memref<16x128xf32, #tpu.memory_space<vmem>>) target_semaphore(%arg18 : memref<!tpu.dma_semaphore, #tpu.memory_space<semaphore_mem>>)
      %slice3A_1024 = vector.extract_strided_slice %get3A_743 {offsets = [14], sizes = [1], strides = [1]} : vector<16xi32> to vector<1xi32>
      %squeeze3A_1025 = vector.extract %slice3A_1024[0] : i32 from vector<1xi32>
      %shift_right_logical3A_1026 = arith.constant 7 : i32
      %shift_right_logical3A_1027 = arith.shrui %squeeze3A_1025, %shift_right_logical3A_1026 : i32
      %shift_left3A_1028 = arith.constant 7 : i32
      %shift_left3A_1029 = arith.shli %shift_right_logical3A_1027, %shift_left3A_1028 : i32
      %multiple_of3A_1030 = tpu.assume_multiple %shift_left3A_1029, 128 : i32
      %dma_start3A_1031 = arith.constant 1 : i32
      %dma_start3A_1032 = arith.constant 224 : i32
      %dma_start3A_1033 = arith.constant 0 : i32
      %dma_start3A_1034 = tpu.memref_slice %arg11[%dma_start3A_1031, %dma_start3A_1032, %dma_start3A_1033] : memref<2x256x128xf32, #tpu.memory_space<vmem>> -> memref<1x16x128xf32, #tpu.memory_space<vmem>>
      %dma_start3A_1035 = tpu.memref_squeeze %dma_start3A_1034 : memref<1x16x128xf32, #tpu.memory_space<vmem>> -> memref<16x128xf32, #tpu.memory_space<vmem>>
      %dma_start3A_1036 = arith.constant 0 : i32
      %dma_start3A_1037 = tpu.memref_slice %arg4[%dma_start3A_1036, %multiple_of3A_1030] : memref<16x1000000xf32, #tpu.memory_space<hbm>> -> memref<16x128xf32, #tpu.memory_space<hbm>>
      %dma_start3A_1038 = arith.constant 224 : i32
      %dma_start3A_1039 = arith.constant 0 : i32
      %dma_start3A_1040 = tpu.memref_slice %arg11[%dma_start3A_1031, %dma_start3A_1038, %dma_start3A_1039] : memref<2x256x128xf32, #tpu.memory_space<vmem>> -> memref<1x16x128xf32, #tpu.memory_space<vmem>>
      %dma_start3A_1041 = tpu.memref_squeeze %dma_start3A_1040 : memref<1x16x128xf32, #tpu.memory_space<vmem>> -> memref<16x128xf32, #tpu.memory_space<vmem>>
      %dma_start3A_1042 = arith.constant 0 : i32
      %dma_start3A_1043 = tpu.memref_slice %arg4[%dma_start3A_1042, %multiple_of3A_1030] : memref<16x1000000xf32, #tpu.memory_space<hbm>> -> memref<16x128xf32, #tpu.memory_space<hbm>>
      tpu.enqueue_dma source(%dma_start3A_1043 : memref<16x128xf32, #tpu.memory_space<hbm>>) target(%dma_start3A_1041 : memref<16x128xf32, #tpu.memory_space<vmem>>) target_semaphore(%arg18 : memref<!tpu.dma_semaphore, #tpu.memory_space<semaphore_mem>>)
      %slice3A_1044 = vector.extract_strided_slice %get3A_743 {offsets = [15], sizes = [1], strides = [1]} : vector<16xi32> to vector<1xi32>
      %squeeze3A_1045 = vector.extract %slice3A_1044[0] : i32 from vector<1xi32>
      %shift_right_logical3A_1046 = arith.constant 7 : i32
      %shift_right_logical3A_1047 = arith.shrui %squeeze3A_1045, %shift_right_logical3A_1046 : i32
      %shift_left3A_1048 = arith.constant 7 : i32
      %shift_left3A_1049 = arith.shli %shift_right_logical3A_1047, %shift_left3A_1048 : i32
      %multiple_of3A_1050 = tpu.assume_multiple %shift_left3A_1049, 128 : i32
      %dma_start3A_1051 = arith.constant 1 : i32
      %dma_start3A_1052 = arith.constant 240 : i32
      %dma_start3A_1053 = arith.constant 0 : i32
      %dma_start3A_1054 = tpu.memref_slice %arg11[%dma_start3A_1051, %dma_start3A_1052, %dma_start3A_1053] : memref<2x256x128xf32, #tpu.memory_space<vmem>> -> memref<1x16x128xf32, #tpu.memory_space<vmem>>
      %dma_start3A_1055 = tpu.memref_squeeze %dma_start3A_1054 : memref<1x16x128xf32, #tpu.memory_space<vmem>> -> memref<16x128xf32, #tpu.memory_space<vmem>>
      %dma_start3A_1056 = arith.constant 0 : i32
      %dma_start3A_1057 = tpu.memref_slice %arg4[%dma_start3A_1056, %multiple_of3A_1050] : memref<16x1000000xf32, #tpu.memory_space<hbm>> -> memref<16x128xf32, #tpu.memory_space<hbm>>
      %dma_start3A_1058 = arith.constant 240 : i32
      %dma_start3A_1059 = arith.constant 0 : i32
      %dma_start3A_1060 = tpu.memref_slice %arg11[%dma_start3A_1051, %dma_start3A_1058, %dma_start3A_1059] : memref<2x256x128xf32, #tpu.memory_space<vmem>> -> memref<1x16x128xf32, #tpu.memory_space<vmem>>
      %dma_start3A_1061 = tpu.memref_squeeze %dma_start3A_1060 : memref<1x16x128xf32, #tpu.memory_space<vmem>> -> memref<16x128xf32, #tpu.memory_space<vmem>>
      %dma_start3A_1062 = arith.constant 0 : i32
      %dma_start3A_1063 = tpu.memref_slice %arg4[%dma_start3A_1062, %multiple_of3A_1050] : memref<16x1000000xf32, #tpu.memory_space<hbm>> -> memref<16x128xf32, #tpu.memory_space<hbm>>
      tpu.enqueue_dma source(%dma_start3A_1063 : memref<16x128xf32, #tpu.memory_space<hbm>>) target(%dma_start3A_1061 : memref<16x128xf32, #tpu.memory_space<vmem>>) target_semaphore(%arg18 : memref<!tpu.dma_semaphore, #tpu.memory_space<semaphore_mem>>)
      %dma_wait3A = arith.constant 0 : i32
      %dma_wait3A_1064 = arith.constant 0 : i32
      %dma_wait3A_1065 = arith.constant 0 : i32
      %dma_wait3A_1066 = tpu.memref_slice %arg11[%dma_wait3A, %dma_wait3A_1064, %dma_wait3A_1065] : memref<2x256x128xf32, #tpu.memory_space<vmem>> -> memref<1x16x128xf32, #tpu.memory_space<vmem>>
      %dma_wait3A_1067 = tpu.memref_squeeze %dma_wait3A_1066 : memref<1x16x128xf32, #tpu.memory_space<vmem>> -> memref<16x128xf32, #tpu.memory_space<vmem>>
      %dma_wait3A_1068 = arith.constant 0 : i32
      %dma_wait3A_1069 = arith.constant 0 : i32
      %dma_wait3A_1070 = tpu.memref_slice %arg4[%dma_wait3A_1068, %dma_wait3A_1069] : memref<16x1000000xf32, #tpu.memory_space<hbm>> -> memref<16x128xf32, #tpu.memory_space<hbm>>
      %dma_wait3A_1071 = arith.constant 0 : i32
      %dma_wait3A_1072 = arith.constant 0 : i32
      %dma_wait3A_1073 = tpu.memref_slice %arg11[%dma_wait3A, %dma_wait3A_1071, %dma_wait3A_1072] : memref<2x256x128xf32, #tpu.memory_space<vmem>> -> memref<1x16x128xf32, #tpu.memory_space<vmem>>
      %dma_wait3A_1074 = tpu.memref_squeeze %dma_wait3A_1073 : memref<1x16x128xf32, #tpu.memory_space<vmem>> -> memref<16x128xf32, #tpu.memory_space<vmem>>
      %dma_wait3A_1075 = arith.constant 0 : i32
      %dma_wait3A_1076 = arith.constant 0 : i32
      %dma_wait3A_1077 = tpu.memref_slice %arg4[%dma_wait3A_1075, %dma_wait3A_1076] : memref<16x1000000xf32, #tpu.memory_space<hbm>> -> memref<16x128xf32, #tpu.memory_space<hbm>>
      tpu.wait_dma2 semaphore(%arg17 : memref<!tpu.dma_semaphore, #tpu.memory_space<semaphore_mem>>) src(%dma_wait3A_1077 : memref<16x128xf32, #tpu.memory_space<hbm>>) dst(%dma_wait3A_1074 : memref<16x128xf32, #tpu.memory_space<vmem>>)
      %dma_wait3A_1078 = arith.constant 0 : i32
      %dma_wait3A_1079 = arith.constant 16 : i32
      %dma_wait3A_1080 = arith.constant 0 : i32
      %dma_wait3A_1081 = tpu.memref_slice %arg11[%dma_wait3A_1078, %dma_wait3A_1079, %dma_wait3A_1080] : memref<2x256x128xf32, #tpu.memory_space<vmem>> -> memref<1x16x128xf32, #tpu.memory_space<vmem>>
      %dma_wait3A_1082 = tpu.memref_squeeze %dma_wait3A_1081 : memref<1x16x128xf32, #tpu.memory_space<vmem>> -> memref<16x128xf32, #tpu.memory_space<vmem>>
      %dma_wait3A_1083 = arith.constant 0 : i32
      %dma_wait3A_1084 = arith.constant 0 : i32
      %dma_wait3A_1085 = tpu.memref_slice %arg4[%dma_wait3A_1083, %dma_wait3A_1084] : memref<16x1000000xf32, #tpu.memory_space<hbm>> -> memref<16x128xf32, #tpu.memory_space<hbm>>
      %dma_wait3A_1086 = arith.constant 16 : i32
      %dma_wait3A_1087 = arith.constant 0 : i32
      %dma_wait3A_1088 = tpu.memref_slice %arg11[%dma_wait3A_1078, %dma_wait3A_1086, %dma_wait3A_1087] : memref<2x256x128xf32, #tpu.memory_space<vmem>> -> memref<1x16x128xf32, #tpu.memory_space<vmem>>
      %dma_wait3A_1089 = tpu.memref_squeeze %dma_wait3A_1088 : memref<1x16x128xf32, #tpu.memory_space<vmem>> -> memref<16x128xf32, #tpu.memory_space<vmem>>
      %dma_wait3A_1090 = arith.constant 0 : i32
      %dma_wait3A_1091 = arith.constant 0 : i32
      %dma_wait3A_1092 = tpu.memref_slice %arg4[%dma_wait3A_1090, %dma_wait3A_1091] : memref<16x1000000xf32, #tpu.memory_space<hbm>> -> memref<16x128xf32, #tpu.memory_space<hbm>>
      tpu.wait_dma2 semaphore(%arg17 : memref<!tpu.dma_semaphore, #tpu.memory_space<semaphore_mem>>) src(%dma_wait3A_1092 : memref<16x128xf32, #tpu.memory_space<hbm>>) dst(%dma_wait3A_1089 : memref<16x128xf32, #tpu.memory_space<vmem>>)
      %dma_wait3A_1093 = arith.constant 0 : i32
      %dma_wait3A_1094 = arith.constant 32 : i32
      %dma_wait3A_1095 = arith.constant 0 : i32
      %dma_wait3A_1096 = tpu.memref_slice %arg11[%dma_wait3A_1093, %dma_wait3A_1094, %dma_wait3A_1095] : memref<2x256x128xf32, #tpu.memory_space<vmem>> -> memref<1x16x128xf32, #tpu.memory_space<vmem>>
      %dma_wait3A_1097 = tpu.memref_squeeze %dma_wait3A_1096 : memref<1x16x128xf32, #tpu.memory_space<vmem>> -> memref<16x128xf32, #tpu.memory_space<vmem>>
      %dma_wait3A_1098 = arith.constant 0 : i32
      %dma_wait3A_1099 = arith.constant 0 : i32
      %dma_wait3A_1100 = tpu.memref_slice %arg4[%dma_wait3A_1098, %dma_wait3A_1099] : memref<16x1000000xf32, #tpu.memory_space<hbm>> -> memref<16x128xf32, #tpu.memory_space<hbm>>
      %dma_wait3A_1101 = arith.constant 32 : i32
      %dma_wait3A_1102 = arith.constant 0 : i32
      %dma_wait3A_1103 = tpu.memref_slice %arg11[%dma_wait3A_1093, %dma_wait3A_1101, %dma_wait3A_1102] : memref<2x256x128xf32, #tpu.memory_space<vmem>> -> memref<1x16x128xf32, #tpu.memory_space<vmem>>
      %dma_wait3A_1104 = tpu.memref_squeeze %dma_wait3A_1103 : memref<1x16x128xf32, #tpu.memory_space<vmem>> -> memref<16x128xf32, #tpu.memory_space<vmem>>
      %dma_wait3A_1105 = arith.constant 0 : i32
      %dma_wait3A_1106 = arith.constant 0 : i32
      %dma_wait3A_1107 = tpu.memref_slice %arg4[%dma_wait3A_1105, %dma_wait3A_1106] : memref<16x1000000xf32, #tpu.memory_space<hbm>> -> memref<16x128xf32, #tpu.memory_space<hbm>>
      tpu.wait_dma2 semaphore(%arg17 : memref<!tpu.dma_semaphore, #tpu.memory_space<semaphore_mem>>) src(%dma_wait3A_1107 : memref<16x128xf32, #tpu.memory_space<hbm>>) dst(%dma_wait3A_1104 : memref<16x128xf32, #tpu.memory_space<vmem>>)
      %dma_wait3A_1108 = arith.constant 0 : i32
      %dma_wait3A_1109 = arith.constant 48 : i32
      %dma_wait3A_1110 = arith.constant 0 : i32
      %dma_wait3A_1111 = tpu.memref_slice %arg11[%dma_wait3A_1108, %dma_wait3A_1109, %dma_wait3A_1110] : memref<2x256x128xf32, #tpu.memory_space<vmem>> -> memref<1x16x128xf32, #tpu.memory_space<vmem>>
      %dma_wait3A_1112 = tpu.memref_squeeze %dma_wait3A_1111 : memref<1x16x128xf32, #tpu.memory_space<vmem>> -> memref<16x128xf32, #tpu.memory_space<vmem>>
      %dma_wait3A_1113 = arith.constant 0 : i32
      %dma_wait3A_1114 = arith.constant 0 : i32
      %dma_wait3A_1115 = tpu.memref_slice %arg4[%dma_wait3A_1113, %dma_wait3A_1114] : memref<16x1000000xf32, #tpu.memory_space<hbm>> -> memref<16x128xf32, #tpu.memory_space<hbm>>
      %dma_wait3A_1116 = arith.constant 48 : i32
      %dma_wait3A_1117 = arith.constant 0 : i32
      %dma_wait3A_1118 = tpu.memref_slice %arg11[%dma_wait3A_1108, %dma_wait3A_1116, %dma_wait3A_1117] : memref<2x256x128xf32, #tpu.memory_space<vmem>> -> memref<1x16x128xf32, #tpu.memory_space<vmem>>
      %dma_wait3A_1119 = tpu.memref_squeeze %dma_wait3A_1118 : memref<1x16x128xf32, #tpu.memory_space<vmem>> -> memref<16x128xf32, #tpu.memory_space<vmem>>
      %dma_wait3A_1120 = arith.constant 0 : i32
      %dma_wait3A_1121 = arith.constant 0 : i32
      %dma_wait3A_1122 = tpu.memref_slice %arg4[%dma_wait3A_1120, %dma_wait3A_1121] : memref<16x1000000xf32, #tpu.memory_space<hbm>> -> memref<16x128xf32, #tpu.memory_space<hbm>>
      tpu.wait_dma2 semaphore(%arg17 : memref<!tpu.dma_semaphore, #tpu.memory_space<semaphore_mem>>) src(%dma_wait3A_1122 : memref<16x128xf32, #tpu.memory_space<hbm>>) dst(%dma_wait3A_1119 : memref<16x128xf32, #tpu.memory_space<vmem>>)
      %dma_wait3A_1123 = arith.constant 0 : i32
      %dma_wait3A_1124 = arith.constant 64 : i32
      %dma_wait3A_1125 = arith.constant 0 : i32
      %dma_wait3A_1126 = tpu.memref_slice %arg11[%dma_wait3A_1123, %dma_wait3A_1124, %dma_wait3A_1125] : memref<2x256x128xf32, #tpu.memory_space<vmem>> -> memref<1x16x128xf32, #tpu.memory_space<vmem>>
      %dma_wait3A_1127 = tpu.memref_squeeze %dma_wait3A_1126 : memref<1x16x128xf32, #tpu.memory_space<vmem>> -> memref<16x128xf32, #tpu.memory_space<vmem>>
      %dma_wait3A_1128 = arith.constant 0 : i32
      %dma_wait3A_1129 = arith.constant 0 : i32
      %dma_wait3A_1130 = tpu.memref_slice %arg4[%dma_wait3A_1128, %dma_wait3A_1129] : memref<16x1000000xf32, #tpu.memory_space<hbm>> -> memref<16x128xf32, #tpu.memory_space<hbm>>
      %dma_wait3A_1131 = arith.constant 64 : i32
      %dma_wait3A_1132 = arith.constant 0 : i32
      %dma_wait3A_1133 = tpu.memref_slice %arg11[%dma_wait3A_1123, %dma_wait3A_1131, %dma_wait3A_1132] : memref<2x256x128xf32, #tpu.memory_space<vmem>> -> memref<1x16x128xf32, #tpu.memory_space<vmem>>
      %dma_wait3A_1134 = tpu.memref_squeeze %dma_wait3A_1133 : memref<1x16x128xf32, #tpu.memory_space<vmem>> -> memref<16x128xf32, #tpu.memory_space<vmem>>
      %dma_wait3A_1135 = arith.constant 0 : i32
      %dma_wait3A_1136 = arith.constant 0 : i32
      %dma_wait3A_1137 = tpu.memref_slice %arg4[%dma_wait3A_1135, %dma_wait3A_1136] : memref<16x1000000xf32, #tpu.memory_space<hbm>> -> memref<16x128xf32, #tpu.memory_space<hbm>>
      tpu.wait_dma2 semaphore(%arg17 : memref<!tpu.dma_semaphore, #tpu.memory_space<semaphore_mem>>) src(%dma_wait3A_1137 : memref<16x128xf32, #tpu.memory_space<hbm>>) dst(%dma_wait3A_1134 : memref<16x128xf32, #tpu.memory_space<vmem>>)
      %dma_wait3A_1138 = arith.constant 0 : i32
      %dma_wait3A_1139 = arith.constant 80 : i32
      %dma_wait3A_1140 = arith.constant 0 : i32
      %dma_wait3A_1141 = tpu.memref_slice %arg11[%dma_wait3A_1138, %dma_wait3A_1139, %dma_wait3A_1140] : memref<2x256x128xf32, #tpu.memory_space<vmem>> -> memref<1x16x128xf32, #tpu.memory_space<vmem>>
      %dma_wait3A_1142 = tpu.memref_squeeze %dma_wait3A_1141 : memref<1x16x128xf32, #tpu.memory_space<vmem>> -> memref<16x128xf32, #tpu.memory_space<vmem>>
      %dma_wait3A_1143 = arith.constant 0 : i32
      %dma_wait3A_1144 = arith.constant 0 : i32
      %dma_wait3A_1145 = tpu.memref_slice %arg4[%dma_wait3A_1143, %dma_wait3A_1144] : memref<16x1000000xf32, #tpu.memory_space<hbm>> -> memref<16x128xf32, #tpu.memory_space<hbm>>
      %dma_wait3A_1146 = arith.constant 80 : i32
      %dma_wait3A_1147 = arith.constant 0 : i32
      %dma_wait3A_1148 = tpu.memref_slice %arg11[%dma_wait3A_1138, %dma_wait3A_1146, %dma_wait3A_1147] : memref<2x256x128xf32, #tpu.memory_space<vmem>> -> memref<1x16x128xf32, #tpu.memory_space<vmem>>
      %dma_wait3A_1149 = tpu.memref_squeeze %dma_wait3A_1148 : memref<1x16x128xf32, #tpu.memory_space<vmem>> -> memref<16x128xf32, #tpu.memory_space<vmem>>
      %dma_wait3A_1150 = arith.constant 0 : i32
      %dma_wait3A_1151 = arith.constant 0 : i32
      %dma_wait3A_1152 = tpu.memref_slice %arg4[%dma_wait3A_1150, %dma_wait3A_1151] : memref<16x1000000xf32, #tpu.memory_space<hbm>> -> memref<16x128xf32, #tpu.memory_space<hbm>>
      tpu.wait_dma2 semaphore(%arg17 : memref<!tpu.dma_semaphore, #tpu.memory_space<semaphore_mem>>) src(%dma_wait3A_1152 : memref<16x128xf32, #tpu.memory_space<hbm>>) dst(%dma_wait3A_1149 : memref<16x128xf32, #tpu.memory_space<vmem>>)
      %dma_wait3A_1153 = arith.constant 0 : i32
      %dma_wait3A_1154 = arith.constant 96 : i32
      %dma_wait3A_1155 = arith.constant 0 : i32
      %dma_wait3A_1156 = tpu.memref_slice %arg11[%dma_wait3A_1153, %dma_wait3A_1154, %dma_wait3A_1155] : memref<2x256x128xf32, #tpu.memory_space<vmem>> -> memref<1x16x128xf32, #tpu.memory_space<vmem>>
      %dma_wait3A_1157 = tpu.memref_squeeze %dma_wait3A_1156 : memref<1x16x128xf32, #tpu.memory_space<vmem>> -> memref<16x128xf32, #tpu.memory_space<vmem>>
      %dma_wait3A_1158 = arith.constant 0 : i32
      %dma_wait3A_1159 = arith.constant 0 : i32
      %dma_wait3A_1160 = tpu.memref_slice %arg4[%dma_wait3A_1158, %dma_wait3A_1159] : memref<16x1000000xf32, #tpu.memory_space<hbm>> -> memref<16x128xf32, #tpu.memory_space<hbm>>
      %dma_wait3A_1161 = arith.constant 96 : i32
      %dma_wait3A_1162 = arith.constant 0 : i32
      %dma_wait3A_1163 = tpu.memref_slice %arg11[%dma_wait3A_1153, %dma_wait3A_1161, %dma_wait3A_1162] : memref<2x256x128xf32, #tpu.memory_space<vmem>> -> memref<1x16x128xf32, #tpu.memory_space<vmem>>
      %dma_wait3A_1164 = tpu.memref_squeeze %dma_wait3A_1163 : memref<1x16x128xf32, #tpu.memory_space<vmem>> -> memref<16x128xf32, #tpu.memory_space<vmem>>
      %dma_wait3A_1165 = arith.constant 0 : i32
      %dma_wait3A_1166 = arith.constant 0 : i32
      %dma_wait3A_1167 = tpu.memref_slice %arg4[%dma_wait3A_1165, %dma_wait3A_1166] : memref<16x1000000xf32, #tpu.memory_space<hbm>> -> memref<16x128xf32, #tpu.memory_space<hbm>>
      tpu.wait_dma2 semaphore(%arg17 : memref<!tpu.dma_semaphore, #tpu.memory_space<semaphore_mem>>) src(%dma_wait3A_1167 : memref<16x128xf32, #tpu.memory_space<hbm>>) dst(%dma_wait3A_1164 : memref<16x128xf32, #tpu.memory_space<vmem>>)
      %dma_wait3A_1168 = arith.constant 0 : i32
      %dma_wait3A_1169 = arith.constant 112 : i32
      %dma_wait3A_1170 = arith.constant 0 : i32
      %dma_wait3A_1171 = tpu.memref_slice %arg11[%dma_wait3A_1168, %dma_wait3A_1169, %dma_wait3A_1170] : memref<2x256x128xf32, #tpu.memory_space<vmem>> -> memref<1x16x128xf32, #tpu.memory_space<vmem>>
      %dma_wait3A_1172 = tpu.memref_squeeze %dma_wait3A_1171 : memref<1x16x128xf32, #tpu.memory_space<vmem>> -> memref<16x128xf32, #tpu.memory_space<vmem>>
      %dma_wait3A_1173 = arith.constant 0 : i32
      %dma_wait3A_1174 = arith.constant 0 : i32
      %dma_wait3A_1175 = tpu.memref_slice %arg4[%dma_wait3A_1173, %dma_wait3A_1174] : memref<16x1000000xf32, #tpu.memory_space<hbm>> -> memref<16x128xf32, #tpu.memory_space<hbm>>
      %dma_wait3A_1176 = arith.constant 112 : i32
      %dma_wait3A_1177 = arith.constant 0 : i32
      %dma_wait3A_1178 = tpu.memref_slice %arg11[%dma_wait3A_1168, %dma_wait3A_1176, %dma_wait3A_1177] : memref<2x256x128xf32, #tpu.memory_space<vmem>> -> memref<1x16x128xf32, #tpu.memory_space<vmem>>
      %dma_wait3A_1179 = tpu.memref_squeeze %dma_wait3A_1178 : memref<1x16x128xf32, #tpu.memory_space<vmem>> -> memref<16x128xf32, #tpu.memory_space<vmem>>
      %dma_wait3A_1180 = arith.constant 0 : i32
      %dma_wait3A_1181 = arith.constant 0 : i32
      %dma_wait3A_1182 = tpu.memref_slice %arg4[%dma_wait3A_1180, %dma_wait3A_1181] : memref<16x1000000xf32, #tpu.memory_space<hbm>> -> memref<16x128xf32, #tpu.memory_space<hbm>>
      tpu.wait_dma2 semaphore(%arg17 : memref<!tpu.dma_semaphore, #tpu.memory_space<semaphore_mem>>) src(%dma_wait3A_1182 : memref<16x128xf32, #tpu.memory_space<hbm>>) dst(%dma_wait3A_1179 : memref<16x128xf32, #tpu.memory_space<vmem>>)
      %dma_wait3A_1183 = arith.constant 0 : i32
      %dma_wait3A_1184 = arith.constant 128 : i32
      %dma_wait3A_1185 = arith.constant 0 : i32
      %dma_wait3A_1186 = tpu.memref_slice %arg11[%dma_wait3A_1183, %dma_wait3A_1184, %dma_wait3A_1185] : memref<2x256x128xf32, #tpu.memory_space<vmem>> -> memref<1x16x128xf32, #tpu.memory_space<vmem>>
      %dma_wait3A_1187 = tpu.memref_squeeze %dma_wait3A_1186 : memref<1x16x128xf32, #tpu.memory_space<vmem>> -> memref<16x128xf32, #tpu.memory_space<vmem>>
      %dma_wait3A_1188 = arith.constant 0 : i32
      %dma_wait3A_1189 = arith.constant 0 : i32
      %dma_wait3A_1190 = tpu.memref_slice %arg4[%dma_wait3A_1188, %dma_wait3A_1189] : memref<16x1000000xf32, #tpu.memory_space<hbm>> -> memref<16x128xf32, #tpu.memory_space<hbm>>
      %dma_wait3A_1191 = arith.constant 128 : i32
      %dma_wait3A_1192 = arith.constant 0 : i32
      %dma_wait3A_1193 = tpu.memref_slice %arg11[%dma_wait3A_1183, %dma_wait3A_1191, %dma_wait3A_1192] : memref<2x256x128xf32, #tpu.memory_space<vmem>> -> memref<1x16x128xf32, #tpu.memory_space<vmem>>
      %dma_wait3A_1194 = tpu.memref_squeeze %dma_wait3A_1193 : memref<1x16x128xf32, #tpu.memory_space<vmem>> -> memref<16x128xf32, #tpu.memory_space<vmem>>
      %dma_wait3A_1195 = arith.constant 0 : i32
      %dma_wait3A_1196 = arith.constant 0 : i32
      %dma_wait3A_1197 = tpu.memref_slice %arg4[%dma_wait3A_1195, %dma_wait3A_1196] : memref<16x1000000xf32, #tpu.memory_space<hbm>> -> memref<16x128xf32, #tpu.memory_space<hbm>>
      tpu.wait_dma2 semaphore(%arg17 : memref<!tpu.dma_semaphore, #tpu.memory_space<semaphore_mem>>) src(%dma_wait3A_1197 : memref<16x128xf32, #tpu.memory_space<hbm>>) dst(%dma_wait3A_1194 : memref<16x128xf32, #tpu.memory_space<vmem>>)
      %dma_wait3A_1198 = arith.constant 0 : i32
      %dma_wait3A_1199 = arith.constant 144 : i32
      %dma_wait3A_1200 = arith.constant 0 : i32
      %dma_wait3A_1201 = tpu.memref_slice %arg11[%dma_wait3A_1198, %dma_wait3A_1199, %dma_wait3A_1200] : memref<2x256x128xf32, #tpu.memory_space<vmem>> -> memref<1x16x128xf32, #tpu.memory_space<vmem>>
      %dma_wait3A_1202 = tpu.memref_squeeze %dma_wait3A_1201 : memref<1x16x128xf32, #tpu.memory_space<vmem>> -> memref<16x128xf32, #tpu.memory_space<vmem>>
      %dma_wait3A_1203 = arith.constant 0 : i32
      %dma_wait3A_1204 = arith.constant 0 : i32
      %dma_wait3A_1205 = tpu.memref_slice %arg4[%dma_wait3A_1203, %dma_wait3A_1204] : memref<16x1000000xf32, #tpu.memory_space<hbm>> -> memref<16x128xf32, #tpu.memory_space<hbm>>
      %dma_wait3A_1206 = arith.constant 144 : i32
      %dma_wait3A_1207 = arith.constant 0 : i32
      %dma_wait3A_1208 = tpu.memref_slice %arg11[%dma_wait3A_1198, %dma_wait3A_1206, %dma_wait3A_1207] : memref<2x256x128xf32, #tpu.memory_space<vmem>> -> memref<1x16x128xf32, #tpu.memory_space<vmem>>
      %dma_wait3A_1209 = tpu.memref_squeeze %dma_wait3A_1208 : memref<1x16x128xf32, #tpu.memory_space<vmem>> -> memref<16x128xf32, #tpu.memory_space<vmem>>
      %dma_wait3A_1210 = arith.constant 0 : i32
      %dma_wait3A_1211 = arith.constant 0 : i32
      %dma_wait3A_1212 = tpu.memref_slice %arg4[%dma_wait3A_1210, %dma_wait3A_1211] : memref<16x1000000xf32, #tpu.memory_space<hbm>> -> memref<16x128xf32, #tpu.memory_space<hbm>>
      tpu.wait_dma2 semaphore(%arg17 : memref<!tpu.dma_semaphore, #tpu.memory_space<semaphore_mem>>) src(%dma_wait3A_1212 : memref<16x128xf32, #tpu.memory_space<hbm>>) dst(%dma_wait3A_1209 : memref<16x128xf32, #tpu.memory_space<vmem>>)
      %dma_wait3A_1213 = arith.constant 0 : i32
      %dma_wait3A_1214 = arith.constant 160 : i32
      %dma_wait3A_1215 = arith.constant 0 : i32
      %dma_wait3A_1216 = tpu.memref_slice %arg11[%dma_wait3A_1213, %dma_wait3A_1214, %dma_wait3A_1215] : memref<2x256x128xf32, #tpu.memory_space<vmem>> -> memref<1x16x128xf32, #tpu.memory_space<vmem>>
      %dma_wait3A_1217 = tpu.memref_squeeze %dma_wait3A_1216 : memref<1x16x128xf32, #tpu.memory_space<vmem>> -> memref<16x128xf32, #tpu.memory_space<vmem>>
      %dma_wait3A_1218 = arith.constant 0 : i32
      %dma_wait3A_1219 = arith.constant 0 : i32
      %dma_wait3A_1220 = tpu.memref_slice %arg4[%dma_wait3A_1218, %dma_wait3A_1219] : memref<16x1000000xf32, #tpu.memory_space<hbm>> -> memref<16x128xf32, #tpu.memory_space<hbm>>
      %dma_wait3A_1221 = arith.constant 160 : i32
      %dma_wait3A_1222 = arith.constant 0 : i32
      %dma_wait3A_1223 = tpu.memref_slice %arg11[%dma_wait3A_1213, %dma_wait3A_1221, %dma_wait3A_1222] : memref<2x256x128xf32, #tpu.memory_space<vmem>> -> memref<1x16x128xf32, #tpu.memory_space<vmem>>
      %dma_wait3A_1224 = tpu.memref_squeeze %dma_wait3A_1223 : memref<1x16x128xf32, #tpu.memory_space<vmem>> -> memref<16x128xf32, #tpu.memory_space<vmem>>
      %dma_wait3A_1225 = arith.constant 0 : i32
      %dma_wait3A_1226 = arith.constant 0 : i32
      %dma_wait3A_1227 = tpu.memref_slice %arg4[%dma_wait3A_1225, %dma_wait3A_1226] : memref<16x1000000xf32, #tpu.memory_space<hbm>> -> memref<16x128xf32, #tpu.memory_space<hbm>>
      tpu.wait_dma2 semaphore(%arg17 : memref<!tpu.dma_semaphore, #tpu.memory_space<semaphore_mem>>) src(%dma_wait3A_1227 : memref<16x128xf32, #tpu.memory_space<hbm>>) dst(%dma_wait3A_1224 : memref<16x128xf32, #tpu.memory_space<vmem>>)
      %dma_wait3A_1228 = arith.constant 0 : i32
      %dma_wait3A_1229 = arith.constant 176 : i32
      %dma_wait3A_1230 = arith.constant 0 : i32
      %dma_wait3A_1231 = tpu.memref_slice %arg11[%dma_wait3A_1228, %dma_wait3A_1229, %dma_wait3A_1230] : memref<2x256x128xf32, #tpu.memory_space<vmem>> -> memref<1x16x128xf32, #tpu.memory_space<vmem>>
      %dma_wait3A_1232 = tpu.memref_squeeze %dma_wait3A_1231 : memref<1x16x128xf32, #tpu.memory_space<vmem>> -> memref<16x128xf32, #tpu.memory_space<vmem>>
      %dma_wait3A_1233 = arith.constant 0 : i32
      %dma_wait3A_1234 = arith.constant 0 : i32
      %dma_wait3A_1235 = tpu.memref_slice %arg4[%dma_wait3A_1233, %dma_wait3A_1234] : memref<16x1000000xf32, #tpu.memory_space<hbm>> -> memref<16x128xf32, #tpu.memory_space<hbm>>
      %dma_wait3A_1236 = arith.constant 176 : i32
      %dma_wait3A_1237 = arith.constant 0 : i32
      %dma_wait3A_1238 = tpu.memref_slice %arg11[%dma_wait3A_1228, %dma_wait3A_1236, %dma_wait3A_1237] : memref<2x256x128xf32, #tpu.memory_space<vmem>> -> memref<1x16x128xf32, #tpu.memory_space<vmem>>
      %dma_wait3A_1239 = tpu.memref_squeeze %dma_wait3A_1238 : memref<1x16x128xf32, #tpu.memory_space<vmem>> -> memref<16x128xf32, #tpu.memory_space<vmem>>
      %dma_wait3A_1240 = arith.constant 0 : i32
      %dma_wait3A_1241 = arith.constant 0 : i32
      %dma_wait3A_1242 = tpu.memref_slice %arg4[%dma_wait3A_1240, %dma_wait3A_1241] : memref<16x1000000xf32, #tpu.memory_space<hbm>> -> memref<16x128xf32, #tpu.memory_space<hbm>>
      tpu.wait_dma2 semaphore(%arg17 : memref<!tpu.dma_semaphore, #tpu.memory_space<semaphore_mem>>) src(%dma_wait3A_1242 : memref<16x128xf32, #tpu.memory_space<hbm>>) dst(%dma_wait3A_1239 : memref<16x128xf32, #tpu.memory_space<vmem>>)
      %dma_wait3A_1243 = arith.constant 0 : i32
      %dma_wait3A_1244 = arith.constant 192 : i32
      %dma_wait3A_1245 = arith.constant 0 : i32
      %dma_wait3A_1246 = tpu.memref_slice %arg11[%dma_wait3A_1243, %dma_wait3A_1244, %dma_wait3A_1245] : memref<2x256x128xf32, #tpu.memory_space<vmem>> -> memref<1x16x128xf32, #tpu.memory_space<vmem>>
      %dma_wait3A_1247 = tpu.memref_squeeze %dma_wait3A_1246 : memref<1x16x128xf32, #tpu.memory_space<vmem>> -> memref<16x128xf32, #tpu.memory_space<vmem>>
      %dma_wait3A_1248 = arith.constant 0 : i32
      %dma_wait3A_1249 = arith.constant 0 : i32
      %dma_wait3A_1250 = tpu.memref_slice %arg4[%dma_wait3A_1248, %dma_wait3A_1249] : memref<16x1000000xf32, #tpu.memory_space<hbm>> -> memref<16x128xf32, #tpu.memory_space<hbm>>
      %dma_wait3A_1251 = arith.constant 192 : i32
      %dma_wait3A_1252 = arith.constant 0 : i32
      %dma_wait3A_1253 = tpu.memref_slice %arg11[%dma_wait3A_1243, %dma_wait3A_1251, %dma_wait3A_1252] : memref<2x256x128xf32, #tpu.memory_space<vmem>> -> memref<1x16x128xf32, #tpu.memory_space<vmem>>
      %dma_wait3A_1254 = tpu.memref_squeeze %dma_wait3A_1253 : memref<1x16x128xf32, #tpu.memory_space<vmem>> -> memref<16x128xf32, #tpu.memory_space<vmem>>
      %dma_wait3A_1255 = arith.constant 0 : i32
      %dma_wait3A_1256 = arith.constant 0 : i32
      %dma_wait3A_1257 = tpu.memref_slice %arg4[%dma_wait3A_1255, %dma_wait3A_1256] : memref<16x1000000xf32, #tpu.memory_space<hbm>> -> memref<16x128xf32, #tpu.memory_space<hbm>>
      tpu.wait_dma2 semaphore(%arg17 : memref<!tpu.dma_semaphore, #tpu.memory_space<semaphore_mem>>) src(%dma_wait3A_1257 : memref<16x128xf32, #tpu.memory_space<hbm>>) dst(%dma_wait3A_1254 : memref<16x128xf32, #tpu.memory_space<vmem>>)
      %dma_wait3A_1258 = arith.constant 0 : i32
      %dma_wait3A_1259 = arith.constant 208 : i32
      %dma_wait3A_1260 = arith.constant 0 : i32
      %dma_wait3A_1261 = tpu.memref_slice %arg11[%dma_wait3A_1258, %dma_wait3A_1259, %dma_wait3A_1260] : memref<2x256x128xf32, #tpu.memory_space<vmem>> -> memref<1x16x128xf32, #tpu.memory_space<vmem>>
      %dma_wait3A_1262 = tpu.memref_squeeze %dma_wait3A_1261 : memref<1x16x128xf32, #tpu.memory_space<vmem>> -> memref<16x128xf32, #tpu.memory_space<vmem>>
      %dma_wait3A_1263 = arith.constant 0 : i32
      %dma_wait3A_1264 = arith.constant 0 : i32
      %dma_wait3A_1265 = tpu.memref_slice %arg4[%dma_wait3A_1263, %dma_wait3A_1264] : memref<16x1000000xf32, #tpu.memory_space<hbm>> -> memref<16x128xf32, #tpu.memory_space<hbm>>
      %dma_wait3A_1266 = arith.constant 208 : i32
      %dma_wait3A_1267 = arith.constant 0 : i32
      %dma_wait3A_1268 = tpu.memref_slice %arg11[%dma_wait3A_1258, %dma_wait3A_1266, %dma_wait3A_1267] : memref<2x256x128xf32, #tpu.memory_space<vmem>> -> memref<1x16x128xf32, #tpu.memory_space<vmem>>
      %dma_wait3A_1269 = tpu.memref_squeeze %dma_wait3A_1268 : memref<1x16x128xf32, #tpu.memory_space<vmem>> -> memref<16x128xf32, #tpu.memory_space<vmem>>
      %dma_wait3A_1270 = arith.constant 0 : i32
      %dma_wait3A_1271 = arith.constant 0 : i32
      %dma_wait3A_1272 = tpu.memref_slice %arg4[%dma_wait3A_1270, %dma_wait3A_1271] : memref<16x1000000xf32, #tpu.memory_space<hbm>> -> memref<16x128xf32, #tpu.memory_space<hbm>>
      tpu.wait_dma2 semaphore(%arg17 : memref<!tpu.dma_semaphore, #tpu.memory_space<semaphore_mem>>) src(%dma_wait3A_1272 : memref<16x128xf32, #tpu.memory_space<hbm>>) dst(%dma_wait3A_1269 : memref<16x128xf32, #tpu.memory_space<vmem>>)
      %dma_wait3A_1273 = arith.constant 0 : i32
      %dma_wait3A_1274 = arith.constant 224 : i32
      %dma_wait3A_1275 = arith.constant 0 : i32
      %dma_wait3A_1276 = tpu.memref_slice %arg11[%dma_wait3A_1273, %dma_wait3A_1274, %dma_wait3A_1275] : memref<2x256x128xf32, #tpu.memory_space<vmem>> -> memref<1x16x128xf32, #tpu.memory_space<vmem>>
      %dma_wait3A_1277 = tpu.memref_squeeze %dma_wait3A_1276 : memref<1x16x128xf32, #tpu.memory_space<vmem>> -> memref<16x128xf32, #tpu.memory_space<vmem>>
      %dma_wait3A_1278 = arith.constant 0 : i32
      %dma_wait3A_1279 = arith.constant 0 : i32
      %dma_wait3A_1280 = tpu.memref_slice %arg4[%dma_wait3A_1278, %dma_wait3A_1279] : memref<16x1000000xf32, #tpu.memory_space<hbm>> -> memref<16x128xf32, #tpu.memory_space<hbm>>
      %dma_wait3A_1281 = arith.constant 224 : i32
      %dma_wait3A_1282 = arith.constant 0 : i32
      %dma_wait3A_1283 = tpu.memref_slice %arg11[%dma_wait3A_1273, %dma_wait3A_1281, %dma_wait3A_1282] : memref<2x256x128xf32, #tpu.memory_space<vmem>> -> memref<1x16x128xf32, #tpu.memory_space<vmem>>
      %dma_wait3A_1284 = tpu.memref_squeeze %dma_wait3A_1283 : memref<1x16x128xf32, #tpu.memory_space<vmem>> -> memref<16x128xf32, #tpu.memory_space<vmem>>
      %dma_wait3A_1285 = arith.constant 0 : i32
      %dma_wait3A_1286 = arith.constant 0 : i32
      %dma_wait3A_1287 = tpu.memref_slice %arg4[%dma_wait3A_1285, %dma_wait3A_1286] : memref<16x1000000xf32, #tpu.memory_space<hbm>> -> memref<16x128xf32, #tpu.memory_space<hbm>>
      tpu.wait_dma2 semaphore(%arg17 : memref<!tpu.dma_semaphore, #tpu.memory_space<semaphore_mem>>) src(%dma_wait3A_1287 : memref<16x128xf32, #tpu.memory_space<hbm>>) dst(%dma_wait3A_1284 : memref<16x128xf32, #tpu.memory_space<vmem>>)
      %dma_wait3A_1288 = arith.constant 0 : i32
      %dma_wait3A_1289 = arith.constant 240 : i32
      %dma_wait3A_1290 = arith.constant 0 : i32
      %dma_wait3A_1291 = tpu.memref_slice %arg11[%dma_wait3A_1288, %dma_wait3A_1289, %dma_wait3A_1290] : memref<2x256x128xf32, #tpu.memory_space<vmem>> -> memref<1x16x128xf32, #tpu.memory_space<vmem>>
      %dma_wait3A_1292 = tpu.memref_squeeze %dma_wait3A_1291 : memref<1x16x128xf32, #tpu.memory_space<vmem>> -> memref<16x128xf32, #tpu.memory_space<vmem>>
      %dma_wait3A_1293 = arith.constant 0 : i32
      %dma_wait3A_1294 = arith.constant 0 : i32
      %dma_wait3A_1295 = tpu.memref_slice %arg4[%dma_wait3A_1293, %dma_wait3A_1294] : memref<16x1000000xf32, #tpu.memory_space<hbm>> -> memref<16x128xf32, #tpu.memory_space<hbm>>
      %dma_wait3A_1296 = arith.constant 240 : i32
      %dma_wait3A_1297 = arith.constant 0 : i32
      %dma_wait3A_1298 = tpu.memref_slice %arg11[%dma_wait3A_1288, %dma_wait3A_1296, %dma_wait3A_1297] : memref<2x256x128xf32, #tpu.memory_space<vmem>> -> memref<1x16x128xf32, #tpu.memory_space<vmem>>
      %dma_wait3A_1299 = tpu.memref_squeeze %dma_wait3A_1298 : memref<1x16x128xf32, #tpu.memory_space<vmem>> -> memref<16x128xf32, #tpu.memory_space<vmem>>
      %dma_wait3A_1300 = arith.constant 0 : i32
      %dma_wait3A_1301 = arith.constant 0 : i32
      %dma_wait3A_1302 = tpu.memref_slice %arg4[%dma_wait3A_1300, %dma_wait3A_1301] : memref<16x1000000xf32, #tpu.memory_space<hbm>> -> memref<16x128xf32, #tpu.memory_space<hbm>>
      tpu.wait_dma2 semaphore(%arg17 : memref<!tpu.dma_semaphore, #tpu.memory_space<semaphore_mem>>) src(%dma_wait3A_1302 : memref<16x128xf32, #tpu.memory_space<hbm>>) dst(%dma_wait3A_1299 : memref<16x128xf32, #tpu.memory_space<vmem>>)
      %mul3A_1303 = arith.constant 16 : i32
      %mul3A_1304 = arith.muli %mul3A_736, %mul3A_1303 : i32
      %multiple_of3A_1305 = tpu.assume_multiple %mul3A_1304, 16 : i32
      %get3A_1306 = arith.index_cast %multiple_of3A_1305 : i32 to index
      %get3A_1307 = tpu.vector_load %arg9[%get3A_1306] {strides = array<i32>} : memref<512xi32, #tpu.memory_space<vmem>>, vector<16xi32>,
      %and3A = arith.andi %get3A_1307, %broadcast_in_dim3A_3 : vector<16xi32>
      %broadcast_in_dim3A_1308 = arith.constant 0 : i32
      %broadcast_in_dim3A_1309 = vector.broadcast %broadcast_in_dim3A_1308 : i32 to vector<16xi32>
      %add3A_1310 = arith.constant 0 : i32
      %add3A_1311 = vector.broadcast %add3A_1310 : i32 to vector<16xi32>
      %add3A_1312 = arith.addi %iota3A, %add3A_1311 : vector<16xi32>
      %slice3A_1313 = vector.extract_strided_slice %and3A {offsets = [0], sizes = [1], strides = [1]} : vector<16xi32> to vector<1xi32>
      %squeeze3A_1314 = vector.extract %slice3A_1313[0] : i32 from vector<1xi32>
      %broadcast_in_dim3A_1315 = vector.broadcast %squeeze3A_1314 : i32 to vector<16xi32>
      %gather3A = tpu.vector_load_idx %arg11[%broadcast_in_dim3A_1309, %add3A_1312, %broadcast_in_dim3A_1315] : memref<2x256x128xf32, #tpu.memory_space<vmem>>[vector<16xi32>, vector<16xi32>, vector<16xi32>], vector<16xf32>,
      %add3A_1316 = arith.constant 0 : i32
      %add3A_1317 = arith.addi %multiple_of3A_1305, %add3A_1316 : i32
      %mul3A_1318 = arith.constant 16 : i32
      %mul3A_1319 = arith.muli %add3A_1317, %mul3A_1318 : i32
      %swap3A = arith.index_cast %mul3A_1319 : i32 to index
      %swap3A_1320 = tpu.vector_load %arg12[%swap3A] {strides = array<i32>} : memref<8192xf32, #tpu.memory_space<vmem>>, vector<16xf32>,
      tpu.vector_store %arg12[%swap3A], %gather3A {strides = array<i32>} : memref<8192xf32, #tpu.memory_space<vmem>>, vector<16xf32>,
      %add3A_1321 = arith.constant 16 : i32
      %add3A_1322 = vector.broadcast %add3A_1321 : i32 to vector<16xi32>
      %add3A_1323 = arith.addi %iota3A, %add3A_1322 : vector<16xi32>
      %slice3A_1324 = vector.extract_strided_slice %and3A {offsets = [1], sizes = [1], strides = [1]} : vector<16xi32> to vector<1xi32>
      %squeeze3A_1325 = vector.extract %slice3A_1324[0] : i32 from vector<1xi32>
      %broadcast_in_dim3A_1326 = vector.broadcast %squeeze3A_1325 : i32 to vector<16xi32>
      %gather3A_1327 = tpu.vector_load_idx %arg11[%broadcast_in_dim3A_1309, %add3A_1323, %broadcast_in_dim3A_1326] : memref<2x256x128xf32, #tpu.memory_space<vmem>>[vector<16xi32>, vector<16xi32>, vector<16xi32>], vector<16xf32>,
      %add3A_1328 = arith.constant 1 : i32
      %add3A_1329 = arith.addi %multiple_of3A_1305, %add3A_1328 : i32
      %mul3A_1330 = arith.constant 16 : i32
      %mul3A_1331 = arith.muli %add3A_1329, %mul3A_1330 : i32
      %swap3A_1332 = arith.index_cast %mul3A_1331 : i32 to index
      %swap3A_1333 = tpu.vector_load %arg12[%swap3A_1332] {strides = array<i32>} : memref<8192xf32, #tpu.memory_space<vmem>>, vector<16xf32>,
      tpu.vector_store %arg12[%swap3A_1332], %gather3A_1327 {strides = array<i32>} : memref<8192xf32, #tpu.memory_space<vmem>>, vector<16xf32>,
      %add3A_1334 = arith.constant 32 : i32
      %add3A_1335 = vector.broadcast %add3A_1334 : i32 to vector<16xi32>
      %add3A_1336 = arith.addi %iota3A, %add3A_1335 : vector<16xi32>
      %slice3A_1337 = vector.extract_strided_slice %and3A {offsets = [2], sizes = [1], strides = [1]} : vector<16xi32> to vector<1xi32>
      %squeeze3A_1338 = vector.extract %slice3A_1337[0] : i32 from vector<1xi32>
      %broadcast_in_dim3A_1339 = vector.broadcast %squeeze3A_1338 : i32 to vector<16xi32>
      %gather3A_1340 = tpu.vector_load_idx %arg11[%broadcast_in_dim3A_1309, %add3A_1336, %broadcast_in_dim3A_1339] : memref<2x256x128xf32, #tpu.memory_space<vmem>>[vector<16xi32>, vector<16xi32>, vector<16xi32>], vector<16xf32>,
      %add3A_1341 = arith.constant 2 : i32
      %add3A_1342 = arith.addi %multiple_of3A_1305, %add3A_1341 : i32
      %mul3A_1343 = arith.constant 16 : i32
      %mul3A_1344 = arith.muli %add3A_1342, %mul3A_1343 : i32
      %swap3A_1345 = arith.index_cast %mul3A_1344 : i32 to index
      %swap3A_1346 = tpu.vector_load %arg12[%swap3A_1345] {strides = array<i32>} : memref<8192xf32, #tpu.memory_space<vmem>>, vector<16xf32>,
      tpu.vector_store %arg12[%swap3A_1345], %gather3A_1340 {strides = array<i32>} : memref<8192xf32, #tpu.memory_space<vmem>>, vector<16xf32>,
      %add3A_1347 = arith.constant 48 : i32
      %add3A_1348 = vector.broadcast %add3A_1347 : i32 to vector<16xi32>
      %add3A_1349 = arith.addi %iota3A, %add3A_1348 : vector<16xi32>
      %slice3A_1350 = vector.extract_strided_slice %and3A {offsets = [3], sizes = [1], strides = [1]} : vector<16xi32> to vector<1xi32>
      %squeeze3A_1351 = vector.extract %slice3A_1350[0] : i32 from vector<1xi32>
      %broadcast_in_dim3A_1352 = vector.broadcast %squeeze3A_1351 : i32 to vector<16xi32>
      %gather3A_1353 = tpu.vector_load_idx %arg11[%broadcast_in_dim3A_1309, %add3A_1349, %broadcast_in_dim3A_1352] : memref<2x256x128xf32, #tpu.memory_space<vmem>>[vector<16xi32>, vector<16xi32>, vector<16xi32>], vector<16xf32>,
      %add3A_1354 = arith.constant 3 : i32
      %add3A_1355 = arith.addi %multiple_of3A_1305, %add3A_1354 : i32
      %mul3A_1356 = arith.constant 16 : i32
      %mul3A_1357 = arith.muli %add3A_1355, %mul3A_1356 : i32
      %swap3A_1358 = arith.index_cast %mul3A_1357 : i32 to index
      %swap3A_1359 = tpu.vector_load %arg12[%swap3A_1358] {strides = array<i32>} : memref<8192xf32, #tpu.memory_space<vmem>>, vector<16xf32>,
      tpu.vector_store %arg12[%swap3A_1358], %gather3A_1353 {strides = array<i32>} : memref<8192xf32, #tpu.memory_space<vmem>>, vector<16xf32>,
      %add3A_1360 = arith.constant 64 : i32
      %add3A_1361 = vector.broadcast %add3A_1360 : i32 to vector<16xi32>
      %add3A_1362 = arith.addi %iota3A, %add3A_1361 : vector<16xi32>
      %slice3A_1363 = vector.extract_strided_slice %and3A {offsets = [4], sizes = [1], strides = [1]} : vector<16xi32> to vector<1xi32>
      %squeeze3A_1364 = vector.extract %slice3A_1363[0] : i32 from vector<1xi32>
      %broadcast_in_dim3A_1365 = vector.broadcast %squeeze3A_1364 : i32 to vector<16xi32>
      %gather3A_1366 = tpu.vector_load_idx %arg11[%broadcast_in_dim3A_1309, %add3A_1362, %broadcast_in_dim3A_1365] : memref<2x256x128xf32, #tpu.memory_space<vmem>>[vector<16xi32>, vector<16xi32>, vector<16xi32>], vector<16xf32>,
      %add3A_1367 = arith.constant 4 : i32
      %add3A_1368 = arith.addi %multiple_of3A_1305, %add3A_1367 : i32
      %mul3A_1369 = arith.constant 16 : i32
      %mul3A_1370 = arith.muli %add3A_1368, %mul3A_1369 : i32
      %swap3A_1371 = arith.index_cast %mul3A_1370 : i32 to index
      %swap3A_1372 = tpu.vector_load %arg12[%swap3A_1371] {strides = array<i32>} : memref<8192xf32, #tpu.memory_space<vmem>>, vector<16xf32>,
      tpu.vector_store %arg12[%swap3A_1371], %gather3A_1366 {strides = array<i32>} : memref<8192xf32, #tpu.memory_space<vmem>>, vector<16xf32>,
      %add3A_1373 = arith.constant 80 : i32
      %add3A_1374 = vector.broadcast %add3A_1373 : i32 to vector<16xi32>
      %add3A_1375 = arith.addi %iota3A, %add3A_1374 : vector<16xi32>
      %slice3A_1376 = vector.extract_strided_slice %and3A {offsets = [5], sizes = [1], strides = [1]} : vector<16xi32> to vector<1xi32>
      %squeeze3A_1377 = vector.extract %slice3A_1376[0] : i32 from vector<1xi32>
      %broadcast_in_dim3A_1378 = vector.broadcast %squeeze3A_1377 : i32 to vector<16xi32>
      %gather3A_1379 = tpu.vector_load_idx %arg11[%broadcast_in_dim3A_1309, %add3A_1375, %broadcast_in_dim3A_1378] : memref<2x256x128xf32, #tpu.memory_space<vmem>>[vector<16xi32>, vector<16xi32>, vector<16xi32>], vector<16xf32>,
      %add3A_1380 = arith.constant 5 : i32
      %add3A_1381 = arith.addi %multiple_of3A_1305, %add3A_1380 : i32
      %mul3A_1382 = arith.constant 16 : i32
      %mul3A_1383 = arith.muli %add3A_1381, %mul3A_1382 : i32
      %swap3A_1384 = arith.index_cast %mul3A_1383 : i32 to index
      %swap3A_1385 = tpu.vector_load %arg12[%swap3A_1384] {strides = array<i32>} : memref<8192xf32, #tpu.memory_space<vmem>>, vector<16xf32>,
      tpu.vector_store %arg12[%swap3A_1384], %gather3A_1379 {strides = array<i32>} : memref<8192xf32, #tpu.memory_space<vmem>>, vector<16xf32>,
      %add3A_1386 = arith.constant 96 : i32
      %add3A_1387 = vector.broadcast %add3A_1386 : i32 to vector<16xi32>
      %add3A_1388 = arith.addi %iota3A, %add3A_1387 : vector<16xi32>
      %slice3A_1389 = vector.extract_strided_slice %and3A {offsets = [6], sizes = [1], strides = [1]} : vector<16xi32> to vector<1xi32>
      %squeeze3A_1390 = vector.extract %slice3A_1389[0] : i32 from vector<1xi32>
      %broadcast_in_dim3A_1391 = vector.broadcast %squeeze3A_1390 : i32 to vector<16xi32>
      %gather3A_1392 = tpu.vector_load_idx %arg11[%broadcast_in_dim3A_1309, %add3A_1388, %broadcast_in_dim3A_1391] : memref<2x256x128xf32, #tpu.memory_space<vmem>>[vector<16xi32>, vector<16xi32>, vector<16xi32>], vector<16xf32>,
      %add3A_1393 = arith.constant 6 : i32
      %add3A_1394 = arith.addi %multiple_of3A_1305, %add3A_1393 : i32
      %mul3A_1395 = arith.constant 16 : i32
      %mul3A_1396 = arith.muli %add3A_1394, %mul3A_1395 : i32
      %swap3A_1397 = arith.index_cast %mul3A_1396 : i32 to index
      %swap3A_1398 = tpu.vector_load %arg12[%swap3A_1397] {strides = array<i32>} : memref<8192xf32, #tpu.memory_space<vmem>>, vector<16xf32>,
      tpu.vector_store %arg12[%swap3A_1397], %gather3A_1392 {strides = array<i32>} : memref<8192xf32, #tpu.memory_space<vmem>>, vector<16xf32>,
      %add3A_1399 = arith.constant 112 : i32
      %add3A_1400 = vector.broadcast %add3A_1399 : i32 to vector<16xi32>
      %add3A_1401 = arith.addi %iota3A, %add3A_1400 : vector<16xi32>
      %slice3A_1402 = vector.extract_strided_slice %and3A {offsets = [7], sizes = [1], strides = [1]} : vector<16xi32> to vector<1xi32>
      %squeeze3A_1403 = vector.extract %slice3A_1402[0] : i32 from vector<1xi32>
      %broadcast_in_dim3A_1404 = vector.broadcast %squeeze3A_1403 : i32 to vector<16xi32>
      %gather3A_1405 = tpu.vector_load_idx %arg11[%broadcast_in_dim3A_1309, %add3A_1401, %broadcast_in_dim3A_1404] : memref<2x256x128xf32, #tpu.memory_space<vmem>>[vector<16xi32>, vector<16xi32>, vector<16xi32>], vector<16xf32>,
      %add3A_1406 = arith.constant 7 : i32
      %add3A_1407 = arith.addi %multiple_of3A_1305, %add3A_1406 : i32
      %mul3A_1408 = arith.constant 16 : i32
      %mul3A_1409 = arith.muli %add3A_1407, %mul3A_1408 : i32
      %swap3A_1410 = arith.index_cast %mul3A_1409 : i32 to index
      %swap3A_1411 = tpu.vector_load %arg12[%swap3A_1410] {strides = array<i32>} : memref<8192xf32, #tpu.memory_space<vmem>>, vector<16xf32>,
      tpu.vector_store %arg12[%swap3A_1410], %gather3A_1405 {strides = array<i32>} : memref<8192xf32, #tpu.memory_space<vmem>>, vector<16xf32>,
      %add3A_1412 = arith.constant 128 : i32
      %add3A_1413 = vector.broadcast %add3A_1412 : i32 to vector<16xi32>
      %add3A_1414 = arith.addi %iota3A, %add3A_1413 : vector<16xi32>
      %slice3A_1415 = vector.extract_strided_slice %and3A {offsets = [8], sizes = [1], strides = [1]} : vector<16xi32> to vector<1xi32>
      %squeeze3A_1416 = vector.extract %slice3A_1415[0] : i32 from vector<1xi32>
      %broadcast_in_dim3A_1417 = vector.broadcast %squeeze3A_1416 : i32 to vector<16xi32>
      %gather3A_1418 = tpu.vector_load_idx %arg11[%broadcast_in_dim3A_1309, %add3A_1414, %broadcast_in_dim3A_1417] : memref<2x256x128xf32, #tpu.memory_space<vmem>>[vector<16xi32>, vector<16xi32>, vector<16xi32>], vector<16xf32>,
      %add3A_1419 = arith.constant 8 : i32
      %add3A_1420 = arith.addi %multiple_of3A_1305, %add3A_1419 : i32
      %mul3A_1421 = arith.constant 16 : i32
      %mul3A_1422 = arith.muli %add3A_1420, %mul3A_1421 : i32
      %swap3A_1423 = arith.index_cast %mul3A_1422 : i32 to index
      %swap3A_1424 = tpu.vector_load %arg12[%swap3A_1423] {strides = array<i32>} : memref<8192xf32, #tpu.memory_space<vmem>>, vector<16xf32>,
      tpu.vector_store %arg12[%swap3A_1423], %gather3A_1418 {strides = array<i32>} : memref<8192xf32, #tpu.memory_space<vmem>>, vector<16xf32>,
      %add3A_1425 = arith.constant 144 : i32
      %add3A_1426 = vector.broadcast %add3A_1425 : i32 to vector<16xi32>
      %add3A_1427 = arith.addi %iota3A, %add3A_1426 : vector<16xi32>
      %slice3A_1428 = vector.extract_strided_slice %and3A {offsets = [9], sizes = [1], strides = [1]} : vector<16xi32> to vector<1xi32>
      %squeeze3A_1429 = vector.extract %slice3A_1428[0] : i32 from vector<1xi32>
      %broadcast_in_dim3A_1430 = vector.broadcast %squeeze3A_1429 : i32 to vector<16xi32>
      %gather3A_1431 = tpu.vector_load_idx %arg11[%broadcast_in_dim3A_1309, %add3A_1427, %broadcast_in_dim3A_1430] : memref<2x256x128xf32, #tpu.memory_space<vmem>>[vector<16xi32>, vector<16xi32>, vector<16xi32>], vector<16xf32>,
      %add3A_1432 = arith.constant 9 : i32
      %add3A_1433 = arith.addi %multiple_of3A_1305, %add3A_1432 : i32
      %mul3A_1434 = arith.constant 16 : i32
      %mul3A_1435 = arith.muli %add3A_1433, %mul3A_1434 : i32
      %swap3A_1436 = arith.index_cast %mul3A_1435 : i32 to index
      %swap3A_1437 = tpu.vector_load %arg12[%swap3A_1436] {strides = array<i32>} : memref<8192xf32, #tpu.memory_space<vmem>>, vector<16xf32>,
      tpu.vector_store %arg12[%swap3A_1436], %gather3A_1431 {strides = array<i32>} : memref<8192xf32, #tpu.memory_space<vmem>>, vector<16xf32>,
      %add3A_1438 = arith.constant 160 : i32
      %add3A_1439 = vector.broadcast %add3A_1438 : i32 to vector<16xi32>
      %add3A_1440 = arith.addi %iota3A, %add3A_1439 : vector<16xi32>
      %slice3A_1441 = vector.extract_strided_slice %and3A {offsets = [10], sizes = [1], strides = [1]} : vector<16xi32> to vector<1xi32>
      %squeeze3A_1442 = vector.extract %slice3A_1441[0] : i32 from vector<1xi32>
      %broadcast_in_dim3A_1443 = vector.broadcast %squeeze3A_1442 : i32 to vector<16xi32>
      %gather3A_1444 = tpu.vector_load_idx %arg11[%broadcast_in_dim3A_1309, %add3A_1440, %broadcast_in_dim3A_1443] : memref<2x256x128xf32, #tpu.memory_space<vmem>>[vector<16xi32>, vector<16xi32>, vector<16xi32>], vector<16xf32>,
      %add3A_1445 = arith.constant 10 : i32
      %add3A_1446 = arith.addi %multiple_of3A_1305, %add3A_1445 : i32
      %mul3A_1447 = arith.constant 16 : i32
      %mul3A_1448 = arith.muli %add3A_1446, %mul3A_1447 : i32
      %swap3A_1449 = arith.index_cast %mul3A_1448 : i32 to index
      %swap3A_1450 = tpu.vector_load %arg12[%swap3A_1449] {strides = array<i32>} : memref<8192xf32, #tpu.memory_space<vmem>>, vector<16xf32>,
      tpu.vector_store %arg12[%swap3A_1449], %gather3A_1444 {strides = array<i32>} : memref<8192xf32, #tpu.memory_space<vmem>>, vector<16xf32>,
      %add3A_1451 = arith.constant 176 : i32
      %add3A_1452 = vector.broadcast %add3A_1451 : i32 to vector<16xi32>
      %add3A_1453 = arith.addi %iota3A, %add3A_1452 : vector<16xi32>
      %slice3A_1454 = vector.extract_strided_slice %and3A {offsets = [11], sizes = [1], strides = [1]} : vector<16xi32> to vector<1xi32>
      %squeeze3A_1455 = vector.extract %slice3A_1454[0] : i32 from vector<1xi32>
      %broadcast_in_dim3A_1456 = vector.broadcast %squeeze3A_1455 : i32 to vector<16xi32>
      %gather3A_1457 = tpu.vector_load_idx %arg11[%broadcast_in_dim3A_1309, %add3A_1453, %broadcast_in_dim3A_1456] : memref<2x256x128xf32, #tpu.memory_space<vmem>>[vector<16xi32>, vector<16xi32>, vector<16xi32>], vector<16xf32>,
      %add3A_1458 = arith.constant 11 : i32
      %add3A_1459 = arith.addi %multiple_of3A_1305, %add3A_1458 : i32
      %mul3A_1460 = arith.constant 16 : i32
      %mul3A_1461 = arith.muli %add3A_1459, %mul3A_1460 : i32
      %swap3A_1462 = arith.index_cast %mul3A_1461 : i32 to index
      %swap3A_1463 = tpu.vector_load %arg12[%swap3A_1462] {strides = array<i32>} : memref<8192xf32, #tpu.memory_space<vmem>>, vector<16xf32>,
      tpu.vector_store %arg12[%swap3A_1462], %gather3A_1457 {strides = array<i32>} : memref<8192xf32, #tpu.memory_space<vmem>>, vector<16xf32>,
      %add3A_1464 = arith.constant 192 : i32
      %add3A_1465 = vector.broadcast %add3A_1464 : i32 to vector<16xi32>
      %add3A_1466 = arith.addi %iota3A, %add3A_1465 : vector<16xi32>
      %slice3A_1467 = vector.extract_strided_slice %and3A {offsets = [12], sizes = [1], strides = [1]} : vector<16xi32> to vector<1xi32>
      %squeeze3A_1468 = vector.extract %slice3A_1467[0] : i32 from vector<1xi32>
      %broadcast_in_dim3A_1469 = vector.broadcast %squeeze3A_1468 : i32 to vector<16xi32>
      %gather3A_1470 = tpu.vector_load_idx %arg11[%broadcast_in_dim3A_1309, %add3A_1466, %broadcast_in_dim3A_1469] : memref<2x256x128xf32, #tpu.memory_space<vmem>>[vector<16xi32>, vector<16xi32>, vector<16xi32>], vector<16xf32>,
      %add3A_1471 = arith.constant 12 : i32
      %add3A_1472 = arith.addi %multiple_of3A_1305, %add3A_1471 : i32
      %mul3A_1473 = arith.constant 16 : i32
      %mul3A_1474 = arith.muli %add3A_1472, %mul3A_1473 : i32
      %swap3A_1475 = arith.index_cast %mul3A_1474 : i32 to index
      %swap3A_1476 = tpu.vector_load %arg12[%swap3A_1475] {strides = array<i32>} : memref<8192xf32, #tpu.memory_space<vmem>>, vector<16xf32>,
      tpu.vector_store %arg12[%swap3A_1475], %gather3A_1470 {strides = array<i32>} : memref<8192xf32, #tpu.memory_space<vmem>>, vector<16xf32>,
      %add3A_1477 = arith.constant 208 : i32
      %add3A_1478 = vector.broadcast %add3A_1477 : i32 to vector<16xi32>
      %add3A_1479 = arith.addi %iota3A, %add3A_1478 : vector<16xi32>
      %slice3A_1480 = vector.extract_strided_slice %and3A {offsets = [13], sizes = [1], strides = [1]} : vector<16xi32> to vector<1xi32>
      %squeeze3A_1481 = vector.extract %slice3A_1480[0] : i32 from vector<1xi32>
      %broadcast_in_dim3A_1482 = vector.broadcast %squeeze3A_1481 : i32 to vector<16xi32>
      %gather3A_1483 = tpu.vector_load_idx %arg11[%broadcast_in_dim3A_1309, %add3A_1479, %broadcast_in_dim3A_1482] : memref<2x256x128xf32, #tpu.memory_space<vmem>>[vector<16xi32>, vector<16xi32>, vector<16xi32>], vector<16xf32>,
      %add3A_1484 = arith.constant 13 : i32
      %add3A_1485 = arith.addi %multiple_of3A_1305, %add3A_1484 : i32
      %mul3A_1486 = arith.constant 16 : i32
      %mul3A_1487 = arith.muli %add3A_1485, %mul3A_1486 : i32
      %swap3A_1488 = arith.index_cast %mul3A_1487 : i32 to index
      %swap3A_1489 = tpu.vector_load %arg12[%swap3A_1488] {strides = array<i32>} : memref<8192xf32, #tpu.memory_space<vmem>>, vector<16xf32>,
      tpu.vector_store %arg12[%swap3A_1488], %gather3A_1483 {strides = array<i32>} : memref<8192xf32, #tpu.memory_space<vmem>>, vector<16xf32>,
      %add3A_1490 = arith.constant 224 : i32
      %add3A_1491 = vector.broadcast %add3A_1490 : i32 to vector<16xi32>
      %add3A_1492 = arith.addi %iota3A, %add3A_1491 : vector<16xi32>
      %slice3A_1493 = vector.extract_strided_slice %and3A {offsets = [14], sizes = [1], strides = [1]} : vector<16xi32> to vector<1xi32>
      %squeeze3A_1494 = vector.extract %slice3A_1493[0] : i32 from vector<1xi32>
      %broadcast_in_dim3A_1495 = vector.broadcast %squeeze3A_1494 : i32 to vector<16xi32>
      %gather3A_1496 = tpu.vector_load_idx %arg11[%broadcast_in_dim3A_1309, %add3A_1492, %broadcast_in_dim3A_1495] : memref<2x256x128xf32, #tpu.memory_space<vmem>>[vector<16xi32>, vector<16xi32>, vector<16xi32>], vector<16xf32>,
      %add3A_1497 = arith.constant 14 : i32
      %add3A_1498 = arith.addi %multiple_of3A_1305, %add3A_1497 : i32
      %mul3A_1499 = arith.constant 16 : i32
      %mul3A_1500 = arith.muli %add3A_1498, %mul3A_1499 : i32
      %swap3A_1501 = arith.index_cast %mul3A_1500 : i32 to index
      %swap3A_1502 = tpu.vector_load %arg12[%swap3A_1501] {strides = array<i32>} : memref<8192xf32, #tpu.memory_space<vmem>>, vector<16xf32>,
      tpu.vector_store %arg12[%swap3A_1501], %gather3A_1496 {strides = array<i32>} : memref<8192xf32, #tpu.memory_space<vmem>>, vector<16xf32>,
      %add3A_1503 = arith.constant 240 : i32
      %add3A_1504 = vector.broadcast %add3A_1503 : i32 to vector<16xi32>
      %add3A_1505 = arith.addi %iota3A, %add3A_1504 : vector<16xi32>
      %slice3A_1506 = vector.extract_strided_slice %and3A {offsets = [15], sizes = [1], strides = [1]} : vector<16xi32> to vector<1xi32>
      %squeeze3A_1507 = vector.extract %slice3A_1506[0] : i32 from vector<1xi32>
      %broadcast_in_dim3A_1508 = vector.broadcast %squeeze3A_1507 : i32 to vector<16xi32>
      %gather3A_1509 = tpu.vector_load_idx %arg11[%broadcast_in_dim3A_1309, %add3A_1505, %broadcast_in_dim3A_1508] : memref<2x256x128xf32, #tpu.memory_space<vmem>>[vector<16xi32>, vector<16xi32>, vector<16xi32>], vector<16xf32>,
      %add3A_1510 = arith.constant 15 : i32
      %add3A_1511 = arith.addi %multiple_of3A_1305, %add3A_1510 : i32
      %mul3A_1512 = arith.constant 16 : i32
      %mul3A_1513 = arith.muli %add3A_1511, %mul3A_1512 : i32
      %swap3A_1514 = arith.index_cast %mul3A_1513 : i32 to index
      %swap3A_1515 = tpu.vector_load %arg12[%swap3A_1514] {strides = array<i32>} : memref<8192xf32, #tpu.memory_space<vmem>>, vector<16xf32>,
      tpu.vector_store %arg12[%swap3A_1514], %gather3A_1509 {strides = array<i32>} : memref<8192xf32, #tpu.memory_space<vmem>>, vector<16xf32>,
      %lt3A = arith.constant 15 : i32
      %lt3A_1516 = arith.cmpi slt, %scan3A_734, %lt3A : i32
      %convert_element_type3A = arith.extui %lt3A_1516 : i1 to i32
      %cond3A = arith.constant 0 : i32
      %cond3A_1517 = arith.cmpi ne, %convert_element_type3A, %cond3A : i32
      scf.if %cond3A_1517 {
        %add3A_1976 = arith.constant 2 : i32
        %add3A_1977 = arith.addi %mul3A_736, %add3A_1976 : i32
        %mul3A_1978 = arith.constant 16 : i32
        %mul3A_1979 = arith.muli %add3A_1977, %mul3A_1978 : i32
        %multiple_of3A_1980 = tpu.assume_multiple %mul3A_1979, 16 : i32
        %get3A_1981 = arith.index_cast %multiple_of3A_1980 : i32 to index
        %get3A_1982 = tpu.vector_load %arg9[%get3A_1981] {strides = array<i32>} : memref<512xi32, #tpu.memory_space<vmem>>, vector<16xi32>,
        %slice3A_1983 = vector.extract_strided_slice %get3A_1982 {offsets = [0], sizes = [1], strides = [1]} : vector<16xi32> to vector<1xi32>
        %squeeze3A_1984 = vector.extract %slice3A_1983[0] : i32 from vector<1xi32>
        %shift_right_logical3A_1985 = arith.constant 7 : i32
        %shift_right_logical3A_1986 = arith.shrui %squeeze3A_1984, %shift_right_logical3A_1985 : i32
        %shift_left3A_1987 = arith.constant 7 : i32
        %shift_left3A_1988 = arith.shli %shift_right_logical3A_1986, %shift_left3A_1987 : i32
        %multiple_of3A_1989 = tpu.assume_multiple %shift_left3A_1988, 128 : i32
        %dma_start3A_1990 = arith.constant 0 : i32
        %dma_start3A_1991 = arith.constant 0 : i32
        %dma_start3A_1992 = arith.constant 0 : i32
        %dma_start3A_1993 = tpu.memref_slice %arg11[%dma_start3A_1990, %dma_start3A_1991, %dma_start3A_1992] : memref<2x256x128xf32, #tpu.memory_space<vmem>> -> memref<1x16x128xf32, #tpu.memory_space<vmem>>
        %dma_start3A_1994 = tpu.memref_squeeze %dma_start3A_1993 : memref<1x16x128xf32, #tpu.memory_space<vmem>> -> memref<16x128xf32, #tpu.memory_space<vmem>>
        %dma_start3A_1995 = arith.constant 0 : i32
        %dma_start3A_1996 = tpu.memref_slice %arg4[%dma_start3A_1995, %multiple_of3A_1989] : memref<16x1000000xf32, #tpu.memory_space<hbm>> -> memref<16x128xf32, #tpu.memory_space<hbm>>
        %dma_start3A_1997 = arith.constant 0 : i32
        %dma_start3A_1998 = arith.constant 0 : i32
        %dma_start3A_1999 = tpu.memref_slice %arg11[%dma_start3A_1990, %dma_start3A_1997, %dma_start3A_1998] : memref<2x256x128xf32, #tpu.memory_space<vmem>> -> memref<1x16x128xf32, #tpu.memory_space<vmem>>
        %dma_start3A_2000 = tpu.memref_squeeze %dma_start3A_1999 : memref<1x16x128xf32, #tpu.memory_space<vmem>> -> memref<16x128xf32, #tpu.memory_space<vmem>>
        %dma_start3A_2001 = arith.constant 0 : i32
        %dma_start3A_2002 = tpu.memref_slice %arg4[%dma_start3A_2001, %multiple_of3A_1989] : memref<16x1000000xf32, #tpu.memory_space<hbm>> -> memref<16x128xf32, #tpu.memory_space<hbm>>
        tpu.enqueue_dma source(%dma_start3A_2002 : memref<16x128xf32, #tpu.memory_space<hbm>>) target(%dma_start3A_2000 : memref<16x128xf32, #tpu.memory_space<vmem>>) target_semaphore(%arg17 : memref<!tpu.dma_semaphore, #tpu.memory_space<semaphore_mem>>)
        %slice3A_2003 = vector.extract_strided_slice %get3A_1982 {offsets = [1], sizes = [1], strides = [1]} : vector<16xi32> to vector<1xi32>
        %squeeze3A_2004 = vector.extract %slice3A_2003[0] : i32 from vector<1xi32>
        %shift_right_logical3A_2005 = arith.constant 7 : i32
        %shift_right_logical3A_2006 = arith.shrui %squeeze3A_2004, %shift_right_logical3A_2005 : i32
        %shift_left3A_2007 = arith.constant 7 : i32
        %shift_left3A_2008 = arith.shli %shift_right_logical3A_2006, %shift_left3A_2007 : i32
        %multiple_of3A_2009 = tpu.assume_multiple %shift_left3A_2008, 128 : i32
        %dma_start3A_2010 = arith.constant 0 : i32
        %dma_start3A_2011 = arith.constant 16 : i32
        %dma_start3A_2012 = arith.constant 0 : i32
        %dma_start3A_2013 = tpu.memref_slice %arg11[%dma_start3A_2010, %dma_start3A_2011, %dma_start3A_2012] : memref<2x256x128xf32, #tpu.memory_space<vmem>> -> memref<1x16x128xf32, #tpu.memory_space<vmem>>
        %dma_start3A_2014 = tpu.memref_squeeze %dma_start3A_2013 : memref<1x16x128xf32, #tpu.memory_space<vmem>> -> memref<16x128xf32, #tpu.memory_space<vmem>>
        %dma_start3A_2015 = arith.constant 0 : i32
        %dma_start3A_2016 = tpu.memref_slice %arg4[%dma_start3A_2015, %multiple_of3A_2009] : memref<16x1000000xf32, #tpu.memory_space<hbm>> -> memref<16x128xf32, #tpu.memory_space<hbm>>
        %dma_start3A_2017 = arith.constant 16 : i32
        %dma_start3A_2018 = arith.constant 0 : i32
        %dma_start3A_2019 = tpu.memref_slice %arg11[%dma_start3A_2010, %dma_start3A_2017, %dma_start3A_2018] : memref<2x256x128xf32, #tpu.memory_space<vmem>> -> memref<1x16x128xf32, #tpu.memory_space<vmem>>
        %dma_start3A_2020 = tpu.memref_squeeze %dma_start3A_2019 : memref<1x16x128xf32, #tpu.memory_space<vmem>> -> memref<16x128xf32, #tpu.memory_space<vmem>>
        %dma_start3A_2021 = arith.constant 0 : i32
        %dma_start3A_2022 = tpu.memref_slice %arg4[%dma_start3A_2021, %multiple_of3A_2009] : memref<16x1000000xf32, #tpu.memory_space<hbm>> -> memref<16x128xf32, #tpu.memory_space<hbm>>
        tpu.enqueue_dma source(%dma_start3A_2022 : memref<16x128xf32, #tpu.memory_space<hbm>>) target(%dma_start3A_2020 : memref<16x128xf32, #tpu.memory_space<vmem>>) target_semaphore(%arg17 : memref<!tpu.dma_semaphore, #tpu.memory_space<semaphore_mem>>)
        %slice3A_2023 = vector.extract_strided_slice %get3A_1982 {offsets = [2], sizes = [1], strides = [1]} : vector<16xi32> to vector<1xi32>
        %squeeze3A_2024 = vector.extract %slice3A_2023[0] : i32 from vector<1xi32>
        %shift_right_logical3A_2025 = arith.constant 7 : i32
        %shift_right_logical3A_2026 = arith.shrui %squeeze3A_2024, %shift_right_logical3A_2025 : i32
        %shift_left3A_2027 = arith.constant 7 : i32
        %shift_left3A_2028 = arith.shli %shift_right_logical3A_2026, %shift_left3A_2027 : i32
        %multiple_of3A_2029 = tpu.assume_multiple %shift_left3A_2028, 128 : i32
        %dma_start3A_2030 = arith.constant 0 : i32
        %dma_start3A_2031 = arith.constant 32 : i32
        %dma_start3A_2032 = arith.constant 0 : i32
        %dma_start3A_2033 = tpu.memref_slice %arg11[%dma_start3A_2030, %dma_start3A_2031, %dma_start3A_2032] : memref<2x256x128xf32, #tpu.memory_space<vmem>> -> memref<1x16x128xf32, #tpu.memory_space<vmem>>
        %dma_start3A_2034 = tpu.memref_squeeze %dma_start3A_2033 : memref<1x16x128xf32, #tpu.memory_space<vmem>> -> memref<16x128xf32, #tpu.memory_space<vmem>>
        %dma_start3A_2035 = arith.constant 0 : i32
        %dma_start3A_2036 = tpu.memref_slice %arg4[%dma_start3A_2035, %multiple_of3A_2029] : memref<16x1000000xf32, #tpu.memory_space<hbm>> -> memref<16x128xf32, #tpu.memory_space<hbm>>
        %dma_start3A_2037 = arith.constant 32 : i32
        %dma_start3A_2038 = arith.constant 0 : i32
        %dma_start3A_2039 = tpu.memref_slice %arg11[%dma_start3A_2030, %dma_start3A_2037, %dma_start3A_2038] : memref<2x256x128xf32, #tpu.memory_space<vmem>> -> memref<1x16x128xf32, #tpu.memory_space<vmem>>
        %dma_start3A_2040 = tpu.memref_squeeze %dma_start3A_2039 : memref<1x16x128xf32, #tpu.memory_space<vmem>> -> memref<16x128xf32, #tpu.memory_space<vmem>>
        %dma_start3A_2041 = arith.constant 0 : i32
        %dma_start3A_2042 = tpu.memref_slice %arg4[%dma_start3A_2041, %multiple_of3A_2029] : memref<16x1000000xf32, #tpu.memory_space<hbm>> -> memref<16x128xf32, #tpu.memory_space<hbm>>
        tpu.enqueue_dma source(%dma_start3A_2042 : memref<16x128xf32, #tpu.memory_space<hbm>>) target(%dma_start3A_2040 : memref<16x128xf32, #tpu.memory_space<vmem>>) target_semaphore(%arg17 : memref<!tpu.dma_semaphore, #tpu.memory_space<semaphore_mem>>)
        %slice3A_2043 = vector.extract_strided_slice %get3A_1982 {offsets = [3], sizes = [1], strides = [1]} : vector<16xi32> to vector<1xi32>
        %squeeze3A_2044 = vector.extract %slice3A_2043[0] : i32 from vector<1xi32>
        %shift_right_logical3A_2045 = arith.constant 7 : i32
        %shift_right_logical3A_2046 = arith.shrui %squeeze3A_2044, %shift_right_logical3A_2045 : i32
        %shift_left3A_2047 = arith.constant 7 : i32
        %shift_left3A_2048 = arith.shli %shift_right_logical3A_2046, %shift_left3A_2047 : i32
        %multiple_of3A_2049 = tpu.assume_multiple %shift_left3A_2048, 128 : i32
        %dma_start3A_2050 = arith.constant 0 : i32
        %dma_start3A_2051 = arith.constant 48 : i32
        %dma_start3A_2052 = arith.constant 0 : i32
        %dma_start3A_2053 = tpu.memref_slice %arg11[%dma_start3A_2050, %dma_start3A_2051, %dma_start3A_2052] : memref<2x256x128xf32, #tpu.memory_space<vmem>> -> memref<1x16x128xf32, #tpu.memory_space<vmem>>
        %dma_start3A_2054 = tpu.memref_squeeze %dma_start3A_2053 : memref<1x16x128xf32, #tpu.memory_space<vmem>> -> memref<16x128xf32, #tpu.memory_space<vmem>>
        %dma_start3A_2055 = arith.constant 0 : i32
        %dma_start3A_2056 = tpu.memref_slice %arg4[%dma_start3A_2055, %multiple_of3A_2049] : memref<16x1000000xf32, #tpu.memory_space<hbm>> -> memref<16x128xf32, #tpu.memory_space<hbm>>
        %dma_start3A_2057 = arith.constant 48 : i32
        %dma_start3A_2058 = arith.constant 0 : i32
        %dma_start3A_2059 = tpu.memref_slice %arg11[%dma_start3A_2050, %dma_start3A_2057, %dma_start3A_2058] : memref<2x256x128xf32, #tpu.memory_space<vmem>> -> memref<1x16x128xf32, #tpu.memory_space<vmem>>
        %dma_start3A_2060 = tpu.memref_squeeze %dma_start3A_2059 : memref<1x16x128xf32, #tpu.memory_space<vmem>> -> memref<16x128xf32, #tpu.memory_space<vmem>>
        %dma_start3A_2061 = arith.constant 0 : i32
        %dma_start3A_2062 = tpu.memref_slice %arg4[%dma_start3A_2061, %multiple_of3A_2049] : memref<16x1000000xf32, #tpu.memory_space<hbm>> -> memref<16x128xf32, #tpu.memory_space<hbm>>
        tpu.enqueue_dma source(%dma_start3A_2062 : memref<16x128xf32, #tpu.memory_space<hbm>>) target(%dma_start3A_2060 : memref<16x128xf32, #tpu.memory_space<vmem>>) target_semaphore(%arg17 : memref<!tpu.dma_semaphore, #tpu.memory_space<semaphore_mem>>)
        %slice3A_2063 = vector.extract_strided_slice %get3A_1982 {offsets = [4], sizes = [1], strides = [1]} : vector<16xi32> to vector<1xi32>
        %squeeze3A_2064 = vector.extract %slice3A_2063[0] : i32 from vector<1xi32>
        %shift_right_logical3A_2065 = arith.constant 7 : i32
        %shift_right_logical3A_2066 = arith.shrui %squeeze3A_2064, %shift_right_logical3A_2065 : i32
        %shift_left3A_2067 = arith.constant 7 : i32
        %shift_left3A_2068 = arith.shli %shift_right_logical3A_2066, %shift_left3A_2067 : i32
        %multiple_of3A_2069 = tpu.assume_multiple %shift_left3A_2068, 128 : i32
        %dma_start3A_2070 = arith.constant 0 : i32
        %dma_start3A_2071 = arith.constant 64 : i32
        %dma_start3A_2072 = arith.constant 0 : i32
        %dma_start3A_2073 = tpu.memref_slice %arg11[%dma_start3A_2070, %dma_start3A_2071, %dma_start3A_2072] : memref<2x256x128xf32, #tpu.memory_space<vmem>> -> memref<1x16x128xf32, #tpu.memory_space<vmem>>
        %dma_start3A_2074 = tpu.memref_squeeze %dma_start3A_2073 : memref<1x16x128xf32, #tpu.memory_space<vmem>> -> memref<16x128xf32, #tpu.memory_space<vmem>>
        %dma_start3A_2075 = arith.constant 0 : i32
        %dma_start3A_2076 = tpu.memref_slice %arg4[%dma_start3A_2075, %multiple_of3A_2069] : memref<16x1000000xf32, #tpu.memory_space<hbm>> -> memref<16x128xf32, #tpu.memory_space<hbm>>
        %dma_start3A_2077 = arith.constant 64 : i32
        %dma_start3A_2078 = arith.constant 0 : i32
        %dma_start3A_2079 = tpu.memref_slice %arg11[%dma_start3A_2070, %dma_start3A_2077, %dma_start3A_2078] : memref<2x256x128xf32, #tpu.memory_space<vmem>> -> memref<1x16x128xf32, #tpu.memory_space<vmem>>
        %dma_start3A_2080 = tpu.memref_squeeze %dma_start3A_2079 : memref<1x16x128xf32, #tpu.memory_space<vmem>> -> memref<16x128xf32, #tpu.memory_space<vmem>>
        %dma_start3A_2081 = arith.constant 0 : i32
        %dma_start3A_2082 = tpu.memref_slice %arg4[%dma_start3A_2081, %multiple_of3A_2069] : memref<16x1000000xf32, #tpu.memory_space<hbm>> -> memref<16x128xf32, #tpu.memory_space<hbm>>
        tpu.enqueue_dma source(%dma_start3A_2082 : memref<16x128xf32, #tpu.memory_space<hbm>>) target(%dma_start3A_2080 : memref<16x128xf32, #tpu.memory_space<vmem>>) target_semaphore(%arg17 : memref<!tpu.dma_semaphore, #tpu.memory_space<semaphore_mem>>)
        %slice3A_2083 = vector.extract_strided_slice %get3A_1982 {offsets = [5], sizes = [1], strides = [1]} : vector<16xi32> to vector<1xi32>
        %squeeze3A_2084 = vector.extract %slice3A_2083[0] : i32 from vector<1xi32>
        %shift_right_logical3A_2085 = arith.constant 7 : i32
        %shift_right_logical3A_2086 = arith.shrui %squeeze3A_2084, %shift_right_logical3A_2085 : i32
        %shift_left3A_2087 = arith.constant 7 : i32
        %shift_left3A_2088 = arith.shli %shift_right_logical3A_2086, %shift_left3A_2087 : i32
        %multiple_of3A_2089 = tpu.assume_multiple %shift_left3A_2088, 128 : i32
        %dma_start3A_2090 = arith.constant 0 : i32
        %dma_start3A_2091 = arith.constant 80 : i32
        %dma_start3A_2092 = arith.constant 0 : i32
        %dma_start3A_2093 = tpu.memref_slice %arg11[%dma_start3A_2090, %dma_start3A_2091, %dma_start3A_2092] : memref<2x256x128xf32, #tpu.memory_space<vmem>> -> memref<1x16x128xf32, #tpu.memory_space<vmem>>
        %dma_start3A_2094 = tpu.memref_squeeze %dma_start3A_2093 : memref<1x16x128xf32, #tpu.memory_space<vmem>> -> memref<16x128xf32, #tpu.memory_space<vmem>>
        %dma_start3A_2095 = arith.constant 0 : i32
        %dma_start3A_2096 = tpu.memref_slice %arg4[%dma_start3A_2095, %multiple_of3A_2089] : memref<16x1000000xf32, #tpu.memory_space<hbm>> -> memref<16x128xf32, #tpu.memory_space<hbm>>
        %dma_start3A_2097 = arith.constant 80 : i32
        %dma_start3A_2098 = arith.constant 0 : i32
        %dma_start3A_2099 = tpu.memref_slice %arg11[%dma_start3A_2090, %dma_start3A_2097, %dma_start3A_2098] : memref<2x256x128xf32, #tpu.memory_space<vmem>> -> memref<1x16x128xf32, #tpu.memory_space<vmem>>
        %dma_start3A_2100 = tpu.memref_squeeze %dma_start3A_2099 : memref<1x16x128xf32, #tpu.memory_space<vmem>> -> memref<16x128xf32, #tpu.memory_space<vmem>>
        %dma_start3A_2101 = arith.constant 0 : i32
        %dma_start3A_2102 = tpu.memref_slice %arg4[%dma_start3A_2101, %multiple_of3A_2089] : memref<16x1000000xf32, #tpu.memory_space<hbm>> -> memref<16x128xf32, #tpu.memory_space<hbm>>
        tpu.enqueue_dma source(%dma_start3A_2102 : memref<16x128xf32, #tpu.memory_space<hbm>>) target(%dma_start3A_2100 : memref<16x128xf32, #tpu.memory_space<vmem>>) target_semaphore(%arg17 : memref<!tpu.dma_semaphore, #tpu.memory_space<semaphore_mem>>)
        %slice3A_2103 = vector.extract_strided_slice %get3A_1982 {offsets = [6], sizes = [1], strides = [1]} : vector<16xi32> to vector<1xi32>
        %squeeze3A_2104 = vector.extract %slice3A_2103[0] : i32 from vector<1xi32>
        %shift_right_logical3A_2105 = arith.constant 7 : i32
        %shift_right_logical3A_2106 = arith.shrui %squeeze3A_2104, %shift_right_logical3A_2105 : i32
        %shift_left3A_2107 = arith.constant 7 : i32
        %shift_left3A_2108 = arith.shli %shift_right_logical3A_2106, %shift_left3A_2107 : i32
        %multiple_of3A_2109 = tpu.assume_multiple %shift_left3A_2108, 128 : i32
        %dma_start3A_2110 = arith.constant 0 : i32
        %dma_start3A_2111 = arith.constant 96 : i32
        %dma_start3A_2112 = arith.constant 0 : i32
        %dma_start3A_2113 = tpu.memref_slice %arg11[%dma_start3A_2110, %dma_start3A_2111, %dma_start3A_2112] : memref<2x256x128xf32, #tpu.memory_space<vmem>> -> memref<1x16x128xf32, #tpu.memory_space<vmem>>
        %dma_start3A_2114 = tpu.memref_squeeze %dma_start3A_2113 : memref<1x16x128xf32, #tpu.memory_space<vmem>> -> memref<16x128xf32, #tpu.memory_space<vmem>>
        %dma_start3A_2115 = arith.constant 0 : i32
        %dma_start3A_2116 = tpu.memref_slice %arg4[%dma_start3A_2115, %multiple_of3A_2109] : memref<16x1000000xf32, #tpu.memory_space<hbm>> -> memref<16x128xf32, #tpu.memory_space<hbm>>
        %dma_start3A_2117 = arith.constant 96 : i32
        %dma_start3A_2118 = arith.constant 0 : i32
        %dma_start3A_2119 = tpu.memref_slice %arg11[%dma_start3A_2110, %dma_start3A_2117, %dma_start3A_2118] : memref<2x256x128xf32, #tpu.memory_space<vmem>> -> memref<1x16x128xf32, #tpu.memory_space<vmem>>
        %dma_start3A_2120 = tpu.memref_squeeze %dma_start3A_2119 : memref<1x16x128xf32, #tpu.memory_space<vmem>> -> memref<16x128xf32, #tpu.memory_space<vmem>>
        %dma_start3A_2121 = arith.constant 0 : i32
        %dma_start3A_2122 = tpu.memref_slice %arg4[%dma_start3A_2121, %multiple_of3A_2109] : memref<16x1000000xf32, #tpu.memory_space<hbm>> -> memref<16x128xf32, #tpu.memory_space<hbm>>
        tpu.enqueue_dma source(%dma_start3A_2122 : memref<16x128xf32, #tpu.memory_space<hbm>>) target(%dma_start3A_2120 : memref<16x128xf32, #tpu.memory_space<vmem>>) target_semaphore(%arg17 : memref<!tpu.dma_semaphore, #tpu.memory_space<semaphore_mem>>)
        %slice3A_2123 = vector.extract_strided_slice %get3A_1982 {offsets = [7], sizes = [1], strides = [1]} : vector<16xi32> to vector<1xi32>
        %squeeze3A_2124 = vector.extract %slice3A_2123[0] : i32 from vector<1xi32>
        %shift_right_logical3A_2125 = arith.constant 7 : i32
        %shift_right_logical3A_2126 = arith.shrui %squeeze3A_2124, %shift_right_logical3A_2125 : i32
        %shift_left3A_2127 = arith.constant 7 : i32
        %shift_left3A_2128 = arith.shli %shift_right_logical3A_2126, %shift_left3A_2127 : i32
        %multiple_of3A_2129 = tpu.assume_multiple %shift_left3A_2128, 128 : i32
        %dma_start3A_2130 = arith.constant 0 : i32
        %dma_start3A_2131 = arith.constant 112 : i32
        %dma_start3A_2132 = arith.constant 0 : i32
        %dma_start3A_2133 = tpu.memref_slice %arg11[%dma_start3A_2130, %dma_start3A_2131, %dma_start3A_2132] : memref<2x256x128xf32, #tpu.memory_space<vmem>> -> memref<1x16x128xf32, #tpu.memory_space<vmem>>
        %dma_start3A_2134 = tpu.memref_squeeze %dma_start3A_2133 : memref<1x16x128xf32, #tpu.memory_space<vmem>> -> memref<16x128xf32, #tpu.memory_space<vmem>>
        %dma_start3A_2135 = arith.constant 0 : i32
        %dma_start3A_2136 = tpu.memref_slice %arg4[%dma_start3A_2135, %multiple_of3A_2129] : memref<16x1000000xf32, #tpu.memory_space<hbm>> -> memref<16x128xf32, #tpu.memory_space<hbm>>
        %dma_start3A_2137 = arith.constant 112 : i32
        %dma_start3A_2138 = arith.constant 0 : i32
        %dma_start3A_2139 = tpu.memref_slice %arg11[%dma_start3A_2130, %dma_start3A_2137, %dma_start3A_2138] : memref<2x256x128xf32, #tpu.memory_space<vmem>> -> memref<1x16x128xf32, #tpu.memory_space<vmem>>
        %dma_start3A_2140 = tpu.memref_squeeze %dma_start3A_2139 : memref<1x16x128xf32, #tpu.memory_space<vmem>> -> memref<16x128xf32, #tpu.memory_space<vmem>>
        %dma_start3A_2141 = arith.constant 0 : i32
        %dma_start3A_2142 = tpu.memref_slice %arg4[%dma_start3A_2141, %multiple_of3A_2129] : memref<16x1000000xf32, #tpu.memory_space<hbm>> -> memref<16x128xf32, #tpu.memory_space<hbm>>
        tpu.enqueue_dma source(%dma_start3A_2142 : memref<16x128xf32, #tpu.memory_space<hbm>>) target(%dma_start3A_2140 : memref<16x128xf32, #tpu.memory_space<vmem>>) target_semaphore(%arg17 : memref<!tpu.dma_semaphore, #tpu.memory_space<semaphore_mem>>)
        %slice3A_2143 = vector.extract_strided_slice %get3A_1982 {offsets = [8], sizes = [1], strides = [1]} : vector<16xi32> to vector<1xi32>
        %squeeze3A_2144 = vector.extract %slice3A_2143[0] : i32 from vector<1xi32>
        %shift_right_logical3A_2145 = arith.constant 7 : i32
        %shift_right_logical3A_2146 = arith.shrui %squeeze3A_2144, %shift_right_logical3A_2145 : i32
        %shift_left3A_2147 = arith.constant 7 : i32
        %shift_left3A_2148 = arith.shli %shift_right_logical3A_2146, %shift_left3A_2147 : i32
        %multiple_of3A_2149 = tpu.assume_multiple %shift_left3A_2148, 128 : i32
        %dma_start3A_2150 = arith.constant 0 : i32
        %dma_start3A_2151 = arith.constant 128 : i32
        %dma_start3A_2152 = arith.constant 0 : i32
        %dma_start3A_2153 = tpu.memref_slice %arg11[%dma_start3A_2150, %dma_start3A_2151, %dma_start3A_2152] : memref<2x256x128xf32, #tpu.memory_space<vmem>> -> memref<1x16x128xf32, #tpu.memory_space<vmem>>
        %dma_start3A_2154 = tpu.memref_squeeze %dma_start3A_2153 : memref<1x16x128xf32, #tpu.memory_space<vmem>> -> memref<16x128xf32, #tpu.memory_space<vmem>>
        %dma_start3A_2155 = arith.constant 0 : i32
        %dma_start3A_2156 = tpu.memref_slice %arg4[%dma_start3A_2155, %multiple_of3A_2149] : memref<16x1000000xf32, #tpu.memory_space<hbm>> -> memref<16x128xf32, #tpu.memory_space<hbm>>
        %dma_start3A_2157 = arith.constant 128 : i32
        %dma_start3A_2158 = arith.constant 0 : i32
        %dma_start3A_2159 = tpu.memref_slice %arg11[%dma_start3A_2150, %dma_start3A_2157, %dma_start3A_2158] : memref<2x256x128xf32, #tpu.memory_space<vmem>> -> memref<1x16x128xf32, #tpu.memory_space<vmem>>
        %dma_start3A_2160 = tpu.memref_squeeze %dma_start3A_2159 : memref<1x16x128xf32, #tpu.memory_space<vmem>> -> memref<16x128xf32, #tpu.memory_space<vmem>>
        %dma_start3A_2161 = arith.constant 0 : i32
        %dma_start3A_2162 = tpu.memref_slice %arg4[%dma_start3A_2161, %multiple_of3A_2149] : memref<16x1000000xf32, #tpu.memory_space<hbm>> -> memref<16x128xf32, #tpu.memory_space<hbm>>
        tpu.enqueue_dma source(%dma_start3A_2162 : memref<16x128xf32, #tpu.memory_space<hbm>>) target(%dma_start3A_2160 : memref<16x128xf32, #tpu.memory_space<vmem>>) target_semaphore(%arg17 : memref<!tpu.dma_semaphore, #tpu.memory_space<semaphore_mem>>)
        %slice3A_2163 = vector.extract_strided_slice %get3A_1982 {offsets = [9], sizes = [1], strides = [1]} : vector<16xi32> to vector<1xi32>
        %squeeze3A_2164 = vector.extract %slice3A_2163[0] : i32 from vector<1xi32>
        %shift_right_logical3A_2165 = arith.constant 7 : i32
        %shift_right_logical3A_2166 = arith.shrui %squeeze3A_2164, %shift_right_logical3A_2165 : i32
        %shift_left3A_2167 = arith.constant 7 : i32
        %shift_left3A_2168 = arith.shli %shift_right_logical3A_2166, %shift_left3A_2167 : i32
        %multiple_of3A_2169 = tpu.assume_multiple %shift_left3A_2168, 128 : i32
        %dma_start3A_2170 = arith.constant 0 : i32
        %dma_start3A_2171 = arith.constant 144 : i32
        %dma_start3A_2172 = arith.constant 0 : i32
        %dma_start3A_2173 = tpu.memref_slice %arg11[%dma_start3A_2170, %dma_start3A_2171, %dma_start3A_2172] : memref<2x256x128xf32, #tpu.memory_space<vmem>> -> memref<1x16x128xf32, #tpu.memory_space<vmem>>
        %dma_start3A_2174 = tpu.memref_squeeze %dma_start3A_2173 : memref<1x16x128xf32, #tpu.memory_space<vmem>> -> memref<16x128xf32, #tpu.memory_space<vmem>>
        %dma_start3A_2175 = arith.constant 0 : i32
        %dma_start3A_2176 = tpu.memref_slice %arg4[%dma_start3A_2175, %multiple_of3A_2169] : memref<16x1000000xf32, #tpu.memory_space<hbm>> -> memref<16x128xf32, #tpu.memory_space<hbm>>
        %dma_start3A_2177 = arith.constant 144 : i32
        %dma_start3A_2178 = arith.constant 0 : i32
        %dma_start3A_2179 = tpu.memref_slice %arg11[%dma_start3A_2170, %dma_start3A_2177, %dma_start3A_2178] : memref<2x256x128xf32, #tpu.memory_space<vmem>> -> memref<1x16x128xf32, #tpu.memory_space<vmem>>
        %dma_start3A_2180 = tpu.memref_squeeze %dma_start3A_2179 : memref<1x16x128xf32, #tpu.memory_space<vmem>> -> memref<16x128xf32, #tpu.memory_space<vmem>>
        %dma_start3A_2181 = arith.constant 0 : i32
        %dma_start3A_2182 = tpu.memref_slice %arg4[%dma_start3A_2181, %multiple_of3A_2169] : memref<16x1000000xf32, #tpu.memory_space<hbm>> -> memref<16x128xf32, #tpu.memory_space<hbm>>
        tpu.enqueue_dma source(%dma_start3A_2182 : memref<16x128xf32, #tpu.memory_space<hbm>>) target(%dma_start3A_2180 : memref<16x128xf32, #tpu.memory_space<vmem>>) target_semaphore(%arg17 : memref<!tpu.dma_semaphore, #tpu.memory_space<semaphore_mem>>)
        %slice3A_2183 = vector.extract_strided_slice %get3A_1982 {offsets = [10], sizes = [1], strides = [1]} : vector<16xi32> to vector<1xi32>
        %squeeze3A_2184 = vector.extract %slice3A_2183[0] : i32 from vector<1xi32>
        %shift_right_logical3A_2185 = arith.constant 7 : i32
        %shift_right_logical3A_2186 = arith.shrui %squeeze3A_2184, %shift_right_logical3A_2185 : i32
        %shift_left3A_2187 = arith.constant 7 : i32
        %shift_left3A_2188 = arith.shli %shift_right_logical3A_2186, %shift_left3A_2187 : i32
        %multiple_of3A_2189 = tpu.assume_multiple %shift_left3A_2188, 128 : i32
        %dma_start3A_2190 = arith.constant 0 : i32
        %dma_start3A_2191 = arith.constant 160 : i32
        %dma_start3A_2192 = arith.constant 0 : i32
        %dma_start3A_2193 = tpu.memref_slice %arg11[%dma_start3A_2190, %dma_start3A_2191, %dma_start3A_2192] : memref<2x256x128xf32, #tpu.memory_space<vmem>> -> memref<1x16x128xf32, #tpu.memory_space<vmem>>
        %dma_start3A_2194 = tpu.memref_squeeze %dma_start3A_2193 : memref<1x16x128xf32, #tpu.memory_space<vmem>> -> memref<16x128xf32, #tpu.memory_space<vmem>>
        %dma_start3A_2195 = arith.constant 0 : i32
        %dma_start3A_2196 = tpu.memref_slice %arg4[%dma_start3A_2195, %multiple_of3A_2189] : memref<16x1000000xf32, #tpu.memory_space<hbm>> -> memref<16x128xf32, #tpu.memory_space<hbm>>
        %dma_start3A_2197 = arith.constant 160 : i32
        %dma_start3A_2198 = arith.constant 0 : i32
        %dma_start3A_2199 = tpu.memref_slice %arg11[%dma_start3A_2190, %dma_start3A_2197, %dma_start3A_2198] : memref<2x256x128xf32, #tpu.memory_space<vmem>> -> memref<1x16x128xf32, #tpu.memory_space<vmem>>
        %dma_start3A_2200 = tpu.memref_squeeze %dma_start3A_2199 : memref<1x16x128xf32, #tpu.memory_space<vmem>> -> memref<16x128xf32, #tpu.memory_space<vmem>>
        %dma_start3A_2201 = arith.constant 0 : i32
        %dma_start3A_2202 = tpu.memref_slice %arg4[%dma_start3A_2201, %multiple_of3A_2189] : memref<16x1000000xf32, #tpu.memory_space<hbm>> -> memref<16x128xf32, #tpu.memory_space<hbm>>
        tpu.enqueue_dma source(%dma_start3A_2202 : memref<16x128xf32, #tpu.memory_space<hbm>>) target(%dma_start3A_2200 : memref<16x128xf32, #tpu.memory_space<vmem>>) target_semaphore(%arg17 : memref<!tpu.dma_semaphore, #tpu.memory_space<semaphore_mem>>)
        %slice3A_2203 = vector.extract_strided_slice %get3A_1982 {offsets = [11], sizes = [1], strides = [1]} : vector<16xi32> to vector<1xi32>
        %squeeze3A_2204 = vector.extract %slice3A_2203[0] : i32 from vector<1xi32>
        %shift_right_logical3A_2205 = arith.constant 7 : i32
        %shift_right_logical3A_2206 = arith.shrui %squeeze3A_2204, %shift_right_logical3A_2205 : i32
        %shift_left3A_2207 = arith.constant 7 : i32
        %shift_left3A_2208 = arith.shli %shift_right_logical3A_2206, %shift_left3A_2207 : i32
        %multiple_of3A_2209 = tpu.assume_multiple %shift_left3A_2208, 128 : i32
        %dma_start3A_2210 = arith.constant 0 : i32
        %dma_start3A_2211 = arith.constant 176 : i32
        %dma_start3A_2212 = arith.constant 0 : i32
        %dma_start3A_2213 = tpu.memref_slice %arg11[%dma_start3A_2210, %dma_start3A_2211, %dma_start3A_2212] : memref<2x256x128xf32, #tpu.memory_space<vmem>> -> memref<1x16x128xf32, #tpu.memory_space<vmem>>
        %dma_start3A_2214 = tpu.memref_squeeze %dma_start3A_2213 : memref<1x16x128xf32, #tpu.memory_space<vmem>> -> memref<16x128xf32, #tpu.memory_space<vmem>>
        %dma_start3A_2215 = arith.constant 0 : i32
        %dma_start3A_2216 = tpu.memref_slice %arg4[%dma_start3A_2215, %multiple_of3A_2209] : memref<16x1000000xf32, #tpu.memory_space<hbm>> -> memref<16x128xf32, #tpu.memory_space<hbm>>
        %dma_start3A_2217 = arith.constant 176 : i32
        %dma_start3A_2218 = arith.constant 0 : i32
        %dma_start3A_2219 = tpu.memref_slice %arg11[%dma_start3A_2210, %dma_start3A_2217, %dma_start3A_2218] : memref<2x256x128xf32, #tpu.memory_space<vmem>> -> memref<1x16x128xf32, #tpu.memory_space<vmem>>
        %dma_start3A_2220 = tpu.memref_squeeze %dma_start3A_2219 : memref<1x16x128xf32, #tpu.memory_space<vmem>> -> memref<16x128xf32, #tpu.memory_space<vmem>>
        %dma_start3A_2221 = arith.constant 0 : i32
        %dma_start3A_2222 = tpu.memref_slice %arg4[%dma_start3A_2221, %multiple_of3A_2209] : memref<16x1000000xf32, #tpu.memory_space<hbm>> -> memref<16x128xf32, #tpu.memory_space<hbm>>
        tpu.enqueue_dma source(%dma_start3A_2222 : memref<16x128xf32, #tpu.memory_space<hbm>>) target(%dma_start3A_2220 : memref<16x128xf32, #tpu.memory_space<vmem>>) target_semaphore(%arg17 : memref<!tpu.dma_semaphore, #tpu.memory_space<semaphore_mem>>)
        %slice3A_2223 = vector.extract_strided_slice %get3A_1982 {offsets = [12], sizes = [1], strides = [1]} : vector<16xi32> to vector<1xi32>
        %squeeze3A_2224 = vector.extract %slice3A_2223[0] : i32 from vector<1xi32>
        %shift_right_logical3A_2225 = arith.constant 7 : i32
        %shift_right_logical3A_2226 = arith.shrui %squeeze3A_2224, %shift_right_logical3A_2225 : i32
        %shift_left3A_2227 = arith.constant 7 : i32
        %shift_left3A_2228 = arith.shli %shift_right_logical3A_2226, %shift_left3A_2227 : i32
        %multiple_of3A_2229 = tpu.assume_multiple %shift_left3A_2228, 128 : i32
        %dma_start3A_2230 = arith.constant 0 : i32
        %dma_start3A_2231 = arith.constant 192 : i32
        %dma_start3A_2232 = arith.constant 0 : i32
        %dma_start3A_2233 = tpu.memref_slice %arg11[%dma_start3A_2230, %dma_start3A_2231, %dma_start3A_2232] : memref<2x256x128xf32, #tpu.memory_space<vmem>> -> memref<1x16x128xf32, #tpu.memory_space<vmem>>
        %dma_start3A_2234 = tpu.memref_squeeze %dma_start3A_2233 : memref<1x16x128xf32, #tpu.memory_space<vmem>> -> memref<16x128xf32, #tpu.memory_space<vmem>>
        %dma_start3A_2235 = arith.constant 0 : i32
        %dma_start3A_2236 = tpu.memref_slice %arg4[%dma_start3A_2235, %multiple_of3A_2229] : memref<16x1000000xf32, #tpu.memory_space<hbm>> -> memref<16x128xf32, #tpu.memory_space<hbm>>
        %dma_start3A_2237 = arith.constant 192 : i32
        %dma_start3A_2238 = arith.constant 0 : i32
        %dma_start3A_2239 = tpu.memref_slice %arg11[%dma_start3A_2230, %dma_start3A_2237, %dma_start3A_2238] : memref<2x256x128xf32, #tpu.memory_space<vmem>> -> memref<1x16x128xf32, #tpu.memory_space<vmem>>
        %dma_start3A_2240 = tpu.memref_squeeze %dma_start3A_2239 : memref<1x16x128xf32, #tpu.memory_space<vmem>> -> memref<16x128xf32, #tpu.memory_space<vmem>>
        %dma_start3A_2241 = arith.constant 0 : i32
        %dma_start3A_2242 = tpu.memref_slice %arg4[%dma_start3A_2241, %multiple_of3A_2229] : memref<16x1000000xf32, #tpu.memory_space<hbm>> -> memref<16x128xf32, #tpu.memory_space<hbm>>
        tpu.enqueue_dma source(%dma_start3A_2242 : memref<16x128xf32, #tpu.memory_space<hbm>>) target(%dma_start3A_2240 : memref<16x128xf32, #tpu.memory_space<vmem>>) target_semaphore(%arg17 : memref<!tpu.dma_semaphore, #tpu.memory_space<semaphore_mem>>)
        %slice3A_2243 = vector.extract_strided_slice %get3A_1982 {offsets = [13], sizes = [1], strides = [1]} : vector<16xi32> to vector<1xi32>
        %squeeze3A_2244 = vector.extract %slice3A_2243[0] : i32 from vector<1xi32>
        %shift_right_logical3A_2245 = arith.constant 7 : i32
        %shift_right_logical3A_2246 = arith.shrui %squeeze3A_2244, %shift_right_logical3A_2245 : i32
        %shift_left3A_2247 = arith.constant 7 : i32
        %shift_left3A_2248 = arith.shli %shift_right_logical3A_2246, %shift_left3A_2247 : i32
        %multiple_of3A_2249 = tpu.assume_multiple %shift_left3A_2248, 128 : i32
        %dma_start3A_2250 = arith.constant 0 : i32
        %dma_start3A_2251 = arith.constant 208 : i32
        %dma_start3A_2252 = arith.constant 0 : i32
        %dma_start3A_2253 = tpu.memref_slice %arg11[%dma_start3A_2250, %dma_start3A_2251, %dma_start3A_2252] : memref<2x256x128xf32, #tpu.memory_space<vmem>> -> memref<1x16x128xf32, #tpu.memory_space<vmem>>
        %dma_start3A_2254 = tpu.memref_squeeze %dma_start3A_2253 : memref<1x16x128xf32, #tpu.memory_space<vmem>> -> memref<16x128xf32, #tpu.memory_space<vmem>>
        %dma_start3A_2255 = arith.constant 0 : i32
        %dma_start3A_2256 = tpu.memref_slice %arg4[%dma_start3A_2255, %multiple_of3A_2249] : memref<16x1000000xf32, #tpu.memory_space<hbm>> -> memref<16x128xf32, #tpu.memory_space<hbm>>
        %dma_start3A_2257 = arith.constant 208 : i32
        %dma_start3A_2258 = arith.constant 0 : i32
        %dma_start3A_2259 = tpu.memref_slice %arg11[%dma_start3A_2250, %dma_start3A_2257, %dma_start3A_2258] : memref<2x256x128xf32, #tpu.memory_space<vmem>> -> memref<1x16x128xf32, #tpu.memory_space<vmem>>
        %dma_start3A_2260 = tpu.memref_squeeze %dma_start3A_2259 : memref<1x16x128xf32, #tpu.memory_space<vmem>> -> memref<16x128xf32, #tpu.memory_space<vmem>>
        %dma_start3A_2261 = arith.constant 0 : i32
        %dma_start3A_2262 = tpu.memref_slice %arg4[%dma_start3A_2261, %multiple_of3A_2249] : memref<16x1000000xf32, #tpu.memory_space<hbm>> -> memref<16x128xf32, #tpu.memory_space<hbm>>
        tpu.enqueue_dma source(%dma_start3A_2262 : memref<16x128xf32, #tpu.memory_space<hbm>>) target(%dma_start3A_2260 : memref<16x128xf32, #tpu.memory_space<vmem>>) target_semaphore(%arg17 : memref<!tpu.dma_semaphore, #tpu.memory_space<semaphore_mem>>)
        %slice3A_2263 = vector.extract_strided_slice %get3A_1982 {offsets = [14], sizes = [1], strides = [1]} : vector<16xi32> to vector<1xi32>
        %squeeze3A_2264 = vector.extract %slice3A_2263[0] : i32 from vector<1xi32>
        %shift_right_logical3A_2265 = arith.constant 7 : i32
        %shift_right_logical3A_2266 = arith.shrui %squeeze3A_2264, %shift_right_logical3A_2265 : i32
        %shift_left3A_2267 = arith.constant 7 : i32
        %shift_left3A_2268 = arith.shli %shift_right_logical3A_2266, %shift_left3A_2267 : i32
        %multiple_of3A_2269 = tpu.assume_multiple %shift_left3A_2268, 128 : i32
        %dma_start3A_2270 = arith.constant 0 : i32
        %dma_start3A_2271 = arith.constant 224 : i32
        %dma_start3A_2272 = arith.constant 0 : i32
        %dma_start3A_2273 = tpu.memref_slice %arg11[%dma_start3A_2270, %dma_start3A_2271, %dma_start3A_2272] : memref<2x256x128xf32, #tpu.memory_space<vmem>> -> memref<1x16x128xf32, #tpu.memory_space<vmem>>
        %dma_start3A_2274 = tpu.memref_squeeze %dma_start3A_2273 : memref<1x16x128xf32, #tpu.memory_space<vmem>> -> memref<16x128xf32, #tpu.memory_space<vmem>>
        %dma_start3A_2275 = arith.constant 0 : i32
        %dma_start3A_2276 = tpu.memref_slice %arg4[%dma_start3A_2275, %multiple_of3A_2269] : memref<16x1000000xf32, #tpu.memory_space<hbm>> -> memref<16x128xf32, #tpu.memory_space<hbm>>
        %dma_start3A_2277 = arith.constant 224 : i32
        %dma_start3A_2278 = arith.constant 0 : i32
        %dma_start3A_2279 = tpu.memref_slice %arg11[%dma_start3A_2270, %dma_start3A_2277, %dma_start3A_2278] : memref<2x256x128xf32, #tpu.memory_space<vmem>> -> memref<1x16x128xf32, #tpu.memory_space<vmem>>
        %dma_start3A_2280 = tpu.memref_squeeze %dma_start3A_2279 : memref<1x16x128xf32, #tpu.memory_space<vmem>> -> memref<16x128xf32, #tpu.memory_space<vmem>>
        %dma_start3A_2281 = arith.constant 0 : i32
        %dma_start3A_2282 = tpu.memref_slice %arg4[%dma_start3A_2281, %multiple_of3A_2269] : memref<16x1000000xf32, #tpu.memory_space<hbm>> -> memref<16x128xf32, #tpu.memory_space<hbm>>
        tpu.enqueue_dma source(%dma_start3A_2282 : memref<16x128xf32, #tpu.memory_space<hbm>>) target(%dma_start3A_2280 : memref<16x128xf32, #tpu.memory_space<vmem>>) target_semaphore(%arg17 : memref<!tpu.dma_semaphore, #tpu.memory_space<semaphore_mem>>)
        %slice3A_2283 = vector.extract_strided_slice %get3A_1982 {offsets = [15], sizes = [1], strides = [1]} : vector<16xi32> to vector<1xi32>
        %squeeze3A_2284 = vector.extract %slice3A_2283[0] : i32 from vector<1xi32>
        %shift_right_logical3A_2285 = arith.constant 7 : i32
        %shift_right_logical3A_2286 = arith.shrui %squeeze3A_2284, %shift_right_logical3A_2285 : i32
        %shift_left3A_2287 = arith.constant 7 : i32
        %shift_left3A_2288 = arith.shli %shift_right_logical3A_2286, %shift_left3A_2287 : i32
        %multiple_of3A_2289 = tpu.assume_multiple %shift_left3A_2288, 128 : i32
        %dma_start3A_2290 = arith.constant 0 : i32
        %dma_start3A_2291 = arith.constant 240 : i32
        %dma_start3A_2292 = arith.constant 0 : i32
        %dma_start3A_2293 = tpu.memref_slice %arg11[%dma_start3A_2290, %dma_start3A_2291, %dma_start3A_2292] : memref<2x256x128xf32, #tpu.memory_space<vmem>> -> memref<1x16x128xf32, #tpu.memory_space<vmem>>
        %dma_start3A_2294 = tpu.memref_squeeze %dma_start3A_2293 : memref<1x16x128xf32, #tpu.memory_space<vmem>> -> memref<16x128xf32, #tpu.memory_space<vmem>>
        %dma_start3A_2295 = arith.constant 0 : i32
        %dma_start3A_2296 = tpu.memref_slice %arg4[%dma_start3A_2295, %multiple_of3A_2289] : memref<16x1000000xf32, #tpu.memory_space<hbm>> -> memref<16x128xf32, #tpu.memory_space<hbm>>
        %dma_start3A_2297 = arith.constant 240 : i32
        %dma_start3A_2298 = arith.constant 0 : i32
        %dma_start3A_2299 = tpu.memref_slice %arg11[%dma_start3A_2290, %dma_start3A_2297, %dma_start3A_2298] : memref<2x256x128xf32, #tpu.memory_space<vmem>> -> memref<1x16x128xf32, #tpu.memory_space<vmem>>
        %dma_start3A_2300 = tpu.memref_squeeze %dma_start3A_2299 : memref<1x16x128xf32, #tpu.memory_space<vmem>> -> memref<16x128xf32, #tpu.memory_space<vmem>>
        %dma_start3A_2301 = arith.constant 0 : i32
        %dma_start3A_2302 = tpu.memref_slice %arg4[%dma_start3A_2301, %multiple_of3A_2289] : memref<16x1000000xf32, #tpu.memory_space<hbm>> -> memref<16x128xf32, #tpu.memory_space<hbm>>
        tpu.enqueue_dma source(%dma_start3A_2302 : memref<16x128xf32, #tpu.memory_space<hbm>>) target(%dma_start3A_2300 : memref<16x128xf32, #tpu.memory_space<vmem>>) target_semaphore(%arg17 : memref<!tpu.dma_semaphore, #tpu.memory_space<semaphore_mem>>)
      } else {
      }
      %dma_wait3A_1518 = arith.constant 1 : i32
      %dma_wait3A_1519 = arith.constant 0 : i32
      %dma_wait3A_1520 = arith.constant 0 : i32
      %dma_wait3A_1521 = tpu.memref_slice %arg11[%dma_wait3A_1518, %dma_wait3A_1519, %dma_wait3A_1520] : memref<2x256x128xf32, #tpu.memory_space<vmem>> -> memref<1x16x128xf32, #tpu.memory_space<vmem>>
      %dma_wait3A_1522 = tpu.memref_squeeze %dma_wait3A_1521 : memref<1x16x128xf32, #tpu.memory_space<vmem>> -> memref<16x128xf32, #tpu.memory_space<vmem>>
      %dma_wait3A_1523 = arith.constant 0 : i32
      %dma_wait3A_1524 = arith.constant 0 : i32
      %dma_wait3A_1525 = tpu.memref_slice %arg4[%dma_wait3A_1523, %dma_wait3A_1524] : memref<16x1000000xf32, #tpu.memory_space<hbm>> -> memref<16x128xf32, #tpu.memory_space<hbm>>
      %dma_wait3A_1526 = arith.constant 0 : i32
      %dma_wait3A_1527 = arith.constant 0 : i32
      %dma_wait3A_1528 = tpu.memref_slice %arg11[%dma_wait3A_1518, %dma_wait3A_1526, %dma_wait3A_1527] : memref<2x256x128xf32, #tpu.memory_space<vmem>> -> memref<1x16x128xf32, #tpu.memory_space<vmem>>
      %dma_wait3A_1529 = tpu.memref_squeeze %dma_wait3A_1528 : memref<1x16x128xf32, #tpu.memory_space<vmem>> -> memref<16x128xf32, #tpu.memory_space<vmem>>
      %dma_wait3A_1530 = arith.constant 0 : i32
      %dma_wait3A_1531 = arith.constant 0 : i32
      %dma_wait3A_1532 = tpu.memref_slice %arg4[%dma_wait3A_1530, %dma_wait3A_1531] : memref<16x1000000xf32, #tpu.memory_space<hbm>> -> memref<16x128xf32, #tpu.memory_space<hbm>>
      tpu.wait_dma2 semaphore(%arg18 : memref<!tpu.dma_semaphore, #tpu.memory_space<semaphore_mem>>) src(%dma_wait3A_1532 : memref<16x128xf32, #tpu.memory_space<hbm>>) dst(%dma_wait3A_1529 : memref<16x128xf32, #tpu.memory_space<vmem>>)
      %dma_wait3A_1533 = arith.constant 1 : i32
      %dma_wait3A_1534 = arith.constant 16 : i32
      %dma_wait3A_1535 = arith.constant 0 : i32
      %dma_wait3A_1536 = tpu.memref_slice %arg11[%dma_wait3A_1533, %dma_wait3A_1534, %dma_wait3A_1535] : memref<2x256x128xf32, #tpu.memory_space<vmem>> -> memref<1x16x128xf32, #tpu.memory_space<vmem>>
      %dma_wait3A_1537 = tpu.memref_squeeze %dma_wait3A_1536 : memref<1x16x128xf32, #tpu.memory_space<vmem>> -> memref<16x128xf32, #tpu.memory_space<vmem>>
      %dma_wait3A_1538 = arith.constant 0 : i32
      %dma_wait3A_1539 = arith.constant 0 : i32
      %dma_wait3A_1540 = tpu.memref_slice %arg4[%dma_wait3A_1538, %dma_wait3A_1539] : memref<16x1000000xf32, #tpu.memory_space<hbm>> -> memref<16x128xf32, #tpu.memory_space<hbm>>
      %dma_wait3A_1541 = arith.constant 16 : i32
      %dma_wait3A_1542 = arith.constant 0 : i32
      %dma_wait3A_1543 = tpu.memref_slice %arg11[%dma_wait3A_1533, %dma_wait3A_1541, %dma_wait3A_1542] : memref<2x256x128xf32, #tpu.memory_space<vmem>> -> memref<1x16x128xf32, #tpu.memory_space<vmem>>
      %dma_wait3A_1544 = tpu.memref_squeeze %dma_wait3A_1543 : memref<1x16x128xf32, #tpu.memory_space<vmem>> -> memref<16x128xf32, #tpu.memory_space<vmem>>
      %dma_wait3A_1545 = arith.constant 0 : i32
      %dma_wait3A_1546 = arith.constant 0 : i32
      %dma_wait3A_1547 = tpu.memref_slice %arg4[%dma_wait3A_1545, %dma_wait3A_1546] : memref<16x1000000xf32, #tpu.memory_space<hbm>> -> memref<16x128xf32, #tpu.memory_space<hbm>>
      tpu.wait_dma2 semaphore(%arg18 : memref<!tpu.dma_semaphore, #tpu.memory_space<semaphore_mem>>) src(%dma_wait3A_1547 : memref<16x128xf32, #tpu.memory_space<hbm>>) dst(%dma_wait3A_1544 : memref<16x128xf32, #tpu.memory_space<vmem>>)
      %dma_wait3A_1548 = arith.constant 1 : i32
      %dma_wait3A_1549 = arith.constant 32 : i32
      %dma_wait3A_1550 = arith.constant 0 : i32
      %dma_wait3A_1551 = tpu.memref_slice %arg11[%dma_wait3A_1548, %dma_wait3A_1549, %dma_wait3A_1550] : memref<2x256x128xf32, #tpu.memory_space<vmem>> -> memref<1x16x128xf32, #tpu.memory_space<vmem>>
      %dma_wait3A_1552 = tpu.memref_squeeze %dma_wait3A_1551 : memref<1x16x128xf32, #tpu.memory_space<vmem>> -> memref<16x128xf32, #tpu.memory_space<vmem>>
      %dma_wait3A_1553 = arith.constant 0 : i32
      %dma_wait3A_1554 = arith.constant 0 : i32
      %dma_wait3A_1555 = tpu.memref_slice %arg4[%dma_wait3A_1553, %dma_wait3A_1554] : memref<16x1000000xf32, #tpu.memory_space<hbm>> -> memref<16x128xf32, #tpu.memory_space<hbm>>
      %dma_wait3A_1556 = arith.constant 32 : i32
      %dma_wait3A_1557 = arith.constant 0 : i32
      %dma_wait3A_1558 = tpu.memref_slice %arg11[%dma_wait3A_1548, %dma_wait3A_1556, %dma_wait3A_1557] : memref<2x256x128xf32, #tpu.memory_space<vmem>> -> memref<1x16x128xf32, #tpu.memory_space<vmem>>
      %dma_wait3A_1559 = tpu.memref_squeeze %dma_wait3A_1558 : memref<1x16x128xf32, #tpu.memory_space<vmem>> -> memref<16x128xf32, #tpu.memory_space<vmem>>
      %dma_wait3A_1560 = arith.constant 0 : i32
      %dma_wait3A_1561 = arith.constant 0 : i32
      %dma_wait3A_1562 = tpu.memref_slice %arg4[%dma_wait3A_1560, %dma_wait3A_1561] : memref<16x1000000xf32, #tpu.memory_space<hbm>> -> memref<16x128xf32, #tpu.memory_space<hbm>>
      tpu.wait_dma2 semaphore(%arg18 : memref<!tpu.dma_semaphore, #tpu.memory_space<semaphore_mem>>) src(%dma_wait3A_1562 : memref<16x128xf32, #tpu.memory_space<hbm>>) dst(%dma_wait3A_1559 : memref<16x128xf32, #tpu.memory_space<vmem>>)
      %dma_wait3A_1563 = arith.constant 1 : i32
      %dma_wait3A_1564 = arith.constant 48 : i32
      %dma_wait3A_1565 = arith.constant 0 : i32
      %dma_wait3A_1566 = tpu.memref_slice %arg11[%dma_wait3A_1563, %dma_wait3A_1564, %dma_wait3A_1565] : memref<2x256x128xf32, #tpu.memory_space<vmem>> -> memref<1x16x128xf32, #tpu.memory_space<vmem>>
      %dma_wait3A_1567 = tpu.memref_squeeze %dma_wait3A_1566 : memref<1x16x128xf32, #tpu.memory_space<vmem>> -> memref<16x128xf32, #tpu.memory_space<vmem>>
      %dma_wait3A_1568 = arith.constant 0 : i32
      %dma_wait3A_1569 = arith.constant 0 : i32
      %dma_wait3A_1570 = tpu.memref_slice %arg4[%dma_wait3A_1568, %dma_wait3A_1569] : memref<16x1000000xf32, #tpu.memory_space<hbm>> -> memref<16x128xf32, #tpu.memory_space<hbm>>
      %dma_wait3A_1571 = arith.constant 48 : i32
      %dma_wait3A_1572 = arith.constant 0 : i32
      %dma_wait3A_1573 = tpu.memref_slice %arg11[%dma_wait3A_1563, %dma_wait3A_1571, %dma_wait3A_1572] : memref<2x256x128xf32, #tpu.memory_space<vmem>> -> memref<1x16x128xf32, #tpu.memory_space<vmem>>
      %dma_wait3A_1574 = tpu.memref_squeeze %dma_wait3A_1573 : memref<1x16x128xf32, #tpu.memory_space<vmem>> -> memref<16x128xf32, #tpu.memory_space<vmem>>
      %dma_wait3A_1575 = arith.constant 0 : i32
      %dma_wait3A_1576 = arith.constant 0 : i32
      %dma_wait3A_1577 = tpu.memref_slice %arg4[%dma_wait3A_1575, %dma_wait3A_1576] : memref<16x1000000xf32, #tpu.memory_space<hbm>> -> memref<16x128xf32, #tpu.memory_space<hbm>>
      tpu.wait_dma2 semaphore(%arg18 : memref<!tpu.dma_semaphore, #tpu.memory_space<semaphore_mem>>) src(%dma_wait3A_1577 : memref<16x128xf32, #tpu.memory_space<hbm>>) dst(%dma_wait3A_1574 : memref<16x128xf32, #tpu.memory_space<vmem>>)
      %dma_wait3A_1578 = arith.constant 1 : i32
      %dma_wait3A_1579 = arith.constant 64 : i32
      %dma_wait3A_1580 = arith.constant 0 : i32
      %dma_wait3A_1581 = tpu.memref_slice %arg11[%dma_wait3A_1578, %dma_wait3A_1579, %dma_wait3A_1580] : memref<2x256x128xf32, #tpu.memory_space<vmem>> -> memref<1x16x128xf32, #tpu.memory_space<vmem>>
      %dma_wait3A_1582 = tpu.memref_squeeze %dma_wait3A_1581 : memref<1x16x128xf32, #tpu.memory_space<vmem>> -> memref<16x128xf32, #tpu.memory_space<vmem>>
      %dma_wait3A_1583 = arith.constant 0 : i32
      %dma_wait3A_1584 = arith.constant 0 : i32
      %dma_wait3A_1585 = tpu.memref_slice %arg4[%dma_wait3A_1583, %dma_wait3A_1584] : memref<16x1000000xf32, #tpu.memory_space<hbm>> -> memref<16x128xf32, #tpu.memory_space<hbm>>
      %dma_wait3A_1586 = arith.constant 64 : i32
      %dma_wait3A_1587 = arith.constant 0 : i32
      %dma_wait3A_1588 = tpu.memref_slice %arg11[%dma_wait3A_1578, %dma_wait3A_1586, %dma_wait3A_1587] : memref<2x256x128xf32, #tpu.memory_space<vmem>> -> memref<1x16x128xf32, #tpu.memory_space<vmem>>
      %dma_wait3A_1589 = tpu.memref_squeeze %dma_wait3A_1588 : memref<1x16x128xf32, #tpu.memory_space<vmem>> -> memref<16x128xf32, #tpu.memory_space<vmem>>
      %dma_wait3A_1590 = arith.constant 0 : i32
      %dma_wait3A_1591 = arith.constant 0 : i32
      %dma_wait3A_1592 = tpu.memref_slice %arg4[%dma_wait3A_1590, %dma_wait3A_1591] : memref<16x1000000xf32, #tpu.memory_space<hbm>> -> memref<16x128xf32, #tpu.memory_space<hbm>>
      tpu.wait_dma2 semaphore(%arg18 : memref<!tpu.dma_semaphore, #tpu.memory_space<semaphore_mem>>) src(%dma_wait3A_1592 : memref<16x128xf32, #tpu.memory_space<hbm>>) dst(%dma_wait3A_1589 : memref<16x128xf32, #tpu.memory_space<vmem>>)
      %dma_wait3A_1593 = arith.constant 1 : i32
      %dma_wait3A_1594 = arith.constant 80 : i32
      %dma_wait3A_1595 = arith.constant 0 : i32
      %dma_wait3A_1596 = tpu.memref_slice %arg11[%dma_wait3A_1593, %dma_wait3A_1594, %dma_wait3A_1595] : memref<2x256x128xf32, #tpu.memory_space<vmem>> -> memref<1x16x128xf32, #tpu.memory_space<vmem>>
      %dma_wait3A_1597 = tpu.memref_squeeze %dma_wait3A_1596 : memref<1x16x128xf32, #tpu.memory_space<vmem>> -> memref<16x128xf32, #tpu.memory_space<vmem>>
      %dma_wait3A_1598 = arith.constant 0 : i32
      %dma_wait3A_1599 = arith.constant 0 : i32
      %dma_wait3A_1600 = tpu.memref_slice %arg4[%dma_wait3A_1598, %dma_wait3A_1599] : memref<16x1000000xf32, #tpu.memory_space<hbm>> -> memref<16x128xf32, #tpu.memory_space<hbm>>
      %dma_wait3A_1601 = arith.constant 80 : i32
      %dma_wait3A_1602 = arith.constant 0 : i32
      %dma_wait3A_1603 = tpu.memref_slice %arg11[%dma_wait3A_1593, %dma_wait3A_1601, %dma_wait3A_1602] : memref<2x256x128xf32, #tpu.memory_space<vmem>> -> memref<1x16x128xf32, #tpu.memory_space<vmem>>
      %dma_wait3A_1604 = tpu.memref_squeeze %dma_wait3A_1603 : memref<1x16x128xf32, #tpu.memory_space<vmem>> -> memref<16x128xf32, #tpu.memory_space<vmem>>
      %dma_wait3A_1605 = arith.constant 0 : i32
      %dma_wait3A_1606 = arith.constant 0 : i32
      %dma_wait3A_1607 = tpu.memref_slice %arg4[%dma_wait3A_1605, %dma_wait3A_1606] : memref<16x1000000xf32, #tpu.memory_space<hbm>> -> memref<16x128xf32, #tpu.memory_space<hbm>>
      tpu.wait_dma2 semaphore(%arg18 : memref<!tpu.dma_semaphore, #tpu.memory_space<semaphore_mem>>) src(%dma_wait3A_1607 : memref<16x128xf32, #tpu.memory_space<hbm>>) dst(%dma_wait3A_1604 : memref<16x128xf32, #tpu.memory_space<vmem>>)
      %dma_wait3A_1608 = arith.constant 1 : i32
      %dma_wait3A_1609 = arith.constant 96 : i32
      %dma_wait3A_1610 = arith.constant 0 : i32
      %dma_wait3A_1611 = tpu.memref_slice %arg11[%dma_wait3A_1608, %dma_wait3A_1609, %dma_wait3A_1610] : memref<2x256x128xf32, #tpu.memory_space<vmem>> -> memref<1x16x128xf32, #tpu.memory_space<vmem>>
      %dma_wait3A_1612 = tpu.memref_squeeze %dma_wait3A_1611 : memref<1x16x128xf32, #tpu.memory_space<vmem>> -> memref<16x128xf32, #tpu.memory_space<vmem>>
      %dma_wait3A_1613 = arith.constant 0 : i32
      %dma_wait3A_1614 = arith.constant 0 : i32
      %dma_wait3A_1615 = tpu.memref_slice %arg4[%dma_wait3A_1613, %dma_wait3A_1614] : memref<16x1000000xf32, #tpu.memory_space<hbm>> -> memref<16x128xf32, #tpu.memory_space<hbm>>
      %dma_wait3A_1616 = arith.constant 96 : i32
      %dma_wait3A_1617 = arith.constant 0 : i32
      %dma_wait3A_1618 = tpu.memref_slice %arg11[%dma_wait3A_1608, %dma_wait3A_1616, %dma_wait3A_1617] : memref<2x256x128xf32, #tpu.memory_space<vmem>> -> memref<1x16x128xf32, #tpu.memory_space<vmem>>
      %dma_wait3A_1619 = tpu.memref_squeeze %dma_wait3A_1618 : memref<1x16x128xf32, #tpu.memory_space<vmem>> -> memref<16x128xf32, #tpu.memory_space<vmem>>
      %dma_wait3A_1620 = arith.constant 0 : i32
      %dma_wait3A_1621 = arith.constant 0 : i32
      %dma_wait3A_1622 = tpu.memref_slice %arg4[%dma_wait3A_1620, %dma_wait3A_1621] : memref<16x1000000xf32, #tpu.memory_space<hbm>> -> memref<16x128xf32, #tpu.memory_space<hbm>>
      tpu.wait_dma2 semaphore(%arg18 : memref<!tpu.dma_semaphore, #tpu.memory_space<semaphore_mem>>) src(%dma_wait3A_1622 : memref<16x128xf32, #tpu.memory_space<hbm>>) dst(%dma_wait3A_1619 : memref<16x128xf32, #tpu.memory_space<vmem>>)
      %dma_wait3A_1623 = arith.constant 1 : i32
      %dma_wait3A_1624 = arith.constant 112 : i32
      %dma_wait3A_1625 = arith.constant 0 : i32
      %dma_wait3A_1626 = tpu.memref_slice %arg11[%dma_wait3A_1623, %dma_wait3A_1624, %dma_wait3A_1625] : memref<2x256x128xf32, #tpu.memory_space<vmem>> -> memref<1x16x128xf32, #tpu.memory_space<vmem>>
      %dma_wait3A_1627 = tpu.memref_squeeze %dma_wait3A_1626 : memref<1x16x128xf32, #tpu.memory_space<vmem>> -> memref<16x128xf32, #tpu.memory_space<vmem>>
      %dma_wait3A_1628 = arith.constant 0 : i32
      %dma_wait3A_1629 = arith.constant 0 : i32
      %dma_wait3A_1630 = tpu.memref_slice %arg4[%dma_wait3A_1628, %dma_wait3A_1629] : memref<16x1000000xf32, #tpu.memory_space<hbm>> -> memref<16x128xf32, #tpu.memory_space<hbm>>
      %dma_wait3A_1631 = arith.constant 112 : i32
      %dma_wait3A_1632 = arith.constant 0 : i32
      %dma_wait3A_1633 = tpu.memref_slice %arg11[%dma_wait3A_1623, %dma_wait3A_1631, %dma_wait3A_1632] : memref<2x256x128xf32, #tpu.memory_space<vmem>> -> memref<1x16x128xf32, #tpu.memory_space<vmem>>
      %dma_wait3A_1634 = tpu.memref_squeeze %dma_wait3A_1633 : memref<1x16x128xf32, #tpu.memory_space<vmem>> -> memref<16x128xf32, #tpu.memory_space<vmem>>
      %dma_wait3A_1635 = arith.constant 0 : i32
      %dma_wait3A_1636 = arith.constant 0 : i32
      %dma_wait3A_1637 = tpu.memref_slice %arg4[%dma_wait3A_1635, %dma_wait3A_1636] : memref<16x1000000xf32, #tpu.memory_space<hbm>> -> memref<16x128xf32, #tpu.memory_space<hbm>>
      tpu.wait_dma2 semaphore(%arg18 : memref<!tpu.dma_semaphore, #tpu.memory_space<semaphore_mem>>) src(%dma_wait3A_1637 : memref<16x128xf32, #tpu.memory_space<hbm>>) dst(%dma_wait3A_1634 : memref<16x128xf32, #tpu.memory_space<vmem>>)
      %dma_wait3A_1638 = arith.constant 1 : i32
      %dma_wait3A_1639 = arith.constant 128 : i32
      %dma_wait3A_1640 = arith.constant 0 : i32
      %dma_wait3A_1641 = tpu.memref_slice %arg11[%dma_wait3A_1638, %dma_wait3A_1639, %dma_wait3A_1640] : memref<2x256x128xf32, #tpu.memory_space<vmem>> -> memref<1x16x128xf32, #tpu.memory_space<vmem>>
      %dma_wait3A_1642 = tpu.memref_squeeze %dma_wait3A_1641 : memref<1x16x128xf32, #tpu.memory_space<vmem>> -> memref<16x128xf32, #tpu.memory_space<vmem>>
      %dma_wait3A_1643 = arith.constant 0 : i32
      %dma_wait3A_1644 = arith.constant 0 : i32
      %dma_wait3A_1645 = tpu.memref_slice %arg4[%dma_wait3A_1643, %dma_wait3A_1644] : memref<16x1000000xf32, #tpu.memory_space<hbm>> -> memref<16x128xf32, #tpu.memory_space<hbm>>
      %dma_wait3A_1646 = arith.constant 128 : i32
      %dma_wait3A_1647 = arith.constant 0 : i32
      %dma_wait3A_1648 = tpu.memref_slice %arg11[%dma_wait3A_1638, %dma_wait3A_1646, %dma_wait3A_1647] : memref<2x256x128xf32, #tpu.memory_space<vmem>> -> memref<1x16x128xf32, #tpu.memory_space<vmem>>
      %dma_wait3A_1649 = tpu.memref_squeeze %dma_wait3A_1648 : memref<1x16x128xf32, #tpu.memory_space<vmem>> -> memref<16x128xf32, #tpu.memory_space<vmem>>
      %dma_wait3A_1650 = arith.constant 0 : i32
      %dma_wait3A_1651 = arith.constant 0 : i32
      %dma_wait3A_1652 = tpu.memref_slice %arg4[%dma_wait3A_1650, %dma_wait3A_1651] : memref<16x1000000xf32, #tpu.memory_space<hbm>> -> memref<16x128xf32, #tpu.memory_space<hbm>>
      tpu.wait_dma2 semaphore(%arg18 : memref<!tpu.dma_semaphore, #tpu.memory_space<semaphore_mem>>) src(%dma_wait3A_1652 : memref<16x128xf32, #tpu.memory_space<hbm>>) dst(%dma_wait3A_1649 : memref<16x128xf32, #tpu.memory_space<vmem>>)
      %dma_wait3A_1653 = arith.constant 1 : i32
      %dma_wait3A_1654 = arith.constant 144 : i32
      %dma_wait3A_1655 = arith.constant 0 : i32
      %dma_wait3A_1656 = tpu.memref_slice %arg11[%dma_wait3A_1653, %dma_wait3A_1654, %dma_wait3A_1655] : memref<2x256x128xf32, #tpu.memory_space<vmem>> -> memref<1x16x128xf32, #tpu.memory_space<vmem>>
      %dma_wait3A_1657 = tpu.memref_squeeze %dma_wait3A_1656 : memref<1x16x128xf32, #tpu.memory_space<vmem>> -> memref<16x128xf32, #tpu.memory_space<vmem>>
      %dma_wait3A_1658 = arith.constant 0 : i32
      %dma_wait3A_1659 = arith.constant 0 : i32
      %dma_wait3A_1660 = tpu.memref_slice %arg4[%dma_wait3A_1658, %dma_wait3A_1659] : memref<16x1000000xf32, #tpu.memory_space<hbm>> -> memref<16x128xf32, #tpu.memory_space<hbm>>
      %dma_wait3A_1661 = arith.constant 144 : i32
      %dma_wait3A_1662 = arith.constant 0 : i32
      %dma_wait3A_1663 = tpu.memref_slice %arg11[%dma_wait3A_1653, %dma_wait3A_1661, %dma_wait3A_1662] : memref<2x256x128xf32, #tpu.memory_space<vmem>> -> memref<1x16x128xf32, #tpu.memory_space<vmem>>
      %dma_wait3A_1664 = tpu.memref_squeeze %dma_wait3A_1663 : memref<1x16x128xf32, #tpu.memory_space<vmem>> -> memref<16x128xf32, #tpu.memory_space<vmem>>
      %dma_wait3A_1665 = arith.constant 0 : i32
      %dma_wait3A_1666 = arith.constant 0 : i32
      %dma_wait3A_1667 = tpu.memref_slice %arg4[%dma_wait3A_1665, %dma_wait3A_1666] : memref<16x1000000xf32, #tpu.memory_space<hbm>> -> memref<16x128xf32, #tpu.memory_space<hbm>>
      tpu.wait_dma2 semaphore(%arg18 : memref<!tpu.dma_semaphore, #tpu.memory_space<semaphore_mem>>) src(%dma_wait3A_1667 : memref<16x128xf32, #tpu.memory_space<hbm>>) dst(%dma_wait3A_1664 : memref<16x128xf32, #tpu.memory_space<vmem>>)
      %dma_wait3A_1668 = arith.constant 1 : i32
      %dma_wait3A_1669 = arith.constant 160 : i32
      %dma_wait3A_1670 = arith.constant 0 : i32
      %dma_wait3A_1671 = tpu.memref_slice %arg11[%dma_wait3A_1668, %dma_wait3A_1669, %dma_wait3A_1670] : memref<2x256x128xf32, #tpu.memory_space<vmem>> -> memref<1x16x128xf32, #tpu.memory_space<vmem>>
      %dma_wait3A_1672 = tpu.memref_squeeze %dma_wait3A_1671 : memref<1x16x128xf32, #tpu.memory_space<vmem>> -> memref<16x128xf32, #tpu.memory_space<vmem>>
      %dma_wait3A_1673 = arith.constant 0 : i32
      %dma_wait3A_1674 = arith.constant 0 : i32
      %dma_wait3A_1675 = tpu.memref_slice %arg4[%dma_wait3A_1673, %dma_wait3A_1674] : memref<16x1000000xf32, #tpu.memory_space<hbm>> -> memref<16x128xf32, #tpu.memory_space<hbm>>
      %dma_wait3A_1676 = arith.constant 160 : i32
      %dma_wait3A_1677 = arith.constant 0 : i32
      %dma_wait3A_1678 = tpu.memref_slice %arg11[%dma_wait3A_1668, %dma_wait3A_1676, %dma_wait3A_1677] : memref<2x256x128xf32, #tpu.memory_space<vmem>> -> memref<1x16x128xf32, #tpu.memory_space<vmem>>
      %dma_wait3A_1679 = tpu.memref_squeeze %dma_wait3A_1678 : memref<1x16x128xf32, #tpu.memory_space<vmem>> -> memref<16x128xf32, #tpu.memory_space<vmem>>
      %dma_wait3A_1680 = arith.constant 0 : i32
      %dma_wait3A_1681 = arith.constant 0 : i32
      %dma_wait3A_1682 = tpu.memref_slice %arg4[%dma_wait3A_1680, %dma_wait3A_1681] : memref<16x1000000xf32, #tpu.memory_space<hbm>> -> memref<16x128xf32, #tpu.memory_space<hbm>>
      tpu.wait_dma2 semaphore(%arg18 : memref<!tpu.dma_semaphore, #tpu.memory_space<semaphore_mem>>) src(%dma_wait3A_1682 : memref<16x128xf32, #tpu.memory_space<hbm>>) dst(%dma_wait3A_1679 : memref<16x128xf32, #tpu.memory_space<vmem>>)
      %dma_wait3A_1683 = arith.constant 1 : i32
      %dma_wait3A_1684 = arith.constant 176 : i32
      %dma_wait3A_1685 = arith.constant 0 : i32
      %dma_wait3A_1686 = tpu.memref_slice %arg11[%dma_wait3A_1683, %dma_wait3A_1684, %dma_wait3A_1685] : memref<2x256x128xf32, #tpu.memory_space<vmem>> -> memref<1x16x128xf32, #tpu.memory_space<vmem>>
      %dma_wait3A_1687 = tpu.memref_squeeze %dma_wait3A_1686 : memref<1x16x128xf32, #tpu.memory_space<vmem>> -> memref<16x128xf32, #tpu.memory_space<vmem>>
      %dma_wait3A_1688 = arith.constant 0 : i32
      %dma_wait3A_1689 = arith.constant 0 : i32
      %dma_wait3A_1690 = tpu.memref_slice %arg4[%dma_wait3A_1688, %dma_wait3A_1689] : memref<16x1000000xf32, #tpu.memory_space<hbm>> -> memref<16x128xf32, #tpu.memory_space<hbm>>
      %dma_wait3A_1691 = arith.constant 176 : i32
      %dma_wait3A_1692 = arith.constant 0 : i32
      %dma_wait3A_1693 = tpu.memref_slice %arg11[%dma_wait3A_1683, %dma_wait3A_1691, %dma_wait3A_1692] : memref<2x256x128xf32, #tpu.memory_space<vmem>> -> memref<1x16x128xf32, #tpu.memory_space<vmem>>
      %dma_wait3A_1694 = tpu.memref_squeeze %dma_wait3A_1693 : memref<1x16x128xf32, #tpu.memory_space<vmem>> -> memref<16x128xf32, #tpu.memory_space<vmem>>
      %dma_wait3A_1695 = arith.constant 0 : i32
      %dma_wait3A_1696 = arith.constant 0 : i32
      %dma_wait3A_1697 = tpu.memref_slice %arg4[%dma_wait3A_1695, %dma_wait3A_1696] : memref<16x1000000xf32, #tpu.memory_space<hbm>> -> memref<16x128xf32, #tpu.memory_space<hbm>>
      tpu.wait_dma2 semaphore(%arg18 : memref<!tpu.dma_semaphore, #tpu.memory_space<semaphore_mem>>) src(%dma_wait3A_1697 : memref<16x128xf32, #tpu.memory_space<hbm>>) dst(%dma_wait3A_1694 : memref<16x128xf32, #tpu.memory_space<vmem>>)
      %dma_wait3A_1698 = arith.constant 1 : i32
      %dma_wait3A_1699 = arith.constant 192 : i32
      %dma_wait3A_1700 = arith.constant 0 : i32
      %dma_wait3A_1701 = tpu.memref_slice %arg11[%dma_wait3A_1698, %dma_wait3A_1699, %dma_wait3A_1700] : memref<2x256x128xf32, #tpu.memory_space<vmem>> -> memref<1x16x128xf32, #tpu.memory_space<vmem>>
      %dma_wait3A_1702 = tpu.memref_squeeze %dma_wait3A_1701 : memref<1x16x128xf32, #tpu.memory_space<vmem>> -> memref<16x128xf32, #tpu.memory_space<vmem>>
      %dma_wait3A_1703 = arith.constant 0 : i32
      %dma_wait3A_1704 = arith.constant 0 : i32
      %dma_wait3A_1705 = tpu.memref_slice %arg4[%dma_wait3A_1703, %dma_wait3A_1704] : memref<16x1000000xf32, #tpu.memory_space<hbm>> -> memref<16x128xf32, #tpu.memory_space<hbm>>
      %dma_wait3A_1706 = arith.constant 192 : i32
      %dma_wait3A_1707 = arith.constant 0 : i32
      %dma_wait3A_1708 = tpu.memref_slice %arg11[%dma_wait3A_1698, %dma_wait3A_1706, %dma_wait3A_1707] : memref<2x256x128xf32, #tpu.memory_space<vmem>> -> memref<1x16x128xf32, #tpu.memory_space<vmem>>
      %dma_wait3A_1709 = tpu.memref_squeeze %dma_wait3A_1708 : memref<1x16x128xf32, #tpu.memory_space<vmem>> -> memref<16x128xf32, #tpu.memory_space<vmem>>
      %dma_wait3A_1710 = arith.constant 0 : i32
      %dma_wait3A_1711 = arith.constant 0 : i32
      %dma_wait3A_1712 = tpu.memref_slice %arg4[%dma_wait3A_1710, %dma_wait3A_1711] : memref<16x1000000xf32, #tpu.memory_space<hbm>> -> memref<16x128xf32, #tpu.memory_space<hbm>>
      tpu.wait_dma2 semaphore(%arg18 : memref<!tpu.dma_semaphore, #tpu.memory_space<semaphore_mem>>) src(%dma_wait3A_1712 : memref<16x128xf32, #tpu.memory_space<hbm>>) dst(%dma_wait3A_1709 : memref<16x128xf32, #tpu.memory_space<vmem>>)
      %dma_wait3A_1713 = arith.constant 1 : i32
      %dma_wait3A_1714 = arith.constant 208 : i32
      %dma_wait3A_1715 = arith.constant 0 : i32
      %dma_wait3A_1716 = tpu.memref_slice %arg11[%dma_wait3A_1713, %dma_wait3A_1714, %dma_wait3A_1715] : memref<2x256x128xf32, #tpu.memory_space<vmem>> -> memref<1x16x128xf32, #tpu.memory_space<vmem>>
      %dma_wait3A_1717 = tpu.memref_squeeze %dma_wait3A_1716 : memref<1x16x128xf32, #tpu.memory_space<vmem>> -> memref<16x128xf32, #tpu.memory_space<vmem>>
      %dma_wait3A_1718 = arith.constant 0 : i32
      %dma_wait3A_1719 = arith.constant 0 : i32
      %dma_wait3A_1720 = tpu.memref_slice %arg4[%dma_wait3A_1718, %dma_wait3A_1719] : memref<16x1000000xf32, #tpu.memory_space<hbm>> -> memref<16x128xf32, #tpu.memory_space<hbm>>
      %dma_wait3A_1721 = arith.constant 208 : i32
      %dma_wait3A_1722 = arith.constant 0 : i32
      %dma_wait3A_1723 = tpu.memref_slice %arg11[%dma_wait3A_1713, %dma_wait3A_1721, %dma_wait3A_1722] : memref<2x256x128xf32, #tpu.memory_space<vmem>> -> memref<1x16x128xf32, #tpu.memory_space<vmem>>
      %dma_wait3A_1724 = tpu.memref_squeeze %dma_wait3A_1723 : memref<1x16x128xf32, #tpu.memory_space<vmem>> -> memref<16x128xf32, #tpu.memory_space<vmem>>
      %dma_wait3A_1725 = arith.constant 0 : i32
      %dma_wait3A_1726 = arith.constant 0 : i32
      %dma_wait3A_1727 = tpu.memref_slice %arg4[%dma_wait3A_1725, %dma_wait3A_1726] : memref<16x1000000xf32, #tpu.memory_space<hbm>> -> memref<16x128xf32, #tpu.memory_space<hbm>>
      tpu.wait_dma2 semaphore(%arg18 : memref<!tpu.dma_semaphore, #tpu.memory_space<semaphore_mem>>) src(%dma_wait3A_1727 : memref<16x128xf32, #tpu.memory_space<hbm>>) dst(%dma_wait3A_1724 : memref<16x128xf32, #tpu.memory_space<vmem>>)
      %dma_wait3A_1728 = arith.constant 1 : i32
      %dma_wait3A_1729 = arith.constant 224 : i32
      %dma_wait3A_1730 = arith.constant 0 : i32
      %dma_wait3A_1731 = tpu.memref_slice %arg11[%dma_wait3A_1728, %dma_wait3A_1729, %dma_wait3A_1730] : memref<2x256x128xf32, #tpu.memory_space<vmem>> -> memref<1x16x128xf32, #tpu.memory_space<vmem>>
      %dma_wait3A_1732 = tpu.memref_squeeze %dma_wait3A_1731 : memref<1x16x128xf32, #tpu.memory_space<vmem>> -> memref<16x128xf32, #tpu.memory_space<vmem>>
      %dma_wait3A_1733 = arith.constant 0 : i32
      %dma_wait3A_1734 = arith.constant 0 : i32
      %dma_wait3A_1735 = tpu.memref_slice %arg4[%dma_wait3A_1733, %dma_wait3A_1734] : memref<16x1000000xf32, #tpu.memory_space<hbm>> -> memref<16x128xf32, #tpu.memory_space<hbm>>
      %dma_wait3A_1736 = arith.constant 224 : i32
      %dma_wait3A_1737 = arith.constant 0 : i32
      %dma_wait3A_1738 = tpu.memref_slice %arg11[%dma_wait3A_1728, %dma_wait3A_1736, %dma_wait3A_1737] : memref<2x256x128xf32, #tpu.memory_space<vmem>> -> memref<1x16x128xf32, #tpu.memory_space<vmem>>
      %dma_wait3A_1739 = tpu.memref_squeeze %dma_wait3A_1738 : memref<1x16x128xf32, #tpu.memory_space<vmem>> -> memref<16x128xf32, #tpu.memory_space<vmem>>
      %dma_wait3A_1740 = arith.constant 0 : i32
      %dma_wait3A_1741 = arith.constant 0 : i32
      %dma_wait3A_1742 = tpu.memref_slice %arg4[%dma_wait3A_1740, %dma_wait3A_1741] : memref<16x1000000xf32, #tpu.memory_space<hbm>> -> memref<16x128xf32, #tpu.memory_space<hbm>>
      tpu.wait_dma2 semaphore(%arg18 : memref<!tpu.dma_semaphore, #tpu.memory_space<semaphore_mem>>) src(%dma_wait3A_1742 : memref<16x128xf32, #tpu.memory_space<hbm>>) dst(%dma_wait3A_1739 : memref<16x128xf32, #tpu.memory_space<vmem>>)
      %dma_wait3A_1743 = arith.constant 1 : i32
      %dma_wait3A_1744 = arith.constant 240 : i32
      %dma_wait3A_1745 = arith.constant 0 : i32
      %dma_wait3A_1746 = tpu.memref_slice %arg11[%dma_wait3A_1743, %dma_wait3A_1744, %dma_wait3A_1745] : memref<2x256x128xf32, #tpu.memory_space<vmem>> -> memref<1x16x128xf32, #tpu.memory_space<vmem>>
      %dma_wait3A_1747 = tpu.memref_squeeze %dma_wait3A_1746 : memref<1x16x128xf32, #tpu.memory_space<vmem>> -> memref<16x128xf32, #tpu.memory_space<vmem>>
      %dma_wait3A_1748 = arith.constant 0 : i32
      %dma_wait3A_1749 = arith.constant 0 : i32
      %dma_wait3A_1750 = tpu.memref_slice %arg4[%dma_wait3A_1748, %dma_wait3A_1749] : memref<16x1000000xf32, #tpu.memory_space<hbm>> -> memref<16x128xf32, #tpu.memory_space<hbm>>
      %dma_wait3A_1751 = arith.constant 240 : i32
      %dma_wait3A_1752 = arith.constant 0 : i32
      %dma_wait3A_1753 = tpu.memref_slice %arg11[%dma_wait3A_1743, %dma_wait3A_1751, %dma_wait3A_1752] : memref<2x256x128xf32, #tpu.memory_space<vmem>> -> memref<1x16x128xf32, #tpu.memory_space<vmem>>
      %dma_wait3A_1754 = tpu.memref_squeeze %dma_wait3A_1753 : memref<1x16x128xf32, #tpu.memory_space<vmem>> -> memref<16x128xf32, #tpu.memory_space<vmem>>
      %dma_wait3A_1755 = arith.constant 0 : i32
      %dma_wait3A_1756 = arith.constant 0 : i32
      %dma_wait3A_1757 = tpu.memref_slice %arg4[%dma_wait3A_1755, %dma_wait3A_1756] : memref<16x1000000xf32, #tpu.memory_space<hbm>> -> memref<16x128xf32, #tpu.memory_space<hbm>>
      tpu.wait_dma2 semaphore(%arg18 : memref<!tpu.dma_semaphore, #tpu.memory_space<semaphore_mem>>) src(%dma_wait3A_1757 : memref<16x128xf32, #tpu.memory_space<hbm>>) dst(%dma_wait3A_1754 : memref<16x128xf32, #tpu.memory_space<vmem>>)
      %add3A_1758 = arith.constant 1 : i32
      %add3A_1759 = arith.addi %mul3A_736, %add3A_1758 : i32
      %mul3A_1760 = arith.constant 16 : i32
      %mul3A_1761 = arith.muli %add3A_1759, %mul3A_1760 : i32
      %multiple_of3A_1762 = tpu.assume_multiple %mul3A_1761, 16 : i32
      %get3A_1763 = arith.index_cast %multiple_of3A_1762 : i32 to index
      %get3A_1764 = tpu.vector_load %arg9[%get3A_1763] {strides = array<i32>} : memref<512xi32, #tpu.memory_space<vmem>>, vector<16xi32>,
      %and3A_1765 = arith.andi %get3A_1764, %broadcast_in_dim3A_3 : vector<16xi32>
      %broadcast_in_dim3A_1766 = arith.constant 1 : i32
      %broadcast_in_dim3A_1767 = vector.broadcast %broadcast_in_dim3A_1766 : i32 to vector<16xi32>
      %add3A_1768 = arith.constant 0 : i32
      %add3A_1769 = vector.broadcast %add3A_1768 : i32 to vector<16xi32>
      %add3A_1770 = arith.addi %iota3A, %add3A_1769 : vector<16xi32>
      %slice3A_1771 = vector.extract_strided_slice %and3A_1765 {offsets = [0], sizes = [1], strides = [1]} : vector<16xi32> to vector<1xi32>
      %squeeze3A_1772 = vector.extract %slice3A_1771[0] : i32 from vector<1xi32>
      %broadcast_in_dim3A_1773 = vector.broadcast %squeeze3A_1772 : i32 to vector<16xi32>
      %gather3A_1774 = tpu.vector_load_idx %arg11[%broadcast_in_dim3A_1767, %add3A_1770, %broadcast_in_dim3A_1773] : memref<2x256x128xf32, #tpu.memory_space<vmem>>[vector<16xi32>, vector<16xi32>, vector<16xi32>], vector<16xf32>,
      %add3A_1775 = arith.constant 0 : i32
      %add3A_1776 = arith.addi %multiple_of3A_1762, %add3A_1775 : i32
      %mul3A_1777 = arith.constant 16 : i32
      %mul3A_1778 = arith.muli %add3A_1776, %mul3A_1777 : i32
      %swap3A_1779 = arith.index_cast %mul3A_1778 : i32 to index
      %swap3A_1780 = tpu.vector_load %arg12[%swap3A_1779] {strides = array<i32>} : memref<8192xf32, #tpu.memory_space<vmem>>, vector<16xf32>,
      tpu.vector_store %arg12[%swap3A_1779], %gather3A_1774 {strides = array<i32>} : memref<8192xf32, #tpu.memory_space<vmem>>, vector<16xf32>,
      %add3A_1781 = arith.constant 16 : i32
      %add3A_1782 = vector.broadcast %add3A_1781 : i32 to vector<16xi32>
      %add3A_1783 = arith.addi %iota3A, %add3A_1782 : vector<16xi32>
      %slice3A_1784 = vector.extract_strided_slice %and3A_1765 {offsets = [1], sizes = [1], strides = [1]} : vector<16xi32> to vector<1xi32>
      %squeeze3A_1785 = vector.extract %slice3A_1784[0] : i32 from vector<1xi32>
      %broadcast_in_dim3A_1786 = vector.broadcast %squeeze3A_1785 : i32 to vector<16xi32>
      %gather3A_1787 = tpu.vector_load_idx %arg11[%broadcast_in_dim3A_1767, %add3A_1783, %broadcast_in_dim3A_1786] : memref<2x256x128xf32, #tpu.memory_space<vmem>>[vector<16xi32>, vector<16xi32>, vector<16xi32>], vector<16xf32>,
      %add3A_1788 = arith.constant 1 : i32
      %add3A_1789 = arith.addi %multiple_of3A_1762, %add3A_1788 : i32
      %mul3A_1790 = arith.constant 16 : i32
      %mul3A_1791 = arith.muli %add3A_1789, %mul3A_1790 : i32
      %swap3A_1792 = arith.index_cast %mul3A_1791 : i32 to index
      %swap3A_1793 = tpu.vector_load %arg12[%swap3A_1792] {strides = array<i32>} : memref<8192xf32, #tpu.memory_space<vmem>>, vector<16xf32>,
      tpu.vector_store %arg12[%swap3A_1792], %gather3A_1787 {strides = array<i32>} : memref<8192xf32, #tpu.memory_space<vmem>>, vector<16xf32>,
      %add3A_1794 = arith.constant 32 : i32
      %add3A_1795 = vector.broadcast %add3A_1794 : i32 to vector<16xi32>
      %add3A_1796 = arith.addi %iota3A, %add3A_1795 : vector<16xi32>
      %slice3A_1797 = vector.extract_strided_slice %and3A_1765 {offsets = [2], sizes = [1], strides = [1]} : vector<16xi32> to vector<1xi32>
      %squeeze3A_1798 = vector.extract %slice3A_1797[0] : i32 from vector<1xi32>
      %broadcast_in_dim3A_1799 = vector.broadcast %squeeze3A_1798 : i32 to vector<16xi32>
      %gather3A_1800 = tpu.vector_load_idx %arg11[%broadcast_in_dim3A_1767, %add3A_1796, %broadcast_in_dim3A_1799] : memref<2x256x128xf32, #tpu.memory_space<vmem>>[vector<16xi32>, vector<16xi32>, vector<16xi32>], vector<16xf32>,
      %add3A_1801 = arith.constant 2 : i32
      %add3A_1802 = arith.addi %multiple_of3A_1762, %add3A_1801 : i32
      %mul3A_1803 = arith.constant 16 : i32
      %mul3A_1804 = arith.muli %add3A_1802, %mul3A_1803 : i32
      %swap3A_1805 = arith.index_cast %mul3A_1804 : i32 to index
      %swap3A_1806 = tpu.vector_load %arg12[%swap3A_1805] {strides = array<i32>} : memref<8192xf32, #tpu.memory_space<vmem>>, vector<16xf32>,
      tpu.vector_store %arg12[%swap3A_1805], %gather3A_1800 {strides = array<i32>} : memref<8192xf32, #tpu.memory_space<vmem>>, vector<16xf32>,
      %add3A_1807 = arith.constant 48 : i32
      %add3A_1808 = vector.broadcast %add3A_1807 : i32 to vector<16xi32>
      %add3A_1809 = arith.addi %iota3A, %add3A_1808 : vector<16xi32>
      %slice3A_1810 = vector.extract_strided_slice %and3A_1765 {offsets = [3], sizes = [1], strides = [1]} : vector<16xi32> to vector<1xi32>
      %squeeze3A_1811 = vector.extract %slice3A_1810[0] : i32 from vector<1xi32>
      %broadcast_in_dim3A_1812 = vector.broadcast %squeeze3A_1811 : i32 to vector<16xi32>
      %gather3A_1813 = tpu.vector_load_idx %arg11[%broadcast_in_dim3A_1767, %add3A_1809, %broadcast_in_dim3A_1812] : memref<2x256x128xf32, #tpu.memory_space<vmem>>[vector<16xi32>, vector<16xi32>, vector<16xi32>], vector<16xf32>,
      %add3A_1814 = arith.constant 3 : i32
      %add3A_1815 = arith.addi %multiple_of3A_1762, %add3A_1814 : i32
      %mul3A_1816 = arith.constant 16 : i32
      %mul3A_1817 = arith.muli %add3A_1815, %mul3A_1816 : i32
      %swap3A_1818 = arith.index_cast %mul3A_1817 : i32 to index
      %swap3A_1819 = tpu.vector_load %arg12[%swap3A_1818] {strides = array<i32>} : memref<8192xf32, #tpu.memory_space<vmem>>, vector<16xf32>,
      tpu.vector_store %arg12[%swap3A_1818], %gather3A_1813 {strides = array<i32>} : memref<8192xf32, #tpu.memory_space<vmem>>, vector<16xf32>,
      %add3A_1820 = arith.constant 64 : i32
      %add3A_1821 = vector.broadcast %add3A_1820 : i32 to vector<16xi32>
      %add3A_1822 = arith.addi %iota3A, %add3A_1821 : vector<16xi32>
      %slice3A_1823 = vector.extract_strided_slice %and3A_1765 {offsets = [4], sizes = [1], strides = [1]} : vector<16xi32> to vector<1xi32>
      %squeeze3A_1824 = vector.extract %slice3A_1823[0] : i32 from vector<1xi32>
      %broadcast_in_dim3A_1825 = vector.broadcast %squeeze3A_1824 : i32 to vector<16xi32>
      %gather3A_1826 = tpu.vector_load_idx %arg11[%broadcast_in_dim3A_1767, %add3A_1822, %broadcast_in_dim3A_1825] : memref<2x256x128xf32, #tpu.memory_space<vmem>>[vector<16xi32>, vector<16xi32>, vector<16xi32>], vector<16xf32>,
      %add3A_1827 = arith.constant 4 : i32
      %add3A_1828 = arith.addi %multiple_of3A_1762, %add3A_1827 : i32
      %mul3A_1829 = arith.constant 16 : i32
      %mul3A_1830 = arith.muli %add3A_1828, %mul3A_1829 : i32
      %swap3A_1831 = arith.index_cast %mul3A_1830 : i32 to index
      %swap3A_1832 = tpu.vector_load %arg12[%swap3A_1831] {strides = array<i32>} : memref<8192xf32, #tpu.memory_space<vmem>>, vector<16xf32>,
      tpu.vector_store %arg12[%swap3A_1831], %gather3A_1826 {strides = array<i32>} : memref<8192xf32, #tpu.memory_space<vmem>>, vector<16xf32>,
      %add3A_1833 = arith.constant 80 : i32
      %add3A_1834 = vector.broadcast %add3A_1833 : i32 to vector<16xi32>
      %add3A_1835 = arith.addi %iota3A, %add3A_1834 : vector<16xi32>
      %slice3A_1836 = vector.extract_strided_slice %and3A_1765 {offsets = [5], sizes = [1], strides = [1]} : vector<16xi32> to vector<1xi32>
      %squeeze3A_1837 = vector.extract %slice3A_1836[0] : i32 from vector<1xi32>
      %broadcast_in_dim3A_1838 = vector.broadcast %squeeze3A_1837 : i32 to vector<16xi32>
      %gather3A_1839 = tpu.vector_load_idx %arg11[%broadcast_in_dim3A_1767, %add3A_1835, %broadcast_in_dim3A_1838] : memref<2x256x128xf32, #tpu.memory_space<vmem>>[vector<16xi32>, vector<16xi32>, vector<16xi32>], vector<16xf32>,
      %add3A_1840 = arith.constant 5 : i32
      %add3A_1841 = arith.addi %multiple_of3A_1762, %add3A_1840 : i32
      %mul3A_1842 = arith.constant 16 : i32
      %mul3A_1843 = arith.muli %add3A_1841, %mul3A_1842 : i32
      %swap3A_1844 = arith.index_cast %mul3A_1843 : i32 to index
      %swap3A_1845 = tpu.vector_load %arg12[%swap3A_1844] {strides = array<i32>} : memref<8192xf32, #tpu.memory_space<vmem>>, vector<16xf32>,
      tpu.vector_store %arg12[%swap3A_1844], %gather3A_1839 {strides = array<i32>} : memref<8192xf32, #tpu.memory_space<vmem>>, vector<16xf32>,
      %add3A_1846 = arith.constant 96 : i32
      %add3A_1847 = vector.broadcast %add3A_1846 : i32 to vector<16xi32>
      %add3A_1848 = arith.addi %iota3A, %add3A_1847 : vector<16xi32>
      %slice3A_1849 = vector.extract_strided_slice %and3A_1765 {offsets = [6], sizes = [1], strides = [1]} : vector<16xi32> to vector<1xi32>
      %squeeze3A_1850 = vector.extract %slice3A_1849[0] : i32 from vector<1xi32>
      %broadcast_in_dim3A_1851 = vector.broadcast %squeeze3A_1850 : i32 to vector<16xi32>
      %gather3A_1852 = tpu.vector_load_idx %arg11[%broadcast_in_dim3A_1767, %add3A_1848, %broadcast_in_dim3A_1851] : memref<2x256x128xf32, #tpu.memory_space<vmem>>[vector<16xi32>, vector<16xi32>, vector<16xi32>], vector<16xf32>,
      %add3A_1853 = arith.constant 6 : i32
      %add3A_1854 = arith.addi %multiple_of3A_1762, %add3A_1853 : i32
      %mul3A_1855 = arith.constant 16 : i32
      %mul3A_1856 = arith.muli %add3A_1854, %mul3A_1855 : i32
      %swap3A_1857 = arith.index_cast %mul3A_1856 : i32 to index
      %swap3A_1858 = tpu.vector_load %arg12[%swap3A_1857] {strides = array<i32>} : memref<8192xf32, #tpu.memory_space<vmem>>, vector<16xf32>,
      tpu.vector_store %arg12[%swap3A_1857], %gather3A_1852 {strides = array<i32>} : memref<8192xf32, #tpu.memory_space<vmem>>, vector<16xf32>,
      %add3A_1859 = arith.constant 112 : i32
      %add3A_1860 = vector.broadcast %add3A_1859 : i32 to vector<16xi32>
      %add3A_1861 = arith.addi %iota3A, %add3A_1860 : vector<16xi32>
      %slice3A_1862 = vector.extract_strided_slice %and3A_1765 {offsets = [7], sizes = [1], strides = [1]} : vector<16xi32> to vector<1xi32>
      %squeeze3A_1863 = vector.extract %slice3A_1862[0] : i32 from vector<1xi32>
      %broadcast_in_dim3A_1864 = vector.broadcast %squeeze3A_1863 : i32 to vector<16xi32>
      %gather3A_1865 = tpu.vector_load_idx %arg11[%broadcast_in_dim3A_1767, %add3A_1861, %broadcast_in_dim3A_1864] : memref<2x256x128xf32, #tpu.memory_space<vmem>>[vector<16xi32>, vector<16xi32>, vector<16xi32>], vector<16xf32>,
      %add3A_1866 = arith.constant 7 : i32
      %add3A_1867 = arith.addi %multiple_of3A_1762, %add3A_1866 : i32
      %mul3A_1868 = arith.constant 16 : i32
      %mul3A_1869 = arith.muli %add3A_1867, %mul3A_1868 : i32
      %swap3A_1870 = arith.index_cast %mul3A_1869 : i32 to index
      %swap3A_1871 = tpu.vector_load %arg12[%swap3A_1870] {strides = array<i32>} : memref<8192xf32, #tpu.memory_space<vmem>>, vector<16xf32>,
      tpu.vector_store %arg12[%swap3A_1870], %gather3A_1865 {strides = array<i32>} : memref<8192xf32, #tpu.memory_space<vmem>>, vector<16xf32>,
      %add3A_1872 = arith.constant 128 : i32
      %add3A_1873 = vector.broadcast %add3A_1872 : i32 to vector<16xi32>
      %add3A_1874 = arith.addi %iota3A, %add3A_1873 : vector<16xi32>
      %slice3A_1875 = vector.extract_strided_slice %and3A_1765 {offsets = [8], sizes = [1], strides = [1]} : vector<16xi32> to vector<1xi32>
      %squeeze3A_1876 = vector.extract %slice3A_1875[0] : i32 from vector<1xi32>
      %broadcast_in_dim3A_1877 = vector.broadcast %squeeze3A_1876 : i32 to vector<16xi32>
      %gather3A_1878 = tpu.vector_load_idx %arg11[%broadcast_in_dim3A_1767, %add3A_1874, %broadcast_in_dim3A_1877] : memref<2x256x128xf32, #tpu.memory_space<vmem>>[vector<16xi32>, vector<16xi32>, vector<16xi32>], vector<16xf32>,
      %add3A_1879 = arith.constant 8 : i32
      %add3A_1880 = arith.addi %multiple_of3A_1762, %add3A_1879 : i32
      %mul3A_1881 = arith.constant 16 : i32
      %mul3A_1882 = arith.muli %add3A_1880, %mul3A_1881 : i32
      %swap3A_1883 = arith.index_cast %mul3A_1882 : i32 to index
      %swap3A_1884 = tpu.vector_load %arg12[%swap3A_1883] {strides = array<i32>} : memref<8192xf32, #tpu.memory_space<vmem>>, vector<16xf32>,
      tpu.vector_store %arg12[%swap3A_1883], %gather3A_1878 {strides = array<i32>} : memref<8192xf32, #tpu.memory_space<vmem>>, vector<16xf32>,
      %add3A_1885 = arith.constant 144 : i32
      %add3A_1886 = vector.broadcast %add3A_1885 : i32 to vector<16xi32>
      %add3A_1887 = arith.addi %iota3A, %add3A_1886 : vector<16xi32>
      %slice3A_1888 = vector.extract_strided_slice %and3A_1765 {offsets = [9], sizes = [1], strides = [1]} : vector<16xi32> to vector<1xi32>
      %squeeze3A_1889 = vector.extract %slice3A_1888[0] : i32 from vector<1xi32>
      %broadcast_in_dim3A_1890 = vector.broadcast %squeeze3A_1889 : i32 to vector<16xi32>
      %gather3A_1891 = tpu.vector_load_idx %arg11[%broadcast_in_dim3A_1767, %add3A_1887, %broadcast_in_dim3A_1890] : memref<2x256x128xf32, #tpu.memory_space<vmem>>[vector<16xi32>, vector<16xi32>, vector<16xi32>], vector<16xf32>,
      %add3A_1892 = arith.constant 9 : i32
      %add3A_1893 = arith.addi %multiple_of3A_1762, %add3A_1892 : i32
      %mul3A_1894 = arith.constant 16 : i32
      %mul3A_1895 = arith.muli %add3A_1893, %mul3A_1894 : i32
      %swap3A_1896 = arith.index_cast %mul3A_1895 : i32 to index
      %swap3A_1897 = tpu.vector_load %arg12[%swap3A_1896] {strides = array<i32>} : memref<8192xf32, #tpu.memory_space<vmem>>, vector<16xf32>,
      tpu.vector_store %arg12[%swap3A_1896], %gather3A_1891 {strides = array<i32>} : memref<8192xf32, #tpu.memory_space<vmem>>, vector<16xf32>,
      %add3A_1898 = arith.constant 160 : i32
      %add3A_1899 = vector.broadcast %add3A_1898 : i32 to vector<16xi32>
      %add3A_1900 = arith.addi %iota3A, %add3A_1899 : vector<16xi32>
      %slice3A_1901 = vector.extract_strided_slice %and3A_1765 {offsets = [10], sizes = [1], strides = [1]} : vector<16xi32> to vector<1xi32>
      %squeeze3A_1902 = vector.extract %slice3A_1901[0] : i32 from vector<1xi32>
      %broadcast_in_dim3A_1903 = vector.broadcast %squeeze3A_1902 : i32 to vector<16xi32>
      %gather3A_1904 = tpu.vector_load_idx %arg11[%broadcast_in_dim3A_1767, %add3A_1900, %broadcast_in_dim3A_1903] : memref<2x256x128xf32, #tpu.memory_space<vmem>>[vector<16xi32>, vector<16xi32>, vector<16xi32>], vector<16xf32>,
      %add3A_1905 = arith.constant 10 : i32
      %add3A_1906 = arith.addi %multiple_of3A_1762, %add3A_1905 : i32
      %mul3A_1907 = arith.constant 16 : i32
      %mul3A_1908 = arith.muli %add3A_1906, %mul3A_1907 : i32
      %swap3A_1909 = arith.index_cast %mul3A_1908 : i32 to index
      %swap3A_1910 = tpu.vector_load %arg12[%swap3A_1909] {strides = array<i32>} : memref<8192xf32, #tpu.memory_space<vmem>>, vector<16xf32>,
      tpu.vector_store %arg12[%swap3A_1909], %gather3A_1904 {strides = array<i32>} : memref<8192xf32, #tpu.memory_space<vmem>>, vector<16xf32>,
      %add3A_1911 = arith.constant 176 : i32
      %add3A_1912 = vector.broadcast %add3A_1911 : i32 to vector<16xi32>
      %add3A_1913 = arith.addi %iota3A, %add3A_1912 : vector<16xi32>
      %slice3A_1914 = vector.extract_strided_slice %and3A_1765 {offsets = [11], sizes = [1], strides = [1]} : vector<16xi32> to vector<1xi32>
      %squeeze3A_1915 = vector.extract %slice3A_1914[0] : i32 from vector<1xi32>
      %broadcast_in_dim3A_1916 = vector.broadcast %squeeze3A_1915 : i32 to vector<16xi32>
      %gather3A_1917 = tpu.vector_load_idx %arg11[%broadcast_in_dim3A_1767, %add3A_1913, %broadcast_in_dim3A_1916] : memref<2x256x128xf32, #tpu.memory_space<vmem>>[vector<16xi32>, vector<16xi32>, vector<16xi32>], vector<16xf32>,
      %add3A_1918 = arith.constant 11 : i32
      %add3A_1919 = arith.addi %multiple_of3A_1762, %add3A_1918 : i32
      %mul3A_1920 = arith.constant 16 : i32
      %mul3A_1921 = arith.muli %add3A_1919, %mul3A_1920 : i32
      %swap3A_1922 = arith.index_cast %mul3A_1921 : i32 to index
      %swap3A_1923 = tpu.vector_load %arg12[%swap3A_1922] {strides = array<i32>} : memref<8192xf32, #tpu.memory_space<vmem>>, vector<16xf32>,
      tpu.vector_store %arg12[%swap3A_1922], %gather3A_1917 {strides = array<i32>} : memref<8192xf32, #tpu.memory_space<vmem>>, vector<16xf32>,
      %add3A_1924 = arith.constant 192 : i32
      %add3A_1925 = vector.broadcast %add3A_1924 : i32 to vector<16xi32>
      %add3A_1926 = arith.addi %iota3A, %add3A_1925 : vector<16xi32>
      %slice3A_1927 = vector.extract_strided_slice %and3A_1765 {offsets = [12], sizes = [1], strides = [1]} : vector<16xi32> to vector<1xi32>
      %squeeze3A_1928 = vector.extract %slice3A_1927[0] : i32 from vector<1xi32>
      %broadcast_in_dim3A_1929 = vector.broadcast %squeeze3A_1928 : i32 to vector<16xi32>
      %gather3A_1930 = tpu.vector_load_idx %arg11[%broadcast_in_dim3A_1767, %add3A_1926, %broadcast_in_dim3A_1929] : memref<2x256x128xf32, #tpu.memory_space<vmem>>[vector<16xi32>, vector<16xi32>, vector<16xi32>], vector<16xf32>,
      %add3A_1931 = arith.constant 12 : i32
      %add3A_1932 = arith.addi %multiple_of3A_1762, %add3A_1931 : i32
      %mul3A_1933 = arith.constant 16 : i32
      %mul3A_1934 = arith.muli %add3A_1932, %mul3A_1933 : i32
      %swap3A_1935 = arith.index_cast %mul3A_1934 : i32 to index
      %swap3A_1936 = tpu.vector_load %arg12[%swap3A_1935] {strides = array<i32>} : memref<8192xf32, #tpu.memory_space<vmem>>, vector<16xf32>,
      tpu.vector_store %arg12[%swap3A_1935], %gather3A_1930 {strides = array<i32>} : memref<8192xf32, #tpu.memory_space<vmem>>, vector<16xf32>,
      %add3A_1937 = arith.constant 208 : i32
      %add3A_1938 = vector.broadcast %add3A_1937 : i32 to vector<16xi32>
      %add3A_1939 = arith.addi %iota3A, %add3A_1938 : vector<16xi32>
      %slice3A_1940 = vector.extract_strided_slice %and3A_1765 {offsets = [13], sizes = [1], strides = [1]} : vector<16xi32> to vector<1xi32>
      %squeeze3A_1941 = vector.extract %slice3A_1940[0] : i32 from vector<1xi32>
      %broadcast_in_dim3A_1942 = vector.broadcast %squeeze3A_1941 : i32 to vector<16xi32>
      %gather3A_1943 = tpu.vector_load_idx %arg11[%broadcast_in_dim3A_1767, %add3A_1939, %broadcast_in_dim3A_1942] : memref<2x256x128xf32, #tpu.memory_space<vmem>>[vector<16xi32>, vector<16xi32>, vector<16xi32>], vector<16xf32>,
      %add3A_1944 = arith.constant 13 : i32
      %add3A_1945 = arith.addi %multiple_of3A_1762, %add3A_1944 : i32
      %mul3A_1946 = arith.constant 16 : i32
      %mul3A_1947 = arith.muli %add3A_1945, %mul3A_1946 : i32
      %swap3A_1948 = arith.index_cast %mul3A_1947 : i32 to index
      %swap3A_1949 = tpu.vector_load %arg12[%swap3A_1948] {strides = array<i32>} : memref<8192xf32, #tpu.memory_space<vmem>>, vector<16xf32>,
      tpu.vector_store %arg12[%swap3A_1948], %gather3A_1943 {strides = array<i32>} : memref<8192xf32, #tpu.memory_space<vmem>>, vector<16xf32>,
      %add3A_1950 = arith.constant 224 : i32
      %add3A_1951 = vector.broadcast %add3A_1950 : i32 to vector<16xi32>
      %add3A_1952 = arith.addi %iota3A, %add3A_1951 : vector<16xi32>
      %slice3A_1953 = vector.extract_strided_slice %and3A_1765 {offsets = [14], sizes = [1], strides = [1]} : vector<16xi32> to vector<1xi32>
      %squeeze3A_1954 = vector.extract %slice3A_1953[0] : i32 from vector<1xi32>
      %broadcast_in_dim3A_1955 = vector.broadcast %squeeze3A_1954 : i32 to vector<16xi32>
      %gather3A_1956 = tpu.vector_load_idx %arg11[%broadcast_in_dim3A_1767, %add3A_1952, %broadcast_in_dim3A_1955] : memref<2x256x128xf32, #tpu.memory_space<vmem>>[vector<16xi32>, vector<16xi32>, vector<16xi32>], vector<16xf32>,
      %add3A_1957 = arith.constant 14 : i32
      %add3A_1958 = arith.addi %multiple_of3A_1762, %add3A_1957 : i32
      %mul3A_1959 = arith.constant 16 : i32
      %mul3A_1960 = arith.muli %add3A_1958, %mul3A_1959 : i32
      %swap3A_1961 = arith.index_cast %mul3A_1960 : i32 to index
      %swap3A_1962 = tpu.vector_load %arg12[%swap3A_1961] {strides = array<i32>} : memref<8192xf32, #tpu.memory_space<vmem>>, vector<16xf32>,
      tpu.vector_store %arg12[%swap3A_1961], %gather3A_1956 {strides = array<i32>} : memref<8192xf32, #tpu.memory_space<vmem>>, vector<16xf32>,
      %add3A_1963 = arith.constant 240 : i32
      %add3A_1964 = vector.broadcast %add3A_1963 : i32 to vector<16xi32>
      %add3A_1965 = arith.addi %iota3A, %add3A_1964 : vector<16xi32>
      %slice3A_1966 = vector.extract_strided_slice %and3A_1765 {offsets = [15], sizes = [1], strides = [1]} : vector<16xi32> to vector<1xi32>
      %squeeze3A_1967 = vector.extract %slice3A_1966[0] : i32 from vector<1xi32>
      %broadcast_in_dim3A_1968 = vector.broadcast %squeeze3A_1967 : i32 to vector<16xi32>
      %gather3A_1969 = tpu.vector_load_idx %arg11[%broadcast_in_dim3A_1767, %add3A_1965, %broadcast_in_dim3A_1968] : memref<2x256x128xf32, #tpu.memory_space<vmem>>[vector<16xi32>, vector<16xi32>, vector<16xi32>], vector<16xf32>,
      %add3A_1970 = arith.constant 15 : i32
      %add3A_1971 = arith.addi %multiple_of3A_1762, %add3A_1970 : i32
      %mul3A_1972 = arith.constant 16 : i32
      %mul3A_1973 = arith.muli %add3A_1971, %mul3A_1972 : i32
      %swap3A_1974 = arith.index_cast %mul3A_1973 : i32 to index
      %swap3A_1975 = tpu.vector_load %arg12[%swap3A_1974] {strides = array<i32>} : memref<8192xf32, #tpu.memory_space<vmem>>, vector<16xf32>,
      tpu.vector_store %arg12[%swap3A_1974], %gather3A_1969 {strides = array<i32>} : memref<8192xf32, #tpu.memory_space<vmem>>, vector<16xf32>,
    }
    %scan3A_326 = arith.constant 16 : i32
    %multiple_of3A_327 = arith.constant 0 : i32
    %multiple_of3A_328 = tpu.assume_multiple %multiple_of3A_327, 16 : i32
    %get3A_329 = arith.index_cast %multiple_of3A_328 : i32 to index
    %get3A_330 = tpu.vector_load %arg10[%get3A_329] {strides = array<i32>} : memref<512xi32, #tpu.memory_space<vmem>>, vector<16xi32>,
    %slice3A_331 = vector.extract_strided_slice %get3A_330 {offsets = [0], sizes = [1], strides = [1]} : vector<16xi32> to vector<1xi32>
    %squeeze3A_332 = vector.extract %slice3A_331[0] : i32 from vector<1xi32>
    %shift_right_logical3A_333 = arith.constant 7 : i32
    %shift_right_logical3A_334 = arith.shrui %squeeze3A_332, %shift_right_logical3A_333 : i32
    %shift_left3A_335 = arith.constant 7 : i32
    %shift_left3A_336 = arith.shli %shift_right_logical3A_334, %shift_left3A_335 : i32
    %multiple_of3A_337 = tpu.assume_multiple %shift_left3A_336, 128 : i32
    %dma_start3A_338 = arith.constant 0 : i32
    %dma_start3A_339 = arith.constant 0 : i32
    %dma_start3A_340 = arith.constant 0 : i32
    %dma_start3A_341 = tpu.memref_slice %arg11[%dma_start3A_338, %dma_start3A_339, %dma_start3A_340] : memref<2x256x128xf32, #tpu.memory_space<vmem>> -> memref<1x16x128xf32, #tpu.memory_space<vmem>>
    %dma_start3A_342 = tpu.memref_squeeze %dma_start3A_341 : memref<1x16x128xf32, #tpu.memory_space<vmem>> -> memref<16x128xf32, #tpu.memory_space<vmem>>
    %dma_start3A_343 = arith.constant 0 : i32
    %dma_start3A_344 = tpu.memref_slice %arg5[%dma_start3A_343, %multiple_of3A_337] : memref<16x1000000xf32, #tpu.memory_space<hbm>> -> memref<16x128xf32, #tpu.memory_space<hbm>>
    %dma_start3A_345 = arith.constant 0 : i32
    %dma_start3A_346 = arith.constant 0 : i32
    %dma_start3A_347 = tpu.memref_slice %arg11[%dma_start3A_338, %dma_start3A_345, %dma_start3A_346] : memref<2x256x128xf32, #tpu.memory_space<vmem>> -> memref<1x16x128xf32, #tpu.memory_space<vmem>>
    %dma_start3A_348 = tpu.memref_squeeze %dma_start3A_347 : memref<1x16x128xf32, #tpu.memory_space<vmem>> -> memref<16x128xf32, #tpu.memory_space<vmem>>
    %dma_start3A_349 = arith.constant 0 : i32
    %dma_start3A_350 = tpu.memref_slice %arg5[%dma_start3A_349, %multiple_of3A_337] : memref<16x1000000xf32, #tpu.memory_space<hbm>> -> memref<16x128xf32, #tpu.memory_space<hbm>>
    tpu.enqueue_dma source(%dma_start3A_350 : memref<16x128xf32, #tpu.memory_space<hbm>>) target(%dma_start3A_348 : memref<16x128xf32, #tpu.memory_space<vmem>>) target_semaphore(%arg17 : memref<!tpu.dma_semaphore, #tpu.memory_space<semaphore_mem>>)
    %slice3A_351 = vector.extract_strided_slice %get3A_330 {offsets = [1], sizes = [1], strides = [1]} : vector<16xi32> to vector<1xi32>
    %squeeze3A_352 = vector.extract %slice3A_351[0] : i32 from vector<1xi32>
    %shift_right_logical3A_353 = arith.constant 7 : i32
    %shift_right_logical3A_354 = arith.shrui %squeeze3A_352, %shift_right_logical3A_353 : i32
    %shift_left3A_355 = arith.constant 7 : i32
    %shift_left3A_356 = arith.shli %shift_right_logical3A_354, %shift_left3A_355 : i32
    %multiple_of3A_357 = tpu.assume_multiple %shift_left3A_356, 128 : i32
    %dma_start3A_358 = arith.constant 0 : i32
    %dma_start3A_359 = arith.constant 16 : i32
    %dma_start3A_360 = arith.constant 0 : i32
    %dma_start3A_361 = tpu.memref_slice %arg11[%dma_start3A_358, %dma_start3A_359, %dma_start3A_360] : memref<2x256x128xf32, #tpu.memory_space<vmem>> -> memref<1x16x128xf32, #tpu.memory_space<vmem>>
    %dma_start3A_362 = tpu.memref_squeeze %dma_start3A_361 : memref<1x16x128xf32, #tpu.memory_space<vmem>> -> memref<16x128xf32, #tpu.memory_space<vmem>>
    %dma_start3A_363 = arith.constant 0 : i32
    %dma_start3A_364 = tpu.memref_slice %arg5[%dma_start3A_363, %multiple_of3A_357] : memref<16x1000000xf32, #tpu.memory_space<hbm>> -> memref<16x128xf32, #tpu.memory_space<hbm>>
    %dma_start3A_365 = arith.constant 16 : i32
    %dma_start3A_366 = arith.constant 0 : i32
    %dma_start3A_367 = tpu.memref_slice %arg11[%dma_start3A_358, %dma_start3A_365, %dma_start3A_366] : memref<2x256x128xf32, #tpu.memory_space<vmem>> -> memref<1x16x128xf32, #tpu.memory_space<vmem>>
    %dma_start3A_368 = tpu.memref_squeeze %dma_start3A_367 : memref<1x16x128xf32, #tpu.memory_space<vmem>> -> memref<16x128xf32, #tpu.memory_space<vmem>>
    %dma_start3A_369 = arith.constant 0 : i32
    %dma_start3A_370 = tpu.memref_slice %arg5[%dma_start3A_369, %multiple_of3A_357] : memref<16x1000000xf32, #tpu.memory_space<hbm>> -> memref<16x128xf32, #tpu.memory_space<hbm>>
    tpu.enqueue_dma source(%dma_start3A_370 : memref<16x128xf32, #tpu.memory_space<hbm>>) target(%dma_start3A_368 : memref<16x128xf32, #tpu.memory_space<vmem>>) target_semaphore(%arg17 : memref<!tpu.dma_semaphore, #tpu.memory_space<semaphore_mem>>)
    %slice3A_371 = vector.extract_strided_slice %get3A_330 {offsets = [2], sizes = [1], strides = [1]} : vector<16xi32> to vector<1xi32>
    %squeeze3A_372 = vector.extract %slice3A_371[0] : i32 from vector<1xi32>
    %shift_right_logical3A_373 = arith.constant 7 : i32
    %shift_right_logical3A_374 = arith.shrui %squeeze3A_372, %shift_right_logical3A_373 : i32
    %shift_left3A_375 = arith.constant 7 : i32
    %shift_left3A_376 = arith.shli %shift_right_logical3A_374, %shift_left3A_375 : i32
    %multiple_of3A_377 = tpu.assume_multiple %shift_left3A_376, 128 : i32
    %dma_start3A_378 = arith.constant 0 : i32
    %dma_start3A_379 = arith.constant 32 : i32
    %dma_start3A_380 = arith.constant 0 : i32
    %dma_start3A_381 = tpu.memref_slice %arg11[%dma_start3A_378, %dma_start3A_379, %dma_start3A_380] : memref<2x256x128xf32, #tpu.memory_space<vmem>> -> memref<1x16x128xf32, #tpu.memory_space<vmem>>
    %dma_start3A_382 = tpu.memref_squeeze %dma_start3A_381 : memref<1x16x128xf32, #tpu.memory_space<vmem>> -> memref<16x128xf32, #tpu.memory_space<vmem>>
    %dma_start3A_383 = arith.constant 0 : i32
    %dma_start3A_384 = tpu.memref_slice %arg5[%dma_start3A_383, %multiple_of3A_377] : memref<16x1000000xf32, #tpu.memory_space<hbm>> -> memref<16x128xf32, #tpu.memory_space<hbm>>
    %dma_start3A_385 = arith.constant 32 : i32
    %dma_start3A_386 = arith.constant 0 : i32
    %dma_start3A_387 = tpu.memref_slice %arg11[%dma_start3A_378, %dma_start3A_385, %dma_start3A_386] : memref<2x256x128xf32, #tpu.memory_space<vmem>> -> memref<1x16x128xf32, #tpu.memory_space<vmem>>
    %dma_start3A_388 = tpu.memref_squeeze %dma_start3A_387 : memref<1x16x128xf32, #tpu.memory_space<vmem>> -> memref<16x128xf32, #tpu.memory_space<vmem>>
    %dma_start3A_389 = arith.constant 0 : i32
    %dma_start3A_390 = tpu.memref_slice %arg5[%dma_start3A_389, %multiple_of3A_377] : memref<16x1000000xf32, #tpu.memory_space<hbm>> -> memref<16x128xf32, #tpu.memory_space<hbm>>
    tpu.enqueue_dma source(%dma_start3A_390 : memref<16x128xf32, #tpu.memory_space<hbm>>) target(%dma_start3A_388 : memref<16x128xf32, #tpu.memory_space<vmem>>) target_semaphore(%arg17 : memref<!tpu.dma_semaphore, #tpu.memory_space<semaphore_mem>>)
    %slice3A_391 = vector.extract_strided_slice %get3A_330 {offsets = [3], sizes = [1], strides = [1]} : vector<16xi32> to vector<1xi32>
    %squeeze3A_392 = vector.extract %slice3A_391[0] : i32 from vector<1xi32>
    %shift_right_logical3A_393 = arith.constant 7 : i32
    %shift_right_logical3A_394 = arith.shrui %squeeze3A_392, %shift_right_logical3A_393 : i32
    %shift_left3A_395 = arith.constant 7 : i32
    %shift_left3A_396 = arith.shli %shift_right_logical3A_394, %shift_left3A_395 : i32
    %multiple_of3A_397 = tpu.assume_multiple %shift_left3A_396, 128 : i32
    %dma_start3A_398 = arith.constant 0 : i32
    %dma_start3A_399 = arith.constant 48 : i32
    %dma_start3A_400 = arith.constant 0 : i32
    %dma_start3A_401 = tpu.memref_slice %arg11[%dma_start3A_398, %dma_start3A_399, %dma_start3A_400] : memref<2x256x128xf32, #tpu.memory_space<vmem>> -> memref<1x16x128xf32, #tpu.memory_space<vmem>>
    %dma_start3A_402 = tpu.memref_squeeze %dma_start3A_401 : memref<1x16x128xf32, #tpu.memory_space<vmem>> -> memref<16x128xf32, #tpu.memory_space<vmem>>
    %dma_start3A_403 = arith.constant 0 : i32
    %dma_start3A_404 = tpu.memref_slice %arg5[%dma_start3A_403, %multiple_of3A_397] : memref<16x1000000xf32, #tpu.memory_space<hbm>> -> memref<16x128xf32, #tpu.memory_space<hbm>>
    %dma_start3A_405 = arith.constant 48 : i32
    %dma_start3A_406 = arith.constant 0 : i32
    %dma_start3A_407 = tpu.memref_slice %arg11[%dma_start3A_398, %dma_start3A_405, %dma_start3A_406] : memref<2x256x128xf32, #tpu.memory_space<vmem>> -> memref<1x16x128xf32, #tpu.memory_space<vmem>>
    %dma_start3A_408 = tpu.memref_squeeze %dma_start3A_407 : memref<1x16x128xf32, #tpu.memory_space<vmem>> -> memref<16x128xf32, #tpu.memory_space<vmem>>
    %dma_start3A_409 = arith.constant 0 : i32
    %dma_start3A_410 = tpu.memref_slice %arg5[%dma_start3A_409, %multiple_of3A_397] : memref<16x1000000xf32, #tpu.memory_space<hbm>> -> memref<16x128xf32, #tpu.memory_space<hbm>>
    tpu.enqueue_dma source(%dma_start3A_410 : memref<16x128xf32, #tpu.memory_space<hbm>>) target(%dma_start3A_408 : memref<16x128xf32, #tpu.memory_space<vmem>>) target_semaphore(%arg17 : memref<!tpu.dma_semaphore, #tpu.memory_space<semaphore_mem>>)
    %slice3A_411 = vector.extract_strided_slice %get3A_330 {offsets = [4], sizes = [1], strides = [1]} : vector<16xi32> to vector<1xi32>
    %squeeze3A_412 = vector.extract %slice3A_411[0] : i32 from vector<1xi32>
    %shift_right_logical3A_413 = arith.constant 7 : i32
    %shift_right_logical3A_414 = arith.shrui %squeeze3A_412, %shift_right_logical3A_413 : i32
    %shift_left3A_415 = arith.constant 7 : i32
    %shift_left3A_416 = arith.shli %shift_right_logical3A_414, %shift_left3A_415 : i32
    %multiple_of3A_417 = tpu.assume_multiple %shift_left3A_416, 128 : i32
    %dma_start3A_418 = arith.constant 0 : i32
    %dma_start3A_419 = arith.constant 64 : i32
    %dma_start3A_420 = arith.constant 0 : i32
    %dma_start3A_421 = tpu.memref_slice %arg11[%dma_start3A_418, %dma_start3A_419, %dma_start3A_420] : memref<2x256x128xf32, #tpu.memory_space<vmem>> -> memref<1x16x128xf32, #tpu.memory_space<vmem>>
    %dma_start3A_422 = tpu.memref_squeeze %dma_start3A_421 : memref<1x16x128xf32, #tpu.memory_space<vmem>> -> memref<16x128xf32, #tpu.memory_space<vmem>>
    %dma_start3A_423 = arith.constant 0 : i32
    %dma_start3A_424 = tpu.memref_slice %arg5[%dma_start3A_423, %multiple_of3A_417] : memref<16x1000000xf32, #tpu.memory_space<hbm>> -> memref<16x128xf32, #tpu.memory_space<hbm>>
    %dma_start3A_425 = arith.constant 64 : i32
    %dma_start3A_426 = arith.constant 0 : i32
    %dma_start3A_427 = tpu.memref_slice %arg11[%dma_start3A_418, %dma_start3A_425, %dma_start3A_426] : memref<2x256x128xf32, #tpu.memory_space<vmem>> -> memref<1x16x128xf32, #tpu.memory_space<vmem>>
    %dma_start3A_428 = tpu.memref_squeeze %dma_start3A_427 : memref<1x16x128xf32, #tpu.memory_space<vmem>> -> memref<16x128xf32, #tpu.memory_space<vmem>>
    %dma_start3A_429 = arith.constant 0 : i32
    %dma_start3A_430 = tpu.memref_slice %arg5[%dma_start3A_429, %multiple_of3A_417] : memref<16x1000000xf32, #tpu.memory_space<hbm>> -> memref<16x128xf32, #tpu.memory_space<hbm>>
    tpu.enqueue_dma source(%dma_start3A_430 : memref<16x128xf32, #tpu.memory_space<hbm>>) target(%dma_start3A_428 : memref<16x128xf32, #tpu.memory_space<vmem>>) target_semaphore(%arg17 : memref<!tpu.dma_semaphore, #tpu.memory_space<semaphore_mem>>)
    %slice3A_431 = vector.extract_strided_slice %get3A_330 {offsets = [5], sizes = [1], strides = [1]} : vector<16xi32> to vector<1xi32>
    %squeeze3A_432 = vector.extract %slice3A_431[0] : i32 from vector<1xi32>
    %shift_right_logical3A_433 = arith.constant 7 : i32
    %shift_right_logical3A_434 = arith.shrui %squeeze3A_432, %shift_right_logical3A_433 : i32
    %shift_left3A_435 = arith.constant 7 : i32
    %shift_left3A_436 = arith.shli %shift_right_logical3A_434, %shift_left3A_435 : i32
    %multiple_of3A_437 = tpu.assume_multiple %shift_left3A_436, 128 : i32
    %dma_start3A_438 = arith.constant 0 : i32
    %dma_start3A_439 = arith.constant 80 : i32
    %dma_start3A_440 = arith.constant 0 : i32
    %dma_start3A_441 = tpu.memref_slice %arg11[%dma_start3A_438, %dma_start3A_439, %dma_start3A_440] : memref<2x256x128xf32, #tpu.memory_space<vmem>> -> memref<1x16x128xf32, #tpu.memory_space<vmem>>
    %dma_start3A_442 = tpu.memref_squeeze %dma_start3A_441 : memref<1x16x128xf32, #tpu.memory_space<vmem>> -> memref<16x128xf32, #tpu.memory_space<vmem>>
    %dma_start3A_443 = arith.constant 0 : i32
    %dma_start3A_444 = tpu.memref_slice %arg5[%dma_start3A_443, %multiple_of3A_437] : memref<16x1000000xf32, #tpu.memory_space<hbm>> -> memref<16x128xf32, #tpu.memory_space<hbm>>
    %dma_start3A_445 = arith.constant 80 : i32
    %dma_start3A_446 = arith.constant 0 : i32
    %dma_start3A_447 = tpu.memref_slice %arg11[%dma_start3A_438, %dma_start3A_445, %dma_start3A_446] : memref<2x256x128xf32, #tpu.memory_space<vmem>> -> memref<1x16x128xf32, #tpu.memory_space<vmem>>
    %dma_start3A_448 = tpu.memref_squeeze %dma_start3A_447 : memref<1x16x128xf32, #tpu.memory_space<vmem>> -> memref<16x128xf32, #tpu.memory_space<vmem>>
    %dma_start3A_449 = arith.constant 0 : i32
    %dma_start3A_450 = tpu.memref_slice %arg5[%dma_start3A_449, %multiple_of3A_437] : memref<16x1000000xf32, #tpu.memory_space<hbm>> -> memref<16x128xf32, #tpu.memory_space<hbm>>
    tpu.enqueue_dma source(%dma_start3A_450 : memref<16x128xf32, #tpu.memory_space<hbm>>) target(%dma_start3A_448 : memref<16x128xf32, #tpu.memory_space<vmem>>) target_semaphore(%arg17 : memref<!tpu.dma_semaphore, #tpu.memory_space<semaphore_mem>>)
    %slice3A_451 = vector.extract_strided_slice %get3A_330 {offsets = [6], sizes = [1], strides = [1]} : vector<16xi32> to vector<1xi32>
    %squeeze3A_452 = vector.extract %slice3A_451[0] : i32 from vector<1xi32>
    %shift_right_logical3A_453 = arith.constant 7 : i32
    %shift_right_logical3A_454 = arith.shrui %squeeze3A_452, %shift_right_logical3A_453 : i32
    %shift_left3A_455 = arith.constant 7 : i32
    %shift_left3A_456 = arith.shli %shift_right_logical3A_454, %shift_left3A_455 : i32
    %multiple_of3A_457 = tpu.assume_multiple %shift_left3A_456, 128 : i32
    %dma_start3A_458 = arith.constant 0 : i32
    %dma_start3A_459 = arith.constant 96 : i32
    %dma_start3A_460 = arith.constant 0 : i32
    %dma_start3A_461 = tpu.memref_slice %arg11[%dma_start3A_458, %dma_start3A_459, %dma_start3A_460] : memref<2x256x128xf32, #tpu.memory_space<vmem>> -> memref<1x16x128xf32, #tpu.memory_space<vmem>>
    %dma_start3A_462 = tpu.memref_squeeze %dma_start3A_461 : memref<1x16x128xf32, #tpu.memory_space<vmem>> -> memref<16x128xf32, #tpu.memory_space<vmem>>
    %dma_start3A_463 = arith.constant 0 : i32
    %dma_start3A_464 = tpu.memref_slice %arg5[%dma_start3A_463, %multiple_of3A_457] : memref<16x1000000xf32, #tpu.memory_space<hbm>> -> memref<16x128xf32, #tpu.memory_space<hbm>>
    %dma_start3A_465 = arith.constant 96 : i32
    %dma_start3A_466 = arith.constant 0 : i32
    %dma_start3A_467 = tpu.memref_slice %arg11[%dma_start3A_458, %dma_start3A_465, %dma_start3A_466] : memref<2x256x128xf32, #tpu.memory_space<vmem>> -> memref<1x16x128xf32, #tpu.memory_space<vmem>>
    %dma_start3A_468 = tpu.memref_squeeze %dma_start3A_467 : memref<1x16x128xf32, #tpu.memory_space<vmem>> -> memref<16x128xf32, #tpu.memory_space<vmem>>
    %dma_start3A_469 = arith.constant 0 : i32
    %dma_start3A_470 = tpu.memref_slice %arg5[%dma_start3A_469, %multiple_of3A_457] : memref<16x1000000xf32, #tpu.memory_space<hbm>> -> memref<16x128xf32, #tpu.memory_space<hbm>>
    tpu.enqueue_dma source(%dma_start3A_470 : memref<16x128xf32, #tpu.memory_space<hbm>>) target(%dma_start3A_468 : memref<16x128xf32, #tpu.memory_space<vmem>>) target_semaphore(%arg17 : memref<!tpu.dma_semaphore, #tpu.memory_space<semaphore_mem>>)
    %slice3A_471 = vector.extract_strided_slice %get3A_330 {offsets = [7], sizes = [1], strides = [1]} : vector<16xi32> to vector<1xi32>
    %squeeze3A_472 = vector.extract %slice3A_471[0] : i32 from vector<1xi32>
    %shift_right_logical3A_473 = arith.constant 7 : i32
    %shift_right_logical3A_474 = arith.shrui %squeeze3A_472, %shift_right_logical3A_473 : i32
    %shift_left3A_475 = arith.constant 7 : i32
    %shift_left3A_476 = arith.shli %shift_right_logical3A_474, %shift_left3A_475 : i32
    %multiple_of3A_477 = tpu.assume_multiple %shift_left3A_476, 128 : i32
    %dma_start3A_478 = arith.constant 0 : i32
    %dma_start3A_479 = arith.constant 112 : i32
    %dma_start3A_480 = arith.constant 0 : i32
    %dma_start3A_481 = tpu.memref_slice %arg11[%dma_start3A_478, %dma_start3A_479, %dma_start3A_480] : memref<2x256x128xf32, #tpu.memory_space<vmem>> -> memref<1x16x128xf32, #tpu.memory_space<vmem>>
    %dma_start3A_482 = tpu.memref_squeeze %dma_start3A_481 : memref<1x16x128xf32, #tpu.memory_space<vmem>> -> memref<16x128xf32, #tpu.memory_space<vmem>>
    %dma_start3A_483 = arith.constant 0 : i32
    %dma_start3A_484 = tpu.memref_slice %arg5[%dma_start3A_483, %multiple_of3A_477] : memref<16x1000000xf32, #tpu.memory_space<hbm>> -> memref<16x128xf32, #tpu.memory_space<hbm>>
    %dma_start3A_485 = arith.constant 112 : i32
    %dma_start3A_486 = arith.constant 0 : i32
    %dma_start3A_487 = tpu.memref_slice %arg11[%dma_start3A_478, %dma_start3A_485, %dma_start3A_486] : memref<2x256x128xf32, #tpu.memory_space<vmem>> -> memref<1x16x128xf32, #tpu.memory_space<vmem>>
    %dma_start3A_488 = tpu.memref_squeeze %dma_start3A_487 : memref<1x16x128xf32, #tpu.memory_space<vmem>> -> memref<16x128xf32, #tpu.memory_space<vmem>>
    %dma_start3A_489 = arith.constant 0 : i32
    %dma_start3A_490 = tpu.memref_slice %arg5[%dma_start3A_489, %multiple_of3A_477] : memref<16x1000000xf32, #tpu.memory_space<hbm>> -> memref<16x128xf32, #tpu.memory_space<hbm>>
    tpu.enqueue_dma source(%dma_start3A_490 : memref<16x128xf32, #tpu.memory_space<hbm>>) target(%dma_start3A_488 : memref<16x128xf32, #tpu.memory_space<vmem>>) target_semaphore(%arg17 : memref<!tpu.dma_semaphore, #tpu.memory_space<semaphore_mem>>)
    %slice3A_491 = vector.extract_strided_slice %get3A_330 {offsets = [8], sizes = [1], strides = [1]} : vector<16xi32> to vector<1xi32>
    %squeeze3A_492 = vector.extract %slice3A_491[0] : i32 from vector<1xi32>
    %shift_right_logical3A_493 = arith.constant 7 : i32
    %shift_right_logical3A_494 = arith.shrui %squeeze3A_492, %shift_right_logical3A_493 : i32
    %shift_left3A_495 = arith.constant 7 : i32
    %shift_left3A_496 = arith.shli %shift_right_logical3A_494, %shift_left3A_495 : i32
    %multiple_of3A_497 = tpu.assume_multiple %shift_left3A_496, 128 : i32
    %dma_start3A_498 = arith.constant 0 : i32
    %dma_start3A_499 = arith.constant 128 : i32
    %dma_start3A_500 = arith.constant 0 : i32
    %dma_start3A_501 = tpu.memref_slice %arg11[%dma_start3A_498, %dma_start3A_499, %dma_start3A_500] : memref<2x256x128xf32, #tpu.memory_space<vmem>> -> memref<1x16x128xf32, #tpu.memory_space<vmem>>
    %dma_start3A_502 = tpu.memref_squeeze %dma_start3A_501 : memref<1x16x128xf32, #tpu.memory_space<vmem>> -> memref<16x128xf32, #tpu.memory_space<vmem>>
    %dma_start3A_503 = arith.constant 0 : i32
    %dma_start3A_504 = tpu.memref_slice %arg5[%dma_start3A_503, %multiple_of3A_497] : memref<16x1000000xf32, #tpu.memory_space<hbm>> -> memref<16x128xf32, #tpu.memory_space<hbm>>
    %dma_start3A_505 = arith.constant 128 : i32
    %dma_start3A_506 = arith.constant 0 : i32
    %dma_start3A_507 = tpu.memref_slice %arg11[%dma_start3A_498, %dma_start3A_505, %dma_start3A_506] : memref<2x256x128xf32, #tpu.memory_space<vmem>> -> memref<1x16x128xf32, #tpu.memory_space<vmem>>
    %dma_start3A_508 = tpu.memref_squeeze %dma_start3A_507 : memref<1x16x128xf32, #tpu.memory_space<vmem>> -> memref<16x128xf32, #tpu.memory_space<vmem>>
    %dma_start3A_509 = arith.constant 0 : i32
    %dma_start3A_510 = tpu.memref_slice %arg5[%dma_start3A_509, %multiple_of3A_497] : memref<16x1000000xf32, #tpu.memory_space<hbm>> -> memref<16x128xf32, #tpu.memory_space<hbm>>
    tpu.enqueue_dma source(%dma_start3A_510 : memref<16x128xf32, #tpu.memory_space<hbm>>) target(%dma_start3A_508 : memref<16x128xf32, #tpu.memory_space<vmem>>) target_semaphore(%arg17 : memref<!tpu.dma_semaphore, #tpu.memory_space<semaphore_mem>>)
    %slice3A_511 = vector.extract_strided_slice %get3A_330 {offsets = [9], sizes = [1], strides = [1]} : vector<16xi32> to vector<1xi32>
    %squeeze3A_512 = vector.extract %slice3A_511[0] : i32 from vector<1xi32>
    %shift_right_logical3A_513 = arith.constant 7 : i32
    %shift_right_logical3A_514 = arith.shrui %squeeze3A_512, %shift_right_logical3A_513 : i32
    %shift_left3A_515 = arith.constant 7 : i32
    %shift_left3A_516 = arith.shli %shift_right_logical3A_514, %shift_left3A_515 : i32
    %multiple_of3A_517 = tpu.assume_multiple %shift_left3A_516, 128 : i32
    %dma_start3A_518 = arith.constant 0 : i32
    %dma_start3A_519 = arith.constant 144 : i32
    %dma_start3A_520 = arith.constant 0 : i32
    %dma_start3A_521 = tpu.memref_slice %arg11[%dma_start3A_518, %dma_start3A_519, %dma_start3A_520] : memref<2x256x128xf32, #tpu.memory_space<vmem>> -> memref<1x16x128xf32, #tpu.memory_space<vmem>>
    %dma_start3A_522 = tpu.memref_squeeze %dma_start3A_521 : memref<1x16x128xf32, #tpu.memory_space<vmem>> -> memref<16x128xf32, #tpu.memory_space<vmem>>
    %dma_start3A_523 = arith.constant 0 : i32
    %dma_start3A_524 = tpu.memref_slice %arg5[%dma_start3A_523, %multiple_of3A_517] : memref<16x1000000xf32, #tpu.memory_space<hbm>> -> memref<16x128xf32, #tpu.memory_space<hbm>>
    %dma_start3A_525 = arith.constant 144 : i32
    %dma_start3A_526 = arith.constant 0 : i32
    %dma_start3A_527 = tpu.memref_slice %arg11[%dma_start3A_518, %dma_start3A_525, %dma_start3A_526] : memref<2x256x128xf32, #tpu.memory_space<vmem>> -> memref<1x16x128xf32, #tpu.memory_space<vmem>>
    %dma_start3A_528 = tpu.memref_squeeze %dma_start3A_527 : memref<1x16x128xf32, #tpu.memory_space<vmem>> -> memref<16x128xf32, #tpu.memory_space<vmem>>
    %dma_start3A_529 = arith.constant 0 : i32
    %dma_start3A_530 = tpu.memref_slice %arg5[%dma_start3A_529, %multiple_of3A_517] : memref<16x1000000xf32, #tpu.memory_space<hbm>> -> memref<16x128xf32, #tpu.memory_space<hbm>>
    tpu.enqueue_dma source(%dma_start3A_530 : memref<16x128xf32, #tpu.memory_space<hbm>>) target(%dma_start3A_528 : memref<16x128xf32, #tpu.memory_space<vmem>>) target_semaphore(%arg17 : memref<!tpu.dma_semaphore, #tpu.memory_space<semaphore_mem>>)
    %slice3A_531 = vector.extract_strided_slice %get3A_330 {offsets = [10], sizes = [1], strides = [1]} : vector<16xi32> to vector<1xi32>
    %squeeze3A_532 = vector.extract %slice3A_531[0] : i32 from vector<1xi32>
    %shift_right_logical3A_533 = arith.constant 7 : i32
    %shift_right_logical3A_534 = arith.shrui %squeeze3A_532, %shift_right_logical3A_533 : i32
    %shift_left3A_535 = arith.constant 7 : i32
    %shift_left3A_536 = arith.shli %shift_right_logical3A_534, %shift_left3A_535 : i32
    %multiple_of3A_537 = tpu.assume_multiple %shift_left3A_536, 128 : i32
    %dma_start3A_538 = arith.constant 0 : i32
    %dma_start3A_539 = arith.constant 160 : i32
    %dma_start3A_540 = arith.constant 0 : i32
    %dma_start3A_541 = tpu.memref_slice %arg11[%dma_start3A_538, %dma_start3A_539, %dma_start3A_540] : memref<2x256x128xf32, #tpu.memory_space<vmem>> -> memref<1x16x128xf32, #tpu.memory_space<vmem>>
    %dma_start3A_542 = tpu.memref_squeeze %dma_start3A_541 : memref<1x16x128xf32, #tpu.memory_space<vmem>> -> memref<16x128xf32, #tpu.memory_space<vmem>>
    %dma_start3A_543 = arith.constant 0 : i32
    %dma_start3A_544 = tpu.memref_slice %arg5[%dma_start3A_543, %multiple_of3A_537] : memref<16x1000000xf32, #tpu.memory_space<hbm>> -> memref<16x128xf32, #tpu.memory_space<hbm>>
    %dma_start3A_545 = arith.constant 160 : i32
    %dma_start3A_546 = arith.constant 0 : i32
    %dma_start3A_547 = tpu.memref_slice %arg11[%dma_start3A_538, %dma_start3A_545, %dma_start3A_546] : memref<2x256x128xf32, #tpu.memory_space<vmem>> -> memref<1x16x128xf32, #tpu.memory_space<vmem>>
    %dma_start3A_548 = tpu.memref_squeeze %dma_start3A_547 : memref<1x16x128xf32, #tpu.memory_space<vmem>> -> memref<16x128xf32, #tpu.memory_space<vmem>>
    %dma_start3A_549 = arith.constant 0 : i32
    %dma_start3A_550 = tpu.memref_slice %arg5[%dma_start3A_549, %multiple_of3A_537] : memref<16x1000000xf32, #tpu.memory_space<hbm>> -> memref<16x128xf32, #tpu.memory_space<hbm>>
    tpu.enqueue_dma source(%dma_start3A_550 : memref<16x128xf32, #tpu.memory_space<hbm>>) target(%dma_start3A_548 : memref<16x128xf32, #tpu.memory_space<vmem>>) target_semaphore(%arg17 : memref<!tpu.dma_semaphore, #tpu.memory_space<semaphore_mem>>)
    %slice3A_551 = vector.extract_strided_slice %get3A_330 {offsets = [11], sizes = [1], strides = [1]} : vector<16xi32> to vector<1xi32>
    %squeeze3A_552 = vector.extract %slice3A_551[0] : i32 from vector<1xi32>
    %shift_right_logical3A_553 = arith.constant 7 : i32
    %shift_right_logical3A_554 = arith.shrui %squeeze3A_552, %shift_right_logical3A_553 : i32
    %shift_left3A_555 = arith.constant 7 : i32
    %shift_left3A_556 = arith.shli %shift_right_logical3A_554, %shift_left3A_555 : i32
    %multiple_of3A_557 = tpu.assume_multiple %shift_left3A_556, 128 : i32
    %dma_start3A_558 = arith.constant 0 : i32
    %dma_start3A_559 = arith.constant 176 : i32
    %dma_start3A_560 = arith.constant 0 : i32
    %dma_start3A_561 = tpu.memref_slice %arg11[%dma_start3A_558, %dma_start3A_559, %dma_start3A_560] : memref<2x256x128xf32, #tpu.memory_space<vmem>> -> memref<1x16x128xf32, #tpu.memory_space<vmem>>
    %dma_start3A_562 = tpu.memref_squeeze %dma_start3A_561 : memref<1x16x128xf32, #tpu.memory_space<vmem>> -> memref<16x128xf32, #tpu.memory_space<vmem>>
    %dma_start3A_563 = arith.constant 0 : i32
    %dma_start3A_564 = tpu.memref_slice %arg5[%dma_start3A_563, %multiple_of3A_557] : memref<16x1000000xf32, #tpu.memory_space<hbm>> -> memref<16x128xf32, #tpu.memory_space<hbm>>
    %dma_start3A_565 = arith.constant 176 : i32
    %dma_start3A_566 = arith.constant 0 : i32
    %dma_start3A_567 = tpu.memref_slice %arg11[%dma_start3A_558, %dma_start3A_565, %dma_start3A_566] : memref<2x256x128xf32, #tpu.memory_space<vmem>> -> memref<1x16x128xf32, #tpu.memory_space<vmem>>
    %dma_start3A_568 = tpu.memref_squeeze %dma_start3A_567 : memref<1x16x128xf32, #tpu.memory_space<vmem>> -> memref<16x128xf32, #tpu.memory_space<vmem>>
    %dma_start3A_569 = arith.constant 0 : i32
    %dma_start3A_570 = tpu.memref_slice %arg5[%dma_start3A_569, %multiple_of3A_557] : memref<16x1000000xf32, #tpu.memory_space<hbm>> -> memref<16x128xf32, #tpu.memory_space<hbm>>
    tpu.enqueue_dma source(%dma_start3A_570 : memref<16x128xf32, #tpu.memory_space<hbm>>) target(%dma_start3A_568 : memref<16x128xf32, #tpu.memory_space<vmem>>) target_semaphore(%arg17 : memref<!tpu.dma_semaphore, #tpu.memory_space<semaphore_mem>>)
    %slice3A_571 = vector.extract_strided_slice %get3A_330 {offsets = [12], sizes = [1], strides = [1]} : vector<16xi32> to vector<1xi32>
    %squeeze3A_572 = vector.extract %slice3A_571[0] : i32 from vector<1xi32>
    %shift_right_logical3A_573 = arith.constant 7 : i32
    %shift_right_logical3A_574 = arith.shrui %squeeze3A_572, %shift_right_logical3A_573 : i32
    %shift_left3A_575 = arith.constant 7 : i32
    %shift_left3A_576 = arith.shli %shift_right_logical3A_574, %shift_left3A_575 : i32
    %multiple_of3A_577 = tpu.assume_multiple %shift_left3A_576, 128 : i32
    %dma_start3A_578 = arith.constant 0 : i32
    %dma_start3A_579 = arith.constant 192 : i32
    %dma_start3A_580 = arith.constant 0 : i32
    %dma_start3A_581 = tpu.memref_slice %arg11[%dma_start3A_578, %dma_start3A_579, %dma_start3A_580] : memref<2x256x128xf32, #tpu.memory_space<vmem>> -> memref<1x16x128xf32, #tpu.memory_space<vmem>>
    %dma_start3A_582 = tpu.memref_squeeze %dma_start3A_581 : memref<1x16x128xf32, #tpu.memory_space<vmem>> -> memref<16x128xf32, #tpu.memory_space<vmem>>
    %dma_start3A_583 = arith.constant 0 : i32
    %dma_start3A_584 = tpu.memref_slice %arg5[%dma_start3A_583, %multiple_of3A_577] : memref<16x1000000xf32, #tpu.memory_space<hbm>> -> memref<16x128xf32, #tpu.memory_space<hbm>>
    %dma_start3A_585 = arith.constant 192 : i32
    %dma_start3A_586 = arith.constant 0 : i32
    %dma_start3A_587 = tpu.memref_slice %arg11[%dma_start3A_578, %dma_start3A_585, %dma_start3A_586] : memref<2x256x128xf32, #tpu.memory_space<vmem>> -> memref<1x16x128xf32, #tpu.memory_space<vmem>>
    %dma_start3A_588 = tpu.memref_squeeze %dma_start3A_587 : memref<1x16x128xf32, #tpu.memory_space<vmem>> -> memref<16x128xf32, #tpu.memory_space<vmem>>
    %dma_start3A_589 = arith.constant 0 : i32
    %dma_start3A_590 = tpu.memref_slice %arg5[%dma_start3A_589, %multiple_of3A_577] : memref<16x1000000xf32, #tpu.memory_space<hbm>> -> memref<16x128xf32, #tpu.memory_space<hbm>>
    tpu.enqueue_dma source(%dma_start3A_590 : memref<16x128xf32, #tpu.memory_space<hbm>>) target(%dma_start3A_588 : memref<16x128xf32, #tpu.memory_space<vmem>>) target_semaphore(%arg17 : memref<!tpu.dma_semaphore, #tpu.memory_space<semaphore_mem>>)
    %slice3A_591 = vector.extract_strided_slice %get3A_330 {offsets = [13], sizes = [1], strides = [1]} : vector<16xi32> to vector<1xi32>
    %squeeze3A_592 = vector.extract %slice3A_591[0] : i32 from vector<1xi32>
    %shift_right_logical3A_593 = arith.constant 7 : i32
    %shift_right_logical3A_594 = arith.shrui %squeeze3A_592, %shift_right_logical3A_593 : i32
    %shift_left3A_595 = arith.constant 7 : i32
    %shift_left3A_596 = arith.shli %shift_right_logical3A_594, %shift_left3A_595 : i32
    %multiple_of3A_597 = tpu.assume_multiple %shift_left3A_596, 128 : i32
    %dma_start3A_598 = arith.constant 0 : i32
    %dma_start3A_599 = arith.constant 208 : i32
    %dma_start3A_600 = arith.constant 0 : i32
    %dma_start3A_601 = tpu.memref_slice %arg11[%dma_start3A_598, %dma_start3A_599, %dma_start3A_600] : memref<2x256x128xf32, #tpu.memory_space<vmem>> -> memref<1x16x128xf32, #tpu.memory_space<vmem>>
    %dma_start3A_602 = tpu.memref_squeeze %dma_start3A_601 : memref<1x16x128xf32, #tpu.memory_space<vmem>> -> memref<16x128xf32, #tpu.memory_space<vmem>>
    %dma_start3A_603 = arith.constant 0 : i32
    %dma_start3A_604 = tpu.memref_slice %arg5[%dma_start3A_603, %multiple_of3A_597] : memref<16x1000000xf32, #tpu.memory_space<hbm>> -> memref<16x128xf32, #tpu.memory_space<hbm>>
    %dma_start3A_605 = arith.constant 208 : i32
    %dma_start3A_606 = arith.constant 0 : i32
    %dma_start3A_607 = tpu.memref_slice %arg11[%dma_start3A_598, %dma_start3A_605, %dma_start3A_606] : memref<2x256x128xf32, #tpu.memory_space<vmem>> -> memref<1x16x128xf32, #tpu.memory_space<vmem>>
    %dma_start3A_608 = tpu.memref_squeeze %dma_start3A_607 : memref<1x16x128xf32, #tpu.memory_space<vmem>> -> memref<16x128xf32, #tpu.memory_space<vmem>>
    %dma_start3A_609 = arith.constant 0 : i32
    %dma_start3A_610 = tpu.memref_slice %arg5[%dma_start3A_609, %multiple_of3A_597] : memref<16x1000000xf32, #tpu.memory_space<hbm>> -> memref<16x128xf32, #tpu.memory_space<hbm>>
    tpu.enqueue_dma source(%dma_start3A_610 : memref<16x128xf32, #tpu.memory_space<hbm>>) target(%dma_start3A_608 : memref<16x128xf32, #tpu.memory_space<vmem>>) target_semaphore(%arg17 : memref<!tpu.dma_semaphore, #tpu.memory_space<semaphore_mem>>)
    %slice3A_611 = vector.extract_strided_slice %get3A_330 {offsets = [14], sizes = [1], strides = [1]} : vector<16xi32> to vector<1xi32>
    %squeeze3A_612 = vector.extract %slice3A_611[0] : i32 from vector<1xi32>
    %shift_right_logical3A_613 = arith.constant 7 : i32
    %shift_right_logical3A_614 = arith.shrui %squeeze3A_612, %shift_right_logical3A_613 : i32
    %shift_left3A_615 = arith.constant 7 : i32
    %shift_left3A_616 = arith.shli %shift_right_logical3A_614, %shift_left3A_615 : i32
    %multiple_of3A_617 = tpu.assume_multiple %shift_left3A_616, 128 : i32
    %dma_start3A_618 = arith.constant 0 : i32
    %dma_start3A_619 = arith.constant 224 : i32
    %dma_start3A_620 = arith.constant 0 : i32
    %dma_start3A_621 = tpu.memref_slice %arg11[%dma_start3A_618, %dma_start3A_619, %dma_start3A_620] : memref<2x256x128xf32, #tpu.memory_space<vmem>> -> memref<1x16x128xf32, #tpu.memory_space<vmem>>
    %dma_start3A_622 = tpu.memref_squeeze %dma_start3A_621 : memref<1x16x128xf32, #tpu.memory_space<vmem>> -> memref<16x128xf32, #tpu.memory_space<vmem>>
    %dma_start3A_623 = arith.constant 0 : i32
    %dma_start3A_624 = tpu.memref_slice %arg5[%dma_start3A_623, %multiple_of3A_617] : memref<16x1000000xf32, #tpu.memory_space<hbm>> -> memref<16x128xf32, #tpu.memory_space<hbm>>
    %dma_start3A_625 = arith.constant 224 : i32
    %dma_start3A_626 = arith.constant 0 : i32
    %dma_start3A_627 = tpu.memref_slice %arg11[%dma_start3A_618, %dma_start3A_625, %dma_start3A_626] : memref<2x256x128xf32, #tpu.memory_space<vmem>> -> memref<1x16x128xf32, #tpu.memory_space<vmem>>
    %dma_start3A_628 = tpu.memref_squeeze %dma_start3A_627 : memref<1x16x128xf32, #tpu.memory_space<vmem>> -> memref<16x128xf32, #tpu.memory_space<vmem>>
    %dma_start3A_629 = arith.constant 0 : i32
    %dma_start3A_630 = tpu.memref_slice %arg5[%dma_start3A_629, %multiple_of3A_617] : memref<16x1000000xf32, #tpu.memory_space<hbm>> -> memref<16x128xf32, #tpu.memory_space<hbm>>
    tpu.enqueue_dma source(%dma_start3A_630 : memref<16x128xf32, #tpu.memory_space<hbm>>) target(%dma_start3A_628 : memref<16x128xf32, #tpu.memory_space<vmem>>) target_semaphore(%arg17 : memref<!tpu.dma_semaphore, #tpu.memory_space<semaphore_mem>>)
    %slice3A_631 = vector.extract_strided_slice %get3A_330 {offsets = [15], sizes = [1], strides = [1]} : vector<16xi32> to vector<1xi32>
    %squeeze3A_632 = vector.extract %slice3A_631[0] : i32 from vector<1xi32>
    %shift_right_logical3A_633 = arith.constant 7 : i32
    %shift_right_logical3A_634 = arith.shrui %squeeze3A_632, %shift_right_logical3A_633 : i32
    %shift_left3A_635 = arith.constant 7 : i32
    %shift_left3A_636 = arith.shli %shift_right_logical3A_634, %shift_left3A_635 : i32
    %multiple_of3A_637 = tpu.assume_multiple %shift_left3A_636, 128 : i32
    %dma_start3A_638 = arith.constant 0 : i32
    %dma_start3A_639 = arith.constant 240 : i32
    %dma_start3A_640 = arith.constant 0 : i32
    %dma_start3A_641 = tpu.memref_slice %arg11[%dma_start3A_638, %dma_start3A_639, %dma_start3A_640] : memref<2x256x128xf32, #tpu.memory_space<vmem>> -> memref<1x16x128xf32, #tpu.memory_space<vmem>>
    %dma_start3A_642 = tpu.memref_squeeze %dma_start3A_641 : memref<1x16x128xf32, #tpu.memory_space<vmem>> -> memref<16x128xf32, #tpu.memory_space<vmem>>
    %dma_start3A_643 = arith.constant 0 : i32
    %dma_start3A_644 = tpu.memref_slice %arg5[%dma_start3A_643, %multiple_of3A_637] : memref<16x1000000xf32, #tpu.memory_space<hbm>> -> memref<16x128xf32, #tpu.memory_space<hbm>>
    %dma_start3A_645 = arith.constant 240 : i32
    %dma_start3A_646 = arith.constant 0 : i32
    %dma_start3A_647 = tpu.memref_slice %arg11[%dma_start3A_638, %dma_start3A_645, %dma_start3A_646] : memref<2x256x128xf32, #tpu.memory_space<vmem>> -> memref<1x16x128xf32, #tpu.memory_space<vmem>>
    %dma_start3A_648 = tpu.memref_squeeze %dma_start3A_647 : memref<1x16x128xf32, #tpu.memory_space<vmem>> -> memref<16x128xf32, #tpu.memory_space<vmem>>
    %dma_start3A_649 = arith.constant 0 : i32
    %dma_start3A_650 = tpu.memref_slice %arg5[%dma_start3A_649, %multiple_of3A_637] : memref<16x1000000xf32, #tpu.memory_space<hbm>> -> memref<16x128xf32, #tpu.memory_space<hbm>>
    tpu.enqueue_dma source(%dma_start3A_650 : memref<16x128xf32, #tpu.memory_space<hbm>>) target(%dma_start3A_648 : memref<16x128xf32, #tpu.memory_space<vmem>>) target_semaphore(%arg17 : memref<!tpu.dma_semaphore, #tpu.memory_space<semaphore_mem>>)
    %scan3A_651 = arith.constant 0 : i32
    %scan3A_652 = arith.constant 0 : i32
    %scan3A_653 = arith.constant 16 : i32
    %scan3A_654 = arith.addi %scan3A_652, %scan3A_653 : i32
    %scan3A_655 = arith.constant 1 : i32
    scf.for %scan3A_734 = %scan3A_652 to %scan3A_654 step %scan3A_655  : i32 {
      %mul3A_735 = arith.constant 2 : i32
      %mul3A_736 = arith.muli %scan3A_734, %mul3A_735 : i32
      %add3A_737 = arith.constant 1 : i32
      %add3A_738 = arith.addi %mul3A_736, %add3A_737 : i32
      %mul3A_739 = arith.constant 16 : i32
      %mul3A_740 = arith.muli %add3A_738, %mul3A_739 : i32
      %multiple_of3A_741 = tpu.assume_multiple %mul3A_740, 16 : i32
      %get3A_742 = arith.index_cast %multiple_of3A_741 : i32 to index
      %get3A_743 = tpu.vector_load %arg10[%get3A_742] {strides = array<i32>} : memref<512xi32, #tpu.memory_space<vmem>>, vector<16xi32>,
      %slice3A_744 = vector.extract_strided_slice %get3A_743 {offsets = [0], sizes = [1], strides = [1]} : vector<16xi32> to vector<1xi32>
      %squeeze3A_745 = vector.extract %slice3A_744[0] : i32 from vector<1xi32>
      %shift_right_logical3A_746 = arith.constant 7 : i32
      %shift_right_logical3A_747 = arith.shrui %squeeze3A_745, %shift_right_logical3A_746 : i32
      %shift_left3A_748 = arith.constant 7 : i32
      %shift_left3A_749 = arith.shli %shift_right_logical3A_747, %shift_left3A_748 : i32
      %multiple_of3A_750 = tpu.assume_multiple %shift_left3A_749, 128 : i32
      %dma_start3A_751 = arith.constant 1 : i32
      %dma_start3A_752 = arith.constant 0 : i32
      %dma_start3A_753 = arith.constant 0 : i32
      %dma_start3A_754 = tpu.memref_slice %arg11[%dma_start3A_751, %dma_start3A_752, %dma_start3A_753] : memref<2x256x128xf32, #tpu.memory_space<vmem>> -> memref<1x16x128xf32, #tpu.memory_space<vmem>>
      %dma_start3A_755 = tpu.memref_squeeze %dma_start3A_754 : memref<1x16x128xf32, #tpu.memory_space<vmem>> -> memref<16x128xf32, #tpu.memory_space<vmem>>
      %dma_start3A_756 = arith.constant 0 : i32
      %dma_start3A_757 = tpu.memref_slice %arg5[%dma_start3A_756, %multiple_of3A_750] : memref<16x1000000xf32, #tpu.memory_space<hbm>> -> memref<16x128xf32, #tpu.memory_space<hbm>>
      %dma_start3A_758 = arith.constant 0 : i32
      %dma_start3A_759 = arith.constant 0 : i32
      %dma_start3A_760 = tpu.memref_slice %arg11[%dma_start3A_751, %dma_start3A_758, %dma_start3A_759] : memref<2x256x128xf32, #tpu.memory_space<vmem>> -> memref<1x16x128xf32, #tpu.memory_space<vmem>>
      %dma_start3A_761 = tpu.memref_squeeze %dma_start3A_760 : memref<1x16x128xf32, #tpu.memory_space<vmem>> -> memref<16x128xf32, #tpu.memory_space<vmem>>
      %dma_start3A_762 = arith.constant 0 : i32
      %dma_start3A_763 = tpu.memref_slice %arg5[%dma_start3A_762, %multiple_of3A_750] : memref<16x1000000xf32, #tpu.memory_space<hbm>> -> memref<16x128xf32, #tpu.memory_space<hbm>>
      tpu.enqueue_dma source(%dma_start3A_763 : memref<16x128xf32, #tpu.memory_space<hbm>>) target(%dma_start3A_761 : memref<16x128xf32, #tpu.memory_space<vmem>>) target_semaphore(%arg18 : memref<!tpu.dma_semaphore, #tpu.memory_space<semaphore_mem>>)
      %slice3A_764 = vector.extract_strided_slice %get3A_743 {offsets = [1], sizes = [1], strides = [1]} : vector<16xi32> to vector<1xi32>
      %squeeze3A_765 = vector.extract %slice3A_764[0] : i32 from vector<1xi32>
      %shift_right_logical3A_766 = arith.constant 7 : i32
      %shift_right_logical3A_767 = arith.shrui %squeeze3A_765, %shift_right_logical3A_766 : i32
      %shift_left3A_768 = arith.constant 7 : i32
      %shift_left3A_769 = arith.shli %shift_right_logical3A_767, %shift_left3A_768 : i32
      %multiple_of3A_770 = tpu.assume_multiple %shift_left3A_769, 128 : i32
      %dma_start3A_771 = arith.constant 1 : i32
      %dma_start3A_772 = arith.constant 16 : i32
      %dma_start3A_773 = arith.constant 0 : i32
      %dma_start3A_774 = tpu.memref_slice %arg11[%dma_start3A_771, %dma_start3A_772, %dma_start3A_773] : memref<2x256x128xf32, #tpu.memory_space<vmem>> -> memref<1x16x128xf32, #tpu.memory_space<vmem>>
      %dma_start3A_775 = tpu.memref_squeeze %dma_start3A_774 : memref<1x16x128xf32, #tpu.memory_space<vmem>> -> memref<16x128xf32, #tpu.memory_space<vmem>>
      %dma_start3A_776 = arith.constant 0 : i32
      %dma_start3A_777 = tpu.memref_slice %arg5[%dma_start3A_776, %multiple_of3A_770] : memref<16x1000000xf32, #tpu.memory_space<hbm>> -> memref<16x128xf32, #tpu.memory_space<hbm>>
      %dma_start3A_778 = arith.constant 16 : i32
      %dma_start3A_779 = arith.constant 0 : i32
      %dma_start3A_780 = tpu.memref_slice %arg11[%dma_start3A_771, %dma_start3A_778, %dma_start3A_779] : memref<2x256x128xf32, #tpu.memory_space<vmem>> -> memref<1x16x128xf32, #tpu.memory_space<vmem>>
      %dma_start3A_781 = tpu.memref_squeeze %dma_start3A_780 : memref<1x16x128xf32, #tpu.memory_space<vmem>> -> memref<16x128xf32, #tpu.memory_space<vmem>>
      %dma_start3A_782 = arith.constant 0 : i32
      %dma_start3A_783 = tpu.memref_slice %arg5[%dma_start3A_782, %multiple_of3A_770] : memref<16x1000000xf32, #tpu.memory_space<hbm>> -> memref<16x128xf32, #tpu.memory_space<hbm>>
      tpu.enqueue_dma source(%dma_start3A_783 : memref<16x128xf32, #tpu.memory_space<hbm>>) target(%dma_start3A_781 : memref<16x128xf32, #tpu.memory_space<vmem>>) target_semaphore(%arg18 : memref<!tpu.dma_semaphore, #tpu.memory_space<semaphore_mem>>)
      %slice3A_784 = vector.extract_strided_slice %get3A_743 {offsets = [2], sizes = [1], strides = [1]} : vector<16xi32> to vector<1xi32>
      %squeeze3A_785 = vector.extract %slice3A_784[0] : i32 from vector<1xi32>
      %shift_right_logical3A_786 = arith.constant 7 : i32
      %shift_right_logical3A_787 = arith.shrui %squeeze3A_785, %shift_right_logical3A_786 : i32
      %shift_left3A_788 = arith.constant 7 : i32
      %shift_left3A_789 = arith.shli %shift_right_logical3A_787, %shift_left3A_788 : i32
      %multiple_of3A_790 = tpu.assume_multiple %shift_left3A_789, 128 : i32
      %dma_start3A_791 = arith.constant 1 : i32
      %dma_start3A_792 = arith.constant 32 : i32
      %dma_start3A_793 = arith.constant 0 : i32
      %dma_start3A_794 = tpu.memref_slice %arg11[%dma_start3A_791, %dma_start3A_792, %dma_start3A_793] : memref<2x256x128xf32, #tpu.memory_space<vmem>> -> memref<1x16x128xf32, #tpu.memory_space<vmem>>
      %dma_start3A_795 = tpu.memref_squeeze %dma_start3A_794 : memref<1x16x128xf32, #tpu.memory_space<vmem>> -> memref<16x128xf32, #tpu.memory_space<vmem>>
      %dma_start3A_796 = arith.constant 0 : i32
      %dma_start3A_797 = tpu.memref_slice %arg5[%dma_start3A_796, %multiple_of3A_790] : memref<16x1000000xf32, #tpu.memory_space<hbm>> -> memref<16x128xf32, #tpu.memory_space<hbm>>
      %dma_start3A_798 = arith.constant 32 : i32
      %dma_start3A_799 = arith.constant 0 : i32
      %dma_start3A_800 = tpu.memref_slice %arg11[%dma_start3A_791, %dma_start3A_798, %dma_start3A_799] : memref<2x256x128xf32, #tpu.memory_space<vmem>> -> memref<1x16x128xf32, #tpu.memory_space<vmem>>
      %dma_start3A_801 = tpu.memref_squeeze %dma_start3A_800 : memref<1x16x128xf32, #tpu.memory_space<vmem>> -> memref<16x128xf32, #tpu.memory_space<vmem>>
      %dma_start3A_802 = arith.constant 0 : i32
      %dma_start3A_803 = tpu.memref_slice %arg5[%dma_start3A_802, %multiple_of3A_790] : memref<16x1000000xf32, #tpu.memory_space<hbm>> -> memref<16x128xf32, #tpu.memory_space<hbm>>
      tpu.enqueue_dma source(%dma_start3A_803 : memref<16x128xf32, #tpu.memory_space<hbm>>) target(%dma_start3A_801 : memref<16x128xf32, #tpu.memory_space<vmem>>) target_semaphore(%arg18 : memref<!tpu.dma_semaphore, #tpu.memory_space<semaphore_mem>>)
      %slice3A_804 = vector.extract_strided_slice %get3A_743 {offsets = [3], sizes = [1], strides = [1]} : vector<16xi32> to vector<1xi32>
      %squeeze3A_805 = vector.extract %slice3A_804[0] : i32 from vector<1xi32>
      %shift_right_logical3A_806 = arith.constant 7 : i32
      %shift_right_logical3A_807 = arith.shrui %squeeze3A_805, %shift_right_logical3A_806 : i32
      %shift_left3A_808 = arith.constant 7 : i32
      %shift_left3A_809 = arith.shli %shift_right_logical3A_807, %shift_left3A_808 : i32
      %multiple_of3A_810 = tpu.assume_multiple %shift_left3A_809, 128 : i32
      %dma_start3A_811 = arith.constant 1 : i32
      %dma_start3A_812 = arith.constant 48 : i32
      %dma_start3A_813 = arith.constant 0 : i32
      %dma_start3A_814 = tpu.memref_slice %arg11[%dma_start3A_811, %dma_start3A_812, %dma_start3A_813] : memref<2x256x128xf32, #tpu.memory_space<vmem>> -> memref<1x16x128xf32, #tpu.memory_space<vmem>>
      %dma_start3A_815 = tpu.memref_squeeze %dma_start3A_814 : memref<1x16x128xf32, #tpu.memory_space<vmem>> -> memref<16x128xf32, #tpu.memory_space<vmem>>
      %dma_start3A_816 = arith.constant 0 : i32
      %dma_start3A_817 = tpu.memref_slice %arg5[%dma_start3A_816, %multiple_of3A_810] : memref<16x1000000xf32, #tpu.memory_space<hbm>> -> memref<16x128xf32, #tpu.memory_space<hbm>>
      %dma_start3A_818 = arith.constant 48 : i32
      %dma_start3A_819 = arith.constant 0 : i32
      %dma_start3A_820 = tpu.memref_slice %arg11[%dma_start3A_811, %dma_start3A_818, %dma_start3A_819] : memref<2x256x128xf32, #tpu.memory_space<vmem>> -> memref<1x16x128xf32, #tpu.memory_space<vmem>>
      %dma_start3A_821 = tpu.memref_squeeze %dma_start3A_820 : memref<1x16x128xf32, #tpu.memory_space<vmem>> -> memref<16x128xf32, #tpu.memory_space<vmem>>
      %dma_start3A_822 = arith.constant 0 : i32
      %dma_start3A_823 = tpu.memref_slice %arg5[%dma_start3A_822, %multiple_of3A_810] : memref<16x1000000xf32, #tpu.memory_space<hbm>> -> memref<16x128xf32, #tpu.memory_space<hbm>>
      tpu.enqueue_dma source(%dma_start3A_823 : memref<16x128xf32, #tpu.memory_space<hbm>>) target(%dma_start3A_821 : memref<16x128xf32, #tpu.memory_space<vmem>>) target_semaphore(%arg18 : memref<!tpu.dma_semaphore, #tpu.memory_space<semaphore_mem>>)
      %slice3A_824 = vector.extract_strided_slice %get3A_743 {offsets = [4], sizes = [1], strides = [1]} : vector<16xi32> to vector<1xi32>
      %squeeze3A_825 = vector.extract %slice3A_824[0] : i32 from vector<1xi32>
      %shift_right_logical3A_826 = arith.constant 7 : i32
      %shift_right_logical3A_827 = arith.shrui %squeeze3A_825, %shift_right_logical3A_826 : i32
      %shift_left3A_828 = arith.constant 7 : i32
      %shift_left3A_829 = arith.shli %shift_right_logical3A_827, %shift_left3A_828 : i32
      %multiple_of3A_830 = tpu.assume_multiple %shift_left3A_829, 128 : i32
      %dma_start3A_831 = arith.constant 1 : i32
      %dma_start3A_832 = arith.constant 64 : i32
      %dma_start3A_833 = arith.constant 0 : i32
      %dma_start3A_834 = tpu.memref_slice %arg11[%dma_start3A_831, %dma_start3A_832, %dma_start3A_833] : memref<2x256x128xf32, #tpu.memory_space<vmem>> -> memref<1x16x128xf32, #tpu.memory_space<vmem>>
      %dma_start3A_835 = tpu.memref_squeeze %dma_start3A_834 : memref<1x16x128xf32, #tpu.memory_space<vmem>> -> memref<16x128xf32, #tpu.memory_space<vmem>>
      %dma_start3A_836 = arith.constant 0 : i32
      %dma_start3A_837 = tpu.memref_slice %arg5[%dma_start3A_836, %multiple_of3A_830] : memref<16x1000000xf32, #tpu.memory_space<hbm>> -> memref<16x128xf32, #tpu.memory_space<hbm>>
      %dma_start3A_838 = arith.constant 64 : i32
      %dma_start3A_839 = arith.constant 0 : i32
      %dma_start3A_840 = tpu.memref_slice %arg11[%dma_start3A_831, %dma_start3A_838, %dma_start3A_839] : memref<2x256x128xf32, #tpu.memory_space<vmem>> -> memref<1x16x128xf32, #tpu.memory_space<vmem>>
      %dma_start3A_841 = tpu.memref_squeeze %dma_start3A_840 : memref<1x16x128xf32, #tpu.memory_space<vmem>> -> memref<16x128xf32, #tpu.memory_space<vmem>>
      %dma_start3A_842 = arith.constant 0 : i32
      %dma_start3A_843 = tpu.memref_slice %arg5[%dma_start3A_842, %multiple_of3A_830] : memref<16x1000000xf32, #tpu.memory_space<hbm>> -> memref<16x128xf32, #tpu.memory_space<hbm>>
      tpu.enqueue_dma source(%dma_start3A_843 : memref<16x128xf32, #tpu.memory_space<hbm>>) target(%dma_start3A_841 : memref<16x128xf32, #tpu.memory_space<vmem>>) target_semaphore(%arg18 : memref<!tpu.dma_semaphore, #tpu.memory_space<semaphore_mem>>)
      %slice3A_844 = vector.extract_strided_slice %get3A_743 {offsets = [5], sizes = [1], strides = [1]} : vector<16xi32> to vector<1xi32>
      %squeeze3A_845 = vector.extract %slice3A_844[0] : i32 from vector<1xi32>
      %shift_right_logical3A_846 = arith.constant 7 : i32
      %shift_right_logical3A_847 = arith.shrui %squeeze3A_845, %shift_right_logical3A_846 : i32
      %shift_left3A_848 = arith.constant 7 : i32
      %shift_left3A_849 = arith.shli %shift_right_logical3A_847, %shift_left3A_848 : i32
      %multiple_of3A_850 = tpu.assume_multiple %shift_left3A_849, 128 : i32
      %dma_start3A_851 = arith.constant 1 : i32
      %dma_start3A_852 = arith.constant 80 : i32
      %dma_start3A_853 = arith.constant 0 : i32
      %dma_start3A_854 = tpu.memref_slice %arg11[%dma_start3A_851, %dma_start3A_852, %dma_start3A_853] : memref<2x256x128xf32, #tpu.memory_space<vmem>> -> memref<1x16x128xf32, #tpu.memory_space<vmem>>
      %dma_start3A_855 = tpu.memref_squeeze %dma_start3A_854 : memref<1x16x128xf32, #tpu.memory_space<vmem>> -> memref<16x128xf32, #tpu.memory_space<vmem>>
      %dma_start3A_856 = arith.constant 0 : i32
      %dma_start3A_857 = tpu.memref_slice %arg5[%dma_start3A_856, %multiple_of3A_850] : memref<16x1000000xf32, #tpu.memory_space<hbm>> -> memref<16x128xf32, #tpu.memory_space<hbm>>
      %dma_start3A_858 = arith.constant 80 : i32
      %dma_start3A_859 = arith.constant 0 : i32
      %dma_start3A_860 = tpu.memref_slice %arg11[%dma_start3A_851, %dma_start3A_858, %dma_start3A_859] : memref<2x256x128xf32, #tpu.memory_space<vmem>> -> memref<1x16x128xf32, #tpu.memory_space<vmem>>
      %dma_start3A_861 = tpu.memref_squeeze %dma_start3A_860 : memref<1x16x128xf32, #tpu.memory_space<vmem>> -> memref<16x128xf32, #tpu.memory_space<vmem>>
      %dma_start3A_862 = arith.constant 0 : i32
      %dma_start3A_863 = tpu.memref_slice %arg5[%dma_start3A_862, %multiple_of3A_850] : memref<16x1000000xf32, #tpu.memory_space<hbm>> -> memref<16x128xf32, #tpu.memory_space<hbm>>
      tpu.enqueue_dma source(%dma_start3A_863 : memref<16x128xf32, #tpu.memory_space<hbm>>) target(%dma_start3A_861 : memref<16x128xf32, #tpu.memory_space<vmem>>) target_semaphore(%arg18 : memref<!tpu.dma_semaphore, #tpu.memory_space<semaphore_mem>>)
      %slice3A_864 = vector.extract_strided_slice %get3A_743 {offsets = [6], sizes = [1], strides = [1]} : vector<16xi32> to vector<1xi32>
      %squeeze3A_865 = vector.extract %slice3A_864[0] : i32 from vector<1xi32>
      %shift_right_logical3A_866 = arith.constant 7 : i32
      %shift_right_logical3A_867 = arith.shrui %squeeze3A_865, %shift_right_logical3A_866 : i32
      %shift_left3A_868 = arith.constant 7 : i32
      %shift_left3A_869 = arith.shli %shift_right_logical3A_867, %shift_left3A_868 : i32
      %multiple_of3A_870 = tpu.assume_multiple %shift_left3A_869, 128 : i32
      %dma_start3A_871 = arith.constant 1 : i32
      %dma_start3A_872 = arith.constant 96 : i32
      %dma_start3A_873 = arith.constant 0 : i32
      %dma_start3A_874 = tpu.memref_slice %arg11[%dma_start3A_871, %dma_start3A_872, %dma_start3A_873] : memref<2x256x128xf32, #tpu.memory_space<vmem>> -> memref<1x16x128xf32, #tpu.memory_space<vmem>>
      %dma_start3A_875 = tpu.memref_squeeze %dma_start3A_874 : memref<1x16x128xf32, #tpu.memory_space<vmem>> -> memref<16x128xf32, #tpu.memory_space<vmem>>
      %dma_start3A_876 = arith.constant 0 : i32
      %dma_start3A_877 = tpu.memref_slice %arg5[%dma_start3A_876, %multiple_of3A_870] : memref<16x1000000xf32, #tpu.memory_space<hbm>> -> memref<16x128xf32, #tpu.memory_space<hbm>>
      %dma_start3A_878 = arith.constant 96 : i32
      %dma_start3A_879 = arith.constant 0 : i32
      %dma_start3A_880 = tpu.memref_slice %arg11[%dma_start3A_871, %dma_start3A_878, %dma_start3A_879] : memref<2x256x128xf32, #tpu.memory_space<vmem>> -> memref<1x16x128xf32, #tpu.memory_space<vmem>>
      %dma_start3A_881 = tpu.memref_squeeze %dma_start3A_880 : memref<1x16x128xf32, #tpu.memory_space<vmem>> -> memref<16x128xf32, #tpu.memory_space<vmem>>
      %dma_start3A_882 = arith.constant 0 : i32
      %dma_start3A_883 = tpu.memref_slice %arg5[%dma_start3A_882, %multiple_of3A_870] : memref<16x1000000xf32, #tpu.memory_space<hbm>> -> memref<16x128xf32, #tpu.memory_space<hbm>>
      tpu.enqueue_dma source(%dma_start3A_883 : memref<16x128xf32, #tpu.memory_space<hbm>>) target(%dma_start3A_881 : memref<16x128xf32, #tpu.memory_space<vmem>>) target_semaphore(%arg18 : memref<!tpu.dma_semaphore, #tpu.memory_space<semaphore_mem>>)
      %slice3A_884 = vector.extract_strided_slice %get3A_743 {offsets = [7], sizes = [1], strides = [1]} : vector<16xi32> to vector<1xi32>
      %squeeze3A_885 = vector.extract %slice3A_884[0] : i32 from vector<1xi32>
      %shift_right_logical3A_886 = arith.constant 7 : i32
      %shift_right_logical3A_887 = arith.shrui %squeeze3A_885, %shift_right_logical3A_886 : i32
      %shift_left3A_888 = arith.constant 7 : i32
      %shift_left3A_889 = arith.shli %shift_right_logical3A_887, %shift_left3A_888 : i32
      %multiple_of3A_890 = tpu.assume_multiple %shift_left3A_889, 128 : i32
      %dma_start3A_891 = arith.constant 1 : i32
      %dma_start3A_892 = arith.constant 112 : i32
      %dma_start3A_893 = arith.constant 0 : i32
      %dma_start3A_894 = tpu.memref_slice %arg11[%dma_start3A_891, %dma_start3A_892, %dma_start3A_893] : memref<2x256x128xf32, #tpu.memory_space<vmem>> -> memref<1x16x128xf32, #tpu.memory_space<vmem>>
      %dma_start3A_895 = tpu.memref_squeeze %dma_start3A_894 : memref<1x16x128xf32, #tpu.memory_space<vmem>> -> memref<16x128xf32, #tpu.memory_space<vmem>>
      %dma_start3A_896 = arith.constant 0 : i32
      %dma_start3A_897 = tpu.memref_slice %arg5[%dma_start3A_896, %multiple_of3A_890] : memref<16x1000000xf32, #tpu.memory_space<hbm>> -> memref<16x128xf32, #tpu.memory_space<hbm>>
      %dma_start3A_898 = arith.constant 112 : i32
      %dma_start3A_899 = arith.constant 0 : i32
      %dma_start3A_900 = tpu.memref_slice %arg11[%dma_start3A_891, %dma_start3A_898, %dma_start3A_899] : memref<2x256x128xf32, #tpu.memory_space<vmem>> -> memref<1x16x128xf32, #tpu.memory_space<vmem>>
      %dma_start3A_901 = tpu.memref_squeeze %dma_start3A_900 : memref<1x16x128xf32, #tpu.memory_space<vmem>> -> memref<16x128xf32, #tpu.memory_space<vmem>>
      %dma_start3A_902 = arith.constant 0 : i32
      %dma_start3A_903 = tpu.memref_slice %arg5[%dma_start3A_902, %multiple_of3A_890] : memref<16x1000000xf32, #tpu.memory_space<hbm>> -> memref<16x128xf32, #tpu.memory_space<hbm>>
      tpu.enqueue_dma source(%dma_start3A_903 : memref<16x128xf32, #tpu.memory_space<hbm>>) target(%dma_start3A_901 : memref<16x128xf32, #tpu.memory_space<vmem>>) target_semaphore(%arg18 : memref<!tpu.dma_semaphore, #tpu.memory_space<semaphore_mem>>)
      %slice3A_904 = vector.extract_strided_slice %get3A_743 {offsets = [8], sizes = [1], strides = [1]} : vector<16xi32> to vector<1xi32>
      %squeeze3A_905 = vector.extract %slice3A_904[0] : i32 from vector<1xi32>
      %shift_right_logical3A_906 = arith.constant 7 : i32
      %shift_right_logical3A_907 = arith.shrui %squeeze3A_905, %shift_right_logical3A_906 : i32
      %shift_left3A_908 = arith.constant 7 : i32
      %shift_left3A_909 = arith.shli %shift_right_logical3A_907, %shift_left3A_908 : i32
      %multiple_of3A_910 = tpu.assume_multiple %shift_left3A_909, 128 : i32
      %dma_start3A_911 = arith.constant 1 : i32
      %dma_start3A_912 = arith.constant 128 : i32
      %dma_start3A_913 = arith.constant 0 : i32
      %dma_start3A_914 = tpu.memref_slice %arg11[%dma_start3A_911, %dma_start3A_912, %dma_start3A_913] : memref<2x256x128xf32, #tpu.memory_space<vmem>> -> memref<1x16x128xf32, #tpu.memory_space<vmem>>
      %dma_start3A_915 = tpu.memref_squeeze %dma_start3A_914 : memref<1x16x128xf32, #tpu.memory_space<vmem>> -> memref<16x128xf32, #tpu.memory_space<vmem>>
      %dma_start3A_916 = arith.constant 0 : i32
      %dma_start3A_917 = tpu.memref_slice %arg5[%dma_start3A_916, %multiple_of3A_910] : memref<16x1000000xf32, #tpu.memory_space<hbm>> -> memref<16x128xf32, #tpu.memory_space<hbm>>
      %dma_start3A_918 = arith.constant 128 : i32
      %dma_start3A_919 = arith.constant 0 : i32
      %dma_start3A_920 = tpu.memref_slice %arg11[%dma_start3A_911, %dma_start3A_918, %dma_start3A_919] : memref<2x256x128xf32, #tpu.memory_space<vmem>> -> memref<1x16x128xf32, #tpu.memory_space<vmem>>
      %dma_start3A_921 = tpu.memref_squeeze %dma_start3A_920 : memref<1x16x128xf32, #tpu.memory_space<vmem>> -> memref<16x128xf32, #tpu.memory_space<vmem>>
      %dma_start3A_922 = arith.constant 0 : i32
      %dma_start3A_923 = tpu.memref_slice %arg5[%dma_start3A_922, %multiple_of3A_910] : memref<16x1000000xf32, #tpu.memory_space<hbm>> -> memref<16x128xf32, #tpu.memory_space<hbm>>
      tpu.enqueue_dma source(%dma_start3A_923 : memref<16x128xf32, #tpu.memory_space<hbm>>) target(%dma_start3A_921 : memref<16x128xf32, #tpu.memory_space<vmem>>) target_semaphore(%arg18 : memref<!tpu.dma_semaphore, #tpu.memory_space<semaphore_mem>>)
      %slice3A_924 = vector.extract_strided_slice %get3A_743 {offsets = [9], sizes = [1], strides = [1]} : vector<16xi32> to vector<1xi32>
      %squeeze3A_925 = vector.extract %slice3A_924[0] : i32 from vector<1xi32>
      %shift_right_logical3A_926 = arith.constant 7 : i32
      %shift_right_logical3A_927 = arith.shrui %squeeze3A_925, %shift_right_logical3A_926 : i32
      %shift_left3A_928 = arith.constant 7 : i32
      %shift_left3A_929 = arith.shli %shift_right_logical3A_927, %shift_left3A_928 : i32
      %multiple_of3A_930 = tpu.assume_multiple %shift_left3A_929, 128 : i32
      %dma_start3A_931 = arith.constant 1 : i32
      %dma_start3A_932 = arith.constant 144 : i32
      %dma_start3A_933 = arith.constant 0 : i32
      %dma_start3A_934 = tpu.memref_slice %arg11[%dma_start3A_931, %dma_start3A_932, %dma_start3A_933] : memref<2x256x128xf32, #tpu.memory_space<vmem>> -> memref<1x16x128xf32, #tpu.memory_space<vmem>>
      %dma_start3A_935 = tpu.memref_squeeze %dma_start3A_934 : memref<1x16x128xf32, #tpu.memory_space<vmem>> -> memref<16x128xf32, #tpu.memory_space<vmem>>
      %dma_start3A_936 = arith.constant 0 : i32
      %dma_start3A_937 = tpu.memref_slice %arg5[%dma_start3A_936, %multiple_of3A_930] : memref<16x1000000xf32, #tpu.memory_space<hbm>> -> memref<16x128xf32, #tpu.memory_space<hbm>>
      %dma_start3A_938 = arith.constant 144 : i32
      %dma_start3A_939 = arith.constant 0 : i32
      %dma_start3A_940 = tpu.memref_slice %arg11[%dma_start3A_931, %dma_start3A_938, %dma_start3A_939] : memref<2x256x128xf32, #tpu.memory_space<vmem>> -> memref<1x16x128xf32, #tpu.memory_space<vmem>>
      %dma_start3A_941 = tpu.memref_squeeze %dma_start3A_940 : memref<1x16x128xf32, #tpu.memory_space<vmem>> -> memref<16x128xf32, #tpu.memory_space<vmem>>
      %dma_start3A_942 = arith.constant 0 : i32
      %dma_start3A_943 = tpu.memref_slice %arg5[%dma_start3A_942, %multiple_of3A_930] : memref<16x1000000xf32, #tpu.memory_space<hbm>> -> memref<16x128xf32, #tpu.memory_space<hbm>>
      tpu.enqueue_dma source(%dma_start3A_943 : memref<16x128xf32, #tpu.memory_space<hbm>>) target(%dma_start3A_941 : memref<16x128xf32, #tpu.memory_space<vmem>>) target_semaphore(%arg18 : memref<!tpu.dma_semaphore, #tpu.memory_space<semaphore_mem>>)
      %slice3A_944 = vector.extract_strided_slice %get3A_743 {offsets = [10], sizes = [1], strides = [1]} : vector<16xi32> to vector<1xi32>
      %squeeze3A_945 = vector.extract %slice3A_944[0] : i32 from vector<1xi32>
      %shift_right_logical3A_946 = arith.constant 7 : i32
      %shift_right_logical3A_947 = arith.shrui %squeeze3A_945, %shift_right_logical3A_946 : i32
      %shift_left3A_948 = arith.constant 7 : i32
      %shift_left3A_949 = arith.shli %shift_right_logical3A_947, %shift_left3A_948 : i32
      %multiple_of3A_950 = tpu.assume_multiple %shift_left3A_949, 128 : i32
      %dma_start3A_951 = arith.constant 1 : i32
      %dma_start3A_952 = arith.constant 160 : i32
      %dma_start3A_953 = arith.constant 0 : i32
      %dma_start3A_954 = tpu.memref_slice %arg11[%dma_start3A_951, %dma_start3A_952, %dma_start3A_953] : memref<2x256x128xf32, #tpu.memory_space<vmem>> -> memref<1x16x128xf32, #tpu.memory_space<vmem>>
      %dma_start3A_955 = tpu.memref_squeeze %dma_start3A_954 : memref<1x16x128xf32, #tpu.memory_space<vmem>> -> memref<16x128xf32, #tpu.memory_space<vmem>>
      %dma_start3A_956 = arith.constant 0 : i32
      %dma_start3A_957 = tpu.memref_slice %arg5[%dma_start3A_956, %multiple_of3A_950] : memref<16x1000000xf32, #tpu.memory_space<hbm>> -> memref<16x128xf32, #tpu.memory_space<hbm>>
      %dma_start3A_958 = arith.constant 160 : i32
      %dma_start3A_959 = arith.constant 0 : i32
      %dma_start3A_960 = tpu.memref_slice %arg11[%dma_start3A_951, %dma_start3A_958, %dma_start3A_959] : memref<2x256x128xf32, #tpu.memory_space<vmem>> -> memref<1x16x128xf32, #tpu.memory_space<vmem>>
      %dma_start3A_961 = tpu.memref_squeeze %dma_start3A_960 : memref<1x16x128xf32, #tpu.memory_space<vmem>> -> memref<16x128xf32, #tpu.memory_space<vmem>>
      %dma_start3A_962 = arith.constant 0 : i32
      %dma_start3A_963 = tpu.memref_slice %arg5[%dma_start3A_962, %multiple_of3A_950] : memref<16x1000000xf32, #tpu.memory_space<hbm>> -> memref<16x128xf32, #tpu.memory_space<hbm>>
      tpu.enqueue_dma source(%dma_start3A_963 : memref<16x128xf32, #tpu.memory_space<hbm>>) target(%dma_start3A_961 : memref<16x128xf32, #tpu.memory_space<vmem>>) target_semaphore(%arg18 : memref<!tpu.dma_semaphore, #tpu.memory_space<semaphore_mem>>)
      %slice3A_964 = vector.extract_strided_slice %get3A_743 {offsets = [11], sizes = [1], strides = [1]} : vector<16xi32> to vector<1xi32>
      %squeeze3A_965 = vector.extract %slice3A_964[0] : i32 from vector<1xi32>
      %shift_right_logical3A_966 = arith.constant 7 : i32
      %shift_right_logical3A_967 = arith.shrui %squeeze3A_965, %shift_right_logical3A_966 : i32
      %shift_left3A_968 = arith.constant 7 : i32
      %shift_left3A_969 = arith.shli %shift_right_logical3A_967, %shift_left3A_968 : i32
      %multiple_of3A_970 = tpu.assume_multiple %shift_left3A_969, 128 : i32
      %dma_start3A_971 = arith.constant 1 : i32
      %dma_start3A_972 = arith.constant 176 : i32
      %dma_start3A_973 = arith.constant 0 : i32
      %dma_start3A_974 = tpu.memref_slice %arg11[%dma_start3A_971, %dma_start3A_972, %dma_start3A_973] : memref<2x256x128xf32, #tpu.memory_space<vmem>> -> memref<1x16x128xf32, #tpu.memory_space<vmem>>
      %dma_start3A_975 = tpu.memref_squeeze %dma_start3A_974 : memref<1x16x128xf32, #tpu.memory_space<vmem>> -> memref<16x128xf32, #tpu.memory_space<vmem>>
      %dma_start3A_976 = arith.constant 0 : i32
      %dma_start3A_977 = tpu.memref_slice %arg5[%dma_start3A_976, %multiple_of3A_970] : memref<16x1000000xf32, #tpu.memory_space<hbm>> -> memref<16x128xf32, #tpu.memory_space<hbm>>
      %dma_start3A_978 = arith.constant 176 : i32
      %dma_start3A_979 = arith.constant 0 : i32
      %dma_start3A_980 = tpu.memref_slice %arg11[%dma_start3A_971, %dma_start3A_978, %dma_start3A_979] : memref<2x256x128xf32, #tpu.memory_space<vmem>> -> memref<1x16x128xf32, #tpu.memory_space<vmem>>
      %dma_start3A_981 = tpu.memref_squeeze %dma_start3A_980 : memref<1x16x128xf32, #tpu.memory_space<vmem>> -> memref<16x128xf32, #tpu.memory_space<vmem>>
      %dma_start3A_982 = arith.constant 0 : i32
      %dma_start3A_983 = tpu.memref_slice %arg5[%dma_start3A_982, %multiple_of3A_970] : memref<16x1000000xf32, #tpu.memory_space<hbm>> -> memref<16x128xf32, #tpu.memory_space<hbm>>
      tpu.enqueue_dma source(%dma_start3A_983 : memref<16x128xf32, #tpu.memory_space<hbm>>) target(%dma_start3A_981 : memref<16x128xf32, #tpu.memory_space<vmem>>) target_semaphore(%arg18 : memref<!tpu.dma_semaphore, #tpu.memory_space<semaphore_mem>>)
      %slice3A_984 = vector.extract_strided_slice %get3A_743 {offsets = [12], sizes = [1], strides = [1]} : vector<16xi32> to vector<1xi32>
      %squeeze3A_985 = vector.extract %slice3A_984[0] : i32 from vector<1xi32>
      %shift_right_logical3A_986 = arith.constant 7 : i32
      %shift_right_logical3A_987 = arith.shrui %squeeze3A_985, %shift_right_logical3A_986 : i32
      %shift_left3A_988 = arith.constant 7 : i32
      %shift_left3A_989 = arith.shli %shift_right_logical3A_987, %shift_left3A_988 : i32
      %multiple_of3A_990 = tpu.assume_multiple %shift_left3A_989, 128 : i32
      %dma_start3A_991 = arith.constant 1 : i32
      %dma_start3A_992 = arith.constant 192 : i32
      %dma_start3A_993 = arith.constant 0 : i32
      %dma_start3A_994 = tpu.memref_slice %arg11[%dma_start3A_991, %dma_start3A_992, %dma_start3A_993] : memref<2x256x128xf32, #tpu.memory_space<vmem>> -> memref<1x16x128xf32, #tpu.memory_space<vmem>>
      %dma_start3A_995 = tpu.memref_squeeze %dma_start3A_994 : memref<1x16x128xf32, #tpu.memory_space<vmem>> -> memref<16x128xf32, #tpu.memory_space<vmem>>
      %dma_start3A_996 = arith.constant 0 : i32
      %dma_start3A_997 = tpu.memref_slice %arg5[%dma_start3A_996, %multiple_of3A_990] : memref<16x1000000xf32, #tpu.memory_space<hbm>> -> memref<16x128xf32, #tpu.memory_space<hbm>>
      %dma_start3A_998 = arith.constant 192 : i32
      %dma_start3A_999 = arith.constant 0 : i32
      %dma_start3A_1000 = tpu.memref_slice %arg11[%dma_start3A_991, %dma_start3A_998, %dma_start3A_999] : memref<2x256x128xf32, #tpu.memory_space<vmem>> -> memref<1x16x128xf32, #tpu.memory_space<vmem>>
      %dma_start3A_1001 = tpu.memref_squeeze %dma_start3A_1000 : memref<1x16x128xf32, #tpu.memory_space<vmem>> -> memref<16x128xf32, #tpu.memory_space<vmem>>
      %dma_start3A_1002 = arith.constant 0 : i32
      %dma_start3A_1003 = tpu.memref_slice %arg5[%dma_start3A_1002, %multiple_of3A_990] : memref<16x1000000xf32, #tpu.memory_space<hbm>> -> memref<16x128xf32, #tpu.memory_space<hbm>>
      tpu.enqueue_dma source(%dma_start3A_1003 : memref<16x128xf32, #tpu.memory_space<hbm>>) target(%dma_start3A_1001 : memref<16x128xf32, #tpu.memory_space<vmem>>) target_semaphore(%arg18 : memref<!tpu.dma_semaphore, #tpu.memory_space<semaphore_mem>>)
      %slice3A_1004 = vector.extract_strided_slice %get3A_743 {offsets = [13], sizes = [1], strides = [1]} : vector<16xi32> to vector<1xi32>
      %squeeze3A_1005 = vector.extract %slice3A_1004[0] : i32 from vector<1xi32>
      %shift_right_logical3A_1006 = arith.constant 7 : i32
      %shift_right_logical3A_1007 = arith.shrui %squeeze3A_1005, %shift_right_logical3A_1006 : i32
      %shift_left3A_1008 = arith.constant 7 : i32
      %shift_left3A_1009 = arith.shli %shift_right_logical3A_1007, %shift_left3A_1008 : i32
      %multiple_of3A_1010 = tpu.assume_multiple %shift_left3A_1009, 128 : i32
      %dma_start3A_1011 = arith.constant 1 : i32
      %dma_start3A_1012 = arith.constant 208 : i32
      %dma_start3A_1013 = arith.constant 0 : i32
      %dma_start3A_1014 = tpu.memref_slice %arg11[%dma_start3A_1011, %dma_start3A_1012, %dma_start3A_1013] : memref<2x256x128xf32, #tpu.memory_space<vmem>> -> memref<1x16x128xf32, #tpu.memory_space<vmem>>
      %dma_start3A_1015 = tpu.memref_squeeze %dma_start3A_1014 : memref<1x16x128xf32, #tpu.memory_space<vmem>> -> memref<16x128xf32, #tpu.memory_space<vmem>>
      %dma_start3A_1016 = arith.constant 0 : i32
      %dma_start3A_1017 = tpu.memref_slice %arg5[%dma_start3A_1016, %multiple_of3A_1010] : memref<16x1000000xf32, #tpu.memory_space<hbm>> -> memref<16x128xf32, #tpu.memory_space<hbm>>
      %dma_start3A_1018 = arith.constant 208 : i32
      %dma_start3A_1019 = arith.constant 0 : i32
      %dma_start3A_1020 = tpu.memref_slice %arg11[%dma_start3A_1011, %dma_start3A_1018, %dma_start3A_1019] : memref<2x256x128xf32, #tpu.memory_space<vmem>> -> memref<1x16x128xf32, #tpu.memory_space<vmem>>
      %dma_start3A_1021 = tpu.memref_squeeze %dma_start3A_1020 : memref<1x16x128xf32, #tpu.memory_space<vmem>> -> memref<16x128xf32, #tpu.memory_space<vmem>>
      %dma_start3A_1022 = arith.constant 0 : i32
      %dma_start3A_1023 = tpu.memref_slice %arg5[%dma_start3A_1022, %multiple_of3A_1010] : memref<16x1000000xf32, #tpu.memory_space<hbm>> -> memref<16x128xf32, #tpu.memory_space<hbm>>
      tpu.enqueue_dma source(%dma_start3A_1023 : memref<16x128xf32, #tpu.memory_space<hbm>>) target(%dma_start3A_1021 : memref<16x128xf32, #tpu.memory_space<vmem>>) target_semaphore(%arg18 : memref<!tpu.dma_semaphore, #tpu.memory_space<semaphore_mem>>)
      %slice3A_1024 = vector.extract_strided_slice %get3A_743 {offsets = [14], sizes = [1], strides = [1]} : vector<16xi32> to vector<1xi32>
      %squeeze3A_1025 = vector.extract %slice3A_1024[0] : i32 from vector<1xi32>
      %shift_right_logical3A_1026 = arith.constant 7 : i32
      %shift_right_logical3A_1027 = arith.shrui %squeeze3A_1025, %shift_right_logical3A_1026 : i32
      %shift_left3A_1028 = arith.constant 7 : i32
      %shift_left3A_1029 = arith.shli %shift_right_logical3A_1027, %shift_left3A_1028 : i32
      %multiple_of3A_1030 = tpu.assume_multiple %shift_left3A_1029, 128 : i32
      %dma_start3A_1031 = arith.constant 1 : i32
      %dma_start3A_1032 = arith.constant 224 : i32
      %dma_start3A_1033 = arith.constant 0 : i32
      %dma_start3A_1034 = tpu.memref_slice %arg11[%dma_start3A_1031, %dma_start3A_1032, %dma_start3A_1033] : memref<2x256x128xf32, #tpu.memory_space<vmem>> -> memref<1x16x128xf32, #tpu.memory_space<vmem>>
      %dma_start3A_1035 = tpu.memref_squeeze %dma_start3A_1034 : memref<1x16x128xf32, #tpu.memory_space<vmem>> -> memref<16x128xf32, #tpu.memory_space<vmem>>
      %dma_start3A_1036 = arith.constant 0 : i32
      %dma_start3A_1037 = tpu.memref_slice %arg5[%dma_start3A_1036, %multiple_of3A_1030] : memref<16x1000000xf32, #tpu.memory_space<hbm>> -> memref<16x128xf32, #tpu.memory_space<hbm>>
      %dma_start3A_1038 = arith.constant 224 : i32
      %dma_start3A_1039 = arith.constant 0 : i32
      %dma_start3A_1040 = tpu.memref_slice %arg11[%dma_start3A_1031, %dma_start3A_1038, %dma_start3A_1039] : memref<2x256x128xf32, #tpu.memory_space<vmem>> -> memref<1x16x128xf32, #tpu.memory_space<vmem>>
      %dma_start3A_1041 = tpu.memref_squeeze %dma_start3A_1040 : memref<1x16x128xf32, #tpu.memory_space<vmem>> -> memref<16x128xf32, #tpu.memory_space<vmem>>
      %dma_start3A_1042 = arith.constant 0 : i32
      %dma_start3A_1043 = tpu.memref_slice %arg5[%dma_start3A_1042, %multiple_of3A_1030] : memref<16x1000000xf32, #tpu.memory_space<hbm>> -> memref<16x128xf32, #tpu.memory_space<hbm>>
      tpu.enqueue_dma source(%dma_start3A_1043 : memref<16x128xf32, #tpu.memory_space<hbm>>) target(%dma_start3A_1041 : memref<16x128xf32, #tpu.memory_space<vmem>>) target_semaphore(%arg18 : memref<!tpu.dma_semaphore, #tpu.memory_space<semaphore_mem>>)
      %slice3A_1044 = vector.extract_strided_slice %get3A_743 {offsets = [15], sizes = [1], strides = [1]} : vector<16xi32> to vector<1xi32>
      %squeeze3A_1045 = vector.extract %slice3A_1044[0] : i32 from vector<1xi32>
      %shift_right_logical3A_1046 = arith.constant 7 : i32
      %shift_right_logical3A_1047 = arith.shrui %squeeze3A_1045, %shift_right_logical3A_1046 : i32
      %shift_left3A_1048 = arith.constant 7 : i32
      %shift_left3A_1049 = arith.shli %shift_right_logical3A_1047, %shift_left3A_1048 : i32
      %multiple_of3A_1050 = tpu.assume_multiple %shift_left3A_1049, 128 : i32
      %dma_start3A_1051 = arith.constant 1 : i32
      %dma_start3A_1052 = arith.constant 240 : i32
      %dma_start3A_1053 = arith.constant 0 : i32
      %dma_start3A_1054 = tpu.memref_slice %arg11[%dma_start3A_1051, %dma_start3A_1052, %dma_start3A_1053] : memref<2x256x128xf32, #tpu.memory_space<vmem>> -> memref<1x16x128xf32, #tpu.memory_space<vmem>>
      %dma_start3A_1055 = tpu.memref_squeeze %dma_start3A_1054 : memref<1x16x128xf32, #tpu.memory_space<vmem>> -> memref<16x128xf32, #tpu.memory_space<vmem>>
      %dma_start3A_1056 = arith.constant 0 : i32
      %dma_start3A_1057 = tpu.memref_slice %arg5[%dma_start3A_1056, %multiple_of3A_1050] : memref<16x1000000xf32, #tpu.memory_space<hbm>> -> memref<16x128xf32, #tpu.memory_space<hbm>>
      %dma_start3A_1058 = arith.constant 240 : i32
      %dma_start3A_1059 = arith.constant 0 : i32
      %dma_start3A_1060 = tpu.memref_slice %arg11[%dma_start3A_1051, %dma_start3A_1058, %dma_start3A_1059] : memref<2x256x128xf32, #tpu.memory_space<vmem>> -> memref<1x16x128xf32, #tpu.memory_space<vmem>>
      %dma_start3A_1061 = tpu.memref_squeeze %dma_start3A_1060 : memref<1x16x128xf32, #tpu.memory_space<vmem>> -> memref<16x128xf32, #tpu.memory_space<vmem>>
      %dma_start3A_1062 = arith.constant 0 : i32
      %dma_start3A_1063 = tpu.memref_slice %arg5[%dma_start3A_1062, %multiple_of3A_1050] : memref<16x1000000xf32, #tpu.memory_space<hbm>> -> memref<16x128xf32, #tpu.memory_space<hbm>>
      tpu.enqueue_dma source(%dma_start3A_1063 : memref<16x128xf32, #tpu.memory_space<hbm>>) target(%dma_start3A_1061 : memref<16x128xf32, #tpu.memory_space<vmem>>) target_semaphore(%arg18 : memref<!tpu.dma_semaphore, #tpu.memory_space<semaphore_mem>>)
      %dma_wait3A = arith.constant 0 : i32
      %dma_wait3A_1064 = arith.constant 0 : i32
      %dma_wait3A_1065 = arith.constant 0 : i32
      %dma_wait3A_1066 = tpu.memref_slice %arg11[%dma_wait3A, %dma_wait3A_1064, %dma_wait3A_1065] : memref<2x256x128xf32, #tpu.memory_space<vmem>> -> memref<1x16x128xf32, #tpu.memory_space<vmem>>
      %dma_wait3A_1067 = tpu.memref_squeeze %dma_wait3A_1066 : memref<1x16x128xf32, #tpu.memory_space<vmem>> -> memref<16x128xf32, #tpu.memory_space<vmem>>
      %dma_wait3A_1068 = arith.constant 0 : i32
      %dma_wait3A_1069 = arith.constant 0 : i32
      %dma_wait3A_1070 = tpu.memref_slice %arg5[%dma_wait3A_1068, %dma_wait3A_1069] : memref<16x1000000xf32, #tpu.memory_space<hbm>> -> memref<16x128xf32, #tpu.memory_space<hbm>>
      %dma_wait3A_1071 = arith.constant 0 : i32
      %dma_wait3A_1072 = arith.constant 0 : i32
      %dma_wait3A_1073 = tpu.memref_slice %arg11[%dma_wait3A, %dma_wait3A_1071, %dma_wait3A_1072] : memref<2x256x128xf32, #tpu.memory_space<vmem>> -> memref<1x16x128xf32, #tpu.memory_space<vmem>>
      %dma_wait3A_1074 = tpu.memref_squeeze %dma_wait3A_1073 : memref<1x16x128xf32, #tpu.memory_space<vmem>> -> memref<16x128xf32, #tpu.memory_space<vmem>>
      %dma_wait3A_1075 = arith.constant 0 : i32
      %dma_wait3A_1076 = arith.constant 0 : i32
      %dma_wait3A_1077 = tpu.memref_slice %arg5[%dma_wait3A_1075, %dma_wait3A_1076] : memref<16x1000000xf32, #tpu.memory_space<hbm>> -> memref<16x128xf32, #tpu.memory_space<hbm>>
      tpu.wait_dma2 semaphore(%arg17 : memref<!tpu.dma_semaphore, #tpu.memory_space<semaphore_mem>>) src(%dma_wait3A_1077 : memref<16x128xf32, #tpu.memory_space<hbm>>) dst(%dma_wait3A_1074 : memref<16x128xf32, #tpu.memory_space<vmem>>)
      %dma_wait3A_1078 = arith.constant 0 : i32
      %dma_wait3A_1079 = arith.constant 16 : i32
      %dma_wait3A_1080 = arith.constant 0 : i32
      %dma_wait3A_1081 = tpu.memref_slice %arg11[%dma_wait3A_1078, %dma_wait3A_1079, %dma_wait3A_1080] : memref<2x256x128xf32, #tpu.memory_space<vmem>> -> memref<1x16x128xf32, #tpu.memory_space<vmem>>
      %dma_wait3A_1082 = tpu.memref_squeeze %dma_wait3A_1081 : memref<1x16x128xf32, #tpu.memory_space<vmem>> -> memref<16x128xf32, #tpu.memory_space<vmem>>
      %dma_wait3A_1083 = arith.constant 0 : i32
      %dma_wait3A_1084 = arith.constant 0 : i32
      %dma_wait3A_1085 = tpu.memref_slice %arg5[%dma_wait3A_1083, %dma_wait3A_1084] : memref<16x1000000xf32, #tpu.memory_space<hbm>> -> memref<16x128xf32, #tpu.memory_space<hbm>>
      %dma_wait3A_1086 = arith.constant 16 : i32
      %dma_wait3A_1087 = arith.constant 0 : i32
      %dma_wait3A_1088 = tpu.memref_slice %arg11[%dma_wait3A_1078, %dma_wait3A_1086, %dma_wait3A_1087] : memref<2x256x128xf32, #tpu.memory_space<vmem>> -> memref<1x16x128xf32, #tpu.memory_space<vmem>>
      %dma_wait3A_1089 = tpu.memref_squeeze %dma_wait3A_1088 : memref<1x16x128xf32, #tpu.memory_space<vmem>> -> memref<16x128xf32, #tpu.memory_space<vmem>>
      %dma_wait3A_1090 = arith.constant 0 : i32
      %dma_wait3A_1091 = arith.constant 0 : i32
      %dma_wait3A_1092 = tpu.memref_slice %arg5[%dma_wait3A_1090, %dma_wait3A_1091] : memref<16x1000000xf32, #tpu.memory_space<hbm>> -> memref<16x128xf32, #tpu.memory_space<hbm>>
      tpu.wait_dma2 semaphore(%arg17 : memref<!tpu.dma_semaphore, #tpu.memory_space<semaphore_mem>>) src(%dma_wait3A_1092 : memref<16x128xf32, #tpu.memory_space<hbm>>) dst(%dma_wait3A_1089 : memref<16x128xf32, #tpu.memory_space<vmem>>)
      %dma_wait3A_1093 = arith.constant 0 : i32
      %dma_wait3A_1094 = arith.constant 32 : i32
      %dma_wait3A_1095 = arith.constant 0 : i32
      %dma_wait3A_1096 = tpu.memref_slice %arg11[%dma_wait3A_1093, %dma_wait3A_1094, %dma_wait3A_1095] : memref<2x256x128xf32, #tpu.memory_space<vmem>> -> memref<1x16x128xf32, #tpu.memory_space<vmem>>
      %dma_wait3A_1097 = tpu.memref_squeeze %dma_wait3A_1096 : memref<1x16x128xf32, #tpu.memory_space<vmem>> -> memref<16x128xf32, #tpu.memory_space<vmem>>
      %dma_wait3A_1098 = arith.constant 0 : i32
      %dma_wait3A_1099 = arith.constant 0 : i32
      %dma_wait3A_1100 = tpu.memref_slice %arg5[%dma_wait3A_1098, %dma_wait3A_1099] : memref<16x1000000xf32, #tpu.memory_space<hbm>> -> memref<16x128xf32, #tpu.memory_space<hbm>>
      %dma_wait3A_1101 = arith.constant 32 : i32
      %dma_wait3A_1102 = arith.constant 0 : i32
      %dma_wait3A_1103 = tpu.memref_slice %arg11[%dma_wait3A_1093, %dma_wait3A_1101, %dma_wait3A_1102] : memref<2x256x128xf32, #tpu.memory_space<vmem>> -> memref<1x16x128xf32, #tpu.memory_space<vmem>>
      %dma_wait3A_1104 = tpu.memref_squeeze %dma_wait3A_1103 : memref<1x16x128xf32, #tpu.memory_space<vmem>> -> memref<16x128xf32, #tpu.memory_space<vmem>>
      %dma_wait3A_1105 = arith.constant 0 : i32
      %dma_wait3A_1106 = arith.constant 0 : i32
      %dma_wait3A_1107 = tpu.memref_slice %arg5[%dma_wait3A_1105, %dma_wait3A_1106] : memref<16x1000000xf32, #tpu.memory_space<hbm>> -> memref<16x128xf32, #tpu.memory_space<hbm>>
      tpu.wait_dma2 semaphore(%arg17 : memref<!tpu.dma_semaphore, #tpu.memory_space<semaphore_mem>>) src(%dma_wait3A_1107 : memref<16x128xf32, #tpu.memory_space<hbm>>) dst(%dma_wait3A_1104 : memref<16x128xf32, #tpu.memory_space<vmem>>)
      %dma_wait3A_1108 = arith.constant 0 : i32
      %dma_wait3A_1109 = arith.constant 48 : i32
      %dma_wait3A_1110 = arith.constant 0 : i32
      %dma_wait3A_1111 = tpu.memref_slice %arg11[%dma_wait3A_1108, %dma_wait3A_1109, %dma_wait3A_1110] : memref<2x256x128xf32, #tpu.memory_space<vmem>> -> memref<1x16x128xf32, #tpu.memory_space<vmem>>
      %dma_wait3A_1112 = tpu.memref_squeeze %dma_wait3A_1111 : memref<1x16x128xf32, #tpu.memory_space<vmem>> -> memref<16x128xf32, #tpu.memory_space<vmem>>
      %dma_wait3A_1113 = arith.constant 0 : i32
      %dma_wait3A_1114 = arith.constant 0 : i32
      %dma_wait3A_1115 = tpu.memref_slice %arg5[%dma_wait3A_1113, %dma_wait3A_1114] : memref<16x1000000xf32, #tpu.memory_space<hbm>> -> memref<16x128xf32, #tpu.memory_space<hbm>>
      %dma_wait3A_1116 = arith.constant 48 : i32
      %dma_wait3A_1117 = arith.constant 0 : i32
      %dma_wait3A_1118 = tpu.memref_slice %arg11[%dma_wait3A_1108, %dma_wait3A_1116, %dma_wait3A_1117] : memref<2x256x128xf32, #tpu.memory_space<vmem>> -> memref<1x16x128xf32, #tpu.memory_space<vmem>>
      %dma_wait3A_1119 = tpu.memref_squeeze %dma_wait3A_1118 : memref<1x16x128xf32, #tpu.memory_space<vmem>> -> memref<16x128xf32, #tpu.memory_space<vmem>>
      %dma_wait3A_1120 = arith.constant 0 : i32
      %dma_wait3A_1121 = arith.constant 0 : i32
      %dma_wait3A_1122 = tpu.memref_slice %arg5[%dma_wait3A_1120, %dma_wait3A_1121] : memref<16x1000000xf32, #tpu.memory_space<hbm>> -> memref<16x128xf32, #tpu.memory_space<hbm>>
      tpu.wait_dma2 semaphore(%arg17 : memref<!tpu.dma_semaphore, #tpu.memory_space<semaphore_mem>>) src(%dma_wait3A_1122 : memref<16x128xf32, #tpu.memory_space<hbm>>) dst(%dma_wait3A_1119 : memref<16x128xf32, #tpu.memory_space<vmem>>)
      %dma_wait3A_1123 = arith.constant 0 : i32
      %dma_wait3A_1124 = arith.constant 64 : i32
      %dma_wait3A_1125 = arith.constant 0 : i32
      %dma_wait3A_1126 = tpu.memref_slice %arg11[%dma_wait3A_1123, %dma_wait3A_1124, %dma_wait3A_1125] : memref<2x256x128xf32, #tpu.memory_space<vmem>> -> memref<1x16x128xf32, #tpu.memory_space<vmem>>
      %dma_wait3A_1127 = tpu.memref_squeeze %dma_wait3A_1126 : memref<1x16x128xf32, #tpu.memory_space<vmem>> -> memref<16x128xf32, #tpu.memory_space<vmem>>
      %dma_wait3A_1128 = arith.constant 0 : i32
      %dma_wait3A_1129 = arith.constant 0 : i32
      %dma_wait3A_1130 = tpu.memref_slice %arg5[%dma_wait3A_1128, %dma_wait3A_1129] : memref<16x1000000xf32, #tpu.memory_space<hbm>> -> memref<16x128xf32, #tpu.memory_space<hbm>>
      %dma_wait3A_1131 = arith.constant 64 : i32
      %dma_wait3A_1132 = arith.constant 0 : i32
      %dma_wait3A_1133 = tpu.memref_slice %arg11[%dma_wait3A_1123, %dma_wait3A_1131, %dma_wait3A_1132] : memref<2x256x128xf32, #tpu.memory_space<vmem>> -> memref<1x16x128xf32, #tpu.memory_space<vmem>>
      %dma_wait3A_1134 = tpu.memref_squeeze %dma_wait3A_1133 : memref<1x16x128xf32, #tpu.memory_space<vmem>> -> memref<16x128xf32, #tpu.memory_space<vmem>>
      %dma_wait3A_1135 = arith.constant 0 : i32
      %dma_wait3A_1136 = arith.constant 0 : i32
      %dma_wait3A_1137 = tpu.memref_slice %arg5[%dma_wait3A_1135, %dma_wait3A_1136] : memref<16x1000000xf32, #tpu.memory_space<hbm>> -> memref<16x128xf32, #tpu.memory_space<hbm>>
      tpu.wait_dma2 semaphore(%arg17 : memref<!tpu.dma_semaphore, #tpu.memory_space<semaphore_mem>>) src(%dma_wait3A_1137 : memref<16x128xf32, #tpu.memory_space<hbm>>) dst(%dma_wait3A_1134 : memref<16x128xf32, #tpu.memory_space<vmem>>)
      %dma_wait3A_1138 = arith.constant 0 : i32
      %dma_wait3A_1139 = arith.constant 80 : i32
      %dma_wait3A_1140 = arith.constant 0 : i32
      %dma_wait3A_1141 = tpu.memref_slice %arg11[%dma_wait3A_1138, %dma_wait3A_1139, %dma_wait3A_1140] : memref<2x256x128xf32, #tpu.memory_space<vmem>> -> memref<1x16x128xf32, #tpu.memory_space<vmem>>
      %dma_wait3A_1142 = tpu.memref_squeeze %dma_wait3A_1141 : memref<1x16x128xf32, #tpu.memory_space<vmem>> -> memref<16x128xf32, #tpu.memory_space<vmem>>
      %dma_wait3A_1143 = arith.constant 0 : i32
      %dma_wait3A_1144 = arith.constant 0 : i32
      %dma_wait3A_1145 = tpu.memref_slice %arg5[%dma_wait3A_1143, %dma_wait3A_1144] : memref<16x1000000xf32, #tpu.memory_space<hbm>> -> memref<16x128xf32, #tpu.memory_space<hbm>>
      %dma_wait3A_1146 = arith.constant 80 : i32
      %dma_wait3A_1147 = arith.constant 0 : i32
      %dma_wait3A_1148 = tpu.memref_slice %arg11[%dma_wait3A_1138, %dma_wait3A_1146, %dma_wait3A_1147] : memref<2x256x128xf32, #tpu.memory_space<vmem>> -> memref<1x16x128xf32, #tpu.memory_space<vmem>>
      %dma_wait3A_1149 = tpu.memref_squeeze %dma_wait3A_1148 : memref<1x16x128xf32, #tpu.memory_space<vmem>> -> memref<16x128xf32, #tpu.memory_space<vmem>>
      %dma_wait3A_1150 = arith.constant 0 : i32
      %dma_wait3A_1151 = arith.constant 0 : i32
      %dma_wait3A_1152 = tpu.memref_slice %arg5[%dma_wait3A_1150, %dma_wait3A_1151] : memref<16x1000000xf32, #tpu.memory_space<hbm>> -> memref<16x128xf32, #tpu.memory_space<hbm>>
      tpu.wait_dma2 semaphore(%arg17 : memref<!tpu.dma_semaphore, #tpu.memory_space<semaphore_mem>>) src(%dma_wait3A_1152 : memref<16x128xf32, #tpu.memory_space<hbm>>) dst(%dma_wait3A_1149 : memref<16x128xf32, #tpu.memory_space<vmem>>)
      %dma_wait3A_1153 = arith.constant 0 : i32
      %dma_wait3A_1154 = arith.constant 96 : i32
      %dma_wait3A_1155 = arith.constant 0 : i32
      %dma_wait3A_1156 = tpu.memref_slice %arg11[%dma_wait3A_1153, %dma_wait3A_1154, %dma_wait3A_1155] : memref<2x256x128xf32, #tpu.memory_space<vmem>> -> memref<1x16x128xf32, #tpu.memory_space<vmem>>
      %dma_wait3A_1157 = tpu.memref_squeeze %dma_wait3A_1156 : memref<1x16x128xf32, #tpu.memory_space<vmem>> -> memref<16x128xf32, #tpu.memory_space<vmem>>
      %dma_wait3A_1158 = arith.constant 0 : i32
      %dma_wait3A_1159 = arith.constant 0 : i32
      %dma_wait3A_1160 = tpu.memref_slice %arg5[%dma_wait3A_1158, %dma_wait3A_1159] : memref<16x1000000xf32, #tpu.memory_space<hbm>> -> memref<16x128xf32, #tpu.memory_space<hbm>>
      %dma_wait3A_1161 = arith.constant 96 : i32
      %dma_wait3A_1162 = arith.constant 0 : i32
      %dma_wait3A_1163 = tpu.memref_slice %arg11[%dma_wait3A_1153, %dma_wait3A_1161, %dma_wait3A_1162] : memref<2x256x128xf32, #tpu.memory_space<vmem>> -> memref<1x16x128xf32, #tpu.memory_space<vmem>>
      %dma_wait3A_1164 = tpu.memref_squeeze %dma_wait3A_1163 : memref<1x16x128xf32, #tpu.memory_space<vmem>> -> memref<16x128xf32, #tpu.memory_space<vmem>>
      %dma_wait3A_1165 = arith.constant 0 : i32
      %dma_wait3A_1166 = arith.constant 0 : i32
      %dma_wait3A_1167 = tpu.memref_slice %arg5[%dma_wait3A_1165, %dma_wait3A_1166] : memref<16x1000000xf32, #tpu.memory_space<hbm>> -> memref<16x128xf32, #tpu.memory_space<hbm>>
      tpu.wait_dma2 semaphore(%arg17 : memref<!tpu.dma_semaphore, #tpu.memory_space<semaphore_mem>>) src(%dma_wait3A_1167 : memref<16x128xf32, #tpu.memory_space<hbm>>) dst(%dma_wait3A_1164 : memref<16x128xf32, #tpu.memory_space<vmem>>)
      %dma_wait3A_1168 = arith.constant 0 : i32
      %dma_wait3A_1169 = arith.constant 112 : i32
      %dma_wait3A_1170 = arith.constant 0 : i32
      %dma_wait3A_1171 = tpu.memref_slice %arg11[%dma_wait3A_1168, %dma_wait3A_1169, %dma_wait3A_1170] : memref<2x256x128xf32, #tpu.memory_space<vmem>> -> memref<1x16x128xf32, #tpu.memory_space<vmem>>
      %dma_wait3A_1172 = tpu.memref_squeeze %dma_wait3A_1171 : memref<1x16x128xf32, #tpu.memory_space<vmem>> -> memref<16x128xf32, #tpu.memory_space<vmem>>
      %dma_wait3A_1173 = arith.constant 0 : i32
      %dma_wait3A_1174 = arith.constant 0 : i32
      %dma_wait3A_1175 = tpu.memref_slice %arg5[%dma_wait3A_1173, %dma_wait3A_1174] : memref<16x1000000xf32, #tpu.memory_space<hbm>> -> memref<16x128xf32, #tpu.memory_space<hbm>>
      %dma_wait3A_1176 = arith.constant 112 : i32
      %dma_wait3A_1177 = arith.constant 0 : i32
      %dma_wait3A_1178 = tpu.memref_slice %arg11[%dma_wait3A_1168, %dma_wait3A_1176, %dma_wait3A_1177] : memref<2x256x128xf32, #tpu.memory_space<vmem>> -> memref<1x16x128xf32, #tpu.memory_space<vmem>>
      %dma_wait3A_1179 = tpu.memref_squeeze %dma_wait3A_1178 : memref<1x16x128xf32, #tpu.memory_space<vmem>> -> memref<16x128xf32, #tpu.memory_space<vmem>>
      %dma_wait3A_1180 = arith.constant 0 : i32
      %dma_wait3A_1181 = arith.constant 0 : i32
      %dma_wait3A_1182 = tpu.memref_slice %arg5[%dma_wait3A_1180, %dma_wait3A_1181] : memref<16x1000000xf32, #tpu.memory_space<hbm>> -> memref<16x128xf32, #tpu.memory_space<hbm>>
      tpu.wait_dma2 semaphore(%arg17 : memref<!tpu.dma_semaphore, #tpu.memory_space<semaphore_mem>>) src(%dma_wait3A_1182 : memref<16x128xf32, #tpu.memory_space<hbm>>) dst(%dma_wait3A_1179 : memref<16x128xf32, #tpu.memory_space<vmem>>)
      %dma_wait3A_1183 = arith.constant 0 : i32
      %dma_wait3A_1184 = arith.constant 128 : i32
      %dma_wait3A_1185 = arith.constant 0 : i32
      %dma_wait3A_1186 = tpu.memref_slice %arg11[%dma_wait3A_1183, %dma_wait3A_1184, %dma_wait3A_1185] : memref<2x256x128xf32, #tpu.memory_space<vmem>> -> memref<1x16x128xf32, #tpu.memory_space<vmem>>
      %dma_wait3A_1187 = tpu.memref_squeeze %dma_wait3A_1186 : memref<1x16x128xf32, #tpu.memory_space<vmem>> -> memref<16x128xf32, #tpu.memory_space<vmem>>
      %dma_wait3A_1188 = arith.constant 0 : i32
      %dma_wait3A_1189 = arith.constant 0 : i32
      %dma_wait3A_1190 = tpu.memref_slice %arg5[%dma_wait3A_1188, %dma_wait3A_1189] : memref<16x1000000xf32, #tpu.memory_space<hbm>> -> memref<16x128xf32, #tpu.memory_space<hbm>>
      %dma_wait3A_1191 = arith.constant 128 : i32
      %dma_wait3A_1192 = arith.constant 0 : i32
      %dma_wait3A_1193 = tpu.memref_slice %arg11[%dma_wait3A_1183, %dma_wait3A_1191, %dma_wait3A_1192] : memref<2x256x128xf32, #tpu.memory_space<vmem>> -> memref<1x16x128xf32, #tpu.memory_space<vmem>>
      %dma_wait3A_1194 = tpu.memref_squeeze %dma_wait3A_1193 : memref<1x16x128xf32, #tpu.memory_space<vmem>> -> memref<16x128xf32, #tpu.memory_space<vmem>>
      %dma_wait3A_1195 = arith.constant 0 : i32
      %dma_wait3A_1196 = arith.constant 0 : i32
      %dma_wait3A_1197 = tpu.memref_slice %arg5[%dma_wait3A_1195, %dma_wait3A_1196] : memref<16x1000000xf32, #tpu.memory_space<hbm>> -> memref<16x128xf32, #tpu.memory_space<hbm>>
      tpu.wait_dma2 semaphore(%arg17 : memref<!tpu.dma_semaphore, #tpu.memory_space<semaphore_mem>>) src(%dma_wait3A_1197 : memref<16x128xf32, #tpu.memory_space<hbm>>) dst(%dma_wait3A_1194 : memref<16x128xf32, #tpu.memory_space<vmem>>)
      %dma_wait3A_1198 = arith.constant 0 : i32
      %dma_wait3A_1199 = arith.constant 144 : i32
      %dma_wait3A_1200 = arith.constant 0 : i32
      %dma_wait3A_1201 = tpu.memref_slice %arg11[%dma_wait3A_1198, %dma_wait3A_1199, %dma_wait3A_1200] : memref<2x256x128xf32, #tpu.memory_space<vmem>> -> memref<1x16x128xf32, #tpu.memory_space<vmem>>
      %dma_wait3A_1202 = tpu.memref_squeeze %dma_wait3A_1201 : memref<1x16x128xf32, #tpu.memory_space<vmem>> -> memref<16x128xf32, #tpu.memory_space<vmem>>
      %dma_wait3A_1203 = arith.constant 0 : i32
      %dma_wait3A_1204 = arith.constant 0 : i32
      %dma_wait3A_1205 = tpu.memref_slice %arg5[%dma_wait3A_1203, %dma_wait3A_1204] : memref<16x1000000xf32, #tpu.memory_space<hbm>> -> memref<16x128xf32, #tpu.memory_space<hbm>>
      %dma_wait3A_1206 = arith.constant 144 : i32
      %dma_wait3A_1207 = arith.constant 0 : i32
      %dma_wait3A_1208 = tpu.memref_slice %arg11[%dma_wait3A_1198, %dma_wait3A_1206, %dma_wait3A_1207] : memref<2x256x128xf32, #tpu.memory_space<vmem>> -> memref<1x16x128xf32, #tpu.memory_space<vmem>>
      %dma_wait3A_1209 = tpu.memref_squeeze %dma_wait3A_1208 : memref<1x16x128xf32, #tpu.memory_space<vmem>> -> memref<16x128xf32, #tpu.memory_space<vmem>>
      %dma_wait3A_1210 = arith.constant 0 : i32
      %dma_wait3A_1211 = arith.constant 0 : i32
      %dma_wait3A_1212 = tpu.memref_slice %arg5[%dma_wait3A_1210, %dma_wait3A_1211] : memref<16x1000000xf32, #tpu.memory_space<hbm>> -> memref<16x128xf32, #tpu.memory_space<hbm>>
      tpu.wait_dma2 semaphore(%arg17 : memref<!tpu.dma_semaphore, #tpu.memory_space<semaphore_mem>>) src(%dma_wait3A_1212 : memref<16x128xf32, #tpu.memory_space<hbm>>) dst(%dma_wait3A_1209 : memref<16x128xf32, #tpu.memory_space<vmem>>)
      %dma_wait3A_1213 = arith.constant 0 : i32
      %dma_wait3A_1214 = arith.constant 160 : i32
      %dma_wait3A_1215 = arith.constant 0 : i32
      %dma_wait3A_1216 = tpu.memref_slice %arg11[%dma_wait3A_1213, %dma_wait3A_1214, %dma_wait3A_1215] : memref<2x256x128xf32, #tpu.memory_space<vmem>> -> memref<1x16x128xf32, #tpu.memory_space<vmem>>
      %dma_wait3A_1217 = tpu.memref_squeeze %dma_wait3A_1216 : memref<1x16x128xf32, #tpu.memory_space<vmem>> -> memref<16x128xf32, #tpu.memory_space<vmem>>
      %dma_wait3A_1218 = arith.constant 0 : i32
      %dma_wait3A_1219 = arith.constant 0 : i32
      %dma_wait3A_1220 = tpu.memref_slice %arg5[%dma_wait3A_1218, %dma_wait3A_1219] : memref<16x1000000xf32, #tpu.memory_space<hbm>> -> memref<16x128xf32, #tpu.memory_space<hbm>>
      %dma_wait3A_1221 = arith.constant 160 : i32
      %dma_wait3A_1222 = arith.constant 0 : i32
      %dma_wait3A_1223 = tpu.memref_slice %arg11[%dma_wait3A_1213, %dma_wait3A_1221, %dma_wait3A_1222] : memref<2x256x128xf32, #tpu.memory_space<vmem>> -> memref<1x16x128xf32, #tpu.memory_space<vmem>>
      %dma_wait3A_1224 = tpu.memref_squeeze %dma_wait3A_1223 : memref<1x16x128xf32, #tpu.memory_space<vmem>> -> memref<16x128xf32, #tpu.memory_space<vmem>>
      %dma_wait3A_1225 = arith.constant 0 : i32
      %dma_wait3A_1226 = arith.constant 0 : i32
      %dma_wait3A_1227 = tpu.memref_slice %arg5[%dma_wait3A_1225, %dma_wait3A_1226] : memref<16x1000000xf32, #tpu.memory_space<hbm>> -> memref<16x128xf32, #tpu.memory_space<hbm>>
      tpu.wait_dma2 semaphore(%arg17 : memref<!tpu.dma_semaphore, #tpu.memory_space<semaphore_mem>>) src(%dma_wait3A_1227 : memref<16x128xf32, #tpu.memory_space<hbm>>) dst(%dma_wait3A_1224 : memref<16x128xf32, #tpu.memory_space<vmem>>)
      %dma_wait3A_1228 = arith.constant 0 : i32
      %dma_wait3A_1229 = arith.constant 176 : i32
      %dma_wait3A_1230 = arith.constant 0 : i32
      %dma_wait3A_1231 = tpu.memref_slice %arg11[%dma_wait3A_1228, %dma_wait3A_1229, %dma_wait3A_1230] : memref<2x256x128xf32, #tpu.memory_space<vmem>> -> memref<1x16x128xf32, #tpu.memory_space<vmem>>
      %dma_wait3A_1232 = tpu.memref_squeeze %dma_wait3A_1231 : memref<1x16x128xf32, #tpu.memory_space<vmem>> -> memref<16x128xf32, #tpu.memory_space<vmem>>
      %dma_wait3A_1233 = arith.constant 0 : i32
      %dma_wait3A_1234 = arith.constant 0 : i32
      %dma_wait3A_1235 = tpu.memref_slice %arg5[%dma_wait3A_1233, %dma_wait3A_1234] : memref<16x1000000xf32, #tpu.memory_space<hbm>> -> memref<16x128xf32, #tpu.memory_space<hbm>>
      %dma_wait3A_1236 = arith.constant 176 : i32
      %dma_wait3A_1237 = arith.constant 0 : i32
      %dma_wait3A_1238 = tpu.memref_slice %arg11[%dma_wait3A_1228, %dma_wait3A_1236, %dma_wait3A_1237] : memref<2x256x128xf32, #tpu.memory_space<vmem>> -> memref<1x16x128xf32, #tpu.memory_space<vmem>>
      %dma_wait3A_1239 = tpu.memref_squeeze %dma_wait3A_1238 : memref<1x16x128xf32, #tpu.memory_space<vmem>> -> memref<16x128xf32, #tpu.memory_space<vmem>>
      %dma_wait3A_1240 = arith.constant 0 : i32
      %dma_wait3A_1241 = arith.constant 0 : i32
      %dma_wait3A_1242 = tpu.memref_slice %arg5[%dma_wait3A_1240, %dma_wait3A_1241] : memref<16x1000000xf32, #tpu.memory_space<hbm>> -> memref<16x128xf32, #tpu.memory_space<hbm>>
      tpu.wait_dma2 semaphore(%arg17 : memref<!tpu.dma_semaphore, #tpu.memory_space<semaphore_mem>>) src(%dma_wait3A_1242 : memref<16x128xf32, #tpu.memory_space<hbm>>) dst(%dma_wait3A_1239 : memref<16x128xf32, #tpu.memory_space<vmem>>)
      %dma_wait3A_1243 = arith.constant 0 : i32
      %dma_wait3A_1244 = arith.constant 192 : i32
      %dma_wait3A_1245 = arith.constant 0 : i32
      %dma_wait3A_1246 = tpu.memref_slice %arg11[%dma_wait3A_1243, %dma_wait3A_1244, %dma_wait3A_1245] : memref<2x256x128xf32, #tpu.memory_space<vmem>> -> memref<1x16x128xf32, #tpu.memory_space<vmem>>
      %dma_wait3A_1247 = tpu.memref_squeeze %dma_wait3A_1246 : memref<1x16x128xf32, #tpu.memory_space<vmem>> -> memref<16x128xf32, #tpu.memory_space<vmem>>
      %dma_wait3A_1248 = arith.constant 0 : i32
      %dma_wait3A_1249 = arith.constant 0 : i32
      %dma_wait3A_1250 = tpu.memref_slice %arg5[%dma_wait3A_1248, %dma_wait3A_1249] : memref<16x1000000xf32, #tpu.memory_space<hbm>> -> memref<16x128xf32, #tpu.memory_space<hbm>>
      %dma_wait3A_1251 = arith.constant 192 : i32
      %dma_wait3A_1252 = arith.constant 0 : i32
      %dma_wait3A_1253 = tpu.memref_slice %arg11[%dma_wait3A_1243, %dma_wait3A_1251, %dma_wait3A_1252] : memref<2x256x128xf32, #tpu.memory_space<vmem>> -> memref<1x16x128xf32, #tpu.memory_space<vmem>>
      %dma_wait3A_1254 = tpu.memref_squeeze %dma_wait3A_1253 : memref<1x16x128xf32, #tpu.memory_space<vmem>> -> memref<16x128xf32, #tpu.memory_space<vmem>>
      %dma_wait3A_1255 = arith.constant 0 : i32
      %dma_wait3A_1256 = arith.constant 0 : i32
      %dma_wait3A_1257 = tpu.memref_slice %arg5[%dma_wait3A_1255, %dma_wait3A_1256] : memref<16x1000000xf32, #tpu.memory_space<hbm>> -> memref<16x128xf32, #tpu.memory_space<hbm>>
      tpu.wait_dma2 semaphore(%arg17 : memref<!tpu.dma_semaphore, #tpu.memory_space<semaphore_mem>>) src(%dma_wait3A_1257 : memref<16x128xf32, #tpu.memory_space<hbm>>) dst(%dma_wait3A_1254 : memref<16x128xf32, #tpu.memory_space<vmem>>)
      %dma_wait3A_1258 = arith.constant 0 : i32
      %dma_wait3A_1259 = arith.constant 208 : i32
      %dma_wait3A_1260 = arith.constant 0 : i32
      %dma_wait3A_1261 = tpu.memref_slice %arg11[%dma_wait3A_1258, %dma_wait3A_1259, %dma_wait3A_1260] : memref<2x256x128xf32, #tpu.memory_space<vmem>> -> memref<1x16x128xf32, #tpu.memory_space<vmem>>
      %dma_wait3A_1262 = tpu.memref_squeeze %dma_wait3A_1261 : memref<1x16x128xf32, #tpu.memory_space<vmem>> -> memref<16x128xf32, #tpu.memory_space<vmem>>
      %dma_wait3A_1263 = arith.constant 0 : i32
      %dma_wait3A_1264 = arith.constant 0 : i32
      %dma_wait3A_1265 = tpu.memref_slice %arg5[%dma_wait3A_1263, %dma_wait3A_1264] : memref<16x1000000xf32, #tpu.memory_space<hbm>> -> memref<16x128xf32, #tpu.memory_space<hbm>>
      %dma_wait3A_1266 = arith.constant 208 : i32
      %dma_wait3A_1267 = arith.constant 0 : i32
      %dma_wait3A_1268 = tpu.memref_slice %arg11[%dma_wait3A_1258, %dma_wait3A_1266, %dma_wait3A_1267] : memref<2x256x128xf32, #tpu.memory_space<vmem>> -> memref<1x16x128xf32, #tpu.memory_space<vmem>>
      %dma_wait3A_1269 = tpu.memref_squeeze %dma_wait3A_1268 : memref<1x16x128xf32, #tpu.memory_space<vmem>> -> memref<16x128xf32, #tpu.memory_space<vmem>>
      %dma_wait3A_1270 = arith.constant 0 : i32
      %dma_wait3A_1271 = arith.constant 0 : i32
      %dma_wait3A_1272 = tpu.memref_slice %arg5[%dma_wait3A_1270, %dma_wait3A_1271] : memref<16x1000000xf32, #tpu.memory_space<hbm>> -> memref<16x128xf32, #tpu.memory_space<hbm>>
      tpu.wait_dma2 semaphore(%arg17 : memref<!tpu.dma_semaphore, #tpu.memory_space<semaphore_mem>>) src(%dma_wait3A_1272 : memref<16x128xf32, #tpu.memory_space<hbm>>) dst(%dma_wait3A_1269 : memref<16x128xf32, #tpu.memory_space<vmem>>)
      %dma_wait3A_1273 = arith.constant 0 : i32
      %dma_wait3A_1274 = arith.constant 224 : i32
      %dma_wait3A_1275 = arith.constant 0 : i32
      %dma_wait3A_1276 = tpu.memref_slice %arg11[%dma_wait3A_1273, %dma_wait3A_1274, %dma_wait3A_1275] : memref<2x256x128xf32, #tpu.memory_space<vmem>> -> memref<1x16x128xf32, #tpu.memory_space<vmem>>
      %dma_wait3A_1277 = tpu.memref_squeeze %dma_wait3A_1276 : memref<1x16x128xf32, #tpu.memory_space<vmem>> -> memref<16x128xf32, #tpu.memory_space<vmem>>
      %dma_wait3A_1278 = arith.constant 0 : i32
      %dma_wait3A_1279 = arith.constant 0 : i32
      %dma_wait3A_1280 = tpu.memref_slice %arg5[%dma_wait3A_1278, %dma_wait3A_1279] : memref<16x1000000xf32, #tpu.memory_space<hbm>> -> memref<16x128xf32, #tpu.memory_space<hbm>>
      %dma_wait3A_1281 = arith.constant 224 : i32
      %dma_wait3A_1282 = arith.constant 0 : i32
      %dma_wait3A_1283 = tpu.memref_slice %arg11[%dma_wait3A_1273, %dma_wait3A_1281, %dma_wait3A_1282] : memref<2x256x128xf32, #tpu.memory_space<vmem>> -> memref<1x16x128xf32, #tpu.memory_space<vmem>>
      %dma_wait3A_1284 = tpu.memref_squeeze %dma_wait3A_1283 : memref<1x16x128xf32, #tpu.memory_space<vmem>> -> memref<16x128xf32, #tpu.memory_space<vmem>>
      %dma_wait3A_1285 = arith.constant 0 : i32
      %dma_wait3A_1286 = arith.constant 0 : i32
      %dma_wait3A_1287 = tpu.memref_slice %arg5[%dma_wait3A_1285, %dma_wait3A_1286] : memref<16x1000000xf32, #tpu.memory_space<hbm>> -> memref<16x128xf32, #tpu.memory_space<hbm>>
      tpu.wait_dma2 semaphore(%arg17 : memref<!tpu.dma_semaphore, #tpu.memory_space<semaphore_mem>>) src(%dma_wait3A_1287 : memref<16x128xf32, #tpu.memory_space<hbm>>) dst(%dma_wait3A_1284 : memref<16x128xf32, #tpu.memory_space<vmem>>)
      %dma_wait3A_1288 = arith.constant 0 : i32
      %dma_wait3A_1289 = arith.constant 240 : i32
      %dma_wait3A_1290 = arith.constant 0 : i32
      %dma_wait3A_1291 = tpu.memref_slice %arg11[%dma_wait3A_1288, %dma_wait3A_1289, %dma_wait3A_1290] : memref<2x256x128xf32, #tpu.memory_space<vmem>> -> memref<1x16x128xf32, #tpu.memory_space<vmem>>
      %dma_wait3A_1292 = tpu.memref_squeeze %dma_wait3A_1291 : memref<1x16x128xf32, #tpu.memory_space<vmem>> -> memref<16x128xf32, #tpu.memory_space<vmem>>
      %dma_wait3A_1293 = arith.constant 0 : i32
      %dma_wait3A_1294 = arith.constant 0 : i32
      %dma_wait3A_1295 = tpu.memref_slice %arg5[%dma_wait3A_1293, %dma_wait3A_1294] : memref<16x1000000xf32, #tpu.memory_space<hbm>> -> memref<16x128xf32, #tpu.memory_space<hbm>>
      %dma_wait3A_1296 = arith.constant 240 : i32
      %dma_wait3A_1297 = arith.constant 0 : i32
      %dma_wait3A_1298 = tpu.memref_slice %arg11[%dma_wait3A_1288, %dma_wait3A_1296, %dma_wait3A_1297] : memref<2x256x128xf32, #tpu.memory_space<vmem>> -> memref<1x16x128xf32, #tpu.memory_space<vmem>>
      %dma_wait3A_1299 = tpu.memref_squeeze %dma_wait3A_1298 : memref<1x16x128xf32, #tpu.memory_space<vmem>> -> memref<16x128xf32, #tpu.memory_space<vmem>>
      %dma_wait3A_1300 = arith.constant 0 : i32
      %dma_wait3A_1301 = arith.constant 0 : i32
      %dma_wait3A_1302 = tpu.memref_slice %arg5[%dma_wait3A_1300, %dma_wait3A_1301] : memref<16x1000000xf32, #tpu.memory_space<hbm>> -> memref<16x128xf32, #tpu.memory_space<hbm>>
      tpu.wait_dma2 semaphore(%arg17 : memref<!tpu.dma_semaphore, #tpu.memory_space<semaphore_mem>>) src(%dma_wait3A_1302 : memref<16x128xf32, #tpu.memory_space<hbm>>) dst(%dma_wait3A_1299 : memref<16x128xf32, #tpu.memory_space<vmem>>)
      %mul3A_1303 = arith.constant 16 : i32
      %mul3A_1304 = arith.muli %mul3A_736, %mul3A_1303 : i32
      %multiple_of3A_1305 = tpu.assume_multiple %mul3A_1304, 16 : i32
      %get3A_1306 = arith.index_cast %multiple_of3A_1305 : i32 to index
      %get3A_1307 = tpu.vector_load %arg10[%get3A_1306] {strides = array<i32>} : memref<512xi32, #tpu.memory_space<vmem>>, vector<16xi32>,
      %and3A = arith.andi %get3A_1307, %broadcast_in_dim3A_3 : vector<16xi32>
      %broadcast_in_dim3A_1308 = arith.constant 0 : i32
      %broadcast_in_dim3A_1309 = vector.broadcast %broadcast_in_dim3A_1308 : i32 to vector<16xi32>
      %add3A_1310 = arith.constant 0 : i32
      %add3A_1311 = vector.broadcast %add3A_1310 : i32 to vector<16xi32>
      %add3A_1312 = arith.addi %iota3A, %add3A_1311 : vector<16xi32>
      %slice3A_1313 = vector.extract_strided_slice %and3A {offsets = [0], sizes = [1], strides = [1]} : vector<16xi32> to vector<1xi32>
      %squeeze3A_1314 = vector.extract %slice3A_1313[0] : i32 from vector<1xi32>
      %broadcast_in_dim3A_1315 = vector.broadcast %squeeze3A_1314 : i32 to vector<16xi32>
      %gather3A = tpu.vector_load_idx %arg11[%broadcast_in_dim3A_1309, %add3A_1312, %broadcast_in_dim3A_1315] : memref<2x256x128xf32, #tpu.memory_space<vmem>>[vector<16xi32>, vector<16xi32>, vector<16xi32>], vector<16xf32>,
      %add3A_1316 = arith.constant 0 : i32
      %add3A_1317 = arith.addi %multiple_of3A_1305, %add3A_1316 : i32
      %mul3A_1318 = arith.constant 16 : i32
      %mul3A_1319 = arith.muli %add3A_1317, %mul3A_1318 : i32
      %swap3A = arith.index_cast %mul3A_1319 : i32 to index
      %swap3A_1320 = tpu.vector_load %arg13[%swap3A] {strides = array<i32>} : memref<8192xf32, #tpu.memory_space<vmem>>, vector<16xf32>,
      tpu.vector_store %arg13[%swap3A], %gather3A {strides = array<i32>} : memref<8192xf32, #tpu.memory_space<vmem>>, vector<16xf32>,
      %add3A_1321 = arith.constant 16 : i32
      %add3A_1322 = vector.broadcast %add3A_1321 : i32 to vector<16xi32>
      %add3A_1323 = arith.addi %iota3A, %add3A_1322 : vector<16xi32>
      %slice3A_1324 = vector.extract_strided_slice %and3A {offsets = [1], sizes = [1], strides = [1]} : vector<16xi32> to vector<1xi32>
      %squeeze3A_1325 = vector.extract %slice3A_1324[0] : i32 from vector<1xi32>
      %broadcast_in_dim3A_1326 = vector.broadcast %squeeze3A_1325 : i32 to vector<16xi32>
      %gather3A_1327 = tpu.vector_load_idx %arg11[%broadcast_in_dim3A_1309, %add3A_1323, %broadcast_in_dim3A_1326] : memref<2x256x128xf32, #tpu.memory_space<vmem>>[vector<16xi32>, vector<16xi32>, vector<16xi32>], vector<16xf32>,
      %add3A_1328 = arith.constant 1 : i32
      %add3A_1329 = arith.addi %multiple_of3A_1305, %add3A_1328 : i32
      %mul3A_1330 = arith.constant 16 : i32
      %mul3A_1331 = arith.muli %add3A_1329, %mul3A_1330 : i32
      %swap3A_1332 = arith.index_cast %mul3A_1331 : i32 to index
      %swap3A_1333 = tpu.vector_load %arg13[%swap3A_1332] {strides = array<i32>} : memref<8192xf32, #tpu.memory_space<vmem>>, vector<16xf32>,
      tpu.vector_store %arg13[%swap3A_1332], %gather3A_1327 {strides = array<i32>} : memref<8192xf32, #tpu.memory_space<vmem>>, vector<16xf32>,
      %add3A_1334 = arith.constant 32 : i32
      %add3A_1335 = vector.broadcast %add3A_1334 : i32 to vector<16xi32>
      %add3A_1336 = arith.addi %iota3A, %add3A_1335 : vector<16xi32>
      %slice3A_1337 = vector.extract_strided_slice %and3A {offsets = [2], sizes = [1], strides = [1]} : vector<16xi32> to vector<1xi32>
      %squeeze3A_1338 = vector.extract %slice3A_1337[0] : i32 from vector<1xi32>
      %broadcast_in_dim3A_1339 = vector.broadcast %squeeze3A_1338 : i32 to vector<16xi32>
      %gather3A_1340 = tpu.vector_load_idx %arg11[%broadcast_in_dim3A_1309, %add3A_1336, %broadcast_in_dim3A_1339] : memref<2x256x128xf32, #tpu.memory_space<vmem>>[vector<16xi32>, vector<16xi32>, vector<16xi32>], vector<16xf32>,
      %add3A_1341 = arith.constant 2 : i32
      %add3A_1342 = arith.addi %multiple_of3A_1305, %add3A_1341 : i32
      %mul3A_1343 = arith.constant 16 : i32
      %mul3A_1344 = arith.muli %add3A_1342, %mul3A_1343 : i32
      %swap3A_1345 = arith.index_cast %mul3A_1344 : i32 to index
      %swap3A_1346 = tpu.vector_load %arg13[%swap3A_1345] {strides = array<i32>} : memref<8192xf32, #tpu.memory_space<vmem>>, vector<16xf32>,
      tpu.vector_store %arg13[%swap3A_1345], %gather3A_1340 {strides = array<i32>} : memref<8192xf32, #tpu.memory_space<vmem>>, vector<16xf32>,
      %add3A_1347 = arith.constant 48 : i32
      %add3A_1348 = vector.broadcast %add3A_1347 : i32 to vector<16xi32>
      %add3A_1349 = arith.addi %iota3A, %add3A_1348 : vector<16xi32>
      %slice3A_1350 = vector.extract_strided_slice %and3A {offsets = [3], sizes = [1], strides = [1]} : vector<16xi32> to vector<1xi32>
      %squeeze3A_1351 = vector.extract %slice3A_1350[0] : i32 from vector<1xi32>
      %broadcast_in_dim3A_1352 = vector.broadcast %squeeze3A_1351 : i32 to vector<16xi32>
      %gather3A_1353 = tpu.vector_load_idx %arg11[%broadcast_in_dim3A_1309, %add3A_1349, %broadcast_in_dim3A_1352] : memref<2x256x128xf32, #tpu.memory_space<vmem>>[vector<16xi32>, vector<16xi32>, vector<16xi32>], vector<16xf32>,
      %add3A_1354 = arith.constant 3 : i32
      %add3A_1355 = arith.addi %multiple_of3A_1305, %add3A_1354 : i32
      %mul3A_1356 = arith.constant 16 : i32
      %mul3A_1357 = arith.muli %add3A_1355, %mul3A_1356 : i32
      %swap3A_1358 = arith.index_cast %mul3A_1357 : i32 to index
      %swap3A_1359 = tpu.vector_load %arg13[%swap3A_1358] {strides = array<i32>} : memref<8192xf32, #tpu.memory_space<vmem>>, vector<16xf32>,
      tpu.vector_store %arg13[%swap3A_1358], %gather3A_1353 {strides = array<i32>} : memref<8192xf32, #tpu.memory_space<vmem>>, vector<16xf32>,
      %add3A_1360 = arith.constant 64 : i32
      %add3A_1361 = vector.broadcast %add3A_1360 : i32 to vector<16xi32>
      %add3A_1362 = arith.addi %iota3A, %add3A_1361 : vector<16xi32>
      %slice3A_1363 = vector.extract_strided_slice %and3A {offsets = [4], sizes = [1], strides = [1]} : vector<16xi32> to vector<1xi32>
      %squeeze3A_1364 = vector.extract %slice3A_1363[0] : i32 from vector<1xi32>
      %broadcast_in_dim3A_1365 = vector.broadcast %squeeze3A_1364 : i32 to vector<16xi32>
      %gather3A_1366 = tpu.vector_load_idx %arg11[%broadcast_in_dim3A_1309, %add3A_1362, %broadcast_in_dim3A_1365] : memref<2x256x128xf32, #tpu.memory_space<vmem>>[vector<16xi32>, vector<16xi32>, vector<16xi32>], vector<16xf32>,
      %add3A_1367 = arith.constant 4 : i32
      %add3A_1368 = arith.addi %multiple_of3A_1305, %add3A_1367 : i32
      %mul3A_1369 = arith.constant 16 : i32
      %mul3A_1370 = arith.muli %add3A_1368, %mul3A_1369 : i32
      %swap3A_1371 = arith.index_cast %mul3A_1370 : i32 to index
      %swap3A_1372 = tpu.vector_load %arg13[%swap3A_1371] {strides = array<i32>} : memref<8192xf32, #tpu.memory_space<vmem>>, vector<16xf32>,
      tpu.vector_store %arg13[%swap3A_1371], %gather3A_1366 {strides = array<i32>} : memref<8192xf32, #tpu.memory_space<vmem>>, vector<16xf32>,
      %add3A_1373 = arith.constant 80 : i32
      %add3A_1374 = vector.broadcast %add3A_1373 : i32 to vector<16xi32>
      %add3A_1375 = arith.addi %iota3A, %add3A_1374 : vector<16xi32>
      %slice3A_1376 = vector.extract_strided_slice %and3A {offsets = [5], sizes = [1], strides = [1]} : vector<16xi32> to vector<1xi32>
      %squeeze3A_1377 = vector.extract %slice3A_1376[0] : i32 from vector<1xi32>
      %broadcast_in_dim3A_1378 = vector.broadcast %squeeze3A_1377 : i32 to vector<16xi32>
      %gather3A_1379 = tpu.vector_load_idx %arg11[%broadcast_in_dim3A_1309, %add3A_1375, %broadcast_in_dim3A_1378] : memref<2x256x128xf32, #tpu.memory_space<vmem>>[vector<16xi32>, vector<16xi32>, vector<16xi32>], vector<16xf32>,
      %add3A_1380 = arith.constant 5 : i32
      %add3A_1381 = arith.addi %multiple_of3A_1305, %add3A_1380 : i32
      %mul3A_1382 = arith.constant 16 : i32
      %mul3A_1383 = arith.muli %add3A_1381, %mul3A_1382 : i32
      %swap3A_1384 = arith.index_cast %mul3A_1383 : i32 to index
      %swap3A_1385 = tpu.vector_load %arg13[%swap3A_1384] {strides = array<i32>} : memref<8192xf32, #tpu.memory_space<vmem>>, vector<16xf32>,
      tpu.vector_store %arg13[%swap3A_1384], %gather3A_1379 {strides = array<i32>} : memref<8192xf32, #tpu.memory_space<vmem>>, vector<16xf32>,
      %add3A_1386 = arith.constant 96 : i32
      %add3A_1387 = vector.broadcast %add3A_1386 : i32 to vector<16xi32>
      %add3A_1388 = arith.addi %iota3A, %add3A_1387 : vector<16xi32>
      %slice3A_1389 = vector.extract_strided_slice %and3A {offsets = [6], sizes = [1], strides = [1]} : vector<16xi32> to vector<1xi32>
      %squeeze3A_1390 = vector.extract %slice3A_1389[0] : i32 from vector<1xi32>
      %broadcast_in_dim3A_1391 = vector.broadcast %squeeze3A_1390 : i32 to vector<16xi32>
      %gather3A_1392 = tpu.vector_load_idx %arg11[%broadcast_in_dim3A_1309, %add3A_1388, %broadcast_in_dim3A_1391] : memref<2x256x128xf32, #tpu.memory_space<vmem>>[vector<16xi32>, vector<16xi32>, vector<16xi32>], vector<16xf32>,
      %add3A_1393 = arith.constant 6 : i32
      %add3A_1394 = arith.addi %multiple_of3A_1305, %add3A_1393 : i32
      %mul3A_1395 = arith.constant 16 : i32
      %mul3A_1396 = arith.muli %add3A_1394, %mul3A_1395 : i32
      %swap3A_1397 = arith.index_cast %mul3A_1396 : i32 to index
      %swap3A_1398 = tpu.vector_load %arg13[%swap3A_1397] {strides = array<i32>} : memref<8192xf32, #tpu.memory_space<vmem>>, vector<16xf32>,
      tpu.vector_store %arg13[%swap3A_1397], %gather3A_1392 {strides = array<i32>} : memref<8192xf32, #tpu.memory_space<vmem>>, vector<16xf32>,
      %add3A_1399 = arith.constant 112 : i32
      %add3A_1400 = vector.broadcast %add3A_1399 : i32 to vector<16xi32>
      %add3A_1401 = arith.addi %iota3A, %add3A_1400 : vector<16xi32>
      %slice3A_1402 = vector.extract_strided_slice %and3A {offsets = [7], sizes = [1], strides = [1]} : vector<16xi32> to vector<1xi32>
      %squeeze3A_1403 = vector.extract %slice3A_1402[0] : i32 from vector<1xi32>
      %broadcast_in_dim3A_1404 = vector.broadcast %squeeze3A_1403 : i32 to vector<16xi32>
      %gather3A_1405 = tpu.vector_load_idx %arg11[%broadcast_in_dim3A_1309, %add3A_1401, %broadcast_in_dim3A_1404] : memref<2x256x128xf32, #tpu.memory_space<vmem>>[vector<16xi32>, vector<16xi32>, vector<16xi32>], vector<16xf32>,
      %add3A_1406 = arith.constant 7 : i32
      %add3A_1407 = arith.addi %multiple_of3A_1305, %add3A_1406 : i32
      %mul3A_1408 = arith.constant 16 : i32
      %mul3A_1409 = arith.muli %add3A_1407, %mul3A_1408 : i32
      %swap3A_1410 = arith.index_cast %mul3A_1409 : i32 to index
      %swap3A_1411 = tpu.vector_load %arg13[%swap3A_1410] {strides = array<i32>} : memref<8192xf32, #tpu.memory_space<vmem>>, vector<16xf32>,
      tpu.vector_store %arg13[%swap3A_1410], %gather3A_1405 {strides = array<i32>} : memref<8192xf32, #tpu.memory_space<vmem>>, vector<16xf32>,
      %add3A_1412 = arith.constant 128 : i32
      %add3A_1413 = vector.broadcast %add3A_1412 : i32 to vector<16xi32>
      %add3A_1414 = arith.addi %iota3A, %add3A_1413 : vector<16xi32>
      %slice3A_1415 = vector.extract_strided_slice %and3A {offsets = [8], sizes = [1], strides = [1]} : vector<16xi32> to vector<1xi32>
      %squeeze3A_1416 = vector.extract %slice3A_1415[0] : i32 from vector<1xi32>
      %broadcast_in_dim3A_1417 = vector.broadcast %squeeze3A_1416 : i32 to vector<16xi32>
      %gather3A_1418 = tpu.vector_load_idx %arg11[%broadcast_in_dim3A_1309, %add3A_1414, %broadcast_in_dim3A_1417] : memref<2x256x128xf32, #tpu.memory_space<vmem>>[vector<16xi32>, vector<16xi32>, vector<16xi32>], vector<16xf32>,
      %add3A_1419 = arith.constant 8 : i32
      %add3A_1420 = arith.addi %multiple_of3A_1305, %add3A_1419 : i32
      %mul3A_1421 = arith.constant 16 : i32
      %mul3A_1422 = arith.muli %add3A_1420, %mul3A_1421 : i32
      %swap3A_1423 = arith.index_cast %mul3A_1422 : i32 to index
      %swap3A_1424 = tpu.vector_load %arg13[%swap3A_1423] {strides = array<i32>} : memref<8192xf32, #tpu.memory_space<vmem>>, vector<16xf32>,
      tpu.vector_store %arg13[%swap3A_1423], %gather3A_1418 {strides = array<i32>} : memref<8192xf32, #tpu.memory_space<vmem>>, vector<16xf32>,
      %add3A_1425 = arith.constant 144 : i32
      %add3A_1426 = vector.broadcast %add3A_1425 : i32 to vector<16xi32>
      %add3A_1427 = arith.addi %iota3A, %add3A_1426 : vector<16xi32>
      %slice3A_1428 = vector.extract_strided_slice %and3A {offsets = [9], sizes = [1], strides = [1]} : vector<16xi32> to vector<1xi32>
      %squeeze3A_1429 = vector.extract %slice3A_1428[0] : i32 from vector<1xi32>
      %broadcast_in_dim3A_1430 = vector.broadcast %squeeze3A_1429 : i32 to vector<16xi32>
      %gather3A_1431 = tpu.vector_load_idx %arg11[%broadcast_in_dim3A_1309, %add3A_1427, %broadcast_in_dim3A_1430] : memref<2x256x128xf32, #tpu.memory_space<vmem>>[vector<16xi32>, vector<16xi32>, vector<16xi32>], vector<16xf32>,
      %add3A_1432 = arith.constant 9 : i32
      %add3A_1433 = arith.addi %multiple_of3A_1305, %add3A_1432 : i32
      %mul3A_1434 = arith.constant 16 : i32
      %mul3A_1435 = arith.muli %add3A_1433, %mul3A_1434 : i32
      %swap3A_1436 = arith.index_cast %mul3A_1435 : i32 to index
      %swap3A_1437 = tpu.vector_load %arg13[%swap3A_1436] {strides = array<i32>} : memref<8192xf32, #tpu.memory_space<vmem>>, vector<16xf32>,
      tpu.vector_store %arg13[%swap3A_1436], %gather3A_1431 {strides = array<i32>} : memref<8192xf32, #tpu.memory_space<vmem>>, vector<16xf32>,
      %add3A_1438 = arith.constant 160 : i32
      %add3A_1439 = vector.broadcast %add3A_1438 : i32 to vector<16xi32>
      %add3A_1440 = arith.addi %iota3A, %add3A_1439 : vector<16xi32>
      %slice3A_1441 = vector.extract_strided_slice %and3A {offsets = [10], sizes = [1], strides = [1]} : vector<16xi32> to vector<1xi32>
      %squeeze3A_1442 = vector.extract %slice3A_1441[0] : i32 from vector<1xi32>
      %broadcast_in_dim3A_1443 = vector.broadcast %squeeze3A_1442 : i32 to vector<16xi32>
      %gather3A_1444 = tpu.vector_load_idx %arg11[%broadcast_in_dim3A_1309, %add3A_1440, %broadcast_in_dim3A_1443] : memref<2x256x128xf32, #tpu.memory_space<vmem>>[vector<16xi32>, vector<16xi32>, vector<16xi32>], vector<16xf32>,
      %add3A_1445 = arith.constant 10 : i32
      %add3A_1446 = arith.addi %multiple_of3A_1305, %add3A_1445 : i32
      %mul3A_1447 = arith.constant 16 : i32
      %mul3A_1448 = arith.muli %add3A_1446, %mul3A_1447 : i32
      %swap3A_1449 = arith.index_cast %mul3A_1448 : i32 to index
      %swap3A_1450 = tpu.vector_load %arg13[%swap3A_1449] {strides = array<i32>} : memref<8192xf32, #tpu.memory_space<vmem>>, vector<16xf32>,
      tpu.vector_store %arg13[%swap3A_1449], %gather3A_1444 {strides = array<i32>} : memref<8192xf32, #tpu.memory_space<vmem>>, vector<16xf32>,
      %add3A_1451 = arith.constant 176 : i32
      %add3A_1452 = vector.broadcast %add3A_1451 : i32 to vector<16xi32>
      %add3A_1453 = arith.addi %iota3A, %add3A_1452 : vector<16xi32>
      %slice3A_1454 = vector.extract_strided_slice %and3A {offsets = [11], sizes = [1], strides = [1]} : vector<16xi32> to vector<1xi32>
      %squeeze3A_1455 = vector.extract %slice3A_1454[0] : i32 from vector<1xi32>
      %broadcast_in_dim3A_1456 = vector.broadcast %squeeze3A_1455 : i32 to vector<16xi32>
      %gather3A_1457 = tpu.vector_load_idx %arg11[%broadcast_in_dim3A_1309, %add3A_1453, %broadcast_in_dim3A_1456] : memref<2x256x128xf32, #tpu.memory_space<vmem>>[vector<16xi32>, vector<16xi32>, vector<16xi32>], vector<16xf32>,
      %add3A_1458 = arith.constant 11 : i32
      %add3A_1459 = arith.addi %multiple_of3A_1305, %add3A_1458 : i32
      %mul3A_1460 = arith.constant 16 : i32
      %mul3A_1461 = arith.muli %add3A_1459, %mul3A_1460 : i32
      %swap3A_1462 = arith.index_cast %mul3A_1461 : i32 to index
      %swap3A_1463 = tpu.vector_load %arg13[%swap3A_1462] {strides = array<i32>} : memref<8192xf32, #tpu.memory_space<vmem>>, vector<16xf32>,
      tpu.vector_store %arg13[%swap3A_1462], %gather3A_1457 {strides = array<i32>} : memref<8192xf32, #tpu.memory_space<vmem>>, vector<16xf32>,
      %add3A_1464 = arith.constant 192 : i32
      %add3A_1465 = vector.broadcast %add3A_1464 : i32 to vector<16xi32>
      %add3A_1466 = arith.addi %iota3A, %add3A_1465 : vector<16xi32>
      %slice3A_1467 = vector.extract_strided_slice %and3A {offsets = [12], sizes = [1], strides = [1]} : vector<16xi32> to vector<1xi32>
      %squeeze3A_1468 = vector.extract %slice3A_1467[0] : i32 from vector<1xi32>
      %broadcast_in_dim3A_1469 = vector.broadcast %squeeze3A_1468 : i32 to vector<16xi32>
      %gather3A_1470 = tpu.vector_load_idx %arg11[%broadcast_in_dim3A_1309, %add3A_1466, %broadcast_in_dim3A_1469] : memref<2x256x128xf32, #tpu.memory_space<vmem>>[vector<16xi32>, vector<16xi32>, vector<16xi32>], vector<16xf32>,
      %add3A_1471 = arith.constant 12 : i32
      %add3A_1472 = arith.addi %multiple_of3A_1305, %add3A_1471 : i32
      %mul3A_1473 = arith.constant 16 : i32
      %mul3A_1474 = arith.muli %add3A_1472, %mul3A_1473 : i32
      %swap3A_1475 = arith.index_cast %mul3A_1474 : i32 to index
      %swap3A_1476 = tpu.vector_load %arg13[%swap3A_1475] {strides = array<i32>} : memref<8192xf32, #tpu.memory_space<vmem>>, vector<16xf32>,
      tpu.vector_store %arg13[%swap3A_1475], %gather3A_1470 {strides = array<i32>} : memref<8192xf32, #tpu.memory_space<vmem>>, vector<16xf32>,
      %add3A_1477 = arith.constant 208 : i32
      %add3A_1478 = vector.broadcast %add3A_1477 : i32 to vector<16xi32>
      %add3A_1479 = arith.addi %iota3A, %add3A_1478 : vector<16xi32>
      %slice3A_1480 = vector.extract_strided_slice %and3A {offsets = [13], sizes = [1], strides = [1]} : vector<16xi32> to vector<1xi32>
      %squeeze3A_1481 = vector.extract %slice3A_1480[0] : i32 from vector<1xi32>
      %broadcast_in_dim3A_1482 = vector.broadcast %squeeze3A_1481 : i32 to vector<16xi32>
      %gather3A_1483 = tpu.vector_load_idx %arg11[%broadcast_in_dim3A_1309, %add3A_1479, %broadcast_in_dim3A_1482] : memref<2x256x128xf32, #tpu.memory_space<vmem>>[vector<16xi32>, vector<16xi32>, vector<16xi32>], vector<16xf32>,
      %add3A_1484 = arith.constant 13 : i32
      %add3A_1485 = arith.addi %multiple_of3A_1305, %add3A_1484 : i32
      %mul3A_1486 = arith.constant 16 : i32
      %mul3A_1487 = arith.muli %add3A_1485, %mul3A_1486 : i32
      %swap3A_1488 = arith.index_cast %mul3A_1487 : i32 to index
      %swap3A_1489 = tpu.vector_load %arg13[%swap3A_1488] {strides = array<i32>} : memref<8192xf32, #tpu.memory_space<vmem>>, vector<16xf32>,
      tpu.vector_store %arg13[%swap3A_1488], %gather3A_1483 {strides = array<i32>} : memref<8192xf32, #tpu.memory_space<vmem>>, vector<16xf32>,
      %add3A_1490 = arith.constant 224 : i32
      %add3A_1491 = vector.broadcast %add3A_1490 : i32 to vector<16xi32>
      %add3A_1492 = arith.addi %iota3A, %add3A_1491 : vector<16xi32>
      %slice3A_1493 = vector.extract_strided_slice %and3A {offsets = [14], sizes = [1], strides = [1]} : vector<16xi32> to vector<1xi32>
      %squeeze3A_1494 = vector.extract %slice3A_1493[0] : i32 from vector<1xi32>
      %broadcast_in_dim3A_1495 = vector.broadcast %squeeze3A_1494 : i32 to vector<16xi32>
      %gather3A_1496 = tpu.vector_load_idx %arg11[%broadcast_in_dim3A_1309, %add3A_1492, %broadcast_in_dim3A_1495] : memref<2x256x128xf32, #tpu.memory_space<vmem>>[vector<16xi32>, vector<16xi32>, vector<16xi32>], vector<16xf32>,
      %add3A_1497 = arith.constant 14 : i32
      %add3A_1498 = arith.addi %multiple_of3A_1305, %add3A_1497 : i32
      %mul3A_1499 = arith.constant 16 : i32
      %mul3A_1500 = arith.muli %add3A_1498, %mul3A_1499 : i32
      %swap3A_1501 = arith.index_cast %mul3A_1500 : i32 to index
      %swap3A_1502 = tpu.vector_load %arg13[%swap3A_1501] {strides = array<i32>} : memref<8192xf32, #tpu.memory_space<vmem>>, vector<16xf32>,
      tpu.vector_store %arg13[%swap3A_1501], %gather3A_1496 {strides = array<i32>} : memref<8192xf32, #tpu.memory_space<vmem>>, vector<16xf32>,
      %add3A_1503 = arith.constant 240 : i32
      %add3A_1504 = vector.broadcast %add3A_1503 : i32 to vector<16xi32>
      %add3A_1505 = arith.addi %iota3A, %add3A_1504 : vector<16xi32>
      %slice3A_1506 = vector.extract_strided_slice %and3A {offsets = [15], sizes = [1], strides = [1]} : vector<16xi32> to vector<1xi32>
      %squeeze3A_1507 = vector.extract %slice3A_1506[0] : i32 from vector<1xi32>
      %broadcast_in_dim3A_1508 = vector.broadcast %squeeze3A_1507 : i32 to vector<16xi32>
      %gather3A_1509 = tpu.vector_load_idx %arg11[%broadcast_in_dim3A_1309, %add3A_1505, %broadcast_in_dim3A_1508] : memref<2x256x128xf32, #tpu.memory_space<vmem>>[vector<16xi32>, vector<16xi32>, vector<16xi32>], vector<16xf32>,
      %add3A_1510 = arith.constant 15 : i32
      %add3A_1511 = arith.addi %multiple_of3A_1305, %add3A_1510 : i32
      %mul3A_1512 = arith.constant 16 : i32
      %mul3A_1513 = arith.muli %add3A_1511, %mul3A_1512 : i32
      %swap3A_1514 = arith.index_cast %mul3A_1513 : i32 to index
      %swap3A_1515 = tpu.vector_load %arg13[%swap3A_1514] {strides = array<i32>} : memref<8192xf32, #tpu.memory_space<vmem>>, vector<16xf32>,
      tpu.vector_store %arg13[%swap3A_1514], %gather3A_1509 {strides = array<i32>} : memref<8192xf32, #tpu.memory_space<vmem>>, vector<16xf32>,
      %lt3A = arith.constant 15 : i32
      %lt3A_1516 = arith.cmpi slt, %scan3A_734, %lt3A : i32
      %convert_element_type3A = arith.extui %lt3A_1516 : i1 to i32
      %cond3A = arith.constant 0 : i32
      %cond3A_1517 = arith.cmpi ne, %convert_element_type3A, %cond3A : i32
      scf.if %cond3A_1517 {
        %add3A_1976 = arith.constant 2 : i32
        %add3A_1977 = arith.addi %mul3A_736, %add3A_1976 : i32
        %mul3A_1978 = arith.constant 16 : i32
        %mul3A_1979 = arith.muli %add3A_1977, %mul3A_1978 : i32
        %multiple_of3A_1980 = tpu.assume_multiple %mul3A_1979, 16 : i32
        %get3A_1981 = arith.index_cast %multiple_of3A_1980 : i32 to index
        %get3A_1982 = tpu.vector_load %arg10[%get3A_1981] {strides = array<i32>} : memref<512xi32, #tpu.memory_space<vmem>>, vector<16xi32>,
        %slice3A_1983 = vector.extract_strided_slice %get3A_1982 {offsets = [0], sizes = [1], strides = [1]} : vector<16xi32> to vector<1xi32>
        %squeeze3A_1984 = vector.extract %slice3A_1983[0] : i32 from vector<1xi32>
        %shift_right_logical3A_1985 = arith.constant 7 : i32
        %shift_right_logical3A_1986 = arith.shrui %squeeze3A_1984, %shift_right_logical3A_1985 : i32
        %shift_left3A_1987 = arith.constant 7 : i32
        %shift_left3A_1988 = arith.shli %shift_right_logical3A_1986, %shift_left3A_1987 : i32
        %multiple_of3A_1989 = tpu.assume_multiple %shift_left3A_1988, 128 : i32
        %dma_start3A_1990 = arith.constant 0 : i32
        %dma_start3A_1991 = arith.constant 0 : i32
        %dma_start3A_1992 = arith.constant 0 : i32
        %dma_start3A_1993 = tpu.memref_slice %arg11[%dma_start3A_1990, %dma_start3A_1991, %dma_start3A_1992] : memref<2x256x128xf32, #tpu.memory_space<vmem>> -> memref<1x16x128xf32, #tpu.memory_space<vmem>>
        %dma_start3A_1994 = tpu.memref_squeeze %dma_start3A_1993 : memref<1x16x128xf32, #tpu.memory_space<vmem>> -> memref<16x128xf32, #tpu.memory_space<vmem>>
        %dma_start3A_1995 = arith.constant 0 : i32
        %dma_start3A_1996 = tpu.memref_slice %arg5[%dma_start3A_1995, %multiple_of3A_1989] : memref<16x1000000xf32, #tpu.memory_space<hbm>> -> memref<16x128xf32, #tpu.memory_space<hbm>>
        %dma_start3A_1997 = arith.constant 0 : i32
        %dma_start3A_1998 = arith.constant 0 : i32
        %dma_start3A_1999 = tpu.memref_slice %arg11[%dma_start3A_1990, %dma_start3A_1997, %dma_start3A_1998] : memref<2x256x128xf32, #tpu.memory_space<vmem>> -> memref<1x16x128xf32, #tpu.memory_space<vmem>>
        %dma_start3A_2000 = tpu.memref_squeeze %dma_start3A_1999 : memref<1x16x128xf32, #tpu.memory_space<vmem>> -> memref<16x128xf32, #tpu.memory_space<vmem>>
        %dma_start3A_2001 = arith.constant 0 : i32
        %dma_start3A_2002 = tpu.memref_slice %arg5[%dma_start3A_2001, %multiple_of3A_1989] : memref<16x1000000xf32, #tpu.memory_space<hbm>> -> memref<16x128xf32, #tpu.memory_space<hbm>>
        tpu.enqueue_dma source(%dma_start3A_2002 : memref<16x128xf32, #tpu.memory_space<hbm>>) target(%dma_start3A_2000 : memref<16x128xf32, #tpu.memory_space<vmem>>) target_semaphore(%arg17 : memref<!tpu.dma_semaphore, #tpu.memory_space<semaphore_mem>>)
        %slice3A_2003 = vector.extract_strided_slice %get3A_1982 {offsets = [1], sizes = [1], strides = [1]} : vector<16xi32> to vector<1xi32>
        %squeeze3A_2004 = vector.extract %slice3A_2003[0] : i32 from vector<1xi32>
        %shift_right_logical3A_2005 = arith.constant 7 : i32
        %shift_right_logical3A_2006 = arith.shrui %squeeze3A_2004, %shift_right_logical3A_2005 : i32
        %shift_left3A_2007 = arith.constant 7 : i32
        %shift_left3A_2008 = arith.shli %shift_right_logical3A_2006, %shift_left3A_2007 : i32
        %multiple_of3A_2009 = tpu.assume_multiple %shift_left3A_2008, 128 : i32
        %dma_start3A_2010 = arith.constant 0 : i32
        %dma_start3A_2011 = arith.constant 16 : i32
        %dma_start3A_2012 = arith.constant 0 : i32
        %dma_start3A_2013 = tpu.memref_slice %arg11[%dma_start3A_2010, %dma_start3A_2011, %dma_start3A_2012] : memref<2x256x128xf32, #tpu.memory_space<vmem>> -> memref<1x16x128xf32, #tpu.memory_space<vmem>>
        %dma_start3A_2014 = tpu.memref_squeeze %dma_start3A_2013 : memref<1x16x128xf32, #tpu.memory_space<vmem>> -> memref<16x128xf32, #tpu.memory_space<vmem>>
        %dma_start3A_2015 = arith.constant 0 : i32
        %dma_start3A_2016 = tpu.memref_slice %arg5[%dma_start3A_2015, %multiple_of3A_2009] : memref<16x1000000xf32, #tpu.memory_space<hbm>> -> memref<16x128xf32, #tpu.memory_space<hbm>>
        %dma_start3A_2017 = arith.constant 16 : i32
        %dma_start3A_2018 = arith.constant 0 : i32
        %dma_start3A_2019 = tpu.memref_slice %arg11[%dma_start3A_2010, %dma_start3A_2017, %dma_start3A_2018] : memref<2x256x128xf32, #tpu.memory_space<vmem>> -> memref<1x16x128xf32, #tpu.memory_space<vmem>>
        %dma_start3A_2020 = tpu.memref_squeeze %dma_start3A_2019 : memref<1x16x128xf32, #tpu.memory_space<vmem>> -> memref<16x128xf32, #tpu.memory_space<vmem>>
        %dma_start3A_2021 = arith.constant 0 : i32
        %dma_start3A_2022 = tpu.memref_slice %arg5[%dma_start3A_2021, %multiple_of3A_2009] : memref<16x1000000xf32, #tpu.memory_space<hbm>> -> memref<16x128xf32, #tpu.memory_space<hbm>>
        tpu.enqueue_dma source(%dma_start3A_2022 : memref<16x128xf32, #tpu.memory_space<hbm>>) target(%dma_start3A_2020 : memref<16x128xf32, #tpu.memory_space<vmem>>) target_semaphore(%arg17 : memref<!tpu.dma_semaphore, #tpu.memory_space<semaphore_mem>>)
        %slice3A_2023 = vector.extract_strided_slice %get3A_1982 {offsets = [2], sizes = [1], strides = [1]} : vector<16xi32> to vector<1xi32>
        %squeeze3A_2024 = vector.extract %slice3A_2023[0] : i32 from vector<1xi32>
        %shift_right_logical3A_2025 = arith.constant 7 : i32
        %shift_right_logical3A_2026 = arith.shrui %squeeze3A_2024, %shift_right_logical3A_2025 : i32
        %shift_left3A_2027 = arith.constant 7 : i32
        %shift_left3A_2028 = arith.shli %shift_right_logical3A_2026, %shift_left3A_2027 : i32
        %multiple_of3A_2029 = tpu.assume_multiple %shift_left3A_2028, 128 : i32
        %dma_start3A_2030 = arith.constant 0 : i32
        %dma_start3A_2031 = arith.constant 32 : i32
        %dma_start3A_2032 = arith.constant 0 : i32
        %dma_start3A_2033 = tpu.memref_slice %arg11[%dma_start3A_2030, %dma_start3A_2031, %dma_start3A_2032] : memref<2x256x128xf32, #tpu.memory_space<vmem>> -> memref<1x16x128xf32, #tpu.memory_space<vmem>>
        %dma_start3A_2034 = tpu.memref_squeeze %dma_start3A_2033 : memref<1x16x128xf32, #tpu.memory_space<vmem>> -> memref<16x128xf32, #tpu.memory_space<vmem>>
        %dma_start3A_2035 = arith.constant 0 : i32
        %dma_start3A_2036 = tpu.memref_slice %arg5[%dma_start3A_2035, %multiple_of3A_2029] : memref<16x1000000xf32, #tpu.memory_space<hbm>> -> memref<16x128xf32, #tpu.memory_space<hbm>>
        %dma_start3A_2037 = arith.constant 32 : i32
        %dma_start3A_2038 = arith.constant 0 : i32
        %dma_start3A_2039 = tpu.memref_slice %arg11[%dma_start3A_2030, %dma_start3A_2037, %dma_start3A_2038] : memref<2x256x128xf32, #tpu.memory_space<vmem>> -> memref<1x16x128xf32, #tpu.memory_space<vmem>>
        %dma_start3A_2040 = tpu.memref_squeeze %dma_start3A_2039 : memref<1x16x128xf32, #tpu.memory_space<vmem>> -> memref<16x128xf32, #tpu.memory_space<vmem>>
        %dma_start3A_2041 = arith.constant 0 : i32
        %dma_start3A_2042 = tpu.memref_slice %arg5[%dma_start3A_2041, %multiple_of3A_2029] : memref<16x1000000xf32, #tpu.memory_space<hbm>> -> memref<16x128xf32, #tpu.memory_space<hbm>>
        tpu.enqueue_dma source(%dma_start3A_2042 : memref<16x128xf32, #tpu.memory_space<hbm>>) target(%dma_start3A_2040 : memref<16x128xf32, #tpu.memory_space<vmem>>) target_semaphore(%arg17 : memref<!tpu.dma_semaphore, #tpu.memory_space<semaphore_mem>>)
        %slice3A_2043 = vector.extract_strided_slice %get3A_1982 {offsets = [3], sizes = [1], strides = [1]} : vector<16xi32> to vector<1xi32>
        %squeeze3A_2044 = vector.extract %slice3A_2043[0] : i32 from vector<1xi32>
        %shift_right_logical3A_2045 = arith.constant 7 : i32
        %shift_right_logical3A_2046 = arith.shrui %squeeze3A_2044, %shift_right_logical3A_2045 : i32
        %shift_left3A_2047 = arith.constant 7 : i32
        %shift_left3A_2048 = arith.shli %shift_right_logical3A_2046, %shift_left3A_2047 : i32
        %multiple_of3A_2049 = tpu.assume_multiple %shift_left3A_2048, 128 : i32
        %dma_start3A_2050 = arith.constant 0 : i32
        %dma_start3A_2051 = arith.constant 48 : i32
        %dma_start3A_2052 = arith.constant 0 : i32
        %dma_start3A_2053 = tpu.memref_slice %arg11[%dma_start3A_2050, %dma_start3A_2051, %dma_start3A_2052] : memref<2x256x128xf32, #tpu.memory_space<vmem>> -> memref<1x16x128xf32, #tpu.memory_space<vmem>>
        %dma_start3A_2054 = tpu.memref_squeeze %dma_start3A_2053 : memref<1x16x128xf32, #tpu.memory_space<vmem>> -> memref<16x128xf32, #tpu.memory_space<vmem>>
        %dma_start3A_2055 = arith.constant 0 : i32
        %dma_start3A_2056 = tpu.memref_slice %arg5[%dma_start3A_2055, %multiple_of3A_2049] : memref<16x1000000xf32, #tpu.memory_space<hbm>> -> memref<16x128xf32, #tpu.memory_space<hbm>>
        %dma_start3A_2057 = arith.constant 48 : i32
        %dma_start3A_2058 = arith.constant 0 : i32
        %dma_start3A_2059 = tpu.memref_slice %arg11[%dma_start3A_2050, %dma_start3A_2057, %dma_start3A_2058] : memref<2x256x128xf32, #tpu.memory_space<vmem>> -> memref<1x16x128xf32, #tpu.memory_space<vmem>>
        %dma_start3A_2060 = tpu.memref_squeeze %dma_start3A_2059 : memref<1x16x128xf32, #tpu.memory_space<vmem>> -> memref<16x128xf32, #tpu.memory_space<vmem>>
        %dma_start3A_2061 = arith.constant 0 : i32
        %dma_start3A_2062 = tpu.memref_slice %arg5[%dma_start3A_2061, %multiple_of3A_2049] : memref<16x1000000xf32, #tpu.memory_space<hbm>> -> memref<16x128xf32, #tpu.memory_space<hbm>>
        tpu.enqueue_dma source(%dma_start3A_2062 : memref<16x128xf32, #tpu.memory_space<hbm>>) target(%dma_start3A_2060 : memref<16x128xf32, #tpu.memory_space<vmem>>) target_semaphore(%arg17 : memref<!tpu.dma_semaphore, #tpu.memory_space<semaphore_mem>>)
        %slice3A_2063 = vector.extract_strided_slice %get3A_1982 {offsets = [4], sizes = [1], strides = [1]} : vector<16xi32> to vector<1xi32>
        %squeeze3A_2064 = vector.extract %slice3A_2063[0] : i32 from vector<1xi32>
        %shift_right_logical3A_2065 = arith.constant 7 : i32
        %shift_right_logical3A_2066 = arith.shrui %squeeze3A_2064, %shift_right_logical3A_2065 : i32
        %shift_left3A_2067 = arith.constant 7 : i32
        %shift_left3A_2068 = arith.shli %shift_right_logical3A_2066, %shift_left3A_2067 : i32
        %multiple_of3A_2069 = tpu.assume_multiple %shift_left3A_2068, 128 : i32
        %dma_start3A_2070 = arith.constant 0 : i32
        %dma_start3A_2071 = arith.constant 64 : i32
        %dma_start3A_2072 = arith.constant 0 : i32
        %dma_start3A_2073 = tpu.memref_slice %arg11[%dma_start3A_2070, %dma_start3A_2071, %dma_start3A_2072] : memref<2x256x128xf32, #tpu.memory_space<vmem>> -> memref<1x16x128xf32, #tpu.memory_space<vmem>>
        %dma_start3A_2074 = tpu.memref_squeeze %dma_start3A_2073 : memref<1x16x128xf32, #tpu.memory_space<vmem>> -> memref<16x128xf32, #tpu.memory_space<vmem>>
        %dma_start3A_2075 = arith.constant 0 : i32
        %dma_start3A_2076 = tpu.memref_slice %arg5[%dma_start3A_2075, %multiple_of3A_2069] : memref<16x1000000xf32, #tpu.memory_space<hbm>> -> memref<16x128xf32, #tpu.memory_space<hbm>>
        %dma_start3A_2077 = arith.constant 64 : i32
        %dma_start3A_2078 = arith.constant 0 : i32
        %dma_start3A_2079 = tpu.memref_slice %arg11[%dma_start3A_2070, %dma_start3A_2077, %dma_start3A_2078] : memref<2x256x128xf32, #tpu.memory_space<vmem>> -> memref<1x16x128xf32, #tpu.memory_space<vmem>>
        %dma_start3A_2080 = tpu.memref_squeeze %dma_start3A_2079 : memref<1x16x128xf32, #tpu.memory_space<vmem>> -> memref<16x128xf32, #tpu.memory_space<vmem>>
        %dma_start3A_2081 = arith.constant 0 : i32
        %dma_start3A_2082 = tpu.memref_slice %arg5[%dma_start3A_2081, %multiple_of3A_2069] : memref<16x1000000xf32, #tpu.memory_space<hbm>> -> memref<16x128xf32, #tpu.memory_space<hbm>>
        tpu.enqueue_dma source(%dma_start3A_2082 : memref<16x128xf32, #tpu.memory_space<hbm>>) target(%dma_start3A_2080 : memref<16x128xf32, #tpu.memory_space<vmem>>) target_semaphore(%arg17 : memref<!tpu.dma_semaphore, #tpu.memory_space<semaphore_mem>>)
        %slice3A_2083 = vector.extract_strided_slice %get3A_1982 {offsets = [5], sizes = [1], strides = [1]} : vector<16xi32> to vector<1xi32>
        %squeeze3A_2084 = vector.extract %slice3A_2083[0] : i32 from vector<1xi32>
        %shift_right_logical3A_2085 = arith.constant 7 : i32
        %shift_right_logical3A_2086 = arith.shrui %squeeze3A_2084, %shift_right_logical3A_2085 : i32
        %shift_left3A_2087 = arith.constant 7 : i32
        %shift_left3A_2088 = arith.shli %shift_right_logical3A_2086, %shift_left3A_2087 : i32
        %multiple_of3A_2089 = tpu.assume_multiple %shift_left3A_2088, 128 : i32
        %dma_start3A_2090 = arith.constant 0 : i32
        %dma_start3A_2091 = arith.constant 80 : i32
        %dma_start3A_2092 = arith.constant 0 : i32
        %dma_start3A_2093 = tpu.memref_slice %arg11[%dma_start3A_2090, %dma_start3A_2091, %dma_start3A_2092] : memref<2x256x128xf32, #tpu.memory_space<vmem>> -> memref<1x16x128xf32, #tpu.memory_space<vmem>>
        %dma_start3A_2094 = tpu.memref_squeeze %dma_start3A_2093 : memref<1x16x128xf32, #tpu.memory_space<vmem>> -> memref<16x128xf32, #tpu.memory_space<vmem>>
        %dma_start3A_2095 = arith.constant 0 : i32
        %dma_start3A_2096 = tpu.memref_slice %arg5[%dma_start3A_2095, %multiple_of3A_2089] : memref<16x1000000xf32, #tpu.memory_space<hbm>> -> memref<16x128xf32, #tpu.memory_space<hbm>>
        %dma_start3A_2097 = arith.constant 80 : i32
        %dma_start3A_2098 = arith.constant 0 : i32
        %dma_start3A_2099 = tpu.memref_slice %arg11[%dma_start3A_2090, %dma_start3A_2097, %dma_start3A_2098] : memref<2x256x128xf32, #tpu.memory_space<vmem>> -> memref<1x16x128xf32, #tpu.memory_space<vmem>>
        %dma_start3A_2100 = tpu.memref_squeeze %dma_start3A_2099 : memref<1x16x128xf32, #tpu.memory_space<vmem>> -> memref<16x128xf32, #tpu.memory_space<vmem>>
        %dma_start3A_2101 = arith.constant 0 : i32
        %dma_start3A_2102 = tpu.memref_slice %arg5[%dma_start3A_2101, %multiple_of3A_2089] : memref<16x1000000xf32, #tpu.memory_space<hbm>> -> memref<16x128xf32, #tpu.memory_space<hbm>>
        tpu.enqueue_dma source(%dma_start3A_2102 : memref<16x128xf32, #tpu.memory_space<hbm>>) target(%dma_start3A_2100 : memref<16x128xf32, #tpu.memory_space<vmem>>) target_semaphore(%arg17 : memref<!tpu.dma_semaphore, #tpu.memory_space<semaphore_mem>>)
        %slice3A_2103 = vector.extract_strided_slice %get3A_1982 {offsets = [6], sizes = [1], strides = [1]} : vector<16xi32> to vector<1xi32>
        %squeeze3A_2104 = vector.extract %slice3A_2103[0] : i32 from vector<1xi32>
        %shift_right_logical3A_2105 = arith.constant 7 : i32
        %shift_right_logical3A_2106 = arith.shrui %squeeze3A_2104, %shift_right_logical3A_2105 : i32
        %shift_left3A_2107 = arith.constant 7 : i32
        %shift_left3A_2108 = arith.shli %shift_right_logical3A_2106, %shift_left3A_2107 : i32
        %multiple_of3A_2109 = tpu.assume_multiple %shift_left3A_2108, 128 : i32
        %dma_start3A_2110 = arith.constant 0 : i32
        %dma_start3A_2111 = arith.constant 96 : i32
        %dma_start3A_2112 = arith.constant 0 : i32
        %dma_start3A_2113 = tpu.memref_slice %arg11[%dma_start3A_2110, %dma_start3A_2111, %dma_start3A_2112] : memref<2x256x128xf32, #tpu.memory_space<vmem>> -> memref<1x16x128xf32, #tpu.memory_space<vmem>>
        %dma_start3A_2114 = tpu.memref_squeeze %dma_start3A_2113 : memref<1x16x128xf32, #tpu.memory_space<vmem>> -> memref<16x128xf32, #tpu.memory_space<vmem>>
        %dma_start3A_2115 = arith.constant 0 : i32
        %dma_start3A_2116 = tpu.memref_slice %arg5[%dma_start3A_2115, %multiple_of3A_2109] : memref<16x1000000xf32, #tpu.memory_space<hbm>> -> memref<16x128xf32, #tpu.memory_space<hbm>>
        %dma_start3A_2117 = arith.constant 96 : i32
        %dma_start3A_2118 = arith.constant 0 : i32
        %dma_start3A_2119 = tpu.memref_slice %arg11[%dma_start3A_2110, %dma_start3A_2117, %dma_start3A_2118] : memref<2x256x128xf32, #tpu.memory_space<vmem>> -> memref<1x16x128xf32, #tpu.memory_space<vmem>>
        %dma_start3A_2120 = tpu.memref_squeeze %dma_start3A_2119 : memref<1x16x128xf32, #tpu.memory_space<vmem>> -> memref<16x128xf32, #tpu.memory_space<vmem>>
        %dma_start3A_2121 = arith.constant 0 : i32
        %dma_start3A_2122 = tpu.memref_slice %arg5[%dma_start3A_2121, %multiple_of3A_2109] : memref<16x1000000xf32, #tpu.memory_space<hbm>> -> memref<16x128xf32, #tpu.memory_space<hbm>>
        tpu.enqueue_dma source(%dma_start3A_2122 : memref<16x128xf32, #tpu.memory_space<hbm>>) target(%dma_start3A_2120 : memref<16x128xf32, #tpu.memory_space<vmem>>) target_semaphore(%arg17 : memref<!tpu.dma_semaphore, #tpu.memory_space<semaphore_mem>>)
        %slice3A_2123 = vector.extract_strided_slice %get3A_1982 {offsets = [7], sizes = [1], strides = [1]} : vector<16xi32> to vector<1xi32>
        %squeeze3A_2124 = vector.extract %slice3A_2123[0] : i32 from vector<1xi32>
        %shift_right_logical3A_2125 = arith.constant 7 : i32
        %shift_right_logical3A_2126 = arith.shrui %squeeze3A_2124, %shift_right_logical3A_2125 : i32
        %shift_left3A_2127 = arith.constant 7 : i32
        %shift_left3A_2128 = arith.shli %shift_right_logical3A_2126, %shift_left3A_2127 : i32
        %multiple_of3A_2129 = tpu.assume_multiple %shift_left3A_2128, 128 : i32
        %dma_start3A_2130 = arith.constant 0 : i32
        %dma_start3A_2131 = arith.constant 112 : i32
        %dma_start3A_2132 = arith.constant 0 : i32
        %dma_start3A_2133 = tpu.memref_slice %arg11[%dma_start3A_2130, %dma_start3A_2131, %dma_start3A_2132] : memref<2x256x128xf32, #tpu.memory_space<vmem>> -> memref<1x16x128xf32, #tpu.memory_space<vmem>>
        %dma_start3A_2134 = tpu.memref_squeeze %dma_start3A_2133 : memref<1x16x128xf32, #tpu.memory_space<vmem>> -> memref<16x128xf32, #tpu.memory_space<vmem>>
        %dma_start3A_2135 = arith.constant 0 : i32
        %dma_start3A_2136 = tpu.memref_slice %arg5[%dma_start3A_2135, %multiple_of3A_2129] : memref<16x1000000xf32, #tpu.memory_space<hbm>> -> memref<16x128xf32, #tpu.memory_space<hbm>>
        %dma_start3A_2137 = arith.constant 112 : i32
        %dma_start3A_2138 = arith.constant 0 : i32
        %dma_start3A_2139 = tpu.memref_slice %arg11[%dma_start3A_2130, %dma_start3A_2137, %dma_start3A_2138] : memref<2x256x128xf32, #tpu.memory_space<vmem>> -> memref<1x16x128xf32, #tpu.memory_space<vmem>>
        %dma_start3A_2140 = tpu.memref_squeeze %dma_start3A_2139 : memref<1x16x128xf32, #tpu.memory_space<vmem>> -> memref<16x128xf32, #tpu.memory_space<vmem>>
        %dma_start3A_2141 = arith.constant 0 : i32
        %dma_start3A_2142 = tpu.memref_slice %arg5[%dma_start3A_2141, %multiple_of3A_2129] : memref<16x1000000xf32, #tpu.memory_space<hbm>> -> memref<16x128xf32, #tpu.memory_space<hbm>>
        tpu.enqueue_dma source(%dma_start3A_2142 : memref<16x128xf32, #tpu.memory_space<hbm>>) target(%dma_start3A_2140 : memref<16x128xf32, #tpu.memory_space<vmem>>) target_semaphore(%arg17 : memref<!tpu.dma_semaphore, #tpu.memory_space<semaphore_mem>>)
        %slice3A_2143 = vector.extract_strided_slice %get3A_1982 {offsets = [8], sizes = [1], strides = [1]} : vector<16xi32> to vector<1xi32>
        %squeeze3A_2144 = vector.extract %slice3A_2143[0] : i32 from vector<1xi32>
        %shift_right_logical3A_2145 = arith.constant 7 : i32
        %shift_right_logical3A_2146 = arith.shrui %squeeze3A_2144, %shift_right_logical3A_2145 : i32
        %shift_left3A_2147 = arith.constant 7 : i32
        %shift_left3A_2148 = arith.shli %shift_right_logical3A_2146, %shift_left3A_2147 : i32
        %multiple_of3A_2149 = tpu.assume_multiple %shift_left3A_2148, 128 : i32
        %dma_start3A_2150 = arith.constant 0 : i32
        %dma_start3A_2151 = arith.constant 128 : i32
        %dma_start3A_2152 = arith.constant 0 : i32
        %dma_start3A_2153 = tpu.memref_slice %arg11[%dma_start3A_2150, %dma_start3A_2151, %dma_start3A_2152] : memref<2x256x128xf32, #tpu.memory_space<vmem>> -> memref<1x16x128xf32, #tpu.memory_space<vmem>>
        %dma_start3A_2154 = tpu.memref_squeeze %dma_start3A_2153 : memref<1x16x128xf32, #tpu.memory_space<vmem>> -> memref<16x128xf32, #tpu.memory_space<vmem>>
        %dma_start3A_2155 = arith.constant 0 : i32
        %dma_start3A_2156 = tpu.memref_slice %arg5[%dma_start3A_2155, %multiple_of3A_2149] : memref<16x1000000xf32, #tpu.memory_space<hbm>> -> memref<16x128xf32, #tpu.memory_space<hbm>>
        %dma_start3A_2157 = arith.constant 128 : i32
        %dma_start3A_2158 = arith.constant 0 : i32
        %dma_start3A_2159 = tpu.memref_slice %arg11[%dma_start3A_2150, %dma_start3A_2157, %dma_start3A_2158] : memref<2x256x128xf32, #tpu.memory_space<vmem>> -> memref<1x16x128xf32, #tpu.memory_space<vmem>>
        %dma_start3A_2160 = tpu.memref_squeeze %dma_start3A_2159 : memref<1x16x128xf32, #tpu.memory_space<vmem>> -> memref<16x128xf32, #tpu.memory_space<vmem>>
        %dma_start3A_2161 = arith.constant 0 : i32
        %dma_start3A_2162 = tpu.memref_slice %arg5[%dma_start3A_2161, %multiple_of3A_2149] : memref<16x1000000xf32, #tpu.memory_space<hbm>> -> memref<16x128xf32, #tpu.memory_space<hbm>>
        tpu.enqueue_dma source(%dma_start3A_2162 : memref<16x128xf32, #tpu.memory_space<hbm>>) target(%dma_start3A_2160 : memref<16x128xf32, #tpu.memory_space<vmem>>) target_semaphore(%arg17 : memref<!tpu.dma_semaphore, #tpu.memory_space<semaphore_mem>>)
        %slice3A_2163 = vector.extract_strided_slice %get3A_1982 {offsets = [9], sizes = [1], strides = [1]} : vector<16xi32> to vector<1xi32>
        %squeeze3A_2164 = vector.extract %slice3A_2163[0] : i32 from vector<1xi32>
        %shift_right_logical3A_2165 = arith.constant 7 : i32
        %shift_right_logical3A_2166 = arith.shrui %squeeze3A_2164, %shift_right_logical3A_2165 : i32
        %shift_left3A_2167 = arith.constant 7 : i32
        %shift_left3A_2168 = arith.shli %shift_right_logical3A_2166, %shift_left3A_2167 : i32
        %multiple_of3A_2169 = tpu.assume_multiple %shift_left3A_2168, 128 : i32
        %dma_start3A_2170 = arith.constant 0 : i32
        %dma_start3A_2171 = arith.constant 144 : i32
        %dma_start3A_2172 = arith.constant 0 : i32
        %dma_start3A_2173 = tpu.memref_slice %arg11[%dma_start3A_2170, %dma_start3A_2171, %dma_start3A_2172] : memref<2x256x128xf32, #tpu.memory_space<vmem>> -> memref<1x16x128xf32, #tpu.memory_space<vmem>>
        %dma_start3A_2174 = tpu.memref_squeeze %dma_start3A_2173 : memref<1x16x128xf32, #tpu.memory_space<vmem>> -> memref<16x128xf32, #tpu.memory_space<vmem>>
        %dma_start3A_2175 = arith.constant 0 : i32
        %dma_start3A_2176 = tpu.memref_slice %arg5[%dma_start3A_2175, %multiple_of3A_2169] : memref<16x1000000xf32, #tpu.memory_space<hbm>> -> memref<16x128xf32, #tpu.memory_space<hbm>>
        %dma_start3A_2177 = arith.constant 144 : i32
        %dma_start3A_2178 = arith.constant 0 : i32
        %dma_start3A_2179 = tpu.memref_slice %arg11[%dma_start3A_2170, %dma_start3A_2177, %dma_start3A_2178] : memref<2x256x128xf32, #tpu.memory_space<vmem>> -> memref<1x16x128xf32, #tpu.memory_space<vmem>>
        %dma_start3A_2180 = tpu.memref_squeeze %dma_start3A_2179 : memref<1x16x128xf32, #tpu.memory_space<vmem>> -> memref<16x128xf32, #tpu.memory_space<vmem>>
        %dma_start3A_2181 = arith.constant 0 : i32
        %dma_start3A_2182 = tpu.memref_slice %arg5[%dma_start3A_2181, %multiple_of3A_2169] : memref<16x1000000xf32, #tpu.memory_space<hbm>> -> memref<16x128xf32, #tpu.memory_space<hbm>>
        tpu.enqueue_dma source(%dma_start3A_2182 : memref<16x128xf32, #tpu.memory_space<hbm>>) target(%dma_start3A_2180 : memref<16x128xf32, #tpu.memory_space<vmem>>) target_semaphore(%arg17 : memref<!tpu.dma_semaphore, #tpu.memory_space<semaphore_mem>>)
        %slice3A_2183 = vector.extract_strided_slice %get3A_1982 {offsets = [10], sizes = [1], strides = [1]} : vector<16xi32> to vector<1xi32>
        %squeeze3A_2184 = vector.extract %slice3A_2183[0] : i32 from vector<1xi32>
        %shift_right_logical3A_2185 = arith.constant 7 : i32
        %shift_right_logical3A_2186 = arith.shrui %squeeze3A_2184, %shift_right_logical3A_2185 : i32
        %shift_left3A_2187 = arith.constant 7 : i32
        %shift_left3A_2188 = arith.shli %shift_right_logical3A_2186, %shift_left3A_2187 : i32
        %multiple_of3A_2189 = tpu.assume_multiple %shift_left3A_2188, 128 : i32
        %dma_start3A_2190 = arith.constant 0 : i32
        %dma_start3A_2191 = arith.constant 160 : i32
        %dma_start3A_2192 = arith.constant 0 : i32
        %dma_start3A_2193 = tpu.memref_slice %arg11[%dma_start3A_2190, %dma_start3A_2191, %dma_start3A_2192] : memref<2x256x128xf32, #tpu.memory_space<vmem>> -> memref<1x16x128xf32, #tpu.memory_space<vmem>>
        %dma_start3A_2194 = tpu.memref_squeeze %dma_start3A_2193 : memref<1x16x128xf32, #tpu.memory_space<vmem>> -> memref<16x128xf32, #tpu.memory_space<vmem>>
        %dma_start3A_2195 = arith.constant 0 : i32
        %dma_start3A_2196 = tpu.memref_slice %arg5[%dma_start3A_2195, %multiple_of3A_2189] : memref<16x1000000xf32, #tpu.memory_space<hbm>> -> memref<16x128xf32, #tpu.memory_space<hbm>>
        %dma_start3A_2197 = arith.constant 160 : i32
        %dma_start3A_2198 = arith.constant 0 : i32
        %dma_start3A_2199 = tpu.memref_slice %arg11[%dma_start3A_2190, %dma_start3A_2197, %dma_start3A_2198] : memref<2x256x128xf32, #tpu.memory_space<vmem>> -> memref<1x16x128xf32, #tpu.memory_space<vmem>>
        %dma_start3A_2200 = tpu.memref_squeeze %dma_start3A_2199 : memref<1x16x128xf32, #tpu.memory_space<vmem>> -> memref<16x128xf32, #tpu.memory_space<vmem>>
        %dma_start3A_2201 = arith.constant 0 : i32
        %dma_start3A_2202 = tpu.memref_slice %arg5[%dma_start3A_2201, %multiple_of3A_2189] : memref<16x1000000xf32, #tpu.memory_space<hbm>> -> memref<16x128xf32, #tpu.memory_space<hbm>>
        tpu.enqueue_dma source(%dma_start3A_2202 : memref<16x128xf32, #tpu.memory_space<hbm>>) target(%dma_start3A_2200 : memref<16x128xf32, #tpu.memory_space<vmem>>) target_semaphore(%arg17 : memref<!tpu.dma_semaphore, #tpu.memory_space<semaphore_mem>>)
        %slice3A_2203 = vector.extract_strided_slice %get3A_1982 {offsets = [11], sizes = [1], strides = [1]} : vector<16xi32> to vector<1xi32>
        %squeeze3A_2204 = vector.extract %slice3A_2203[0] : i32 from vector<1xi32>
        %shift_right_logical3A_2205 = arith.constant 7 : i32
        %shift_right_logical3A_2206 = arith.shrui %squeeze3A_2204, %shift_right_logical3A_2205 : i32
        %shift_left3A_2207 = arith.constant 7 : i32
        %shift_left3A_2208 = arith.shli %shift_right_logical3A_2206, %shift_left3A_2207 : i32
        %multiple_of3A_2209 = tpu.assume_multiple %shift_left3A_2208, 128 : i32
        %dma_start3A_2210 = arith.constant 0 : i32
        %dma_start3A_2211 = arith.constant 176 : i32
        %dma_start3A_2212 = arith.constant 0 : i32
        %dma_start3A_2213 = tpu.memref_slice %arg11[%dma_start3A_2210, %dma_start3A_2211, %dma_start3A_2212] : memref<2x256x128xf32, #tpu.memory_space<vmem>> -> memref<1x16x128xf32, #tpu.memory_space<vmem>>
        %dma_start3A_2214 = tpu.memref_squeeze %dma_start3A_2213 : memref<1x16x128xf32, #tpu.memory_space<vmem>> -> memref<16x128xf32, #tpu.memory_space<vmem>>
        %dma_start3A_2215 = arith.constant 0 : i32
        %dma_start3A_2216 = tpu.memref_slice %arg5[%dma_start3A_2215, %multiple_of3A_2209] : memref<16x1000000xf32, #tpu.memory_space<hbm>> -> memref<16x128xf32, #tpu.memory_space<hbm>>
        %dma_start3A_2217 = arith.constant 176 : i32
        %dma_start3A_2218 = arith.constant 0 : i32
        %dma_start3A_2219 = tpu.memref_slice %arg11[%dma_start3A_2210, %dma_start3A_2217, %dma_start3A_2218] : memref<2x256x128xf32, #tpu.memory_space<vmem>> -> memref<1x16x128xf32, #tpu.memory_space<vmem>>
        %dma_start3A_2220 = tpu.memref_squeeze %dma_start3A_2219 : memref<1x16x128xf32, #tpu.memory_space<vmem>> -> memref<16x128xf32, #tpu.memory_space<vmem>>
        %dma_start3A_2221 = arith.constant 0 : i32
        %dma_start3A_2222 = tpu.memref_slice %arg5[%dma_start3A_2221, %multiple_of3A_2209] : memref<16x1000000xf32, #tpu.memory_space<hbm>> -> memref<16x128xf32, #tpu.memory_space<hbm>>
        tpu.enqueue_dma source(%dma_start3A_2222 : memref<16x128xf32, #tpu.memory_space<hbm>>) target(%dma_start3A_2220 : memref<16x128xf32, #tpu.memory_space<vmem>>) target_semaphore(%arg17 : memref<!tpu.dma_semaphore, #tpu.memory_space<semaphore_mem>>)
        %slice3A_2223 = vector.extract_strided_slice %get3A_1982 {offsets = [12], sizes = [1], strides = [1]} : vector<16xi32> to vector<1xi32>
        %squeeze3A_2224 = vector.extract %slice3A_2223[0] : i32 from vector<1xi32>
        %shift_right_logical3A_2225 = arith.constant 7 : i32
        %shift_right_logical3A_2226 = arith.shrui %squeeze3A_2224, %shift_right_logical3A_2225 : i32
        %shift_left3A_2227 = arith.constant 7 : i32
        %shift_left3A_2228 = arith.shli %shift_right_logical3A_2226, %shift_left3A_2227 : i32
        %multiple_of3A_2229 = tpu.assume_multiple %shift_left3A_2228, 128 : i32
        %dma_start3A_2230 = arith.constant 0 : i32
        %dma_start3A_2231 = arith.constant 192 : i32
        %dma_start3A_2232 = arith.constant 0 : i32
        %dma_start3A_2233 = tpu.memref_slice %arg11[%dma_start3A_2230, %dma_start3A_2231, %dma_start3A_2232] : memref<2x256x128xf32, #tpu.memory_space<vmem>> -> memref<1x16x128xf32, #tpu.memory_space<vmem>>
        %dma_start3A_2234 = tpu.memref_squeeze %dma_start3A_2233 : memref<1x16x128xf32, #tpu.memory_space<vmem>> -> memref<16x128xf32, #tpu.memory_space<vmem>>
        %dma_start3A_2235 = arith.constant 0 : i32
        %dma_start3A_2236 = tpu.memref_slice %arg5[%dma_start3A_2235, %multiple_of3A_2229] : memref<16x1000000xf32, #tpu.memory_space<hbm>> -> memref<16x128xf32, #tpu.memory_space<hbm>>
        %dma_start3A_2237 = arith.constant 192 : i32
        %dma_start3A_2238 = arith.constant 0 : i32
        %dma_start3A_2239 = tpu.memref_slice %arg11[%dma_start3A_2230, %dma_start3A_2237, %dma_start3A_2238] : memref<2x256x128xf32, #tpu.memory_space<vmem>> -> memref<1x16x128xf32, #tpu.memory_space<vmem>>
        %dma_start3A_2240 = tpu.memref_squeeze %dma_start3A_2239 : memref<1x16x128xf32, #tpu.memory_space<vmem>> -> memref<16x128xf32, #tpu.memory_space<vmem>>
        %dma_start3A_2241 = arith.constant 0 : i32
        %dma_start3A_2242 = tpu.memref_slice %arg5[%dma_start3A_2241, %multiple_of3A_2229] : memref<16x1000000xf32, #tpu.memory_space<hbm>> -> memref<16x128xf32, #tpu.memory_space<hbm>>
        tpu.enqueue_dma source(%dma_start3A_2242 : memref<16x128xf32, #tpu.memory_space<hbm>>) target(%dma_start3A_2240 : memref<16x128xf32, #tpu.memory_space<vmem>>) target_semaphore(%arg17 : memref<!tpu.dma_semaphore, #tpu.memory_space<semaphore_mem>>)
        %slice3A_2243 = vector.extract_strided_slice %get3A_1982 {offsets = [13], sizes = [1], strides = [1]} : vector<16xi32> to vector<1xi32>
        %squeeze3A_2244 = vector.extract %slice3A_2243[0] : i32 from vector<1xi32>
        %shift_right_logical3A_2245 = arith.constant 7 : i32
        %shift_right_logical3A_2246 = arith.shrui %squeeze3A_2244, %shift_right_logical3A_2245 : i32
        %shift_left3A_2247 = arith.constant 7 : i32
        %shift_left3A_2248 = arith.shli %shift_right_logical3A_2246, %shift_left3A_2247 : i32
        %multiple_of3A_2249 = tpu.assume_multiple %shift_left3A_2248, 128 : i32
        %dma_start3A_2250 = arith.constant 0 : i32
        %dma_start3A_2251 = arith.constant 208 : i32
        %dma_start3A_2252 = arith.constant 0 : i32
        %dma_start3A_2253 = tpu.memref_slice %arg11[%dma_start3A_2250, %dma_start3A_2251, %dma_start3A_2252] : memref<2x256x128xf32, #tpu.memory_space<vmem>> -> memref<1x16x128xf32, #tpu.memory_space<vmem>>
        %dma_start3A_2254 = tpu.memref_squeeze %dma_start3A_2253 : memref<1x16x128xf32, #tpu.memory_space<vmem>> -> memref<16x128xf32, #tpu.memory_space<vmem>>
        %dma_start3A_2255 = arith.constant 0 : i32
        %dma_start3A_2256 = tpu.memref_slice %arg5[%dma_start3A_2255, %multiple_of3A_2249] : memref<16x1000000xf32, #tpu.memory_space<hbm>> -> memref<16x128xf32, #tpu.memory_space<hbm>>
        %dma_start3A_2257 = arith.constant 208 : i32
        %dma_start3A_2258 = arith.constant 0 : i32
        %dma_start3A_2259 = tpu.memref_slice %arg11[%dma_start3A_2250, %dma_start3A_2257, %dma_start3A_2258] : memref<2x256x128xf32, #tpu.memory_space<vmem>> -> memref<1x16x128xf32, #tpu.memory_space<vmem>>
        %dma_start3A_2260 = tpu.memref_squeeze %dma_start3A_2259 : memref<1x16x128xf32, #tpu.memory_space<vmem>> -> memref<16x128xf32, #tpu.memory_space<vmem>>
        %dma_start3A_2261 = arith.constant 0 : i32
        %dma_start3A_2262 = tpu.memref_slice %arg5[%dma_start3A_2261, %multiple_of3A_2249] : memref<16x1000000xf32, #tpu.memory_space<hbm>> -> memref<16x128xf32, #tpu.memory_space<hbm>>
        tpu.enqueue_dma source(%dma_start3A_2262 : memref<16x128xf32, #tpu.memory_space<hbm>>) target(%dma_start3A_2260 : memref<16x128xf32, #tpu.memory_space<vmem>>) target_semaphore(%arg17 : memref<!tpu.dma_semaphore, #tpu.memory_space<semaphore_mem>>)
        %slice3A_2263 = vector.extract_strided_slice %get3A_1982 {offsets = [14], sizes = [1], strides = [1]} : vector<16xi32> to vector<1xi32>
        %squeeze3A_2264 = vector.extract %slice3A_2263[0] : i32 from vector<1xi32>
        %shift_right_logical3A_2265 = arith.constant 7 : i32
        %shift_right_logical3A_2266 = arith.shrui %squeeze3A_2264, %shift_right_logical3A_2265 : i32
        %shift_left3A_2267 = arith.constant 7 : i32
        %shift_left3A_2268 = arith.shli %shift_right_logical3A_2266, %shift_left3A_2267 : i32
        %multiple_of3A_2269 = tpu.assume_multiple %shift_left3A_2268, 128 : i32
        %dma_start3A_2270 = arith.constant 0 : i32
        %dma_start3A_2271 = arith.constant 224 : i32
        %dma_start3A_2272 = arith.constant 0 : i32
        %dma_start3A_2273 = tpu.memref_slice %arg11[%dma_start3A_2270, %dma_start3A_2271, %dma_start3A_2272] : memref<2x256x128xf32, #tpu.memory_space<vmem>> -> memref<1x16x128xf32, #tpu.memory_space<vmem>>
        %dma_start3A_2274 = tpu.memref_squeeze %dma_start3A_2273 : memref<1x16x128xf32, #tpu.memory_space<vmem>> -> memref<16x128xf32, #tpu.memory_space<vmem>>
        %dma_start3A_2275 = arith.constant 0 : i32
        %dma_start3A_2276 = tpu.memref_slice %arg5[%dma_start3A_2275, %multiple_of3A_2269] : memref<16x1000000xf32, #tpu.memory_space<hbm>> -> memref<16x128xf32, #tpu.memory_space<hbm>>
        %dma_start3A_2277 = arith.constant 224 : i32
        %dma_start3A_2278 = arith.constant 0 : i32
        %dma_start3A_2279 = tpu.memref_slice %arg11[%dma_start3A_2270, %dma_start3A_2277, %dma_start3A_2278] : memref<2x256x128xf32, #tpu.memory_space<vmem>> -> memref<1x16x128xf32, #tpu.memory_space<vmem>>
        %dma_start3A_2280 = tpu.memref_squeeze %dma_start3A_2279 : memref<1x16x128xf32, #tpu.memory_space<vmem>> -> memref<16x128xf32, #tpu.memory_space<vmem>>
        %dma_start3A_2281 = arith.constant 0 : i32
        %dma_start3A_2282 = tpu.memref_slice %arg5[%dma_start3A_2281, %multiple_of3A_2269] : memref<16x1000000xf32, #tpu.memory_space<hbm>> -> memref<16x128xf32, #tpu.memory_space<hbm>>
        tpu.enqueue_dma source(%dma_start3A_2282 : memref<16x128xf32, #tpu.memory_space<hbm>>) target(%dma_start3A_2280 : memref<16x128xf32, #tpu.memory_space<vmem>>) target_semaphore(%arg17 : memref<!tpu.dma_semaphore, #tpu.memory_space<semaphore_mem>>)
        %slice3A_2283 = vector.extract_strided_slice %get3A_1982 {offsets = [15], sizes = [1], strides = [1]} : vector<16xi32> to vector<1xi32>
        %squeeze3A_2284 = vector.extract %slice3A_2283[0] : i32 from vector<1xi32>
        %shift_right_logical3A_2285 = arith.constant 7 : i32
        %shift_right_logical3A_2286 = arith.shrui %squeeze3A_2284, %shift_right_logical3A_2285 : i32
        %shift_left3A_2287 = arith.constant 7 : i32
        %shift_left3A_2288 = arith.shli %shift_right_logical3A_2286, %shift_left3A_2287 : i32
        %multiple_of3A_2289 = tpu.assume_multiple %shift_left3A_2288, 128 : i32
        %dma_start3A_2290 = arith.constant 0 : i32
        %dma_start3A_2291 = arith.constant 240 : i32
        %dma_start3A_2292 = arith.constant 0 : i32
        %dma_start3A_2293 = tpu.memref_slice %arg11[%dma_start3A_2290, %dma_start3A_2291, %dma_start3A_2292] : memref<2x256x128xf32, #tpu.memory_space<vmem>> -> memref<1x16x128xf32, #tpu.memory_space<vmem>>
        %dma_start3A_2294 = tpu.memref_squeeze %dma_start3A_2293 : memref<1x16x128xf32, #tpu.memory_space<vmem>> -> memref<16x128xf32, #tpu.memory_space<vmem>>
        %dma_start3A_2295 = arith.constant 0 : i32
        %dma_start3A_2296 = tpu.memref_slice %arg5[%dma_start3A_2295, %multiple_of3A_2289] : memref<16x1000000xf32, #tpu.memory_space<hbm>> -> memref<16x128xf32, #tpu.memory_space<hbm>>
        %dma_start3A_2297 = arith.constant 240 : i32
        %dma_start3A_2298 = arith.constant 0 : i32
        %dma_start3A_2299 = tpu.memref_slice %arg11[%dma_start3A_2290, %dma_start3A_2297, %dma_start3A_2298] : memref<2x256x128xf32, #tpu.memory_space<vmem>> -> memref<1x16x128xf32, #tpu.memory_space<vmem>>
        %dma_start3A_2300 = tpu.memref_squeeze %dma_start3A_2299 : memref<1x16x128xf32, #tpu.memory_space<vmem>> -> memref<16x128xf32, #tpu.memory_space<vmem>>
        %dma_start3A_2301 = arith.constant 0 : i32
        %dma_start3A_2302 = tpu.memref_slice %arg5[%dma_start3A_2301, %multiple_of3A_2289] : memref<16x1000000xf32, #tpu.memory_space<hbm>> -> memref<16x128xf32, #tpu.memory_space<hbm>>
        tpu.enqueue_dma source(%dma_start3A_2302 : memref<16x128xf32, #tpu.memory_space<hbm>>) target(%dma_start3A_2300 : memref<16x128xf32, #tpu.memory_space<vmem>>) target_semaphore(%arg17 : memref<!tpu.dma_semaphore, #tpu.memory_space<semaphore_mem>>)
      } else {
      }
      %dma_wait3A_1518 = arith.constant 1 : i32
      %dma_wait3A_1519 = arith.constant 0 : i32
      %dma_wait3A_1520 = arith.constant 0 : i32
      %dma_wait3A_1521 = tpu.memref_slice %arg11[%dma_wait3A_1518, %dma_wait3A_1519, %dma_wait3A_1520] : memref<2x256x128xf32, #tpu.memory_space<vmem>> -> memref<1x16x128xf32, #tpu.memory_space<vmem>>
      %dma_wait3A_1522 = tpu.memref_squeeze %dma_wait3A_1521 : memref<1x16x128xf32, #tpu.memory_space<vmem>> -> memref<16x128xf32, #tpu.memory_space<vmem>>
      %dma_wait3A_1523 = arith.constant 0 : i32
      %dma_wait3A_1524 = arith.constant 0 : i32
      %dma_wait3A_1525 = tpu.memref_slice %arg5[%dma_wait3A_1523, %dma_wait3A_1524] : memref<16x1000000xf32, #tpu.memory_space<hbm>> -> memref<16x128xf32, #tpu.memory_space<hbm>>
      %dma_wait3A_1526 = arith.constant 0 : i32
      %dma_wait3A_1527 = arith.constant 0 : i32
      %dma_wait3A_1528 = tpu.memref_slice %arg11[%dma_wait3A_1518, %dma_wait3A_1526, %dma_wait3A_1527] : memref<2x256x128xf32, #tpu.memory_space<vmem>> -> memref<1x16x128xf32, #tpu.memory_space<vmem>>
      %dma_wait3A_1529 = tpu.memref_squeeze %dma_wait3A_1528 : memref<1x16x128xf32, #tpu.memory_space<vmem>> -> memref<16x128xf32, #tpu.memory_space<vmem>>
      %dma_wait3A_1530 = arith.constant 0 : i32
      %dma_wait3A_1531 = arith.constant 0 : i32
      %dma_wait3A_1532 = tpu.memref_slice %arg5[%dma_wait3A_1530, %dma_wait3A_1531] : memref<16x1000000xf32, #tpu.memory_space<hbm>> -> memref<16x128xf32, #tpu.memory_space<hbm>>
      tpu.wait_dma2 semaphore(%arg18 : memref<!tpu.dma_semaphore, #tpu.memory_space<semaphore_mem>>) src(%dma_wait3A_1532 : memref<16x128xf32, #tpu.memory_space<hbm>>) dst(%dma_wait3A_1529 : memref<16x128xf32, #tpu.memory_space<vmem>>)
      %dma_wait3A_1533 = arith.constant 1 : i32
      %dma_wait3A_1534 = arith.constant 16 : i32
      %dma_wait3A_1535 = arith.constant 0 : i32
      %dma_wait3A_1536 = tpu.memref_slice %arg11[%dma_wait3A_1533, %dma_wait3A_1534, %dma_wait3A_1535] : memref<2x256x128xf32, #tpu.memory_space<vmem>> -> memref<1x16x128xf32, #tpu.memory_space<vmem>>
      %dma_wait3A_1537 = tpu.memref_squeeze %dma_wait3A_1536 : memref<1x16x128xf32, #tpu.memory_space<vmem>> -> memref<16x128xf32, #tpu.memory_space<vmem>>
      %dma_wait3A_1538 = arith.constant 0 : i32
      %dma_wait3A_1539 = arith.constant 0 : i32
      %dma_wait3A_1540 = tpu.memref_slice %arg5[%dma_wait3A_1538, %dma_wait3A_1539] : memref<16x1000000xf32, #tpu.memory_space<hbm>> -> memref<16x128xf32, #tpu.memory_space<hbm>>
      %dma_wait3A_1541 = arith.constant 16 : i32
      %dma_wait3A_1542 = arith.constant 0 : i32
      %dma_wait3A_1543 = tpu.memref_slice %arg11[%dma_wait3A_1533, %dma_wait3A_1541, %dma_wait3A_1542] : memref<2x256x128xf32, #tpu.memory_space<vmem>> -> memref<1x16x128xf32, #tpu.memory_space<vmem>>
      %dma_wait3A_1544 = tpu.memref_squeeze %dma_wait3A_1543 : memref<1x16x128xf32, #tpu.memory_space<vmem>> -> memref<16x128xf32, #tpu.memory_space<vmem>>
      %dma_wait3A_1545 = arith.constant 0 : i32
      %dma_wait3A_1546 = arith.constant 0 : i32
      %dma_wait3A_1547 = tpu.memref_slice %arg5[%dma_wait3A_1545, %dma_wait3A_1546] : memref<16x1000000xf32, #tpu.memory_space<hbm>> -> memref<16x128xf32, #tpu.memory_space<hbm>>
      tpu.wait_dma2 semaphore(%arg18 : memref<!tpu.dma_semaphore, #tpu.memory_space<semaphore_mem>>) src(%dma_wait3A_1547 : memref<16x128xf32, #tpu.memory_space<hbm>>) dst(%dma_wait3A_1544 : memref<16x128xf32, #tpu.memory_space<vmem>>)
      %dma_wait3A_1548 = arith.constant 1 : i32
      %dma_wait3A_1549 = arith.constant 32 : i32
      %dma_wait3A_1550 = arith.constant 0 : i32
      %dma_wait3A_1551 = tpu.memref_slice %arg11[%dma_wait3A_1548, %dma_wait3A_1549, %dma_wait3A_1550] : memref<2x256x128xf32, #tpu.memory_space<vmem>> -> memref<1x16x128xf32, #tpu.memory_space<vmem>>
      %dma_wait3A_1552 = tpu.memref_squeeze %dma_wait3A_1551 : memref<1x16x128xf32, #tpu.memory_space<vmem>> -> memref<16x128xf32, #tpu.memory_space<vmem>>
      %dma_wait3A_1553 = arith.constant 0 : i32
      %dma_wait3A_1554 = arith.constant 0 : i32
      %dma_wait3A_1555 = tpu.memref_slice %arg5[%dma_wait3A_1553, %dma_wait3A_1554] : memref<16x1000000xf32, #tpu.memory_space<hbm>> -> memref<16x128xf32, #tpu.memory_space<hbm>>
      %dma_wait3A_1556 = arith.constant 32 : i32
      %dma_wait3A_1557 = arith.constant 0 : i32
      %dma_wait3A_1558 = tpu.memref_slice %arg11[%dma_wait3A_1548, %dma_wait3A_1556, %dma_wait3A_1557] : memref<2x256x128xf32, #tpu.memory_space<vmem>> -> memref<1x16x128xf32, #tpu.memory_space<vmem>>
      %dma_wait3A_1559 = tpu.memref_squeeze %dma_wait3A_1558 : memref<1x16x128xf32, #tpu.memory_space<vmem>> -> memref<16x128xf32, #tpu.memory_space<vmem>>
      %dma_wait3A_1560 = arith.constant 0 : i32
      %dma_wait3A_1561 = arith.constant 0 : i32
      %dma_wait3A_1562 = tpu.memref_slice %arg5[%dma_wait3A_1560, %dma_wait3A_1561] : memref<16x1000000xf32, #tpu.memory_space<hbm>> -> memref<16x128xf32, #tpu.memory_space<hbm>>
      tpu.wait_dma2 semaphore(%arg18 : memref<!tpu.dma_semaphore, #tpu.memory_space<semaphore_mem>>) src(%dma_wait3A_1562 : memref<16x128xf32, #tpu.memory_space<hbm>>) dst(%dma_wait3A_1559 : memref<16x128xf32, #tpu.memory_space<vmem>>)
      %dma_wait3A_1563 = arith.constant 1 : i32
      %dma_wait3A_1564 = arith.constant 48 : i32
      %dma_wait3A_1565 = arith.constant 0 : i32
      %dma_wait3A_1566 = tpu.memref_slice %arg11[%dma_wait3A_1563, %dma_wait3A_1564, %dma_wait3A_1565] : memref<2x256x128xf32, #tpu.memory_space<vmem>> -> memref<1x16x128xf32, #tpu.memory_space<vmem>>
      %dma_wait3A_1567 = tpu.memref_squeeze %dma_wait3A_1566 : memref<1x16x128xf32, #tpu.memory_space<vmem>> -> memref<16x128xf32, #tpu.memory_space<vmem>>
      %dma_wait3A_1568 = arith.constant 0 : i32
      %dma_wait3A_1569 = arith.constant 0 : i32
      %dma_wait3A_1570 = tpu.memref_slice %arg5[%dma_wait3A_1568, %dma_wait3A_1569] : memref<16x1000000xf32, #tpu.memory_space<hbm>> -> memref<16x128xf32, #tpu.memory_space<hbm>>
      %dma_wait3A_1571 = arith.constant 48 : i32
      %dma_wait3A_1572 = arith.constant 0 : i32
      %dma_wait3A_1573 = tpu.memref_slice %arg11[%dma_wait3A_1563, %dma_wait3A_1571, %dma_wait3A_1572] : memref<2x256x128xf32, #tpu.memory_space<vmem>> -> memref<1x16x128xf32, #tpu.memory_space<vmem>>
      %dma_wait3A_1574 = tpu.memref_squeeze %dma_wait3A_1573 : memref<1x16x128xf32, #tpu.memory_space<vmem>> -> memref<16x128xf32, #tpu.memory_space<vmem>>
      %dma_wait3A_1575 = arith.constant 0 : i32
      %dma_wait3A_1576 = arith.constant 0 : i32
      %dma_wait3A_1577 = tpu.memref_slice %arg5[%dma_wait3A_1575, %dma_wait3A_1576] : memref<16x1000000xf32, #tpu.memory_space<hbm>> -> memref<16x128xf32, #tpu.memory_space<hbm>>
      tpu.wait_dma2 semaphore(%arg18 : memref<!tpu.dma_semaphore, #tpu.memory_space<semaphore_mem>>) src(%dma_wait3A_1577 : memref<16x128xf32, #tpu.memory_space<hbm>>) dst(%dma_wait3A_1574 : memref<16x128xf32, #tpu.memory_space<vmem>>)
      %dma_wait3A_1578 = arith.constant 1 : i32
      %dma_wait3A_1579 = arith.constant 64 : i32
      %dma_wait3A_1580 = arith.constant 0 : i32
      %dma_wait3A_1581 = tpu.memref_slice %arg11[%dma_wait3A_1578, %dma_wait3A_1579, %dma_wait3A_1580] : memref<2x256x128xf32, #tpu.memory_space<vmem>> -> memref<1x16x128xf32, #tpu.memory_space<vmem>>
      %dma_wait3A_1582 = tpu.memref_squeeze %dma_wait3A_1581 : memref<1x16x128xf32, #tpu.memory_space<vmem>> -> memref<16x128xf32, #tpu.memory_space<vmem>>
      %dma_wait3A_1583 = arith.constant 0 : i32
      %dma_wait3A_1584 = arith.constant 0 : i32
      %dma_wait3A_1585 = tpu.memref_slice %arg5[%dma_wait3A_1583, %dma_wait3A_1584] : memref<16x1000000xf32, #tpu.memory_space<hbm>> -> memref<16x128xf32, #tpu.memory_space<hbm>>
      %dma_wait3A_1586 = arith.constant 64 : i32
      %dma_wait3A_1587 = arith.constant 0 : i32
      %dma_wait3A_1588 = tpu.memref_slice %arg11[%dma_wait3A_1578, %dma_wait3A_1586, %dma_wait3A_1587] : memref<2x256x128xf32, #tpu.memory_space<vmem>> -> memref<1x16x128xf32, #tpu.memory_space<vmem>>
      %dma_wait3A_1589 = tpu.memref_squeeze %dma_wait3A_1588 : memref<1x16x128xf32, #tpu.memory_space<vmem>> -> memref<16x128xf32, #tpu.memory_space<vmem>>
      %dma_wait3A_1590 = arith.constant 0 : i32
      %dma_wait3A_1591 = arith.constant 0 : i32
      %dma_wait3A_1592 = tpu.memref_slice %arg5[%dma_wait3A_1590, %dma_wait3A_1591] : memref<16x1000000xf32, #tpu.memory_space<hbm>> -> memref<16x128xf32, #tpu.memory_space<hbm>>
      tpu.wait_dma2 semaphore(%arg18 : memref<!tpu.dma_semaphore, #tpu.memory_space<semaphore_mem>>) src(%dma_wait3A_1592 : memref<16x128xf32, #tpu.memory_space<hbm>>) dst(%dma_wait3A_1589 : memref<16x128xf32, #tpu.memory_space<vmem>>)
      %dma_wait3A_1593 = arith.constant 1 : i32
      %dma_wait3A_1594 = arith.constant 80 : i32
      %dma_wait3A_1595 = arith.constant 0 : i32
      %dma_wait3A_1596 = tpu.memref_slice %arg11[%dma_wait3A_1593, %dma_wait3A_1594, %dma_wait3A_1595] : memref<2x256x128xf32, #tpu.memory_space<vmem>> -> memref<1x16x128xf32, #tpu.memory_space<vmem>>
      %dma_wait3A_1597 = tpu.memref_squeeze %dma_wait3A_1596 : memref<1x16x128xf32, #tpu.memory_space<vmem>> -> memref<16x128xf32, #tpu.memory_space<vmem>>
      %dma_wait3A_1598 = arith.constant 0 : i32
      %dma_wait3A_1599 = arith.constant 0 : i32
      %dma_wait3A_1600 = tpu.memref_slice %arg5[%dma_wait3A_1598, %dma_wait3A_1599] : memref<16x1000000xf32, #tpu.memory_space<hbm>> -> memref<16x128xf32, #tpu.memory_space<hbm>>
      %dma_wait3A_1601 = arith.constant 80 : i32
      %dma_wait3A_1602 = arith.constant 0 : i32
      %dma_wait3A_1603 = tpu.memref_slice %arg11[%dma_wait3A_1593, %dma_wait3A_1601, %dma_wait3A_1602] : memref<2x256x128xf32, #tpu.memory_space<vmem>> -> memref<1x16x128xf32, #tpu.memory_space<vmem>>
      %dma_wait3A_1604 = tpu.memref_squeeze %dma_wait3A_1603 : memref<1x16x128xf32, #tpu.memory_space<vmem>> -> memref<16x128xf32, #tpu.memory_space<vmem>>
      %dma_wait3A_1605 = arith.constant 0 : i32
      %dma_wait3A_1606 = arith.constant 0 : i32
      %dma_wait3A_1607 = tpu.memref_slice %arg5[%dma_wait3A_1605, %dma_wait3A_1606] : memref<16x1000000xf32, #tpu.memory_space<hbm>> -> memref<16x128xf32, #tpu.memory_space<hbm>>
      tpu.wait_dma2 semaphore(%arg18 : memref<!tpu.dma_semaphore, #tpu.memory_space<semaphore_mem>>) src(%dma_wait3A_1607 : memref<16x128xf32, #tpu.memory_space<hbm>>) dst(%dma_wait3A_1604 : memref<16x128xf32, #tpu.memory_space<vmem>>)
      %dma_wait3A_1608 = arith.constant 1 : i32
      %dma_wait3A_1609 = arith.constant 96 : i32
      %dma_wait3A_1610 = arith.constant 0 : i32
      %dma_wait3A_1611 = tpu.memref_slice %arg11[%dma_wait3A_1608, %dma_wait3A_1609, %dma_wait3A_1610] : memref<2x256x128xf32, #tpu.memory_space<vmem>> -> memref<1x16x128xf32, #tpu.memory_space<vmem>>
      %dma_wait3A_1612 = tpu.memref_squeeze %dma_wait3A_1611 : memref<1x16x128xf32, #tpu.memory_space<vmem>> -> memref<16x128xf32, #tpu.memory_space<vmem>>
      %dma_wait3A_1613 = arith.constant 0 : i32
      %dma_wait3A_1614 = arith.constant 0 : i32
      %dma_wait3A_1615 = tpu.memref_slice %arg5[%dma_wait3A_1613, %dma_wait3A_1614] : memref<16x1000000xf32, #tpu.memory_space<hbm>> -> memref<16x128xf32, #tpu.memory_space<hbm>>
      %dma_wait3A_1616 = arith.constant 96 : i32
      %dma_wait3A_1617 = arith.constant 0 : i32
      %dma_wait3A_1618 = tpu.memref_slice %arg11[%dma_wait3A_1608, %dma_wait3A_1616, %dma_wait3A_1617] : memref<2x256x128xf32, #tpu.memory_space<vmem>> -> memref<1x16x128xf32, #tpu.memory_space<vmem>>
      %dma_wait3A_1619 = tpu.memref_squeeze %dma_wait3A_1618 : memref<1x16x128xf32, #tpu.memory_space<vmem>> -> memref<16x128xf32, #tpu.memory_space<vmem>>
      %dma_wait3A_1620 = arith.constant 0 : i32
      %dma_wait3A_1621 = arith.constant 0 : i32
      %dma_wait3A_1622 = tpu.memref_slice %arg5[%dma_wait3A_1620, %dma_wait3A_1621] : memref<16x1000000xf32, #tpu.memory_space<hbm>> -> memref<16x128xf32, #tpu.memory_space<hbm>>
      tpu.wait_dma2 semaphore(%arg18 : memref<!tpu.dma_semaphore, #tpu.memory_space<semaphore_mem>>) src(%dma_wait3A_1622 : memref<16x128xf32, #tpu.memory_space<hbm>>) dst(%dma_wait3A_1619 : memref<16x128xf32, #tpu.memory_space<vmem>>)
      %dma_wait3A_1623 = arith.constant 1 : i32
      %dma_wait3A_1624 = arith.constant 112 : i32
      %dma_wait3A_1625 = arith.constant 0 : i32
      %dma_wait3A_1626 = tpu.memref_slice %arg11[%dma_wait3A_1623, %dma_wait3A_1624, %dma_wait3A_1625] : memref<2x256x128xf32, #tpu.memory_space<vmem>> -> memref<1x16x128xf32, #tpu.memory_space<vmem>>
      %dma_wait3A_1627 = tpu.memref_squeeze %dma_wait3A_1626 : memref<1x16x128xf32, #tpu.memory_space<vmem>> -> memref<16x128xf32, #tpu.memory_space<vmem>>
      %dma_wait3A_1628 = arith.constant 0 : i32
      %dma_wait3A_1629 = arith.constant 0 : i32
      %dma_wait3A_1630 = tpu.memref_slice %arg5[%dma_wait3A_1628, %dma_wait3A_1629] : memref<16x1000000xf32, #tpu.memory_space<hbm>> -> memref<16x128xf32, #tpu.memory_space<hbm>>
      %dma_wait3A_1631 = arith.constant 112 : i32
      %dma_wait3A_1632 = arith.constant 0 : i32
      %dma_wait3A_1633 = tpu.memref_slice %arg11[%dma_wait3A_1623, %dma_wait3A_1631, %dma_wait3A_1632] : memref<2x256x128xf32, #tpu.memory_space<vmem>> -> memref<1x16x128xf32, #tpu.memory_space<vmem>>
      %dma_wait3A_1634 = tpu.memref_squeeze %dma_wait3A_1633 : memref<1x16x128xf32, #tpu.memory_space<vmem>> -> memref<16x128xf32, #tpu.memory_space<vmem>>
      %dma_wait3A_1635 = arith.constant 0 : i32
      %dma_wait3A_1636 = arith.constant 0 : i32
      %dma_wait3A_1637 = tpu.memref_slice %arg5[%dma_wait3A_1635, %dma_wait3A_1636] : memref<16x1000000xf32, #tpu.memory_space<hbm>> -> memref<16x128xf32, #tpu.memory_space<hbm>>
      tpu.wait_dma2 semaphore(%arg18 : memref<!tpu.dma_semaphore, #tpu.memory_space<semaphore_mem>>) src(%dma_wait3A_1637 : memref<16x128xf32, #tpu.memory_space<hbm>>) dst(%dma_wait3A_1634 : memref<16x128xf32, #tpu.memory_space<vmem>>)
      %dma_wait3A_1638 = arith.constant 1 : i32
      %dma_wait3A_1639 = arith.constant 128 : i32
      %dma_wait3A_1640 = arith.constant 0 : i32
      %dma_wait3A_1641 = tpu.memref_slice %arg11[%dma_wait3A_1638, %dma_wait3A_1639, %dma_wait3A_1640] : memref<2x256x128xf32, #tpu.memory_space<vmem>> -> memref<1x16x128xf32, #tpu.memory_space<vmem>>
      %dma_wait3A_1642 = tpu.memref_squeeze %dma_wait3A_1641 : memref<1x16x128xf32, #tpu.memory_space<vmem>> -> memref<16x128xf32, #tpu.memory_space<vmem>>
      %dma_wait3A_1643 = arith.constant 0 : i32
      %dma_wait3A_1644 = arith.constant 0 : i32
      %dma_wait3A_1645 = tpu.memref_slice %arg5[%dma_wait3A_1643, %dma_wait3A_1644] : memref<16x1000000xf32, #tpu.memory_space<hbm>> -> memref<16x128xf32, #tpu.memory_space<hbm>>
      %dma_wait3A_1646 = arith.constant 128 : i32
      %dma_wait3A_1647 = arith.constant 0 : i32
      %dma_wait3A_1648 = tpu.memref_slice %arg11[%dma_wait3A_1638, %dma_wait3A_1646, %dma_wait3A_1647] : memref<2x256x128xf32, #tpu.memory_space<vmem>> -> memref<1x16x128xf32, #tpu.memory_space<vmem>>
      %dma_wait3A_1649 = tpu.memref_squeeze %dma_wait3A_1648 : memref<1x16x128xf32, #tpu.memory_space<vmem>> -> memref<16x128xf32, #tpu.memory_space<vmem>>
      %dma_wait3A_1650 = arith.constant 0 : i32
      %dma_wait3A_1651 = arith.constant 0 : i32
      %dma_wait3A_1652 = tpu.memref_slice %arg5[%dma_wait3A_1650, %dma_wait3A_1651] : memref<16x1000000xf32, #tpu.memory_space<hbm>> -> memref<16x128xf32, #tpu.memory_space<hbm>>
      tpu.wait_dma2 semaphore(%arg18 : memref<!tpu.dma_semaphore, #tpu.memory_space<semaphore_mem>>) src(%dma_wait3A_1652 : memref<16x128xf32, #tpu.memory_space<hbm>>) dst(%dma_wait3A_1649 : memref<16x128xf32, #tpu.memory_space<vmem>>)
      %dma_wait3A_1653 = arith.constant 1 : i32
      %dma_wait3A_1654 = arith.constant 144 : i32
      %dma_wait3A_1655 = arith.constant 0 : i32
      %dma_wait3A_1656 = tpu.memref_slice %arg11[%dma_wait3A_1653, %dma_wait3A_1654, %dma_wait3A_1655] : memref<2x256x128xf32, #tpu.memory_space<vmem>> -> memref<1x16x128xf32, #tpu.memory_space<vmem>>
      %dma_wait3A_1657 = tpu.memref_squeeze %dma_wait3A_1656 : memref<1x16x128xf32, #tpu.memory_space<vmem>> -> memref<16x128xf32, #tpu.memory_space<vmem>>
      %dma_wait3A_1658 = arith.constant 0 : i32
      %dma_wait3A_1659 = arith.constant 0 : i32
      %dma_wait3A_1660 = tpu.memref_slice %arg5[%dma_wait3A_1658, %dma_wait3A_1659] : memref<16x1000000xf32, #tpu.memory_space<hbm>> -> memref<16x128xf32, #tpu.memory_space<hbm>>
      %dma_wait3A_1661 = arith.constant 144 : i32
      %dma_wait3A_1662 = arith.constant 0 : i32
      %dma_wait3A_1663 = tpu.memref_slice %arg11[%dma_wait3A_1653, %dma_wait3A_1661, %dma_wait3A_1662] : memref<2x256x128xf32, #tpu.memory_space<vmem>> -> memref<1x16x128xf32, #tpu.memory_space<vmem>>
      %dma_wait3A_1664 = tpu.memref_squeeze %dma_wait3A_1663 : memref<1x16x128xf32, #tpu.memory_space<vmem>> -> memref<16x128xf32, #tpu.memory_space<vmem>>
      %dma_wait3A_1665 = arith.constant 0 : i32
      %dma_wait3A_1666 = arith.constant 0 : i32
      %dma_wait3A_1667 = tpu.memref_slice %arg5[%dma_wait3A_1665, %dma_wait3A_1666] : memref<16x1000000xf32, #tpu.memory_space<hbm>> -> memref<16x128xf32, #tpu.memory_space<hbm>>
      tpu.wait_dma2 semaphore(%arg18 : memref<!tpu.dma_semaphore, #tpu.memory_space<semaphore_mem>>) src(%dma_wait3A_1667 : memref<16x128xf32, #tpu.memory_space<hbm>>) dst(%dma_wait3A_1664 : memref<16x128xf32, #tpu.memory_space<vmem>>)
      %dma_wait3A_1668 = arith.constant 1 : i32
      %dma_wait3A_1669 = arith.constant 160 : i32
      %dma_wait3A_1670 = arith.constant 0 : i32
      %dma_wait3A_1671 = tpu.memref_slice %arg11[%dma_wait3A_1668, %dma_wait3A_1669, %dma_wait3A_1670] : memref<2x256x128xf32, #tpu.memory_space<vmem>> -> memref<1x16x128xf32, #tpu.memory_space<vmem>>
      %dma_wait3A_1672 = tpu.memref_squeeze %dma_wait3A_1671 : memref<1x16x128xf32, #tpu.memory_space<vmem>> -> memref<16x128xf32, #tpu.memory_space<vmem>>
      %dma_wait3A_1673 = arith.constant 0 : i32
      %dma_wait3A_1674 = arith.constant 0 : i32
      %dma_wait3A_1675 = tpu.memref_slice %arg5[%dma_wait3A_1673, %dma_wait3A_1674] : memref<16x1000000xf32, #tpu.memory_space<hbm>> -> memref<16x128xf32, #tpu.memory_space<hbm>>
      %dma_wait3A_1676 = arith.constant 160 : i32
      %dma_wait3A_1677 = arith.constant 0 : i32
      %dma_wait3A_1678 = tpu.memref_slice %arg11[%dma_wait3A_1668, %dma_wait3A_1676, %dma_wait3A_1677] : memref<2x256x128xf32, #tpu.memory_space<vmem>> -> memref<1x16x128xf32, #tpu.memory_space<vmem>>
      %dma_wait3A_1679 = tpu.memref_squeeze %dma_wait3A_1678 : memref<1x16x128xf32, #tpu.memory_space<vmem>> -> memref<16x128xf32, #tpu.memory_space<vmem>>
      %dma_wait3A_1680 = arith.constant 0 : i32
      %dma_wait3A_1681 = arith.constant 0 : i32
      %dma_wait3A_1682 = tpu.memref_slice %arg5[%dma_wait3A_1680, %dma_wait3A_1681] : memref<16x1000000xf32, #tpu.memory_space<hbm>> -> memref<16x128xf32, #tpu.memory_space<hbm>>
      tpu.wait_dma2 semaphore(%arg18 : memref<!tpu.dma_semaphore, #tpu.memory_space<semaphore_mem>>) src(%dma_wait3A_1682 : memref<16x128xf32, #tpu.memory_space<hbm>>) dst(%dma_wait3A_1679 : memref<16x128xf32, #tpu.memory_space<vmem>>)
      %dma_wait3A_1683 = arith.constant 1 : i32
      %dma_wait3A_1684 = arith.constant 176 : i32
      %dma_wait3A_1685 = arith.constant 0 : i32
      %dma_wait3A_1686 = tpu.memref_slice %arg11[%dma_wait3A_1683, %dma_wait3A_1684, %dma_wait3A_1685] : memref<2x256x128xf32, #tpu.memory_space<vmem>> -> memref<1x16x128xf32, #tpu.memory_space<vmem>>
      %dma_wait3A_1687 = tpu.memref_squeeze %dma_wait3A_1686 : memref<1x16x128xf32, #tpu.memory_space<vmem>> -> memref<16x128xf32, #tpu.memory_space<vmem>>
      %dma_wait3A_1688 = arith.constant 0 : i32
      %dma_wait3A_1689 = arith.constant 0 : i32
      %dma_wait3A_1690 = tpu.memref_slice %arg5[%dma_wait3A_1688, %dma_wait3A_1689] : memref<16x1000000xf32, #tpu.memory_space<hbm>> -> memref<16x128xf32, #tpu.memory_space<hbm>>
      %dma_wait3A_1691 = arith.constant 176 : i32
      %dma_wait3A_1692 = arith.constant 0 : i32
      %dma_wait3A_1693 = tpu.memref_slice %arg11[%dma_wait3A_1683, %dma_wait3A_1691, %dma_wait3A_1692] : memref<2x256x128xf32, #tpu.memory_space<vmem>> -> memref<1x16x128xf32, #tpu.memory_space<vmem>>
      %dma_wait3A_1694 = tpu.memref_squeeze %dma_wait3A_1693 : memref<1x16x128xf32, #tpu.memory_space<vmem>> -> memref<16x128xf32, #tpu.memory_space<vmem>>
      %dma_wait3A_1695 = arith.constant 0 : i32
      %dma_wait3A_1696 = arith.constant 0 : i32
      %dma_wait3A_1697 = tpu.memref_slice %arg5[%dma_wait3A_1695, %dma_wait3A_1696] : memref<16x1000000xf32, #tpu.memory_space<hbm>> -> memref<16x128xf32, #tpu.memory_space<hbm>>
      tpu.wait_dma2 semaphore(%arg18 : memref<!tpu.dma_semaphore, #tpu.memory_space<semaphore_mem>>) src(%dma_wait3A_1697 : memref<16x128xf32, #tpu.memory_space<hbm>>) dst(%dma_wait3A_1694 : memref<16x128xf32, #tpu.memory_space<vmem>>)
      %dma_wait3A_1698 = arith.constant 1 : i32
      %dma_wait3A_1699 = arith.constant 192 : i32
      %dma_wait3A_1700 = arith.constant 0 : i32
      %dma_wait3A_1701 = tpu.memref_slice %arg11[%dma_wait3A_1698, %dma_wait3A_1699, %dma_wait3A_1700] : memref<2x256x128xf32, #tpu.memory_space<vmem>> -> memref<1x16x128xf32, #tpu.memory_space<vmem>>
      %dma_wait3A_1702 = tpu.memref_squeeze %dma_wait3A_1701 : memref<1x16x128xf32, #tpu.memory_space<vmem>> -> memref<16x128xf32, #tpu.memory_space<vmem>>
      %dma_wait3A_1703 = arith.constant 0 : i32
      %dma_wait3A_1704 = arith.constant 0 : i32
      %dma_wait3A_1705 = tpu.memref_slice %arg5[%dma_wait3A_1703, %dma_wait3A_1704] : memref<16x1000000xf32, #tpu.memory_space<hbm>> -> memref<16x128xf32, #tpu.memory_space<hbm>>
      %dma_wait3A_1706 = arith.constant 192 : i32
      %dma_wait3A_1707 = arith.constant 0 : i32
      %dma_wait3A_1708 = tpu.memref_slice %arg11[%dma_wait3A_1698, %dma_wait3A_1706, %dma_wait3A_1707] : memref<2x256x128xf32, #tpu.memory_space<vmem>> -> memref<1x16x128xf32, #tpu.memory_space<vmem>>
      %dma_wait3A_1709 = tpu.memref_squeeze %dma_wait3A_1708 : memref<1x16x128xf32, #tpu.memory_space<vmem>> -> memref<16x128xf32, #tpu.memory_space<vmem>>
      %dma_wait3A_1710 = arith.constant 0 : i32
      %dma_wait3A_1711 = arith.constant 0 : i32
      %dma_wait3A_1712 = tpu.memref_slice %arg5[%dma_wait3A_1710, %dma_wait3A_1711] : memref<16x1000000xf32, #tpu.memory_space<hbm>> -> memref<16x128xf32, #tpu.memory_space<hbm>>
      tpu.wait_dma2 semaphore(%arg18 : memref<!tpu.dma_semaphore, #tpu.memory_space<semaphore_mem>>) src(%dma_wait3A_1712 : memref<16x128xf32, #tpu.memory_space<hbm>>) dst(%dma_wait3A_1709 : memref<16x128xf32, #tpu.memory_space<vmem>>)
      %dma_wait3A_1713 = arith.constant 1 : i32
      %dma_wait3A_1714 = arith.constant 208 : i32
      %dma_wait3A_1715 = arith.constant 0 : i32
      %dma_wait3A_1716 = tpu.memref_slice %arg11[%dma_wait3A_1713, %dma_wait3A_1714, %dma_wait3A_1715] : memref<2x256x128xf32, #tpu.memory_space<vmem>> -> memref<1x16x128xf32, #tpu.memory_space<vmem>>
      %dma_wait3A_1717 = tpu.memref_squeeze %dma_wait3A_1716 : memref<1x16x128xf32, #tpu.memory_space<vmem>> -> memref<16x128xf32, #tpu.memory_space<vmem>>
      %dma_wait3A_1718 = arith.constant 0 : i32
      %dma_wait3A_1719 = arith.constant 0 : i32
      %dma_wait3A_1720 = tpu.memref_slice %arg5[%dma_wait3A_1718, %dma_wait3A_1719] : memref<16x1000000xf32, #tpu.memory_space<hbm>> -> memref<16x128xf32, #tpu.memory_space<hbm>>
      %dma_wait3A_1721 = arith.constant 208 : i32
      %dma_wait3A_1722 = arith.constant 0 : i32
      %dma_wait3A_1723 = tpu.memref_slice %arg11[%dma_wait3A_1713, %dma_wait3A_1721, %dma_wait3A_1722] : memref<2x256x128xf32, #tpu.memory_space<vmem>> -> memref<1x16x128xf32, #tpu.memory_space<vmem>>
      %dma_wait3A_1724 = tpu.memref_squeeze %dma_wait3A_1723 : memref<1x16x128xf32, #tpu.memory_space<vmem>> -> memref<16x128xf32, #tpu.memory_space<vmem>>
      %dma_wait3A_1725 = arith.constant 0 : i32
      %dma_wait3A_1726 = arith.constant 0 : i32
      %dma_wait3A_1727 = tpu.memref_slice %arg5[%dma_wait3A_1725, %dma_wait3A_1726] : memref<16x1000000xf32, #tpu.memory_space<hbm>> -> memref<16x128xf32, #tpu.memory_space<hbm>>
      tpu.wait_dma2 semaphore(%arg18 : memref<!tpu.dma_semaphore, #tpu.memory_space<semaphore_mem>>) src(%dma_wait3A_1727 : memref<16x128xf32, #tpu.memory_space<hbm>>) dst(%dma_wait3A_1724 : memref<16x128xf32, #tpu.memory_space<vmem>>)
      %dma_wait3A_1728 = arith.constant 1 : i32
      %dma_wait3A_1729 = arith.constant 224 : i32
      %dma_wait3A_1730 = arith.constant 0 : i32
      %dma_wait3A_1731 = tpu.memref_slice %arg11[%dma_wait3A_1728, %dma_wait3A_1729, %dma_wait3A_1730] : memref<2x256x128xf32, #tpu.memory_space<vmem>> -> memref<1x16x128xf32, #tpu.memory_space<vmem>>
      %dma_wait3A_1732 = tpu.memref_squeeze %dma_wait3A_1731 : memref<1x16x128xf32, #tpu.memory_space<vmem>> -> memref<16x128xf32, #tpu.memory_space<vmem>>
      %dma_wait3A_1733 = arith.constant 0 : i32
      %dma_wait3A_1734 = arith.constant 0 : i32
      %dma_wait3A_1735 = tpu.memref_slice %arg5[%dma_wait3A_1733, %dma_wait3A_1734] : memref<16x1000000xf32, #tpu.memory_space<hbm>> -> memref<16x128xf32, #tpu.memory_space<hbm>>
      %dma_wait3A_1736 = arith.constant 224 : i32
      %dma_wait3A_1737 = arith.constant 0 : i32
      %dma_wait3A_1738 = tpu.memref_slice %arg11[%dma_wait3A_1728, %dma_wait3A_1736, %dma_wait3A_1737] : memref<2x256x128xf32, #tpu.memory_space<vmem>> -> memref<1x16x128xf32, #tpu.memory_space<vmem>>
      %dma_wait3A_1739 = tpu.memref_squeeze %dma_wait3A_1738 : memref<1x16x128xf32, #tpu.memory_space<vmem>> -> memref<16x128xf32, #tpu.memory_space<vmem>>
      %dma_wait3A_1740 = arith.constant 0 : i32
      %dma_wait3A_1741 = arith.constant 0 : i32
      %dma_wait3A_1742 = tpu.memref_slice %arg5[%dma_wait3A_1740, %dma_wait3A_1741] : memref<16x1000000xf32, #tpu.memory_space<hbm>> -> memref<16x128xf32, #tpu.memory_space<hbm>>
      tpu.wait_dma2 semaphore(%arg18 : memref<!tpu.dma_semaphore, #tpu.memory_space<semaphore_mem>>) src(%dma_wait3A_1742 : memref<16x128xf32, #tpu.memory_space<hbm>>) dst(%dma_wait3A_1739 : memref<16x128xf32, #tpu.memory_space<vmem>>)
      %dma_wait3A_1743 = arith.constant 1 : i32
      %dma_wait3A_1744 = arith.constant 240 : i32
      %dma_wait3A_1745 = arith.constant 0 : i32
      %dma_wait3A_1746 = tpu.memref_slice %arg11[%dma_wait3A_1743, %dma_wait3A_1744, %dma_wait3A_1745] : memref<2x256x128xf32, #tpu.memory_space<vmem>> -> memref<1x16x128xf32, #tpu.memory_space<vmem>>
      %dma_wait3A_1747 = tpu.memref_squeeze %dma_wait3A_1746 : memref<1x16x128xf32, #tpu.memory_space<vmem>> -> memref<16x128xf32, #tpu.memory_space<vmem>>
      %dma_wait3A_1748 = arith.constant 0 : i32
      %dma_wait3A_1749 = arith.constant 0 : i32
      %dma_wait3A_1750 = tpu.memref_slice %arg5[%dma_wait3A_1748, %dma_wait3A_1749] : memref<16x1000000xf32, #tpu.memory_space<hbm>> -> memref<16x128xf32, #tpu.memory_space<hbm>>
      %dma_wait3A_1751 = arith.constant 240 : i32
      %dma_wait3A_1752 = arith.constant 0 : i32
      %dma_wait3A_1753 = tpu.memref_slice %arg11[%dma_wait3A_1743, %dma_wait3A_1751, %dma_wait3A_1752] : memref<2x256x128xf32, #tpu.memory_space<vmem>> -> memref<1x16x128xf32, #tpu.memory_space<vmem>>
      %dma_wait3A_1754 = tpu.memref_squeeze %dma_wait3A_1753 : memref<1x16x128xf32, #tpu.memory_space<vmem>> -> memref<16x128xf32, #tpu.memory_space<vmem>>
      %dma_wait3A_1755 = arith.constant 0 : i32
      %dma_wait3A_1756 = arith.constant 0 : i32
      %dma_wait3A_1757 = tpu.memref_slice %arg5[%dma_wait3A_1755, %dma_wait3A_1756] : memref<16x1000000xf32, #tpu.memory_space<hbm>> -> memref<16x128xf32, #tpu.memory_space<hbm>>
      tpu.wait_dma2 semaphore(%arg18 : memref<!tpu.dma_semaphore, #tpu.memory_space<semaphore_mem>>) src(%dma_wait3A_1757 : memref<16x128xf32, #tpu.memory_space<hbm>>) dst(%dma_wait3A_1754 : memref<16x128xf32, #tpu.memory_space<vmem>>)
      %add3A_1758 = arith.constant 1 : i32
      %add3A_1759 = arith.addi %mul3A_736, %add3A_1758 : i32
      %mul3A_1760 = arith.constant 16 : i32
      %mul3A_1761 = arith.muli %add3A_1759, %mul3A_1760 : i32
      %multiple_of3A_1762 = tpu.assume_multiple %mul3A_1761, 16 : i32
      %get3A_1763 = arith.index_cast %multiple_of3A_1762 : i32 to index
      %get3A_1764 = tpu.vector_load %arg10[%get3A_1763] {strides = array<i32>} : memref<512xi32, #tpu.memory_space<vmem>>, vector<16xi32>,
      %and3A_1765 = arith.andi %get3A_1764, %broadcast_in_dim3A_3 : vector<16xi32>
      %broadcast_in_dim3A_1766 = arith.constant 1 : i32
      %broadcast_in_dim3A_1767 = vector.broadcast %broadcast_in_dim3A_1766 : i32 to vector<16xi32>
      %add3A_1768 = arith.constant 0 : i32
      %add3A_1769 = vector.broadcast %add3A_1768 : i32 to vector<16xi32>
      %add3A_1770 = arith.addi %iota3A, %add3A_1769 : vector<16xi32>
      %slice3A_1771 = vector.extract_strided_slice %and3A_1765 {offsets = [0], sizes = [1], strides = [1]} : vector<16xi32> to vector<1xi32>
      %squeeze3A_1772 = vector.extract %slice3A_1771[0] : i32 from vector<1xi32>
      %broadcast_in_dim3A_1773 = vector.broadcast %squeeze3A_1772 : i32 to vector<16xi32>
      %gather3A_1774 = tpu.vector_load_idx %arg11[%broadcast_in_dim3A_1767, %add3A_1770, %broadcast_in_dim3A_1773] : memref<2x256x128xf32, #tpu.memory_space<vmem>>[vector<16xi32>, vector<16xi32>, vector<16xi32>], vector<16xf32>,
      %add3A_1775 = arith.constant 0 : i32
      %add3A_1776 = arith.addi %multiple_of3A_1762, %add3A_1775 : i32
      %mul3A_1777 = arith.constant 16 : i32
      %mul3A_1778 = arith.muli %add3A_1776, %mul3A_1777 : i32
      %swap3A_1779 = arith.index_cast %mul3A_1778 : i32 to index
      %swap3A_1780 = tpu.vector_load %arg13[%swap3A_1779] {strides = array<i32>} : memref<8192xf32, #tpu.memory_space<vmem>>, vector<16xf32>,
      tpu.vector_store %arg13[%swap3A_1779], %gather3A_1774 {strides = array<i32>} : memref<8192xf32, #tpu.memory_space<vmem>>, vector<16xf32>,
      %add3A_1781 = arith.constant 16 : i32
      %add3A_1782 = vector.broadcast %add3A_1781 : i32 to vector<16xi32>
      %add3A_1783 = arith.addi %iota3A, %add3A_1782 : vector<16xi32>
      %slice3A_1784 = vector.extract_strided_slice %and3A_1765 {offsets = [1], sizes = [1], strides = [1]} : vector<16xi32> to vector<1xi32>
      %squeeze3A_1785 = vector.extract %slice3A_1784[0] : i32 from vector<1xi32>
      %broadcast_in_dim3A_1786 = vector.broadcast %squeeze3A_1785 : i32 to vector<16xi32>
      %gather3A_1787 = tpu.vector_load_idx %arg11[%broadcast_in_dim3A_1767, %add3A_1783, %broadcast_in_dim3A_1786] : memref<2x256x128xf32, #tpu.memory_space<vmem>>[vector<16xi32>, vector<16xi32>, vector<16xi32>], vector<16xf32>,
      %add3A_1788 = arith.constant 1 : i32
      %add3A_1789 = arith.addi %multiple_of3A_1762, %add3A_1788 : i32
      %mul3A_1790 = arith.constant 16 : i32
      %mul3A_1791 = arith.muli %add3A_1789, %mul3A_1790 : i32
      %swap3A_1792 = arith.index_cast %mul3A_1791 : i32 to index
      %swap3A_1793 = tpu.vector_load %arg13[%swap3A_1792] {strides = array<i32>} : memref<8192xf32, #tpu.memory_space<vmem>>, vector<16xf32>,
      tpu.vector_store %arg13[%swap3A_1792], %gather3A_1787 {strides = array<i32>} : memref<8192xf32, #tpu.memory_space<vmem>>, vector<16xf32>,
      %add3A_1794 = arith.constant 32 : i32
      %add3A_1795 = vector.broadcast %add3A_1794 : i32 to vector<16xi32>
      %add3A_1796 = arith.addi %iota3A, %add3A_1795 : vector<16xi32>
      %slice3A_1797 = vector.extract_strided_slice %and3A_1765 {offsets = [2], sizes = [1], strides = [1]} : vector<16xi32> to vector<1xi32>
      %squeeze3A_1798 = vector.extract %slice3A_1797[0] : i32 from vector<1xi32>
      %broadcast_in_dim3A_1799 = vector.broadcast %squeeze3A_1798 : i32 to vector<16xi32>
      %gather3A_1800 = tpu.vector_load_idx %arg11[%broadcast_in_dim3A_1767, %add3A_1796, %broadcast_in_dim3A_1799] : memref<2x256x128xf32, #tpu.memory_space<vmem>>[vector<16xi32>, vector<16xi32>, vector<16xi32>], vector<16xf32>,
      %add3A_1801 = arith.constant 2 : i32
      %add3A_1802 = arith.addi %multiple_of3A_1762, %add3A_1801 : i32
      %mul3A_1803 = arith.constant 16 : i32
      %mul3A_1804 = arith.muli %add3A_1802, %mul3A_1803 : i32
      %swap3A_1805 = arith.index_cast %mul3A_1804 : i32 to index
      %swap3A_1806 = tpu.vector_load %arg13[%swap3A_1805] {strides = array<i32>} : memref<8192xf32, #tpu.memory_space<vmem>>, vector<16xf32>,
      tpu.vector_store %arg13[%swap3A_1805], %gather3A_1800 {strides = array<i32>} : memref<8192xf32, #tpu.memory_space<vmem>>, vector<16xf32>,
      %add3A_1807 = arith.constant 48 : i32
      %add3A_1808 = vector.broadcast %add3A_1807 : i32 to vector<16xi32>
      %add3A_1809 = arith.addi %iota3A, %add3A_1808 : vector<16xi32>
      %slice3A_1810 = vector.extract_strided_slice %and3A_1765 {offsets = [3], sizes = [1], strides = [1]} : vector<16xi32> to vector<1xi32>
      %squeeze3A_1811 = vector.extract %slice3A_1810[0] : i32 from vector<1xi32>
      %broadcast_in_dim3A_1812 = vector.broadcast %squeeze3A_1811 : i32 to vector<16xi32>
      %gather3A_1813 = tpu.vector_load_idx %arg11[%broadcast_in_dim3A_1767, %add3A_1809, %broadcast_in_dim3A_1812] : memref<2x256x128xf32, #tpu.memory_space<vmem>>[vector<16xi32>, vector<16xi32>, vector<16xi32>], vector<16xf32>,
      %add3A_1814 = arith.constant 3 : i32
      %add3A_1815 = arith.addi %multiple_of3A_1762, %add3A_1814 : i32
      %mul3A_1816 = arith.constant 16 : i32
      %mul3A_1817 = arith.muli %add3A_1815, %mul3A_1816 : i32
      %swap3A_1818 = arith.index_cast %mul3A_1817 : i32 to index
      %swap3A_1819 = tpu.vector_load %arg13[%swap3A_1818] {strides = array<i32>} : memref<8192xf32, #tpu.memory_space<vmem>>, vector<16xf32>,
      tpu.vector_store %arg13[%swap3A_1818], %gather3A_1813 {strides = array<i32>} : memref<8192xf32, #tpu.memory_space<vmem>>, vector<16xf32>,
      %add3A_1820 = arith.constant 64 : i32
      %add3A_1821 = vector.broadcast %add3A_1820 : i32 to vector<16xi32>
      %add3A_1822 = arith.addi %iota3A, %add3A_1821 : vector<16xi32>
      %slice3A_1823 = vector.extract_strided_slice %and3A_1765 {offsets = [4], sizes = [1], strides = [1]} : vector<16xi32> to vector<1xi32>
      %squeeze3A_1824 = vector.extract %slice3A_1823[0] : i32 from vector<1xi32>
      %broadcast_in_dim3A_1825 = vector.broadcast %squeeze3A_1824 : i32 to vector<16xi32>
      %gather3A_1826 = tpu.vector_load_idx %arg11[%broadcast_in_dim3A_1767, %add3A_1822, %broadcast_in_dim3A_1825] : memref<2x256x128xf32, #tpu.memory_space<vmem>>[vector<16xi32>, vector<16xi32>, vector<16xi32>], vector<16xf32>,
      %add3A_1827 = arith.constant 4 : i32
      %add3A_1828 = arith.addi %multiple_of3A_1762, %add3A_1827 : i32
      %mul3A_1829 = arith.constant 16 : i32
      %mul3A_1830 = arith.muli %add3A_1828, %mul3A_1829 : i32
      %swap3A_1831 = arith.index_cast %mul3A_1830 : i32 to index
      %swap3A_1832 = tpu.vector_load %arg13[%swap3A_1831] {strides = array<i32>} : memref<8192xf32, #tpu.memory_space<vmem>>, vector<16xf32>,
      tpu.vector_store %arg13[%swap3A_1831], %gather3A_1826 {strides = array<i32>} : memref<8192xf32, #tpu.memory_space<vmem>>, vector<16xf32>,
      %add3A_1833 = arith.constant 80 : i32
      %add3A_1834 = vector.broadcast %add3A_1833 : i32 to vector<16xi32>
      %add3A_1835 = arith.addi %iota3A, %add3A_1834 : vector<16xi32>
      %slice3A_1836 = vector.extract_strided_slice %and3A_1765 {offsets = [5], sizes = [1], strides = [1]} : vector<16xi32> to vector<1xi32>
      %squeeze3A_1837 = vector.extract %slice3A_1836[0] : i32 from vector<1xi32>
      %broadcast_in_dim3A_1838 = vector.broadcast %squeeze3A_1837 : i32 to vector<16xi32>
      %gather3A_1839 = tpu.vector_load_idx %arg11[%broadcast_in_dim3A_1767, %add3A_1835, %broadcast_in_dim3A_1838] : memref<2x256x128xf32, #tpu.memory_space<vmem>>[vector<16xi32>, vector<16xi32>, vector<16xi32>], vector<16xf32>,
      %add3A_1840 = arith.constant 5 : i32
      %add3A_1841 = arith.addi %multiple_of3A_1762, %add3A_1840 : i32
      %mul3A_1842 = arith.constant 16 : i32
      %mul3A_1843 = arith.muli %add3A_1841, %mul3A_1842 : i32
      %swap3A_1844 = arith.index_cast %mul3A_1843 : i32 to index
      %swap3A_1845 = tpu.vector_load %arg13[%swap3A_1844] {strides = array<i32>} : memref<8192xf32, #tpu.memory_space<vmem>>, vector<16xf32>,
      tpu.vector_store %arg13[%swap3A_1844], %gather3A_1839 {strides = array<i32>} : memref<8192xf32, #tpu.memory_space<vmem>>, vector<16xf32>,
      %add3A_1846 = arith.constant 96 : i32
      %add3A_1847 = vector.broadcast %add3A_1846 : i32 to vector<16xi32>
      %add3A_1848 = arith.addi %iota3A, %add3A_1847 : vector<16xi32>
      %slice3A_1849 = vector.extract_strided_slice %and3A_1765 {offsets = [6], sizes = [1], strides = [1]} : vector<16xi32> to vector<1xi32>
      %squeeze3A_1850 = vector.extract %slice3A_1849[0] : i32 from vector<1xi32>
      %broadcast_in_dim3A_1851 = vector.broadcast %squeeze3A_1850 : i32 to vector<16xi32>
      %gather3A_1852 = tpu.vector_load_idx %arg11[%broadcast_in_dim3A_1767, %add3A_1848, %broadcast_in_dim3A_1851] : memref<2x256x128xf32, #tpu.memory_space<vmem>>[vector<16xi32>, vector<16xi32>, vector<16xi32>], vector<16xf32>,
      %add3A_1853 = arith.constant 6 : i32
      %add3A_1854 = arith.addi %multiple_of3A_1762, %add3A_1853 : i32
      %mul3A_1855 = arith.constant 16 : i32
      %mul3A_1856 = arith.muli %add3A_1854, %mul3A_1855 : i32
      %swap3A_1857 = arith.index_cast %mul3A_1856 : i32 to index
      %swap3A_1858 = tpu.vector_load %arg13[%swap3A_1857] {strides = array<i32>} : memref<8192xf32, #tpu.memory_space<vmem>>, vector<16xf32>,
      tpu.vector_store %arg13[%swap3A_1857], %gather3A_1852 {strides = array<i32>} : memref<8192xf32, #tpu.memory_space<vmem>>, vector<16xf32>,
      %add3A_1859 = arith.constant 112 : i32
      %add3A_1860 = vector.broadcast %add3A_1859 : i32 to vector<16xi32>
      %add3A_1861 = arith.addi %iota3A, %add3A_1860 : vector<16xi32>
      %slice3A_1862 = vector.extract_strided_slice %and3A_1765 {offsets = [7], sizes = [1], strides = [1]} : vector<16xi32> to vector<1xi32>
      %squeeze3A_1863 = vector.extract %slice3A_1862[0] : i32 from vector<1xi32>
      %broadcast_in_dim3A_1864 = vector.broadcast %squeeze3A_1863 : i32 to vector<16xi32>
      %gather3A_1865 = tpu.vector_load_idx %arg11[%broadcast_in_dim3A_1767, %add3A_1861, %broadcast_in_dim3A_1864] : memref<2x256x128xf32, #tpu.memory_space<vmem>>[vector<16xi32>, vector<16xi32>, vector<16xi32>], vector<16xf32>,
      %add3A_1866 = arith.constant 7 : i32
      %add3A_1867 = arith.addi %multiple_of3A_1762, %add3A_1866 : i32
      %mul3A_1868 = arith.constant 16 : i32
      %mul3A_1869 = arith.muli %add3A_1867, %mul3A_1868 : i32
      %swap3A_1870 = arith.index_cast %mul3A_1869 : i32 to index
      %swap3A_1871 = tpu.vector_load %arg13[%swap3A_1870] {strides = array<i32>} : memref<8192xf32, #tpu.memory_space<vmem>>, vector<16xf32>,
      tpu.vector_store %arg13[%swap3A_1870], %gather3A_1865 {strides = array<i32>} : memref<8192xf32, #tpu.memory_space<vmem>>, vector<16xf32>,
      %add3A_1872 = arith.constant 128 : i32
      %add3A_1873 = vector.broadcast %add3A_1872 : i32 to vector<16xi32>
      %add3A_1874 = arith.addi %iota3A, %add3A_1873 : vector<16xi32>
      %slice3A_1875 = vector.extract_strided_slice %and3A_1765 {offsets = [8], sizes = [1], strides = [1]} : vector<16xi32> to vector<1xi32>
      %squeeze3A_1876 = vector.extract %slice3A_1875[0] : i32 from vector<1xi32>
      %broadcast_in_dim3A_1877 = vector.broadcast %squeeze3A_1876 : i32 to vector<16xi32>
      %gather3A_1878 = tpu.vector_load_idx %arg11[%broadcast_in_dim3A_1767, %add3A_1874, %broadcast_in_dim3A_1877] : memref<2x256x128xf32, #tpu.memory_space<vmem>>[vector<16xi32>, vector<16xi32>, vector<16xi32>], vector<16xf32>,
      %add3A_1879 = arith.constant 8 : i32
      %add3A_1880 = arith.addi %multiple_of3A_1762, %add3A_1879 : i32
      %mul3A_1881 = arith.constant 16 : i32
      %mul3A_1882 = arith.muli %add3A_1880, %mul3A_1881 : i32
      %swap3A_1883 = arith.index_cast %mul3A_1882 : i32 to index
      %swap3A_1884 = tpu.vector_load %arg13[%swap3A_1883] {strides = array<i32>} : memref<8192xf32, #tpu.memory_space<vmem>>, vector<16xf32>,
      tpu.vector_store %arg13[%swap3A_1883], %gather3A_1878 {strides = array<i32>} : memref<8192xf32, #tpu.memory_space<vmem>>, vector<16xf32>,
      %add3A_1885 = arith.constant 144 : i32
      %add3A_1886 = vector.broadcast %add3A_1885 : i32 to vector<16xi32>
      %add3A_1887 = arith.addi %iota3A, %add3A_1886 : vector<16xi32>
      %slice3A_1888 = vector.extract_strided_slice %and3A_1765 {offsets = [9], sizes = [1], strides = [1]} : vector<16xi32> to vector<1xi32>
      %squeeze3A_1889 = vector.extract %slice3A_1888[0] : i32 from vector<1xi32>
      %broadcast_in_dim3A_1890 = vector.broadcast %squeeze3A_1889 : i32 to vector<16xi32>
      %gather3A_1891 = tpu.vector_load_idx %arg11[%broadcast_in_dim3A_1767, %add3A_1887, %broadcast_in_dim3A_1890] : memref<2x256x128xf32, #tpu.memory_space<vmem>>[vector<16xi32>, vector<16xi32>, vector<16xi32>], vector<16xf32>,
      %add3A_1892 = arith.constant 9 : i32
      %add3A_1893 = arith.addi %multiple_of3A_1762, %add3A_1892 : i32
      %mul3A_1894 = arith.constant 16 : i32
      %mul3A_1895 = arith.muli %add3A_1893, %mul3A_1894 : i32
      %swap3A_1896 = arith.index_cast %mul3A_1895 : i32 to index
      %swap3A_1897 = tpu.vector_load %arg13[%swap3A_1896] {strides = array<i32>} : memref<8192xf32, #tpu.memory_space<vmem>>, vector<16xf32>,
      tpu.vector_store %arg13[%swap3A_1896], %gather3A_1891 {strides = array<i32>} : memref<8192xf32, #tpu.memory_space<vmem>>, vector<16xf32>,
      %add3A_1898 = arith.constant 160 : i32
      %add3A_1899 = vector.broadcast %add3A_1898 : i32 to vector<16xi32>
      %add3A_1900 = arith.addi %iota3A, %add3A_1899 : vector<16xi32>
      %slice3A_1901 = vector.extract_strided_slice %and3A_1765 {offsets = [10], sizes = [1], strides = [1]} : vector<16xi32> to vector<1xi32>
      %squeeze3A_1902 = vector.extract %slice3A_1901[0] : i32 from vector<1xi32>
      %broadcast_in_dim3A_1903 = vector.broadcast %squeeze3A_1902 : i32 to vector<16xi32>
      %gather3A_1904 = tpu.vector_load_idx %arg11[%broadcast_in_dim3A_1767, %add3A_1900, %broadcast_in_dim3A_1903] : memref<2x256x128xf32, #tpu.memory_space<vmem>>[vector<16xi32>, vector<16xi32>, vector<16xi32>], vector<16xf32>,
      %add3A_1905 = arith.constant 10 : i32
      %add3A_1906 = arith.addi %multiple_of3A_1762, %add3A_1905 : i32
      %mul3A_1907 = arith.constant 16 : i32
      %mul3A_1908 = arith.muli %add3A_1906, %mul3A_1907 : i32
      %swap3A_1909 = arith.index_cast %mul3A_1908 : i32 to index
      %swap3A_1910 = tpu.vector_load %arg13[%swap3A_1909] {strides = array<i32>} : memref<8192xf32, #tpu.memory_space<vmem>>, vector<16xf32>,
      tpu.vector_store %arg13[%swap3A_1909], %gather3A_1904 {strides = array<i32>} : memref<8192xf32, #tpu.memory_space<vmem>>, vector<16xf32>,
      %add3A_1911 = arith.constant 176 : i32
      %add3A_1912 = vector.broadcast %add3A_1911 : i32 to vector<16xi32>
      %add3A_1913 = arith.addi %iota3A, %add3A_1912 : vector<16xi32>
      %slice3A_1914 = vector.extract_strided_slice %and3A_1765 {offsets = [11], sizes = [1], strides = [1]} : vector<16xi32> to vector<1xi32>
      %squeeze3A_1915 = vector.extract %slice3A_1914[0] : i32 from vector<1xi32>
      %broadcast_in_dim3A_1916 = vector.broadcast %squeeze3A_1915 : i32 to vector<16xi32>
      %gather3A_1917 = tpu.vector_load_idx %arg11[%broadcast_in_dim3A_1767, %add3A_1913, %broadcast_in_dim3A_1916] : memref<2x256x128xf32, #tpu.memory_space<vmem>>[vector<16xi32>, vector<16xi32>, vector<16xi32>], vector<16xf32>,
      %add3A_1918 = arith.constant 11 : i32
      %add3A_1919 = arith.addi %multiple_of3A_1762, %add3A_1918 : i32
      %mul3A_1920 = arith.constant 16 : i32
      %mul3A_1921 = arith.muli %add3A_1919, %mul3A_1920 : i32
      %swap3A_1922 = arith.index_cast %mul3A_1921 : i32 to index
      %swap3A_1923 = tpu.vector_load %arg13[%swap3A_1922] {strides = array<i32>} : memref<8192xf32, #tpu.memory_space<vmem>>, vector<16xf32>,
      tpu.vector_store %arg13[%swap3A_1922], %gather3A_1917 {strides = array<i32>} : memref<8192xf32, #tpu.memory_space<vmem>>, vector<16xf32>,
      %add3A_1924 = arith.constant 192 : i32
      %add3A_1925 = vector.broadcast %add3A_1924 : i32 to vector<16xi32>
      %add3A_1926 = arith.addi %iota3A, %add3A_1925 : vector<16xi32>
      %slice3A_1927 = vector.extract_strided_slice %and3A_1765 {offsets = [12], sizes = [1], strides = [1]} : vector<16xi32> to vector<1xi32>
      %squeeze3A_1928 = vector.extract %slice3A_1927[0] : i32 from vector<1xi32>
      %broadcast_in_dim3A_1929 = vector.broadcast %squeeze3A_1928 : i32 to vector<16xi32>
      %gather3A_1930 = tpu.vector_load_idx %arg11[%broadcast_in_dim3A_1767, %add3A_1926, %broadcast_in_dim3A_1929] : memref<2x256x128xf32, #tpu.memory_space<vmem>>[vector<16xi32>, vector<16xi32>, vector<16xi32>], vector<16xf32>,
      %add3A_1931 = arith.constant 12 : i32
      %add3A_1932 = arith.addi %multiple_of3A_1762, %add3A_1931 : i32
      %mul3A_1933 = arith.constant 16 : i32
      %mul3A_1934 = arith.muli %add3A_1932, %mul3A_1933 : i32
      %swap3A_1935 = arith.index_cast %mul3A_1934 : i32 to index
      %swap3A_1936 = tpu.vector_load %arg13[%swap3A_1935] {strides = array<i32>} : memref<8192xf32, #tpu.memory_space<vmem>>, vector<16xf32>,
      tpu.vector_store %arg13[%swap3A_1935], %gather3A_1930 {strides = array<i32>} : memref<8192xf32, #tpu.memory_space<vmem>>, vector<16xf32>,
      %add3A_1937 = arith.constant 208 : i32
      %add3A_1938 = vector.broadcast %add3A_1937 : i32 to vector<16xi32>
      %add3A_1939 = arith.addi %iota3A, %add3A_1938 : vector<16xi32>
      %slice3A_1940 = vector.extract_strided_slice %and3A_1765 {offsets = [13], sizes = [1], strides = [1]} : vector<16xi32> to vector<1xi32>
      %squeeze3A_1941 = vector.extract %slice3A_1940[0] : i32 from vector<1xi32>
      %broadcast_in_dim3A_1942 = vector.broadcast %squeeze3A_1941 : i32 to vector<16xi32>
      %gather3A_1943 = tpu.vector_load_idx %arg11[%broadcast_in_dim3A_1767, %add3A_1939, %broadcast_in_dim3A_1942] : memref<2x256x128xf32, #tpu.memory_space<vmem>>[vector<16xi32>, vector<16xi32>, vector<16xi32>], vector<16xf32>,
      %add3A_1944 = arith.constant 13 : i32
      %add3A_1945 = arith.addi %multiple_of3A_1762, %add3A_1944 : i32
      %mul3A_1946 = arith.constant 16 : i32
      %mul3A_1947 = arith.muli %add3A_1945, %mul3A_1946 : i32
      %swap3A_1948 = arith.index_cast %mul3A_1947 : i32 to index
      %swap3A_1949 = tpu.vector_load %arg13[%swap3A_1948] {strides = array<i32>} : memref<8192xf32, #tpu.memory_space<vmem>>, vector<16xf32>,
      tpu.vector_store %arg13[%swap3A_1948], %gather3A_1943 {strides = array<i32>} : memref<8192xf32, #tpu.memory_space<vmem>>, vector<16xf32>,
      %add3A_1950 = arith.constant 224 : i32
      %add3A_1951 = vector.broadcast %add3A_1950 : i32 to vector<16xi32>
      %add3A_1952 = arith.addi %iota3A, %add3A_1951 : vector<16xi32>
      %slice3A_1953 = vector.extract_strided_slice %and3A_1765 {offsets = [14], sizes = [1], strides = [1]} : vector<16xi32> to vector<1xi32>
      %squeeze3A_1954 = vector.extract %slice3A_1953[0] : i32 from vector<1xi32>
      %broadcast_in_dim3A_1955 = vector.broadcast %squeeze3A_1954 : i32 to vector<16xi32>
      %gather3A_1956 = tpu.vector_load_idx %arg11[%broadcast_in_dim3A_1767, %add3A_1952, %broadcast_in_dim3A_1955] : memref<2x256x128xf32, #tpu.memory_space<vmem>>[vector<16xi32>, vector<16xi32>, vector<16xi32>], vector<16xf32>,
      %add3A_1957 = arith.constant 14 : i32
      %add3A_1958 = arith.addi %multiple_of3A_1762, %add3A_1957 : i32
      %mul3A_1959 = arith.constant 16 : i32
      %mul3A_1960 = arith.muli %add3A_1958, %mul3A_1959 : i32
      %swap3A_1961 = arith.index_cast %mul3A_1960 : i32 to index
      %swap3A_1962 = tpu.vector_load %arg13[%swap3A_1961] {strides = array<i32>} : memref<8192xf32, #tpu.memory_space<vmem>>, vector<16xf32>,
      tpu.vector_store %arg13[%swap3A_1961], %gather3A_1956 {strides = array<i32>} : memref<8192xf32, #tpu.memory_space<vmem>>, vector<16xf32>,
      %add3A_1963 = arith.constant 240 : i32
      %add3A_1964 = vector.broadcast %add3A_1963 : i32 to vector<16xi32>
      %add3A_1965 = arith.addi %iota3A, %add3A_1964 : vector<16xi32>
      %slice3A_1966 = vector.extract_strided_slice %and3A_1765 {offsets = [15], sizes = [1], strides = [1]} : vector<16xi32> to vector<1xi32>
      %squeeze3A_1967 = vector.extract %slice3A_1966[0] : i32 from vector<1xi32>
      %broadcast_in_dim3A_1968 = vector.broadcast %squeeze3A_1967 : i32 to vector<16xi32>
      %gather3A_1969 = tpu.vector_load_idx %arg11[%broadcast_in_dim3A_1767, %add3A_1965, %broadcast_in_dim3A_1968] : memref<2x256x128xf32, #tpu.memory_space<vmem>>[vector<16xi32>, vector<16xi32>, vector<16xi32>], vector<16xf32>,
      %add3A_1970 = arith.constant 15 : i32
      %add3A_1971 = arith.addi %multiple_of3A_1762, %add3A_1970 : i32
      %mul3A_1972 = arith.constant 16 : i32
      %mul3A_1973 = arith.muli %add3A_1971, %mul3A_1972 : i32
      %swap3A_1974 = arith.index_cast %mul3A_1973 : i32 to index
      %swap3A_1975 = tpu.vector_load %arg13[%swap3A_1974] {strides = array<i32>} : memref<8192xf32, #tpu.memory_space<vmem>>, vector<16xf32>,
      tpu.vector_store %arg13[%swap3A_1974], %gather3A_1969 {strides = array<i32>} : memref<8192xf32, #tpu.memory_space<vmem>>, vector<16xf32>,
    }
    %scan3A_656 = arith.constant 16 : i32
    %get3A_657 = arith.constant 0 : index
    %get3A_658 = tpu.vector_load %arg16[%get3A_657] {strides = array<i32>} : memref<16xf32, #tpu.memory_space<vmem>>, vector<16xf32>,
    %get3A_659 = arith.constant 0 : i32
    %get3A_660 = arith.index_cast %get3A_659 : i32 to index
    %get3A_661 = arith.constant 0 : index
    %get3A_662 = tpu.vector_load %arg15[%get3A_660, %get3A_661] {strides = array<i32>} : memref<16x16xf32, #tpu.memory_space<vmem>>, vector<16xf32>,
    %get3A_663 = arith.constant 1 : i32
    %get3A_664 = arith.index_cast %get3A_663 : i32 to index
    %get3A_665 = arith.constant 0 : index
    %get3A_666 = tpu.vector_load %arg15[%get3A_664, %get3A_665] {strides = array<i32>} : memref<16x16xf32, #tpu.memory_space<vmem>>, vector<16xf32>,
    %get3A_667 = arith.constant 2 : i32
    %get3A_668 = arith.index_cast %get3A_667 : i32 to index
    %get3A_669 = arith.constant 0 : index
    %get3A_670 = tpu.vector_load %arg15[%get3A_668, %get3A_669] {strides = array<i32>} : memref<16x16xf32, #tpu.memory_space<vmem>>, vector<16xf32>,
    %get3A_671 = arith.constant 3 : i32
    %get3A_672 = arith.index_cast %get3A_671 : i32 to index
    %get3A_673 = arith.constant 0 : index
    %get3A_674 = tpu.vector_load %arg15[%get3A_672, %get3A_673] {strides = array<i32>} : memref<16x16xf32, #tpu.memory_space<vmem>>, vector<16xf32>,
    %get3A_675 = arith.constant 4 : i32
    %get3A_676 = arith.index_cast %get3A_675 : i32 to index
    %get3A_677 = arith.constant 0 : index
    %get3A_678 = tpu.vector_load %arg15[%get3A_676, %get3A_677] {strides = array<i32>} : memref<16x16xf32, #tpu.memory_space<vmem>>, vector<16xf32>,
    %get3A_679 = arith.constant 5 : i32
    %get3A_680 = arith.index_cast %get3A_679 : i32 to index
    %get3A_681 = arith.constant 0 : index
    %get3A_682 = tpu.vector_load %arg15[%get3A_680, %get3A_681] {strides = array<i32>} : memref<16x16xf32, #tpu.memory_space<vmem>>, vector<16xf32>,
    %get3A_683 = arith.constant 6 : i32
    %get3A_684 = arith.index_cast %get3A_683 : i32 to index
    %get3A_685 = arith.constant 0 : index
    %get3A_686 = tpu.vector_load %arg15[%get3A_684, %get3A_685] {strides = array<i32>} : memref<16x16xf32, #tpu.memory_space<vmem>>, vector<16xf32>,
    %get3A_687 = arith.constant 7 : i32
    %get3A_688 = arith.index_cast %get3A_687 : i32 to index
    %get3A_689 = arith.constant 0 : index
    %get3A_690 = tpu.vector_load %arg15[%get3A_688, %get3A_689] {strides = array<i32>} : memref<16x16xf32, #tpu.memory_space<vmem>>, vector<16xf32>,
    %get3A_691 = arith.constant 8 : i32
    %get3A_692 = arith.index_cast %get3A_691 : i32 to index
    %get3A_693 = arith.constant 0 : index
    %get3A_694 = tpu.vector_load %arg15[%get3A_692, %get3A_693] {strides = array<i32>} : memref<16x16xf32, #tpu.memory_space<vmem>>, vector<16xf32>,
    %get3A_695 = arith.constant 9 : i32
    %get3A_696 = arith.index_cast %get3A_695 : i32 to index
    %get3A_697 = arith.constant 0 : index
    %get3A_698 = tpu.vector_load %arg15[%get3A_696, %get3A_697] {strides = array<i32>} : memref<16x16xf32, #tpu.memory_space<vmem>>, vector<16xf32>,
    %get3A_699 = arith.constant 10 : i32
    %get3A_700 = arith.index_cast %get3A_699 : i32 to index
    %get3A_701 = arith.constant 0 : index
    %get3A_702 = tpu.vector_load %arg15[%get3A_700, %get3A_701] {strides = array<i32>} : memref<16x16xf32, #tpu.memory_space<vmem>>, vector<16xf32>,
    %get3A_703 = arith.constant 11 : i32
    %get3A_704 = arith.index_cast %get3A_703 : i32 to index
    %get3A_705 = arith.constant 0 : index
    %get3A_706 = tpu.vector_load %arg15[%get3A_704, %get3A_705] {strides = array<i32>} : memref<16x16xf32, #tpu.memory_space<vmem>>, vector<16xf32>,
    %get3A_707 = arith.constant 12 : i32
    %get3A_708 = arith.index_cast %get3A_707 : i32 to index
    %get3A_709 = arith.constant 0 : index
    %get3A_710 = tpu.vector_load %arg15[%get3A_708, %get3A_709] {strides = array<i32>} : memref<16x16xf32, #tpu.memory_space<vmem>>, vector<16xf32>,
    %get3A_711 = arith.constant 13 : i32
    %get3A_712 = arith.index_cast %get3A_711 : i32 to index
    %get3A_713 = arith.constant 0 : index
    %get3A_714 = tpu.vector_load %arg15[%get3A_712, %get3A_713] {strides = array<i32>} : memref<16x16xf32, #tpu.memory_space<vmem>>, vector<16xf32>,
    %get3A_715 = arith.constant 14 : i32
    %get3A_716 = arith.index_cast %get3A_715 : i32 to index
    %get3A_717 = arith.constant 0 : index
    %get3A_718 = tpu.vector_load %arg15[%get3A_716, %get3A_717] {strides = array<i32>} : memref<16x16xf32, #tpu.memory_space<vmem>>, vector<16xf32>,
    %get3A_719 = arith.constant 15 : i32
    %get3A_720 = arith.index_cast %get3A_719 : i32 to index
    %get3A_721 = arith.constant 0 : index
    %get3A_722 = tpu.vector_load %arg15[%get3A_720, %get3A_721] {strides = array<i32>} : memref<16x16xf32, #tpu.memory_space<vmem>>, vector<16xf32>,
    %mul3A_723 = arith.constant 16 : i32
    %mul3A_724 = vector.broadcast %mul3A_723 : i32 to vector<16xi32>
    %mul3A_725 = arith.muli %iota3A, %mul3A_724 : vector<16xi32>
    %broadcast_in_dim3A_726 = arith.constant 0.000000e+00 : f32
    %broadcast_in_dim3A_727 = vector.broadcast %broadcast_in_dim3A_726 : f32 to vector<16xf32>
    %scan3A_728 = arith.constant 0 : i32
    %scan3A_729 = arith.constant 0 : i32
    %scan3A_730 = arith.constant 32 : i32
    %scan3A_731 = arith.addi %scan3A_729, %scan3A_730 : i32
    %scan3A_732 = arith.constant 1 : i32
    scf.for %scan3A_734 = %scan3A_729 to %scan3A_731 step %scan3A_732  : i32 {
      %mul3A_735 = arith.constant 16 : i32
      %mul3A_736 = arith.muli %scan3A_734, %mul3A_735 : i32
      %multiple_of3A_737 = tpu.assume_multiple %mul3A_736, 16 : i32
      %mul3A_738 = arith.constant 16 : i32
      %mul3A_739 = arith.muli %multiple_of3A_737, %mul3A_738 : i32
      %add3A_740 = vector.broadcast %mul3A_739 : i32 to vector<16xi32>
      %add3A_741 = arith.addi %mul3A_725, %add3A_740 : vector<16xi32>
      %add3A_742 = arith.constant 0 : i32
      %add3A_743 = vector.broadcast %add3A_742 : i32 to vector<16xi32>
      %add3A_744 = arith.addi %add3A_741, %add3A_743 : vector<16xi32>
      %gather3A = tpu.vector_load_idx %arg12[%add3A_744] : memref<8192xf32, #tpu.memory_space<vmem>>[vector<16xi32>], vector<16xf32>,
      %gather3A_745 = tpu.vector_load_idx %arg13[%add3A_744] : memref<8192xf32, #tpu.memory_space<vmem>>[vector<16xi32>], vector<16xf32>,
      %mul3A_746 = arith.mulf %gather3A, %gather3A_745 : vector<16xf32>
      %mul3A_747 = arith.mulf %mul3A_746, %get3A_662 : vector<16xf32>
      %add3A_748 = arith.addf %get3A_658, %mul3A_747 : vector<16xf32>
      %add3A_749 = arith.constant 1 : i32
      %add3A_750 = vector.broadcast %add3A_749 : i32 to vector<16xi32>
      %add3A_751 = arith.addi %add3A_741, %add3A_750 : vector<16xi32>
      %gather3A_752 = tpu.vector_load_idx %arg12[%add3A_751] : memref<8192xf32, #tpu.memory_space<vmem>>[vector<16xi32>], vector<16xf32>,
      %gather3A_753 = tpu.vector_load_idx %arg13[%add3A_751] : memref<8192xf32, #tpu.memory_space<vmem>>[vector<16xi32>], vector<16xf32>,
      %mul3A_754 = arith.mulf %gather3A_752, %gather3A_753 : vector<16xf32>
      %mul3A_755 = arith.mulf %mul3A_754, %get3A_666 : vector<16xf32>
      %add3A_756 = arith.addf %broadcast_in_dim3A_727, %mul3A_755 : vector<16xf32>
      %add3A_757 = arith.constant 2 : i32
      %add3A_758 = vector.broadcast %add3A_757 : i32 to vector<16xi32>
      %add3A_759 = arith.addi %add3A_741, %add3A_758 : vector<16xi32>
      %gather3A_760 = tpu.vector_load_idx %arg12[%add3A_759] : memref<8192xf32, #tpu.memory_space<vmem>>[vector<16xi32>], vector<16xf32>,
      %gather3A_761 = tpu.vector_load_idx %arg13[%add3A_759] : memref<8192xf32, #tpu.memory_space<vmem>>[vector<16xi32>], vector<16xf32>,
      %mul3A_762 = arith.mulf %gather3A_760, %gather3A_761 : vector<16xf32>
      %mul3A_763 = arith.mulf %mul3A_762, %get3A_670 : vector<16xf32>
      %add3A_764 = arith.addf %broadcast_in_dim3A_727, %mul3A_763 : vector<16xf32>
      %add3A_765 = arith.constant 3 : i32
      %add3A_766 = vector.broadcast %add3A_765 : i32 to vector<16xi32>
      %add3A_767 = arith.addi %add3A_741, %add3A_766 : vector<16xi32>
      %gather3A_768 = tpu.vector_load_idx %arg12[%add3A_767] : memref<8192xf32, #tpu.memory_space<vmem>>[vector<16xi32>], vector<16xf32>,
      %gather3A_769 = tpu.vector_load_idx %arg13[%add3A_767] : memref<8192xf32, #tpu.memory_space<vmem>>[vector<16xi32>], vector<16xf32>,
      %mul3A_770 = arith.mulf %gather3A_768, %gather3A_769 : vector<16xf32>
      %mul3A_771 = arith.mulf %mul3A_770, %get3A_674 : vector<16xf32>
      %add3A_772 = arith.addf %broadcast_in_dim3A_727, %mul3A_771 : vector<16xf32>
      %add3A_773 = arith.constant 4 : i32
      %add3A_774 = vector.broadcast %add3A_773 : i32 to vector<16xi32>
      %add3A_775 = arith.addi %add3A_741, %add3A_774 : vector<16xi32>
      %gather3A_776 = tpu.vector_load_idx %arg12[%add3A_775] : memref<8192xf32, #tpu.memory_space<vmem>>[vector<16xi32>], vector<16xf32>,
      %gather3A_777 = tpu.vector_load_idx %arg13[%add3A_775] : memref<8192xf32, #tpu.memory_space<vmem>>[vector<16xi32>], vector<16xf32>,
      %mul3A_778 = arith.mulf %gather3A_776, %gather3A_777 : vector<16xf32>
      %mul3A_779 = arith.mulf %mul3A_778, %get3A_678 : vector<16xf32>
      %add3A_780 = arith.addf %add3A_748, %mul3A_779 : vector<16xf32>
      %add3A_781 = arith.constant 5 : i32
      %add3A_782 = vector.broadcast %add3A_781 : i32 to vector<16xi32>
      %add3A_783 = arith.addi %add3A_741, %add3A_782 : vector<16xi32>
      %gather3A_784 = tpu.vector_load_idx %arg12[%add3A_783] : memref<8192xf32, #tpu.memory_space<vmem>>[vector<16xi32>], vector<16xf32>,
      %gather3A_785 = tpu.vector_load_idx %arg13[%add3A_783] : memref<8192xf32, #tpu.memory_space<vmem>>[vector<16xi32>], vector<16xf32>,
      %mul3A_786 = arith.mulf %gather3A_784, %gather3A_785 : vector<16xf32>
      %mul3A_787 = arith.mulf %mul3A_786, %get3A_682 : vector<16xf32>
      %add3A_788 = arith.addf %add3A_756, %mul3A_787 : vector<16xf32>
      %add3A_789 = arith.constant 6 : i32
      %add3A_790 = vector.broadcast %add3A_789 : i32 to vector<16xi32>
      %add3A_791 = arith.addi %add3A_741, %add3A_790 : vector<16xi32>
      %gather3A_792 = tpu.vector_load_idx %arg12[%add3A_791] : memref<8192xf32, #tpu.memory_space<vmem>>[vector<16xi32>], vector<16xf32>,
      %gather3A_793 = tpu.vector_load_idx %arg13[%add3A_791] : memref<8192xf32, #tpu.memory_space<vmem>>[vector<16xi32>], vector<16xf32>,
      %mul3A_794 = arith.mulf %gather3A_792, %gather3A_793 : vector<16xf32>
      %mul3A_795 = arith.mulf %mul3A_794, %get3A_686 : vector<16xf32>
      %add3A_796 = arith.addf %add3A_764, %mul3A_795 : vector<16xf32>
      %add3A_797 = arith.constant 7 : i32
      %add3A_798 = vector.broadcast %add3A_797 : i32 to vector<16xi32>
      %add3A_799 = arith.addi %add3A_741, %add3A_798 : vector<16xi32>
      %gather3A_800 = tpu.vector_load_idx %arg12[%add3A_799] : memref<8192xf32, #tpu.memory_space<vmem>>[vector<16xi32>], vector<16xf32>,
      %gather3A_801 = tpu.vector_load_idx %arg13[%add3A_799] : memref<8192xf32, #tpu.memory_space<vmem>>[vector<16xi32>], vector<16xf32>,
      %mul3A_802 = arith.mulf %gather3A_800, %gather3A_801 : vector<16xf32>
      %mul3A_803 = arith.mulf %mul3A_802, %get3A_690 : vector<16xf32>
      %add3A_804 = arith.addf %add3A_772, %mul3A_803 : vector<16xf32>
      %add3A_805 = arith.constant 8 : i32
      %add3A_806 = vector.broadcast %add3A_805 : i32 to vector<16xi32>
      %add3A_807 = arith.addi %add3A_741, %add3A_806 : vector<16xi32>
      %gather3A_808 = tpu.vector_load_idx %arg12[%add3A_807] : memref<8192xf32, #tpu.memory_space<vmem>>[vector<16xi32>], vector<16xf32>,
      %gather3A_809 = tpu.vector_load_idx %arg13[%add3A_807] : memref<8192xf32, #tpu.memory_space<vmem>>[vector<16xi32>], vector<16xf32>,
      %mul3A_810 = arith.mulf %gather3A_808, %gather3A_809 : vector<16xf32>
      %mul3A_811 = arith.mulf %mul3A_810, %get3A_694 : vector<16xf32>
      %add3A_812 = arith.addf %add3A_780, %mul3A_811 : vector<16xf32>
      %add3A_813 = arith.constant 9 : i32
      %add3A_814 = vector.broadcast %add3A_813 : i32 to vector<16xi32>
      %add3A_815 = arith.addi %add3A_741, %add3A_814 : vector<16xi32>
      %gather3A_816 = tpu.vector_load_idx %arg12[%add3A_815] : memref<8192xf32, #tpu.memory_space<vmem>>[vector<16xi32>], vector<16xf32>,
      %gather3A_817 = tpu.vector_load_idx %arg13[%add3A_815] : memref<8192xf32, #tpu.memory_space<vmem>>[vector<16xi32>], vector<16xf32>,
      %mul3A_818 = arith.mulf %gather3A_816, %gather3A_817 : vector<16xf32>
      %mul3A_819 = arith.mulf %mul3A_818, %get3A_698 : vector<16xf32>
      %add3A_820 = arith.addf %add3A_788, %mul3A_819 : vector<16xf32>
      %add3A_821 = arith.constant 10 : i32
      %add3A_822 = vector.broadcast %add3A_821 : i32 to vector<16xi32>
      %add3A_823 = arith.addi %add3A_741, %add3A_822 : vector<16xi32>
      %gather3A_824 = tpu.vector_load_idx %arg12[%add3A_823] : memref<8192xf32, #tpu.memory_space<vmem>>[vector<16xi32>], vector<16xf32>,
      %gather3A_825 = tpu.vector_load_idx %arg13[%add3A_823] : memref<8192xf32, #tpu.memory_space<vmem>>[vector<16xi32>], vector<16xf32>,
      %mul3A_826 = arith.mulf %gather3A_824, %gather3A_825 : vector<16xf32>
      %mul3A_827 = arith.mulf %mul3A_826, %get3A_702 : vector<16xf32>
      %add3A_828 = arith.addf %add3A_796, %mul3A_827 : vector<16xf32>
      %add3A_829 = arith.constant 11 : i32
      %add3A_830 = vector.broadcast %add3A_829 : i32 to vector<16xi32>
      %add3A_831 = arith.addi %add3A_741, %add3A_830 : vector<16xi32>
      %gather3A_832 = tpu.vector_load_idx %arg12[%add3A_831] : memref<8192xf32, #tpu.memory_space<vmem>>[vector<16xi32>], vector<16xf32>,
      %gather3A_833 = tpu.vector_load_idx %arg13[%add3A_831] : memref<8192xf32, #tpu.memory_space<vmem>>[vector<16xi32>], vector<16xf32>,
      %mul3A_834 = arith.mulf %gather3A_832, %gather3A_833 : vector<16xf32>
      %mul3A_835 = arith.mulf %mul3A_834, %get3A_706 : vector<16xf32>
      %add3A_836 = arith.addf %add3A_804, %mul3A_835 : vector<16xf32>
      %add3A_837 = arith.constant 12 : i32
      %add3A_838 = vector.broadcast %add3A_837 : i32 to vector<16xi32>
      %add3A_839 = arith.addi %add3A_741, %add3A_838 : vector<16xi32>
      %gather3A_840 = tpu.vector_load_idx %arg12[%add3A_839] : memref<8192xf32, #tpu.memory_space<vmem>>[vector<16xi32>], vector<16xf32>,
      %gather3A_841 = tpu.vector_load_idx %arg13[%add3A_839] : memref<8192xf32, #tpu.memory_space<vmem>>[vector<16xi32>], vector<16xf32>,
      %mul3A_842 = arith.mulf %gather3A_840, %gather3A_841 : vector<16xf32>
      %mul3A_843 = arith.mulf %mul3A_842, %get3A_710 : vector<16xf32>
      %add3A_844 = arith.addf %add3A_812, %mul3A_843 : vector<16xf32>
      %add3A_845 = arith.constant 13 : i32
      %add3A_846 = vector.broadcast %add3A_845 : i32 to vector<16xi32>
      %add3A_847 = arith.addi %add3A_741, %add3A_846 : vector<16xi32>
      %gather3A_848 = tpu.vector_load_idx %arg12[%add3A_847] : memref<8192xf32, #tpu.memory_space<vmem>>[vector<16xi32>], vector<16xf32>,
      %gather3A_849 = tpu.vector_load_idx %arg13[%add3A_847] : memref<8192xf32, #tpu.memory_space<vmem>>[vector<16xi32>], vector<16xf32>,
      %mul3A_850 = arith.mulf %gather3A_848, %gather3A_849 : vector<16xf32>
      %mul3A_851 = arith.mulf %mul3A_850, %get3A_714 : vector<16xf32>
      %add3A_852 = arith.addf %add3A_820, %mul3A_851 : vector<16xf32>
      %add3A_853 = arith.constant 14 : i32
      %add3A_854 = vector.broadcast %add3A_853 : i32 to vector<16xi32>
      %add3A_855 = arith.addi %add3A_741, %add3A_854 : vector<16xi32>
      %gather3A_856 = tpu.vector_load_idx %arg12[%add3A_855] : memref<8192xf32, #tpu.memory_space<vmem>>[vector<16xi32>], vector<16xf32>,
      %gather3A_857 = tpu.vector_load_idx %arg13[%add3A_855] : memref<8192xf32, #tpu.memory_space<vmem>>[vector<16xi32>], vector<16xf32>,
      %mul3A_858 = arith.mulf %gather3A_856, %gather3A_857 : vector<16xf32>
      %mul3A_859 = arith.mulf %mul3A_858, %get3A_718 : vector<16xf32>
      %add3A_860 = arith.addf %add3A_828, %mul3A_859 : vector<16xf32>
      %add3A_861 = arith.constant 15 : i32
      %add3A_862 = vector.broadcast %add3A_861 : i32 to vector<16xi32>
      %add3A_863 = arith.addi %add3A_741, %add3A_862 : vector<16xi32>
      %gather3A_864 = tpu.vector_load_idx %arg12[%add3A_863] : memref<8192xf32, #tpu.memory_space<vmem>>[vector<16xi32>], vector<16xf32>,
      %gather3A_865 = tpu.vector_load_idx %arg13[%add3A_863] : memref<8192xf32, #tpu.memory_space<vmem>>[vector<16xi32>], vector<16xf32>,
      %mul3A_866 = arith.mulf %gather3A_864, %gather3A_865 : vector<16xf32>
      %mul3A_867 = arith.mulf %mul3A_866, %get3A_722 : vector<16xf32>
      %add3A_868 = arith.addf %add3A_836, %mul3A_867 : vector<16xf32>
      %add3A_869 = arith.addf %add3A_844, %add3A_852 : vector<16xf32>
      %add3A_870 = arith.addf %add3A_860, %add3A_868 : vector<16xf32>
      %add3A_871 = arith.addf %add3A_869, %add3A_870 : vector<16xf32>
      %swap3A = arith.index_cast %multiple_of3A_737 : i32 to index
      %swap3A_872 = tpu.vector_load %arg14[%swap3A] {strides = array<i32>} : memref<512xf32, #tpu.memory_space<vmem>>, vector<16xf32>,
      tpu.vector_store %arg14[%swap3A], %add3A_871 {strides = array<i32>} : memref<512xf32, #tpu.memory_space<vmem>>, vector<16xf32>,
    }
    %scan3A_733 = arith.constant 32 : i32
    "tpu.region"() ({
      %run_scoped3A = tpu.sem_alloc : memref<!tpu.dma_semaphore, #tpu.memory_space<semaphore_mem>>
      %dma_start3A_734 = tpu.memref_slice %arg8[%multiple_of3A] : memref<16384xf32, #tpu.memory_space<hbm>> -> memref<512xf32, #tpu.memory_space<hbm>>
      %dma_start3A_735 = tpu.memref_slice %arg8[%multiple_of3A] : memref<16384xf32, #tpu.memory_space<hbm>> -> memref<512xf32, #tpu.memory_space<hbm>>
      tpu.enqueue_dma source(%arg14 : memref<512xf32, #tpu.memory_space<vmem>>) target(%dma_start3A_735 : memref<512xf32, #tpu.memory_space<hbm>>) target_semaphore(%run_scoped3A : memref<!tpu.dma_semaphore, #tpu.memory_space<semaphore_mem>>)
      %dma_wait3A = tpu.memref_slice %arg8[%multiple_of3A] : memref<16384xf32, #tpu.memory_space<hbm>> -> memref<512xf32, #tpu.memory_space<hbm>>
      %dma_wait3A_736 = tpu.memref_slice %arg8[%multiple_of3A] : memref<16384xf32, #tpu.memory_space<hbm>> -> memref<512xf32, #tpu.memory_space<hbm>>
      tpu.wait_dma2 semaphore(%run_scoped3A : memref<!tpu.dma_semaphore, #tpu.memory_space<semaphore_mem>>) src(%arg14 : memref<512xf32, #tpu.memory_space<vmem>>) dst(%dma_wait3A_736 : memref<512xf32, #tpu.memory_space<hbm>>)
      tpu.yield
    }) : () -> ()
    return
  }
}

</mosaic_0001>

<sc_bundles>
// kernel: kernel.3.cloned.1.call-start
scs
__scs_entry_jumppad:
0x0: {  	(pc) =	sbr.rel $0x88, $3  }
0x1: {  	(tag) =	ssettag $0x0;
	lr =	simm.s32 $0x1  }
0x2: {  	[smem:$0x3F9B] =	sst lr;
	_ =	strace $0xD0000000  }
0x3: {  	_ = 	snop  }
0x4: {  	_ = 	snop  }
0x5: {  	_ = 	snop  }
0x6: {  	_ = 	snop  }
0x7: {  	_ = 	snop  }
__scs_overlays_trampoline_lowered:
0x8: {  	[smem:$0x3FAA] =	sst s0  }
0x9: {  	[smem:$0x3FAB] =	sst s1  }
0xa: {  	[smem:$0x3FAC] =	sst s2  }
0xb: {  	[smem:$0x3FAD] =	sst s3  }
0xc: {  	[smem:$0x3FAE] =	sst s4  }
0xd: {  	[smem:$0x3FAF] =	sst s5  }
0xe: {  	[smem:$0x3FB0] =	sst s6  }
0xf: {  	[smem:$0x3FB1] =	sst s7  }
0x10: {  	[smem:$0x3FB2] =	sst s8  }
0x11: {  	[smem:$0x3FB3] =	sst s9;
	s0 =	simm.s32 @!p0 $0x0  }
0x12: {  	s1 =	sld [smem:$0x3F99];
	s0 =	simm.s32 @p0 $0x1  }
0x13: {  	[smem:$0x3FB4] =	sst s0;
	s0 =	simm.s32 @!p1 $0x0  }
0x14: {  	s2 =	sld [smem:$0x3F98];
	s0 =	simm.s32 @p1 $0x1  }
0x15: {  	[smem:$0x3FB5] =	sst s0;
	s0 =	simm.s32 @!p2 $0x0  }
0x16: {  	s3 =	sld [smem:$0x3FDB];
	s0 =	simm.s32 @p2 $0x1  }
0x17: {  	s4 =	simm.s32 $0x1BF5;
	[smem:$0x3FB7] =	sst s0  }
0x18: {  	s0 =	sld [smem:$0x3F9A];
	_ =	swait.ge [sflag:s4], $0x0  }
0x19: {  	s7 =	sld [smem:$0x3F9B]  }
0x1a: {  	s8 =	sadd.s32 $0xFFFFE003, lr  }
0x1b: {  	s9 =	sadd.s32 $0xFFFFFEF7, lr;
	s5 =	simm.s32 $0xFFFFFFFF;
	p2 =	slt.u32 s8, $0xFFFFF086  }
0x1c: {  	p1 =	slt.u32 s9, $0xF7A;
	s5 =	simm.s32 @!p2 $0x0  }
0x1d: {  	s5 =	simm.s32 @p1 $0x1;
	p0 =	seq.s32 s7, s2  }
0x1e: {  	s7 =	smul.u32 @!p0 $0xF7A, s2;
	p2 =	seq.s32 @!p0 s5, $0x0  }
0x1f: {  	s9 =	smul.u32 $0xF7A, s1;
	s8 =	simm.s32 @!p0 $0x1BF5;
	p2 =	por !p2, p0  }
0x20: {  	[sflag:s8] =	ssyncset.s32 @!p0 $0xFFFFF086;
	s6 =	sadd.s32 @!p0 s3, s7;
	s7 =	simm.s32 @!p0 $0x108  }
0x21: {  	s3 =	sadd.s32 s3, s9;
	s6 =	sadd.s32 @!p0 $0x88, s6;
	s7 =	simm.s32 @p2 $0x1082  }
0x22: {  	[simem:s7], [sflag:s8] =	dma.local @!p0 [hbm:s6], $0xF7A  }
0x23: {  	s9 =	sor.u32 $0xD0000000, s2;
	s6 =	simm.s32 $0x108;
	_ =	swait.ge @!p0 [sflag:s8], $0x0  }
0x24: {  	s3 =	sadd.s32 $0x88, s3;
	s6 =	simm.s32 @!p1 $0x1082;
	[sflag:s4] =	ssyncset.s32 $0xFFFFF086  }
0x25: {  	[simem:s6], [sflag:s4] =	dma.local [hbm:s3], $0xF7A  }
0x26: {  	[smem:$0x3F9B] =	sst s1;
	(tag) =	ssettag s2;
	_ =	strace s9  }
0x27: {  	s1 =	sld [smem:$0x3FAB]  }
0x28: {  	s2 =	sld [smem:$0x3FAC]  }
0x29: {  	s4 =	sld [smem:$0x3FAE]  }
0x2a: {  	p0 =	seq.s32 s5, $0x0;
	s5 =	sld [smem:$0x3FAF]  }
0x2b: {  	s6 =	sld [smem:$0x3FB0]  }
0x2c: {  	s7 =	sld [smem:$0x3FB1]  }
0x2d: {  	s3 =	simm.s32 $0x108;
	s8 =	sld [smem:$0x3FB2]  }
0x2e: {  	s3 =	simm.s32 @!p0 $0x1082;
	s9 =	sld [smem:$0x3FB3]  }
0x2f: {  	lr =	sadd.s32 s0, s3;
	s0 =	sld [smem:$0x3FAA]  }
0x30: {  	s3 =	sld [smem:$0x3FAD]  }
0x31: {  	[smem:$0x3FB6] =	sst s10  }
0x32: {  	s10 =	sld [smem:$0x3FB4];
	_ =	sdelay $0x3  }
0x33: {  	p0 =	seq.s32 s10, $0x1;
	s10 =	sld [smem:$0x3FB6];
	_ =	sdelay $0x3  }
0x34: {  	[smem:$0x3FB6] =	sst s10  }
0x35: {  	s10 =	sld [smem:$0x3FB5];
	_ =	sdelay $0x3  }
0x36: {  	p1 =	seq.s32 s10, $0x1;
	s10 =	sld [smem:$0x3FB6];
	_ =	sdelay $0x3  }
0x37: {  	[smem:$0x3FB6] =	sst s10  }
0x38: {  	s10 =	sld [smem:$0x3FB7]  }
0x39: {  	_ = 	snop;
	(pc) =	sbr.ind lr, $3  }
0x3a: {  	_ = 	snop  }
0x3b: {  	_ = 	snop  }
0x3c: {  	p2 =	seq.s32 s10, $0x1;
	s10 =	sld [smem:$0x3FB6]  }
0x3d: {  	_ =	shalt  }
0x3e: {  	_ =	shalt  }
0x3f: {  	_ =	shalt  }
0x40: {  	_ =	shalt  }
0x41: {  	_ =	shalt  }
0x42: {  	_ =	shalt  }
0x43: {  	_ =	shalt  }
0x44: {  	_ =	shalt  }
0x45: {  	_ =	shalt  }
0x46: {  	_ =	shalt  }
0x47: {  	_ =	shalt  }
0x48: {  	_ =	shalt  }
0x49: {  	_ =	shalt  }
0x4a: {  	_ =	shalt  }
0x4b: {  	_ =	shalt  }
0x4c: {  	_ =	shalt  }
0x4d: {  	_ =	shalt  }
0x4e: {  	_ =	shalt  }
0x4f: {  	_ =	shalt  }
0x50: {  	_ =	shalt  }
0x51: {  	_ =	shalt  }
0x52: {  	_ =	shalt  }
0x53: {  	_ =	shalt  }
0x54: {  	_ =	shalt  }
0x55: {  	_ =	shalt  }
0x56: {  	_ =	shalt  }
0x57: {  	_ =	shalt  }
0x58: {  	_ =	shalt  }
0x59: {  	_ =	shalt  }
0x5a: {  	_ =	shalt  }
0x5b: {  	_ =	shalt  }
0x5c: {  	_ =	shalt  }
0x5d: {  	_ =	shalt  }
0x5e: {  	_ =	shalt  }
0x5f: {  	_ =	shalt  }
0x60: {  	_ =	shalt  }
0x61: {  	_ =	shalt  }
0x62: {  	_ =	shalt  }
0x63: {  	_ =	shalt  }
0x64: {  	_ =	shalt  }
0x65: {  	_ =	shalt  }
0x66: {  	_ =	shalt  }
0x67: {  	_ =	shalt  }
0x68: {  	_ =	shalt  }
0x69: {  	_ =	shalt  }
0x6a: {  	_ =	shalt  }
0x6b: {  	_ =	shalt  }
0x6c: {  	_ =	shalt  }
0x6d: {  	_ =	shalt  }
0x6e: {  	_ =	shalt  }
0x6f: {  	_ =	shalt  }
0x70: {  	_ =	shalt  }
0x71: {  	_ =	shalt  }
0x72: {  	_ =	shalt  }
0x73: {  	_ =	shalt  }
0x74: {  	_ =	shalt  }
0x75: {  	_ =	shalt  }
0x76: {  	_ =	shalt  }
0x77: {  	_ =	shalt  }
0x78: {  	_ =	shalt  }
0x79: {  	_ =	shalt  }
0x7a: {  	_ =	shalt  }
0x7b: {  	_ =	shalt  }
0x7c: {  	_ =	shalt  }
0x7d: {  	_ =	shalt  }
0x7e: {  	_ =	shalt  }
0x7f: {  	_ =	shalt  }
0x80: {  	_ =	shalt  }
0x81: {  	_ =	shalt  }
0x82: {  	_ =	shalt  }
0x83: {  	_ =	shalt  }
0x84: {  	_ =	shalt  }
0x85: {  	_ =	shalt  }
0x86: {  	_ =	shalt  }
0x87: {  	_ =	shalt  }
.Lfunc_end0:
.L_simem_size_0:
called_computation_lowered:
.L_overlay_start_0:
0x88: {  	s2 =	sld [smem:$0x3FD9]  }
0x89: {  	s3 =	sld [smem:$0x3FFE];
	_ =	sdelay $0x1  }
0x8a: {  	s1 =	srdreg.scid  }
0x8b: {  	s0 =	sand.u32 $0x1, s1  }
0x8c: {  	s17 =	sshll.u32 s0, $0xA;
	s2 =	sadd.s32 s3, s2  }
0x8d: {  	s2 =	sadd.s32 s2, s17  }
0x8e: {  	[smem:$0x3FC2] =	sst s2  }
0x8f: {  	_ = 	snop  }
0x90: {  	s2 =	sld [smem:$0x3FC9]  }
0x91: {  	s18 =	sld [smem:$0x3FC8]  }
0x92: {  	s4 =	sld [smem:$0x3FC7]  }
0x93: {  	s5 =	sld [smem:$0x3FC6]  }
0x94: {  	s6 =	sld [smem:$0x3FD0];
	(tm) =	ssettm $0x1  }
0x95: {  	s7 =	sld [smem:$0x3FFB];
	_ =	sdelay $0x3  }
0x96: {  	_ =	strace s7  }
0x97: {  	s7 =	sld [smem:$0x3FFC];
	_ =	sdelay $0x3  }
0x98: {  	_ =	strace s7  }
0x99: {  	s7 =	sld [smem:$0x3FFD];
	_ =	sdelay $0x3  }
0x9a: {  	_ =	strace s7  }
0x9b: {  	_ =	strace $0x8FFFFFFF  }
0x9c: {  	s19 =	sld [smem:$0x3FDB];
	_ =	sdelay $0x1  }
0x9d: {  	s8 =	simm.s32 $_scs_section_size  }
0x9e: {  	s9 =	simm.s32 $_size__tile_overlayer_lowered;
	s10 =	simm.s32 $_tile_overlayer_lowered  }
0x9f: {  	s22 =	simm.s32 $0x1BFF;
	s21 =	sshll.u32 s10, $0x1;
	s7 =	sadd.s32 s8, s19  }
0xa0: {  	s11 =	simm.s32 $0x0;
	s20 =	sshll.u32 s9, $0x1;
	s9 =	sadd.s32 s21, s7  }
0xa1: {  	[timem:s11], [sflag:s22] =	dma.local [hbm:s9], s20  }
0xa2: {  	_ =	swait.ge [sflag:s22], s20  }
0xa3: {  	s8 =	ssub.s32 $0x0, s20;
	[sflag:s22] =	ssyncset.done $0x0  }
0xa4: {  	[sflag:s22] =	ssyncadd.s32 s8;
	_ =	sdelay $0x1  }
0xa5: {  	s23 =	simm.s32 $0x1B8B  }
0xa6: {  	_ =	swait.ge [sflag:s23], $0x1  }
0xa7: {  	[sflag:s23] =	ssyncset.done $0x0  }
0xa8: {  	s25 =	simm.s32 $0x1B8E;
	s24 =	sld [smem:$0x3FFE];
	[sflag:s23] =	ssyncadd.s32 $0xFFFFFFFF  }
0xa9: {  	s26 =	simm.s32 $execute0_lowered;
	[smem:$0x3FD2] =	sst s25  }
0xaa: {  	s9 =	sshll.u32 s26, $0x1;
	_ =	strace $0x80000046;
	[dreg:$0x1] =	wrdreg $0xFFFFFFFF  }
0xab: {  	s28 =	simm.s32 $_size_execute0_lowered;
	s7 =	sadd.s32 s7, s9;
	[dreg:$0x0] =	wrdreg $0x0  }
0xac: {  	s9 =	sshll.u32 s28, $0x1;
	[dreg:$0x2] =	wrdreg s7  }
0xad: {  	[dreg:$0x3] =	wrdreg s9  }
0xae: {  	[dreg:$0x4] =	wrdreg $0xC0  }
0xaf: {  	_ =	task [dreg:s11], $0x5FFFF  }
0xb0: {  	[dreg:$0x1] =	wrdreg $0xFFFFFFFF  }
0xb1: {  	[dreg:$0x0] =	wrdreg $0x60  }
0xb2: {  	[dreg:$0x2] =	wrdreg s2  }
0xb3: {  	[dreg:$0x3] =	wrdreg s18  }
0xb4: {  	[dreg:$0x4] =	wrdreg s4  }
0xb5: {  	[dreg:$0x5] =	wrdreg s5  }
0xb6: {  	[dreg:$0x6] =	wrdreg s24  }
0xb7: {  	[dreg:$0x7] =	wrdreg s6  }
0xb8: {  	[dreg:$0x8] =	wrdreg $0x9  }
0xb9: {  	_ =	task.clear_ibuf [dreg:s11], $0x9FFFF;
	_ =	strace $0x90000046  }
0xba: {  	s29 =	simm.s32 $0x9;
	_ =	strace $0x80000048  }
0xbb: {  	_ =	swait.ge [sflag:s29], $0x1  }
0xbc: {  	[sflag:s29] =	ssyncadd.s32 $0xFFFFFFFF  }
0xbd: {  	_ =	strace $0x90000048  }
0xbe: {  	_ =	sfence  }
0xbf: {  	s30 =	sld [smem:$0x0];
	_ =	sdelay $0x2  }
0xc0: {  	s31 =	sshll.u32 s1, $0xD;
	s1 =	sshrl.u32 s1, $0x2  }
0xc1: {  	s3 =	sand.u32 $0x4000, s31;
	s1 =	sadd.s32 s1, s30  }
0xc2: {  	s0 =	sor.u32 s3, s0;
	s1 =	sshll.u32 s1, $0x11  }
0xc3: {  	s0 =	sor.u32 s1, s0  }
0xc4: {  	s0 =	sadd.s32 $0x8F2B, s0  }
0xc5: {  	[sflag:s0] =	ssyncadd.remote.s32 $0x1  }
0xc6: {  	_ =	sfence.sel $0xFFFF  }
0xc7: {  	[dreg:$0x0] =	wrdreg $0xFFFFFFFF;
	(pc) =	sbr.abs _section_cstart, $3  }
0xc8: {  	[dreg:$0x1] =	wrdreg $0xFFFFFFFF  }
0xc9: {  	_ =	task.clear_ibuf [dreg:s11], $0x2FFFF;
	_ =	strace $0x9FFFFFFF  }
0xca: {  	(tm) =	ssettm $0x7FFFFFFF  }
0xcb: {  	_ =	shalt  }
tec
execute0_lowered:
.L_overlay_start_1:
0x0: {  	(tag) =	ssettag $0x1  }
0x1: {  	s0 =	rddreg [dreg:$0x0]  }
0x2: {  	s3 =	rddreg [dreg:$0x1]  }
0x3: {  	s1 =	rddreg [dreg:$0x2]  }
0x4: {  	s2 =	rddreg [dreg:$0x3];
	v0 =	vlaneseq.u32  }
0x5: {  	s4 =	rddreg [dreg:$0x4];
	s25 =	simm.s32 $0x0;
	v3 =	vmul.u32 $0x80, v0  }
0x6: {  	[smem:$0x7FF] =	sst s25  }
0x7: {  	s5 =	rddreg [dreg:$0x5];
	_ =	strace $0x80000047;
	v4 =	vor.u32 $0x800, v3;
	[tilespmem:$0x1FE30] =	vst v3  }
0x8: {  	v5 =	vor.u32 $0x1000, v3;
	[tilespmem:$0x1FE40] =	vst v4  }
0x9: {  	v6 =	vor.u32 $0x1800, v3;
	[tilespmem:$0x1FE50] =	vst v5  }
0xa: {  	v7 =	vor.u32 $0x2000, v3;
	[tilespmem:$0x1FE60] =	vst v6  }
0xb: {  	v8 =	vor.u32 $0x2800, v3;
	[tilespmem:$0x1FE70] =	vst v7  }
0xc: {  	v9 =	vor.u32 $0x3000, v3;
	[tilespmem:$0x1FE80] =	vst v8  }
0xd: {  	v10 =	vor.u32 $0x3800, v3;
	[tilespmem:$0x1FE90] =	vst v9  }
0xe: {  	v11 =	vor.u32 $0x4000, v3;
	[tilespmem:$0x1FEA0] =	vst v10  }
0xf: {  	v12 =	vor.u32 $0x4800, v3;
	[tilespmem:$0x1FEB0] =	vst v11  }
0x10: {  	v13 =	vor.u32 $0x5000, v3;
	[tilespmem:$0x1FEC0] =	vst v12  }
0x11: {  	v14 =	vor.u32 $0x5800, v3;
	[tilespmem:$0x1FED0] =	vst v13  }
0x12: {  	v15 =	vor.u32 $0x6000, v3;
	[tilespmem:$0x1FEE0] =	vst v14  }
0x13: {  	v16 =	vor.u32 $0x6800, v3;
	[tilespmem:$0x1FEF0] =	vst v15  }
0x14: {  	s6 =	srdreg.scid;
	s8 =	stileid.u32;
	v17 =	vor.u32 $0x7000, v3;
	[tilespmem:$0x1FF00] =	vst v16  }
0x15: {  	s29 =	simm.s32 $0x3;
	s14 =	simm.s32 $0x7A1400;
	s16 =	simm.s32 $0x400;
	v18 =	vor.u32 $0x7800, v3;
	[tilespmem:$0x1FF10] =	vst v17  }
0x16: {  	s31 =	simm.s32 $0x7400;
	s11 =	simm.s32 $0x8C00;
	s13 =	simm.s32 $0x9400;
	v19 =	vor.u32 $0x8000, v3;
	[tilespmem:$0x1FF20] =	vst v18  }
0x17: {  	s15 =	simm.s32 $0x9C00;
	s9 =	simm.s32 $0xC400;
	s10 =	simm.s32 $0xCC00;
	v20 =	vor.u32 $0x8800, v3;
	[tilespmem:$0x1FF30] =	vst v19  }
0x18: {  	s12 =	simm.s32 $0xDC00;
	s17 =	simm.s32 $0xE400;
	s18 =	simm.s32 $0xEC00;
	v21 =	vor.u32 $0x9000, v3;
	[tilespmem:$0x1FF40] =	vst v20  }
0x19: {  	s19 =	simm.s32 $0xF400;
	s20 =	simm.s32 $0xFC00;
	s21 =	simm.s32 $0x1;
	v1 =	vand.u32 $0x7, v0;
	v22 =	vor.u32 $0x9800, v3;
	[tilespmem:$0x1FF50] =	vst v21  }
0x1a: {  	s28 =	simm.s32 $0x0;
	s7 =	sadd.s32 $0x600, s4;
	s6 =	sand.u32 $0x1, s6;
	v30 =	vmul.u32 $0x10, v0;
	v1 =	vmul.u32 $0x10, v1;
	v23 =	vor.u32 $0xA000, v3;
	[tilespmem:$0x1FF60] =	vst v22  }
0x1b: {  	s8 =	sshll.u32 s8, $0x7;
	s4 =	sadd.s32 $0x400, s4;
	[dreg:$0x7] =	wrdreg s7;
	v24 =	vor.u32 $0xA800, v3;
	v25 =	vor.u32 $0xB000, v3;
	v26 =	vor.u32 $0xB800, v3;
	[tilespmem:$0x1FF70] =	vst v23  }
0x1c: {  	s22 =	ssub.s32 $0x2, s6;
	s6 =	sshll.u32 s6, $0x6;
	[dreg:$0x8] =	wrdreg s4;
	v27 =	vor.u32 $0xC000, v3;
	v28 =	vor.u32 $0xC800, v3;
	v49 =	vor.u32 $0xD000, v3;
	[tilespmem:$0x1FF80] =	vst v24  }
0x1d: {  	s7 =	simm.s32 $0xB400;
	s23 =	sshrl.u32 s22, $0x1;
	s6 =	sor.u32 s6, s8;
	v50 =	vor.u32 $0xD800, v3;
	v51 =	vor.u32 $0xE000, v3;
	v29 =	vor.u32 $0xE800, v3;
	[tilespmem:$0x1FF90] =	vst v25  }
0x1e: {  	v31 =	vor.u32 $0xF000, v3;
	v32 =	vor.u32 $0xF800, v3;
	v34 =	vor.u32 $0x1, v30;
	s8 =	simm.s32 $0xBC00;
	s4 =	ssub.s32 s22, s23;
	s0 =	sadd.s32 s0, s6;
	[tilespmem:$0x1FFA0] =	vst v26  }
0x1f: {  	v35 =	vor.u32 $0x2, v30;
	v36 =	vor.u32 $0x3, v30;
	v37 =	vor.u32 $0x4, v30;
	s24 =	sadd.s32 s3, s6;
	s26 =	sadd.s32 s5, s6;
	s5 =	simm.s32 $0xA400;
	[tilespmem:$0x1FFB0] =	vst v27  }
0x20: {  	v38 =	vor.u32 $0x5, v30;
	v39 =	vor.u32 $0x6, v30;
	v40 =	vor.u32 $0x7, v30;
	s6 =	simm.s32 $0xAC00;
	s3 =	simm.s32 $0xD400;
	[tilespmem:$0x1FFC0] =	vst v28;
	[dreg:$0x9] =	wrdreg s0  }
0x21: {  	v41 =	vor.u32 $0x8, v30;
	v42 =	vor.u32 $0x9, v30;
	v43 =	vor.u32 $0xA, v30;
	s22 =	simm.s32 $0x2;
	s23 =	simm.s32 $0x10400;
	[tilespmem:$0x1FFD0] =	vst v49;
	[dreg:$0xa] =	wrdreg s24  }
0x22: {  	v44 =	vor.u32 $0xB, v30;
	v45 =	vor.u32 $0xC, v30;
	v46 =	vor.u32 $0xD, v30;
	[tilespmem:$0x1FFE0] =	vst v50;
	[dreg:$0xb] =	wrdreg s26;
	s30 =	smax.u32 s4, $0x1;
	s0 =	simm.s32 $0x7C00  }
0x23: {  	v47 =	vor.u32 $0xE, v30;
	v48 =	vor.u32 $0xF, v30;
	v33 =	vor.u32 $0xFFFFFF80, v1;
	[tilespmem:$0x1FFF0] =	vst v51;
	s4 =	simm.s32 $0x8400;
	s24 =	simm.s32 $0x12400;
	[dreg:$0xc] =	wrdreg s30  }
.LBB2_1:
0x24: {  	[dreg:$0xd] =	wrdreg s28  }
0x25: {  	s26 =	rddreg [dreg:$0x9]  }
0x26: {  	[tilespmem:s25], [sflag:$0x3] =	stream.linear.gather [hbm4b:s26+s25], $0x200, $0x38;
	[tilespmem:$0x14E80] =	vst v63  }
0x27: {  	_ =	swait.ge [sflag:s29], $0x200  }
0x28: {  	[sflag:s29] =	ssyncset.done $0x0  }
0x29: {  	s30 =	simm.s32 $0x200;
	s26 =	rddreg [dreg:$0xa];
	[sflag:s29] =	ssyncadd.s32 $0xFFFFFE00  }
0x2a: {  	[tilespmem:s30], [sflag:$0x3] =	stream.linear.gather [hbm4b:s26+s25], $0x200, $0x38;
	[tilespmem:$0x14E80] =	vst v63  }
0x2b: {  	_ =	swait.ge [sflag:s29], $0x200  }
0x2c: {  	[sflag:s29] =	ssyncset.done $0x0  }
0x2d: {  	s30 =	simm.s32 $0x14600;
	s26 =	rddreg [dreg:$0x7];
	[sflag:s29] =	ssyncadd.s32 $0xFFFFFE00  }
0x2e: {  	[tilespmem:s30], [sflag:$0x3] =	stream.linear.gather [hbm4b:s26+s25], $0x800, $0x38;
	[tilespmem:$0x14E80] =	vst v63  }
0x2f: {  	_ =	swait.ge [sflag:s29], $0x800  }
0x30: {  	[sflag:s29] =	ssyncset.done $0x0  }
0x31: {  	s30 =	simm.s32 $0x14E00;
	s26 =	rddreg [dreg:$0x8];
	[sflag:s29] =	ssyncadd.s32 $0xFFFFF800  }
0x32: {  	[tilespmem:s30], [sflag:$0x3] =	stream.linear.gather [hbm4b:s26+s25], $0x80, $0x38;
	[tilespmem:$0x14E80] =	vst v63  }
0x33: {  	_ =	swait.ge [sflag:s29], $0x80  }
0x34: {  	[sflag:s29] =	ssyncset.done $0x0  }
0x35: {  	[sflag:s29] =	ssyncadd.s32 $0xFFFFFF80  }
0x36: {  	v0 =	vld [tilespmem:$0x0];
	_ =	sdelay $0x4  }
0x37: {  	(v2sf) =	vpush v0, $0x0  }
0x38: {  	(v2sf) =	vpush v0, $0x1;
	_ =	sdelay $0x5  }
0x39: {  	(v2sf) =	vpush v0, $0x2;
	_ =	sdelay $0x1  }
0x3a: {  	(v2sf) =	vpush v0, $0x3;
	_ =	sdelay $0x5  }
0x3b: {  	s28 =	spop (v2sf);
	(v2sf) =	vpush v0, $0x4  }
0x3c: {  	s29 =	spop (v2sf);
	(v2sf) =	vpush v0, $0x5;
	_ =	sdelay $0x4  }
0x3d: {  	s25 =	sand.u32 $0xFFFFF80, s28  }
0x3e: {  	s25 =	sadd.s32 s1, s25;
	s26 =	spop (v2sf);
	(v2sf) =	vpush v0, $0x6  }
0x3f: {  	[tilespmem:s16], [sflag:$0x1] =	stream.strided.gather [hbm4b:s25+s16], $0x800, s14, s16, $0x38;
	[tilespmem:$0x14E80] =	vst v63  }
0x40: {  	s25 =	sand.u32 $0xFFFFF80, s29;
	s29 =	spop (v2sf);
	(v2sf) =	vpush v0, $0x7  }
0x41: {  	s30 =	simm.s32 $0xC00;
	s25 =	sadd.s32 s1, s25  }
0x42: {  	[tilespmem:s30], [sflag:$0x1] =	stream.strided.gather [hbm4b:s25+s16], $0x800, s14, s16, $0x38;
	[tilespmem:$0x14E80] =	vst v63  }
0x43: {  	s25 =	sand.u32 $0xFFFFF80, s26  }
0x44: {  	s28 =	simm.s32 $0x1400;
	s25 =	sadd.s32 s1, s25  }
0x45: {  	[tilespmem:s28], [sflag:$0x1] =	stream.strided.gather [hbm4b:s25+s16], $0x800, s14, s16, $0x38;
	[tilespmem:$0x14E80] =	vst v63  }
0x46: {  	s25 =	sand.u32 $0xFFFFF80, s29;
	s26 =	spop (v2sf);
	(v2sf) =	vpush v0, $0x8  }
0x47: {  	s30 =	simm.s32 $0x1C00;
	s25 =	sadd.s32 s1, s25;
	s29 =	spop (v2sf);
	(v2sf) =	vpush v0, $0x9  }
0x48: {  	[tilespmem:s30], [sflag:$0x1] =	stream.strided.gather [hbm4b:s25+s16], $0x800, s14, s16, $0x38;
	[tilespmem:$0x14E80] =	vst v63  }
0x49: {  	s25 =	sand.u32 $0xFFFFF80, s26  }
0x4a: {  	s28 =	simm.s32 $0x2400;
	s25 =	sadd.s32 s1, s25  }
0x4b: {  	[tilespmem:s28], [sflag:$0x1] =	stream.strided.gather [hbm4b:s25+s16], $0x800, s14, s16, $0x38;
	[tilespmem:$0x14E80] =	vst v63  }
0x4c: {  	(v2sf) =	vpush v0, $0xA;
	s25 =	sand.u32 $0xFFFFF80, s29  }
0x4d: {  	s30 =	simm.s32 $0x2C00;
	s26 =	spop (v2sf);
	s25 =	sadd.s32 s1, s25  }
0x4e: {  	(v2sf) =	vpush v0, $0xB;
	[tilespmem:s30], [sflag:$0x1] =	stream.strided.gather [hbm4b:s25+s16], $0x800, s14, s16, $0x38;
	[tilespmem:$0x14E80] =	vst v63  }
0x4f: {  	s29 =	spop (v2sf);
	(v2sf) =	vpush v0, $0xC;
	s25 =	sand.u32 $0xFFFFF80, s26  }
0x50: {  	s28 =	simm.s32 $0x3400;
	s25 =	sadd.s32 s1, s25  }
0x51: {  	[tilespmem:s28], [sflag:$0x1] =	stream.strided.gather [hbm4b:s25+s16], $0x800, s14, s16, $0x38;
	[tilespmem:$0x14E80] =	vst v63  }
0x52: {  	s25 =	sand.u32 $0xFFFFF80, s29  }
0x53: {  	s30 =	simm.s32 $0x3C00;
	s25 =	sadd.s32 s1, s25  }
0x54: {  	[tilespmem:s30], [sflag:$0x1] =	stream.strided.gather [hbm4b:s25+s16], $0x800, s14, s16, $0x38;
	[tilespmem:$0x14E80] =	vst v63  }
0x55: {  	s26 =	spop (v2sf);
	(v2sf) =	vpush v0, $0xD  }
0x56: {  	s29 =	spop (v2sf);
	(v2sf) =	vpush v0, $0xE  }
0x57: {  	s25 =	sand.u32 $0xFFFFF80, s26  }
0x58: {  	s28 =	simm.s32 $0x4400;
	s25 =	sadd.s32 s1, s25  }
0x59: {  	[tilespmem:s28], [sflag:$0x1] =	stream.strided.gather [hbm4b:s25+s16], $0x800, s14, s16, $0x38;
	[tilespmem:$0x14E80] =	vst v63  }
0x5a: {  	s25 =	sand.u32 $0xFFFFF80, s29  }
0x5b: {  	s30 =	simm.s32 $0x4C00;
	s28 =	spop (v2sf);
	(v2sf) =	vpush v0, $0xF;
	s25 =	sadd.s32 s1, s25  }
0x5c: {  	[tilespmem:s30], [sflag:$0x1] =	stream.strided.gather [hbm4b:s25+s16], $0x800, s14, s16, $0x38;
	[tilespmem:$0x14E80] =	vst v63  }
0x5d: {  	s29 =	spop (v2sf);
	s25 =	sand.u32 $0xFFFFF80, s28;
	s30 =	simm.s32 $0x5400  }
0x5e: {  	s28 =	sand.u32 $0xFFFFF80, s29;
	s29 =	spop (v2sf);
	s25 =	sadd.s32 s1, s25  }
0x5f: {  	[tilespmem:s30], [sflag:$0x1] =	stream.strided.gather [hbm4b:s25+s16], $0x800, s14, s16, $0x38;
	[tilespmem:$0x14E80] =	vst v63  }
0x60: {  	s25 =	sadd.s32 s1, s28;
	s30 =	simm.s32 $0x5C00;
	s28 =	sand.u32 $0xFFFFF80, s29  }
0x61: {  	[tilespmem:s30], [sflag:$0x1] =	stream.strided.gather [hbm4b:s25+s16], $0x800, s14, s16, $0x38;
	[tilespmem:$0x14E80] =	vst v63  }
0x62: {  	s25 =	sadd.s32 s1, s28;
	s30 =	simm.s32 $0x6400  }
0x63: {  	[tilespmem:s30], [sflag:$0x1] =	stream.strided.gather [hbm4b:s25+s16], $0x800, s14, s16, $0x38;
	[tilespmem:$0x14E80] =	vst v63  }
0x64: {  	s29 =	spop (v2sf)  }
0x65: {  	s28 =	sand.u32 $0xFFFFF80, s29;
	s29 =	spop (v2sf)  }
0x66: {  	s30 =	simm.s32 $0x6C00;
	s25 =	sadd.s32 s1, s28;
	s29 =	sand.u32 $0xFFFFF80, s29  }
0x67: {  	[tilespmem:s30], [sflag:$0x1] =	stream.strided.gather [hbm4b:s25+s16], $0x800, s14, s16, $0x38;
	[tilespmem:$0x14E80] =	vst v63  }
0x68: {  	s25 =	sadd.s32 s1, s29  }
0x69: {  	[tilespmem:s31], [sflag:$0x1] =	stream.strided.gather [hbm4b:s25+s16], $0x800, s14, s16, $0x38;
	[tilespmem:$0x14E80] =	vst v63  }
.Ltmp0:
0x6a: {  	s30 =	spop (v2sf);
	(pc) =	sbr.rel .LBB2_2-.Ltmp0, $4  }
0x6b: {  	s25 =	sand.u32 $0xFFFFF80, s30  }
0x6c: {  	s25 =	sadd.s32 s1, s25  }
0x6d: {  	[tilespmem:s0], [sflag:$0x1] =	stream.strided.gather [hbm4b:s25+s16], $0x800, s14, s16, $0x38;
	[tilespmem:$0x14E80] =	vst v63  }
0x6e: {  	s26 =	simm.s32 $0x0;
	s25 =	simm.s32 $0x10500  }
.LBB2_4:
0x6f: {  	_ =	swait.ge [sflag:s22], $0x800  }
0x70: {  	[sflag:s22] =	ssyncset.done $0x0  }
0x71: {  	[sflag:s22] =	ssyncadd.s32 $0xFFFFF800  }
0x72: {  	_ =	swait.ge [sflag:s22], $0x800  }
0x73: {  	[sflag:s22] =	ssyncset.done $0x0  }
0x74: {  	[sflag:s22] =	ssyncadd.s32 $0xFFFFF800  }
0x75: {  	_ =	swait.ge [sflag:s22], $0x800  }
0x76: {  	[sflag:s22] =	ssyncset.done $0x0  }
0x77: {  	[sflag:s22] =	ssyncadd.s32 $0xFFFFF800  }
0x78: {  	_ =	swait.ge [sflag:s22], $0x800  }
0x79: {  	[sflag:s22] =	ssyncset.done $0x0  }
0x7a: {  	[sflag:s22] =	ssyncadd.s32 $0xFFFFF800  }
0x7b: {  	_ =	swait.ge [sflag:s22], $0x800  }
0x7c: {  	[sflag:s22] =	ssyncset.done $0x0  }
0x7d: {  	[sflag:s22] =	ssyncadd.s32 $0xFFFFF800  }
0x7e: {  	_ =	swait.ge [sflag:s22], $0x800  }
0x7f: {  	[sflag:s22] =	ssyncset.done $0x0  }
0x80: {  	[sflag:s22] =	ssyncadd.s32 $0xFFFFF800  }
0x81: {  	_ =	swait.ge [sflag:s22], $0x800  }
0x82: {  	[sflag:s22] =	ssyncset.done $0x0  }
0x83: {  	[sflag:s22] =	ssyncadd.s32 $0xFFFFF800  }
0x84: {  	_ =	swait.ge [sflag:s22], $0x800  }
0x85: {  	[sflag:s22] =	ssyncset.done $0x0  }
0x86: {  	[sflag:s22] =	ssyncadd.s32 $0xFFFFF800  }
0x87: {  	_ =	swait.ge [sflag:s22], $0x800  }
0x88: {  	[sflag:s22] =	ssyncset.done $0x0  }
0x89: {  	[sflag:s22] =	ssyncadd.s32 $0xFFFFF800  }
0x8a: {  	_ =	swait.ge [sflag:s22], $0x800  }
0x8b: {  	[sflag:s22] =	ssyncset.done $0x0  }
0x8c: {  	[sflag:s22] =	ssyncadd.s32 $0xFFFFF800  }
0x8d: {  	_ =	swait.ge [sflag:s22], $0x800  }
0x8e: {  	[sflag:s22] =	ssyncset.done $0x0  }
0x8f: {  	[sflag:s22] =	ssyncadd.s32 $0xFFFFF800  }
0x90: {  	_ =	swait.ge [sflag:s22], $0x800  }
0x91: {  	[sflag:s22] =	ssyncset.done $0x0  }
0x92: {  	[sflag:s22] =	ssyncadd.s32 $0xFFFFF800  }
0x93: {  	_ =	swait.ge [sflag:s22], $0x800  }
0x94: {  	[sflag:s22] =	ssyncset.done $0x0  }
0x95: {  	[sflag:s22] =	ssyncadd.s32 $0xFFFFF800  }
0x96: {  	_ =	swait.ge [sflag:s22], $0x800  }
0x97: {  	[sflag:s22] =	ssyncset.done $0x0  }
0x98: {  	[sflag:s22] =	ssyncadd.s32 $0xFFFFF800  }
0x99: {  	_ =	swait.ge [sflag:s22], $0x800  }
0x9a: {  	[sflag:s22] =	ssyncset.done $0x0  }
0x9b: {  	[sflag:s22] =	ssyncadd.s32 $0xFFFFF800  }
0x9c: {  	_ =	swait.ge [sflag:s22], $0x800  }
0x9d: {  	[sflag:s22] =	ssyncset.done $0x0  }
0x9e: {  	[sflag:s22] =	ssyncadd.s32 $0xFFFFF800  }
0x9f: {  	v0 =	vld [tilespmem:s28+$0x10];
	_ =	sdelay $0x4  }
0xa0: {  	v0 =	vand.u32 $0x7F, v0  }
0xa1: {  	v1 =	vbroadcast v0, $0x0;
	_ =	sdelay $0x1  }
0xa2: {  	v1 =	vor.u32 v19, v1;
	_ =	sdelay $0x3  }
0xa3: {  	v2 =	vbroadcast v0, $0x1  }
0xa4: {  	v1 =	vld.idx.msk [tilespmem:v1+s16+$0x0], $0xffff  }
0xa5: {  	v2 =	vor.u32 v20, v2;
	_ =	sdelay $0x3  }
0xa6: {  	[tilespmem:s25+$0x0] =	vst v1;
	v1 =	vbroadcast v0, $0x2  }
0xa7: {  	v2 =	vld.idx.msk [tilespmem:v2+s16+$0x0], $0xffff  }
0xa8: {  	v1 =	vor.u32 v21, v1;
	_ =	sdelay $0x3  }
0xa9: {  	[tilespmem:s25+$0x10] =	vst v2;
	v2 =	vbroadcast v0, $0x3  }
0xaa: {  	v1 =	vld.idx.msk [tilespmem:v1+s16+$0x0], $0xffff  }
0xab: {  	v2 =	vor.u32 v22, v2;
	_ =	sdelay $0x3  }
0xac: {  	[tilespmem:s25+$0x20] =	vst v1;
	v1 =	vbroadcast v0, $0x4  }
0xad: {  	v2 =	vld.idx.msk [tilespmem:v2+s16+$0x0], $0xffff  }
0xae: {  	v1 =	vor.u32 v23, v1;
	_ =	sdelay $0x3  }
0xaf: {  	[tilespmem:s25+$0x30] =	vst v2;
	v2 =	vbroadcast v0, $0x5  }
0xb0: {  	v1 =	vld.idx.msk [tilespmem:v1+s16+$0x0], $0xffff  }
0xb1: {  	v2 =	vor.u32 v24, v2;
	_ =	sdelay $0x3  }
0xb2: {  	[tilespmem:s25+$0x40] =	vst v1;
	v1 =	vbroadcast v0, $0x6  }
0xb3: {  	v2 =	vld.idx.msk [tilespmem:v2+s16+$0x0], $0xffff  }
0xb4: {  	v1 =	vor.u32 v25, v1;
	_ =	sdelay $0x3  }
0xb5: {  	[tilespmem:s25+$0x50] =	vst v2;
	v2 =	vbroadcast v0, $0x7  }
0xb6: {  	v1 =	vld.idx.msk [tilespmem:v1+s16+$0x0], $0xffff  }
0xb7: {  	v2 =	vor.u32 v26, v2;
	_ =	sdelay $0x3  }
0xb8: {  	[tilespmem:s25+$0x60] =	vst v1;
	v1 =	vbroadcast v0, $0x8  }
0xb9: {  	v2 =	vld.idx.msk [tilespmem:v2+s16+$0x0], $0xffff  }
0xba: {  	v1 =	vor.u32 v27, v1;
	_ =	sdelay $0x3  }
0xbb: {  	[tilespmem:s25+$0x70] =	vst v2;
	v2 =	vbroadcast v0, $0x9  }
0xbc: {  	v1 =	vld.idx.msk [tilespmem:v1+s16+$0x0], $0xffff  }
0xbd: {  	v2 =	vor.u32 v28, v2;
	_ =	sdelay $0x3  }
0xbe: {  	[tilespmem:s25+$0x80] =	vst v1;
	v1 =	vbroadcast v0, $0xA  }
0xbf: {  	v2 =	vld.idx.msk [tilespmem:v2+s16+$0x0], $0xffff  }
0xc0: {  	v1 =	vor.u32 v49, v1;
	_ =	sdelay $0x3  }
0xc1: {  	[tilespmem:s25+$0x90] =	vst v2;
	v2 =	vbroadcast v0, $0xB  }
0xc2: {  	v1 =	vld.idx.msk [tilespmem:v1+s16+$0x0], $0xffff  }
0xc3: {  	v2 =	vor.u32 v50, v2;
	_ =	sdelay $0x3  }
0xc4: {  	[tilespmem:s25+$0xA0] =	vst v1;
	v1 =	vbroadcast v0, $0xC  }
0xc5: {  	v2 =	vld.idx.msk [tilespmem:v2+s16+$0x0], $0xffff  }
0xc6: {  	v1 =	vor.u32 v51, v1;
	_ =	sdelay $0x3  }
0xc7: {  	[tilespmem:s25+$0xB0] =	vst v2;
	v2 =	vbroadcast v0, $0xD  }
0xc8: {  	v1 =	vld.idx.msk [tilespmem:v1+s16+$0x0], $0xffff  }
0xc9: {  	v2 =	vor.u32 v29, v2;
	_ =	sdelay $0x3  }
0xca: {  	[tilespmem:s25+$0xC0] =	vst v1;
	v1 =	vbroadcast v0, $0xE  }
0xcb: {  	v2 =	vld.idx.msk [tilespmem:v2+s16+$0x0], $0xffff  }
0xcc: {  	v1 =	vor.u32 v31, v1;
	_ =	sdelay $0x3  }
0xcd: {  	v0 =	vbroadcast v0, $0xF;
	[tilespmem:s25+$0xD0] =	vst v2  }
0xce: {  	v1 =	vld.idx.msk [tilespmem:v1+s16+$0x0], $0xffff  }
0xcf: {  	v0 =	vor.u32 v32, v0;
	_ =	sdelay $0x3  }
0xd0: {  	s26 =	sadd.s32 $0x80, s26;
	[tilespmem:s25+$0xE0] =	vst v1  }
0xd1: {  	p0 =	sne.s32 s26, $0x800;
	v0 =	vld.idx.msk [tilespmem:v0+s16+$0x0], $0xffff  }
.Ltmp1:
0xd2: {  	_ = 	snop;
	(pc) =	sbr.rel @!p0 .LBB2_5-.Ltmp1, $2  }
0xd3: {  	_ =	sdelay $0x2  }
0xd4: {  	[tilespmem:s25+$0xF0] =	vst v0;
	s25 =	sadd.s32 $0x200, s25  }
.LBB2_2:
0xd5: {  	s28 =	sshra.s32 s26, $0x2  }
0xd6: {  	v0 =	vld [tilespmem:s28+$0x10];
	_ =	sdelay $0x4  }
0xd7: {  	(v2sf) =	vpush v0, $0x0;
	_ =	sdelay $0x1  }
0xd8: {  	(v2sf) =	vpush v0, $0x1;
	_ =	sdelay $0x2  }
0xd9: {  	(v2sf) =	vpush v0, $0x2;
	_ =	sdelay $0x2  }
0xda: {  	(v2sf) =	vpush v0, $0x3;
	_ =	sdelay $0x6  }
0xdb: {  	s29 =	spop (v2sf);
	(v2sf) =	vpush v0, $0x4;
	_ =	sdelay $0x1  }
0xdc: {  	s29 =	sand.u32 $0xFFFFF80, s29;
	s30 =	spop (v2sf);
	(v2sf) =	vpush v0, $0x5  }
0xdd: {  	s29 =	sadd.s32 s1, s29  }
0xde: {  	[tilespmem:s4], [sflag:$0x2] =	stream.strided.gather [hbm4b:s29+s16], $0x800, s14, s16, $0x38;
	[tilespmem:$0x14E80] =	vst v63  }
0xdf: {  	s29 =	sand.u32 $0xFFFFF80, s30;
	s30 =	spop (v2sf);
	(v2sf) =	vpush v0, $0x6  }
0xe0: {  	s29 =	sadd.s32 s1, s29  }
0xe1: {  	[tilespmem:s11], [sflag:$0x2] =	stream.strided.gather [hbm4b:s29+s16], $0x800, s14, s16, $0x38;
	[tilespmem:$0x14E80] =	vst v63  }
0xe2: {  	s29 =	sand.u32 $0xFFFFF80, s30;
	s30 =	spop (v2sf);
	(v2sf) =	vpush v0, $0x7;
	_ =	sdelay $0x3  }
0xe3: {  	s29 =	sadd.s32 s1, s29  }
0xe4: {  	[tilespmem:s13], [sflag:$0x2] =	stream.strided.gather [hbm4b:s29+s16], $0x800, s14, s16, $0x38;
	[tilespmem:$0x14E80] =	vst v63  }
0xe5: {  	s29 =	sand.u32 $0xFFFFF80, s30  }
0xe6: {  	s29 =	sadd.s32 s1, s29;
	s30 =	spop (v2sf);
	(v2sf) =	vpush v0, $0x8  }
0xe7: {  	[tilespmem:s15], [sflag:$0x2] =	stream.strided.gather [hbm4b:s29+s16], $0x800, s14, s16, $0x38;
	[tilespmem:$0x14E80] =	vst v63  }
0xe8: {  	s29 =	sand.u32 $0xFFFFF80, s30;
	s30 =	spop (v2sf);
	(v2sf) =	vpush v0, $0x9  }
0xe9: {  	s29 =	sadd.s32 s1, s29  }
0xea: {  	[tilespmem:s5], [sflag:$0x2] =	stream.strided.gather [hbm4b:s29+s16], $0x800, s14, s16, $0x38;
	[tilespmem:$0x14E80] =	vst v63  }
0xeb: {  	s29 =	sand.u32 $0xFFFFF80, s30;
	s30 =	spop (v2sf);
	(v2sf) =	vpush v0, $0xA  }
0xec: {  	s29 =	sadd.s32 s1, s29  }
0xed: {  	[tilespmem:s6], [sflag:$0x2] =	stream.strided.gather [hbm4b:s29+s16], $0x800, s14, s16, $0x38;
	[tilespmem:$0x14E80] =	vst v63  }
0xee: {  	s29 =	sand.u32 $0xFFFFF80, s30;
	s30 =	spop (v2sf);
	(v2sf) =	vpush v0, $0xB;
	_ =	sdelay $0x3  }
0xef: {  	s29 =	sadd.s32 s1, s29  }
0xf0: {  	[tilespmem:s7], [sflag:$0x2] =	stream.strided.gather [hbm4b:s29+s16], $0x800, s14, s16, $0x38;
	[tilespmem:$0x14E80] =	vst v63  }
0xf1: {  	s29 =	sand.u32 $0xFFFFF80, s30  }
0xf2: {  	s29 =	sadd.s32 s1, s29;
	s30 =	spop (v2sf);
	(v2sf) =	vpush v0, $0xC  }
0xf3: {  	[tilespmem:s8], [sflag:$0x2] =	stream.strided.gather [hbm4b:s29+s16], $0x800, s14, s16, $0x38;
	[tilespmem:$0x14E80] =	vst v63  }
0xf4: {  	s29 =	sand.u32 $0xFFFFF80, s30;
	s30 =	spop (v2sf);
	(v2sf) =	vpush v0, $0xD  }
0xf5: {  	s29 =	sadd.s32 s1, s29  }
0xf6: {  	[tilespmem:s9], [sflag:$0x2] =	stream.strided.gather [hbm4b:s29+s16], $0x800, s14, s16, $0x38;
	[tilespmem:$0x14E80] =	vst v63  }
0xf7: {  	s29 =	sand.u32 $0xFFFFF80, s30;
	s30 =	spop (v2sf);
	(v2sf) =	vpush v0, $0xE  }
0xf8: {  	s29 =	sadd.s32 s1, s29  }
0xf9: {  	[tilespmem:s10], [sflag:$0x2] =	stream.strided.gather [hbm4b:s29+s16], $0x800, s14, s16, $0x38;
	[tilespmem:$0x14E80] =	vst v63  }
0xfa: {  	s29 =	sand.u32 $0xFFFFF80, s30;
	s30 =	spop (v2sf);
	(v2sf) =	vpush v0, $0xF;
	_ =	sdelay $0x1  }
0xfb: {  	s29 =	sadd.s32 s1, s29  }
0xfc: {  	[tilespmem:s3], [sflag:$0x2] =	stream.strided.gather [hbm4b:s29+s16], $0x800, s14, s16, $0x38;
	[tilespmem:$0x14E80] =	vst v63  }
0xfd: {  	s29 =	sand.u32 $0xFFFFF80, s30  }
0xfe: {  	s29 =	sadd.s32 s1, s29  }
0xff: {  	[tilespmem:s12], [sflag:$0x2] =	stream.strided.gather [hbm4b:s29+s16], $0x800, s14, s16, $0x38;
	[tilespmem:$0x14E80] =	vst v63  }
0x100: {  	s30 =	spop (v2sf)  }
0x101: {  	s29 =	sand.u32 $0xFFFFF80, s30  }
0x102: {  	s30 =	spop (v2sf);
	s29 =	sadd.s32 s1, s29  }
0x103: {  	[tilespmem:s17], [sflag:$0x2] =	stream.strided.gather [hbm4b:s29+s16], $0x800, s14, s16, $0x38;
	[tilespmem:$0x14E80] =	vst v63  }
0x104: {  	s29 =	sand.u32 $0xFFFFF80, s30  }
0x105: {  	s30 =	spop (v2sf);
	s29 =	sadd.s32 s1, s29  }
0x106: {  	[tilespmem:s18], [sflag:$0x2] =	stream.strided.gather [hbm4b:s29+s16], $0x800, s14, s16, $0x38;
	[tilespmem:$0x14E80] =	vst v63  }
0x107: {  	s29 =	sand.u32 $0xFFFFF80, s30  }
0x108: {  	s30 =	spop (v2sf);
	s29 =	sadd.s32 s1, s29  }
0x109: {  	[tilespmem:s19], [sflag:$0x2] =	stream.strided.gather [hbm4b:s29+s16], $0x800, s14, s16, $0x38;
	[tilespmem:$0x14E80] =	vst v63  }
0x10a: {  	s29 =	sand.u32 $0xFFFFF80, s30  }
0x10b: {  	s29 =	sadd.s32 s1, s29  }
0x10c: {  	[tilespmem:s20], [sflag:$0x2] =	stream.strided.gather [hbm4b:s29+s16], $0x800, s14, s16, $0x38;
	[tilespmem:$0x14E80] =	vst v63  }
0x10d: {  	_ =	swait.ge [sflag:s21], $0x800  }
0x10e: {  	[sflag:s21] =	ssyncset.done $0x0  }
0x10f: {  	[sflag:s21] =	ssyncadd.s32 $0xFFFFF800  }
0x110: {  	_ =	swait.ge [sflag:s21], $0x800  }
0x111: {  	[sflag:s21] =	ssyncset.done $0x0  }
0x112: {  	[sflag:s21] =	ssyncadd.s32 $0xFFFFF800  }
0x113: {  	_ =	swait.ge [sflag:s21], $0x800  }
0x114: {  	[sflag:s21] =	ssyncset.done $0x0  }
0x115: {  	[sflag:s21] =	ssyncadd.s32 $0xFFFFF800  }
0x116: {  	_ =	swait.ge [sflag:s21], $0x800  }
0x117: {  	[sflag:s21] =	ssyncset.done $0x0  }
0x118: {  	[sflag:s21] =	ssyncadd.s32 $0xFFFFF800  }
0x119: {  	_ =	swait.ge [sflag:s21], $0x800  }
0x11a: {  	[sflag:s21] =	ssyncset.done $0x0  }
0x11b: {  	[sflag:s21] =	ssyncadd.s32 $0xFFFFF800  }
0x11c: {  	_ =	swait.ge [sflag:s21], $0x800  }
0x11d: {  	[sflag:s21] =	ssyncset.done $0x0  }
0x11e: {  	[sflag:s21] =	ssyncadd.s32 $0xFFFFF800  }
0x11f: {  	_ =	swait.ge [sflag:s21], $0x800  }
0x120: {  	[sflag:s21] =	ssyncset.done $0x0  }
0x121: {  	[sflag:s21] =	ssyncadd.s32 $0xFFFFF800  }
0x122: {  	_ =	swait.ge [sflag:s21], $0x800  }
0x123: {  	[sflag:s21] =	ssyncset.done $0x0  }
0x124: {  	[sflag:s21] =	ssyncadd.s32 $0xFFFFF800  }
0x125: {  	_ =	swait.ge [sflag:s21], $0x800  }
0x126: {  	[sflag:s21] =	ssyncset.done $0x0  }
0x127: {  	[sflag:s21] =	ssyncadd.s32 $0xFFFFF800  }
0x128: {  	_ =	swait.ge [sflag:s21], $0x800  }
0x129: {  	[sflag:s21] =	ssyncset.done $0x0  }
0x12a: {  	[sflag:s21] =	ssyncadd.s32 $0xFFFFF800  }
0x12b: {  	_ =	swait.ge [sflag:s21], $0x800  }
0x12c: {  	[sflag:s21] =	ssyncset.done $0x0  }
0x12d: {  	[sflag:s21] =	ssyncadd.s32 $0xFFFFF800  }
0x12e: {  	_ =	swait.ge [sflag:s21], $0x800  }
0x12f: {  	[sflag:s21] =	ssyncset.done $0x0  }
0x130: {  	[sflag:s21] =	ssyncadd.s32 $0xFFFFF800  }
0x131: {  	_ =	swait.ge [sflag:s21], $0x800  }
0x132: {  	[sflag:s21] =	ssyncset.done $0x0  }
0x133: {  	[sflag:s21] =	ssyncadd.s32 $0xFFFFF800  }
0x134: {  	_ =	swait.ge [sflag:s21], $0x800  }
0x135: {  	[sflag:s21] =	ssyncset.done $0x0  }
0x136: {  	[sflag:s21] =	ssyncadd.s32 $0xFFFFF800  }
0x137: {  	_ =	swait.ge [sflag:s21], $0x800  }
0x138: {  	[sflag:s21] =	ssyncset.done $0x0  }
0x139: {  	[sflag:s21] =	ssyncadd.s32 $0xFFFFF800  }
0x13a: {  	_ =	swait.ge [sflag:s21], $0x800  }
0x13b: {  	[sflag:s21] =	ssyncset.done $0x0  }
0x13c: {  	[sflag:s21] =	ssyncadd.s32 $0xFFFFF800  }
0x13d: {  	v0 =	vld [tilespmem:s28+$0x0];
	_ =	sdelay $0x4  }
0x13e: {  	v0 =	vand.u32 $0x7F, v0  }
0x13f: {  	v1 =	vbroadcast v0, $0x0;
	_ =	sdelay $0x1  }
0x140: {  	v1 =	vor.u32 v3, v1;
	_ =	sdelay $0x3  }
0x141: {  	v2 =	vbroadcast v0, $0x1  }
0x142: {  	v1 =	vld.idx.msk [tilespmem:v1+s16+$0x0], $0xffff  }
0x143: {  	v2 =	vor.u32 v4, v2;
	_ =	sdelay $0x3  }
0x144: {  	[tilespmem:s25+$0xFFFFFF00] =	vst v1;
	v1 =	vbroadcast v0, $0x2  }
0x145: {  	v2 =	vld.idx.msk [tilespmem:v2+s16+$0x0], $0xffff  }
0x146: {  	v1 =	vor.u32 v5, v1;
	_ =	sdelay $0x3  }
0x147: {  	[tilespmem:s25+$0xFFFFFF10] =	vst v2;
	v2 =	vbroadcast v0, $0x3  }
0x148: {  	v1 =	vld.idx.msk [tilespmem:v1+s16+$0x0], $0xffff  }
0x149: {  	v2 =	vor.u32 v6, v2;
	_ =	sdelay $0x3  }
0x14a: {  	[tilespmem:s25+$0xFFFFFF20] =	vst v1;
	v1 =	vbroadcast v0, $0x4  }
0x14b: {  	v2 =	vld.idx.msk [tilespmem:v2+s16+$0x0], $0xffff  }
0x14c: {  	v1 =	vor.u32 v7, v1;
	_ =	sdelay $0x3  }
0x14d: {  	[tilespmem:s25+$0xFFFFFF30] =	vst v2;
	v2 =	vbroadcast v0, $0x5  }
0x14e: {  	v1 =	vld.idx.msk [tilespmem:v1+s16+$0x0], $0xffff  }
0x14f: {  	v2 =	vor.u32 v8, v2;
	_ =	sdelay $0x3  }
0x150: {  	[tilespmem:s25+$0xFFFFFF40] =	vst v1;
	v1 =	vbroadcast v0, $0x6  }
0x151: {  	v2 =	vld.idx.msk [tilespmem:v2+s16+$0x0], $0xffff  }
0x152: {  	v1 =	vor.u32 v9, v1;
	_ =	sdelay $0x3  }
0x153: {  	[tilespmem:s25+$0xFFFFFF50] =	vst v2;
	v2 =	vbroadcast v0, $0x7  }
0x154: {  	v1 =	vld.idx.msk [tilespmem:v1+s16+$0x0], $0xffff  }
0x155: {  	v2 =	vor.u32 v10, v2;
	_ =	sdelay $0x3  }
0x156: {  	[tilespmem:s25+$0xFFFFFF60] =	vst v1;
	v1 =	vbroadcast v0, $0x8  }
0x157: {  	v2 =	vld.idx.msk [tilespmem:v2+s16+$0x0], $0xffff  }
0x158: {  	v1 =	vor.u32 v11, v1;
	_ =	sdelay $0x3  }
0x159: {  	[tilespmem:s25+$0xFFFFFF70] =	vst v2;
	v2 =	vbroadcast v0, $0x9  }
0x15a: {  	v1 =	vld.idx.msk [tilespmem:v1+s16+$0x0], $0xffff  }
0x15b: {  	v2 =	vor.u32 v12, v2;
	_ =	sdelay $0x3  }
0x15c: {  	[tilespmem:s25+$0xFFFFFF80] =	vst v1;
	v1 =	vbroadcast v0, $0xA  }
0x15d: {  	v2 =	vld.idx.msk [tilespmem:v2+s16+$0x0], $0xffff  }
0x15e: {  	v1 =	vor.u32 v13, v1;
	_ =	sdelay $0x3  }
0x15f: {  	[tilespmem:s25+$0xFFFFFF90] =	vst v2;
	v2 =	vbroadcast v0, $0xB  }
0x160: {  	v1 =	vld.idx.msk [tilespmem:v1+s16+$0x0], $0xffff  }
0x161: {  	v2 =	vor.u32 v14, v2;
	_ =	sdelay $0x3  }
0x162: {  	[tilespmem:s25+$0xFFFFFFA0] =	vst v1;
	v1 =	vbroadcast v0, $0xC  }
0x163: {  	v2 =	vld.idx.msk [tilespmem:v2+s16+$0x0], $0xffff  }
0x164: {  	v1 =	vor.u32 v15, v1;
	_ =	sdelay $0x3  }
0x165: {  	[tilespmem:s25+$0xFFFFFFB0] =	vst v2;
	v2 =	vbroadcast v0, $0xD  }
0x166: {  	v1 =	vld.idx.msk [tilespmem:v1+s16+$0x0], $0xffff  }
0x167: {  	v2 =	vor.u32 v16, v2;
	_ =	sdelay $0x3  }
0x168: {  	[tilespmem:s25+$0xFFFFFFC0] =	vst v1;
	v1 =	vbroadcast v0, $0xE  }
0x169: {  	v2 =	vld.idx.msk [tilespmem:v2+s16+$0x0], $0xffff  }
0x16a: {  	v1 =	vor.u32 v17, v1;
	_ =	sdelay $0x3  }
0x16b: {  	v0 =	vbroadcast v0, $0xF;
	[tilespmem:s25+$0xFFFFFFD0] =	vst v2  }
0x16c: {  	v1 =	vld.idx.msk [tilespmem:v1+s16+$0x0], $0xffff  }
0x16d: {  	v0 =	vor.u32 v18, v0;
	_ =	sdelay $0x3  }
0x16e: {  	[tilespmem:s25+$0xFFFFFFE0] =	vst v1  }
0x16f: {  	p0 =	seq.s32 s26, $0x780;
	v0 =	vld.idx.msk [tilespmem:v0+s16+$0x0], $0xffff  }
.Ltmp2:
0x170: {  	_ = 	snop;
	(pc) =	sbr.rel @p0 .LBB2_4-.Ltmp2, $2  }
0x171: {  	_ =	sdelay $0x2  }
0x172: {  	[tilespmem:s25+$0xFFFFFFF0] =	vst v0  }
0x173: {  	v0 =	vld [tilespmem:s28+$0x20];
	_ =	sdelay $0x4  }
0x174: {  	(v2sf) =	vpush v0, $0x0;
	_ =	sdelay $0x1  }
0x175: {  	(v2sf) =	vpush v0, $0x1;
	_ =	sdelay $0x4  }
0x176: {  	(v2sf) =	vpush v0, $0x2;
	_ =	sdelay $0x3  }
0x177: {  	(v2sf) =	vpush v0, $0x3;
	_ =	sdelay $0x3  }
0x178: {  	s29 =	spop (v2sf);
	(v2sf) =	vpush v0, $0x4  }
0x179: {  	s29 =	sand.u32 $0xFFFFF80, s29  }
0x17a: {  	s30 =	spop (v2sf);
	s29 =	sadd.s32 s1, s29  }
0x17b: {  	[tilespmem:s16], [sflag:$0x1] =	stream.strided.gather [hbm4b:s29+s16], $0x800, s14, s16, $0x38;
	[tilespmem:$0x14E80] =	vst v63  }
0x17c: {  	(v2sf) =	vpush v0, $0x5;
	s29 =	sand.u32 $0xFFFFF80, s30  }
0x17d: {  	s30 =	simm.s32 $0xC00;
	s29 =	sadd.s32 s1, s29  }
0x17e: {  	[tilespmem:s30], [sflag:$0x1] =	stream.strided.gather [hbm4b:s29+s16], $0x800, s14, s16, $0x38;
	[tilespmem:$0x14E80] =	vst v63  }
0x17f: {  	s30 =	spop (v2sf)  }
0x180: {  	(v2sf) =	vpush v0, $0x6;
	s29 =	sand.u32 $0xFFFFF80, s30  }
0x181: {  	s30 =	simm.s32 $0x1400;
	s29 =	sadd.s32 s1, s29  }
0x182: {  	[tilespmem:s30], [sflag:$0x1] =	stream.strided.gather [hbm4b:s29+s16], $0x800, s14, s16, $0x38;
	[tilespmem:$0x14E80] =	vst v63  }
0x183: {  	s30 =	spop (v2sf)  }
0x184: {  	(v2sf) =	vpush v0, $0x7;
	s29 =	sand.u32 $0xFFFFF80, s30  }
0x185: {  	s30 =	simm.s32 $0x1C00;
	s29 =	sadd.s32 s1, s29  }
0x186: {  	[tilespmem:s30], [sflag:$0x1] =	stream.strided.gather [hbm4b:s29+s16], $0x800, s14, s16, $0x38;
	[tilespmem:$0x14E80] =	vst v63  }
0x187: {  	s30 =	spop (v2sf)  }
0x188: {  	(v2sf) =	vpush v0, $0x8;
	s29 =	sand.u32 $0xFFFFF80, s30  }
0x189: {  	s30 =	simm.s32 $0x2400;
	s29 =	sadd.s32 s1, s29  }
0x18a: {  	[tilespmem:s30], [sflag:$0x1] =	stream.strided.gather [hbm4b:s29+s16], $0x800, s14, s16, $0x38;
	[tilespmem:$0x14E80] =	vst v63  }
0x18b: {  	s30 =	spop (v2sf)  }
0x18c: {  	(v2sf) =	vpush v0, $0x9;
	s29 =	sand.u32 $0xFFFFF80, s30  }
0x18d: {  	s30 =	simm.s32 $0x2C00;
	s29 =	sadd.s32 s1, s29  }
0x18e: {  	[tilespmem:s30], [sflag:$0x1] =	stream.strided.gather [hbm4b:s29+s16], $0x800, s14, s16, $0x38;
	[tilespmem:$0x14E80] =	vst v63  }
0x18f: {  	s30 =	spop (v2sf)  }
0x190: {  	(v2sf) =	vpush v0, $0xA;
	s29 =	sand.u32 $0xFFFFF80, s30  }
0x191: {  	s30 =	simm.s32 $0x3400;
	s29 =	sadd.s32 s1, s29  }
0x192: {  	[tilespmem:s30], [sflag:$0x1] =	stream.strided.gather [hbm4b:s29+s16], $0x800, s14, s16, $0x38;
	[tilespmem:$0x14E80] =	vst v63  }
0x193: {  	s30 =	spop (v2sf)  }
0x194: {  	(v2sf) =	vpush v0, $0xB;
	s29 =	sand.u32 $0xFFFFF80, s30  }
0x195: {  	s30 =	simm.s32 $0x3C00;
	s29 =	sadd.s32 s1, s29  }
0x196: {  	[tilespmem:s30], [sflag:$0x1] =	stream.strided.gather [hbm4b:s29+s16], $0x800, s14, s16, $0x38;
	[tilespmem:$0x14E80] =	vst v63  }
0x197: {  	s30 =	spop (v2sf)  }
0x198: {  	(v2sf) =	vpush v0, $0xC;
	s29 =	sand.u32 $0xFFFFF80, s30  }
0x199: {  	s30 =	simm.s32 $0x4400;
	s29 =	sadd.s32 s1, s29  }
0x19a: {  	[tilespmem:s30], [sflag:$0x1] =	stream.strided.gather [hbm4b:s29+s16], $0x800, s14, s16, $0x38;
	[tilespmem:$0x14E80] =	vst v63  }
0x19b: {  	s30 =	spop (v2sf)  }
0x19c: {  	(v2sf) =	vpush v0, $0xD;
	s29 =	sand.u32 $0xFFFFF80, s30  }
0x19d: {  	s30 =	simm.s32 $0x4C00;
	s29 =	sadd.s32 s1, s29  }
0x19e: {  	[tilespmem:s30], [sflag:$0x1] =	stream.strided.gather [hbm4b:s29+s16], $0x800, s14, s16, $0x38;
	[tilespmem:$0x14E80] =	vst v63  }
0x19f: {  	s30 =	spop (v2sf)  }
0x1a0: {  	(v2sf) =	vpush v0, $0xE;
	s29 =	sand.u32 $0xFFFFF80, s30  }
0x1a1: {  	s30 =	simm.s32 $0x5400;
	s29 =	sadd.s32 s1, s29  }
0x1a2: {  	[tilespmem:s30], [sflag:$0x1] =	stream.strided.gather [hbm4b:s29+s16], $0x800, s14, s16, $0x38;
	[tilespmem:$0x14E80] =	vst v63  }
0x1a3: {  	s30 =	spop (v2sf)  }
0x1a4: {  	s29 =	sand.u32 $0xFFFFF80, s30  }
0x1a5: {  	(v2sf) =	vpush v0, $0xF;
	s30 =	simm.s32 $0x5C00;
	s29 =	sadd.s32 s1, s29  }
0x1a6: {  	[tilespmem:s30], [sflag:$0x1] =	stream.strided.gather [hbm4b:s29+s16], $0x800, s14, s16, $0x38;
	[tilespmem:$0x14E80] =	vst v63  }
0x1a7: {  	s30 =	spop (v2sf)  }
0x1a8: {  	s29 =	sand.u32 $0xFFFFF80, s30  }
0x1a9: {  	s30 =	simm.s32 $0x6400;
	s29 =	sadd.s32 s1, s29  }
0x1aa: {  	[tilespmem:s30], [sflag:$0x1] =	stream.strided.gather [hbm4b:s29+s16], $0x800, s14, s16, $0x38;
	[tilespmem:$0x14E80] =	vst v63  }
0x1ab: {  	s30 =	spop (v2sf)  }
0x1ac: {  	s29 =	sand.u32 $0xFFFFF80, s30  }
0x1ad: {  	s30 =	simm.s32 $0x6C00;
	s29 =	sadd.s32 s1, s29  }
0x1ae: {  	[tilespmem:s30], [sflag:$0x1] =	stream.strided.gather [hbm4b:s29+s16], $0x800, s14, s16, $0x38;
	[tilespmem:$0x14E80] =	vst v63  }
0x1af: {  	s30 =	spop (v2sf)  }
0x1b0: {  	s29 =	sand.u32 $0xFFFFF80, s30  }
0x1b1: {  	s29 =	sadd.s32 s1, s29  }
0x1b2: {  	[tilespmem:s31], [sflag:$0x1] =	stream.strided.gather [hbm4b:s29+s16], $0x800, s14, s16, $0x38;
	[tilespmem:$0x14E80] =	vst v63  }
.Ltmp3:
0x1b3: {  	_ = 	snop;
	(pc) =	sbr.rel .LBB2_4-.Ltmp3, $4  }
0x1b4: {  	s30 =	spop (v2sf)  }
0x1b5: {  	s29 =	sand.u32 $0xFFFFF80, s30  }
0x1b6: {  	s29 =	sadd.s32 s1, s29  }
0x1b7: {  	[tilespmem:s0], [sflag:$0x1] =	stream.strided.gather [hbm4b:s29+s16], $0x800, s14, s16, $0x38;
	[tilespmem:$0x14E80] =	vst v63  }
.LBB2_5:
0x1b8: {  	v0 =	vld [tilespmem:$0x200];
	_ =	sdelay $0x4  }
0x1b9: {  	(v2sf) =	vpush v0, $0x0  }
0x1ba: {  	(v2sf) =	vpush v0, $0x1;
	_ =	sdelay $0x6  }
0x1bb: {  	(v2sf) =	vpush v0, $0x2;
	_ =	sdelay $0x1  }
0x1bc: {  	(v2sf) =	vpush v0, $0x3;
	_ =	sdelay $0x4  }
0x1bd: {  	s25 =	spop (v2sf);
	(v2sf) =	vpush v0, $0x4  }
0x1be: {  	s28 =	spop (v2sf);
	(v2sf) =	vpush v0, $0x5;
	_ =	sdelay $0x2  }
0x1bf: {  	s25 =	sand.u32 $0xFFFFF80, s25  }
0x1c0: {  	s25 =	sadd.s32 s2, s25  }
0x1c1: {  	[tilespmem:s16], [sflag:$0x1] =	stream.strided.gather [hbm4b:s25+s16], $0x800, s14, s16, $0x38;
	[tilespmem:$0x14E80] =	vst v63  }
0x1c2: {  	(v2sf) =	vpush v0, $0x6;
	s25 =	sand.u32 $0xFFFFF80, s28  }
0x1c3: {  	s26 =	simm.s32 $0xC00;
	s29 =	spop (v2sf);
	s25 =	sadd.s32 s2, s25  }
0x1c4: {  	[tilespmem:s26], [sflag:$0x1] =	stream.strided.gather [hbm4b:s25+s16], $0x800, s14, s16, $0x38;
	[tilespmem:$0x14E80] =	vst v63  }
0x1c5: {  	s26 =	spop (v2sf);
	(v2sf) =	vpush v0, $0x7;
	_ =	sdelay $0x1  }
0x1c6: {  	s25 =	sand.u32 $0xFFFFF80, s29  }
0x1c7: {  	s30 =	simm.s32 $0x1400;
	s25 =	sadd.s32 s2, s25  }
0x1c8: {  	[tilespmem:s30], [sflag:$0x1] =	stream.strided.gather [hbm4b:s25+s16], $0x800, s14, s16, $0x38;
	[tilespmem:$0x14E80] =	vst v63  }
0x1c9: {  	s25 =	sand.u32 $0xFFFFF80, s26;
	s29 =	spop (v2sf);
	(v2sf) =	vpush v0, $0x8  }
0x1ca: {  	s28 =	simm.s32 $0x1C00;
	s25 =	sadd.s32 s2, s25;
	s26 =	spop (v2sf);
	(v2sf) =	vpush v0, $0x9  }
0x1cb: {  	[tilespmem:s28], [sflag:$0x1] =	stream.strided.gather [hbm4b:s25+s16], $0x800, s14, s16, $0x38;
	[tilespmem:$0x14E80] =	vst v63  }
0x1cc: {  	s25 =	sand.u32 $0xFFFFF80, s29  }
0x1cd: {  	s30 =	simm.s32 $0x2400;
	s25 =	sadd.s32 s2, s25  }
0x1ce: {  	(v2sf) =	vpush v0, $0xA;
	[tilespmem:s30], [sflag:$0x1] =	stream.strided.gather [hbm4b:s25+s16], $0x800, s14, s16, $0x38;
	[tilespmem:$0x14E80] =	vst v63  }
0x1cf: {  	s25 =	sand.u32 $0xFFFFF80, s26  }
0x1d0: {  	s28 =	simm.s32 $0x2C00;
	s29 =	spop (v2sf);
	s25 =	sadd.s32 s2, s25  }
0x1d1: {  	(v2sf) =	vpush v0, $0xB;
	[tilespmem:s28], [sflag:$0x1] =	stream.strided.gather [hbm4b:s25+s16], $0x800, s14, s16, $0x38;
	[tilespmem:$0x14E80] =	vst v63  }
0x1d2: {  	s25 =	sand.u32 $0xFFFFF80, s29  }
0x1d3: {  	s30 =	simm.s32 $0x3400;
	s26 =	spop (v2sf);
	(v2sf) =	vpush v0, $0xC;
	s25 =	sadd.s32 s2, s25  }
0x1d4: {  	[tilespmem:s30], [sflag:$0x1] =	stream.strided.gather [hbm4b:s25+s16], $0x800, s14, s16, $0x38;
	[tilespmem:$0x14E80] =	vst v63  }
0x1d5: {  	s25 =	sand.u32 $0xFFFFF80, s26  }
0x1d6: {  	s28 =	simm.s32 $0x3C00;
	s25 =	sadd.s32 s2, s25  }
0x1d7: {  	[tilespmem:s28], [sflag:$0x1] =	stream.strided.gather [hbm4b:s25+s16], $0x800, s14, s16, $0x38;
	[tilespmem:$0x14E80] =	vst v63  }
0x1d8: {  	s29 =	spop (v2sf);
	(v2sf) =	vpush v0, $0xD  }
0x1d9: {  	s25 =	sand.u32 $0xFFFFF80, s29;
	s26 =	spop (v2sf);
	(v2sf) =	vpush v0, $0xE  }
0x1da: {  	s30 =	simm.s32 $0x4400;
	s25 =	sadd.s32 s2, s25  }
0x1db: {  	[tilespmem:s30], [sflag:$0x1] =	stream.strided.gather [hbm4b:s25+s16], $0x800, s14, s16, $0x38;
	[tilespmem:$0x14E80] =	vst v63  }
0x1dc: {  	s25 =	sand.u32 $0xFFFFF80, s26  }
0x1dd: {  	s28 =	simm.s32 $0x4C00;
	s29 =	spop (v2sf);
	s25 =	sadd.s32 s2, s25  }
0x1de: {  	(v2sf) =	vpush v0, $0xF;
	[tilespmem:s28], [sflag:$0x1] =	stream.strided.gather [hbm4b:s25+s16], $0x800, s14, s16, $0x38;
	[tilespmem:$0x14E80] =	vst v63  }
0x1df: {  	s25 =	sand.u32 $0xFFFFF80, s29  }
0x1e0: {  	s30 =	spop (v2sf);
	s28 =	simm.s32 $0x5400;
	s25 =	sadd.s32 s2, s25  }
0x1e1: {  	[tilespmem:s28], [sflag:$0x1] =	stream.strided.gather [hbm4b:s25+s16], $0x800, s14, s16, $0x38;
	[tilespmem:$0x14E80] =	vst v63  }
0x1e2: {  	s29 =	spop (v2sf);
	s28 =	sand.u32 $0xFFFFF80, s30  }
0x1e3: {  	s30 =	simm.s32 $0x5C00;
	s25 =	sadd.s32 s2, s28;
	s28 =	sand.u32 $0xFFFFF80, s29  }
0x1e4: {  	[tilespmem:s30], [sflag:$0x1] =	stream.strided.gather [hbm4b:s25+s16], $0x800, s14, s16, $0x38;
	[tilespmem:$0x14E80] =	vst v63  }
0x1e5: {  	s25 =	sadd.s32 s2, s28;
	s30 =	simm.s32 $0x6400  }
0x1e6: {  	[tilespmem:s30], [sflag:$0x1] =	stream.strided.gather [hbm4b:s25+s16], $0x800, s14, s16, $0x38;
	[tilespmem:$0x14E80] =	vst v63  }
0x1e7: {  	s29 =	spop (v2sf)  }
0x1e8: {  	s28 =	sand.u32 $0xFFFFF80, s29;
	s29 =	spop (v2sf)  }
0x1e9: {  	s30 =	simm.s32 $0x6C00;
	s25 =	sadd.s32 s2, s28;
	s29 =	sand.u32 $0xFFFFF80, s29  }
0x1ea: {  	[tilespmem:s30], [sflag:$0x1] =	stream.strided.gather [hbm4b:s25+s16], $0x800, s14, s16, $0x38;
	[tilespmem:$0x14E80] =	vst v63  }
0x1eb: {  	s25 =	sadd.s32 s2, s29  }
0x1ec: {  	[tilespmem:s31], [sflag:$0x1] =	stream.strided.gather [hbm4b:s25+s16], $0x800, s14, s16, $0x38;
	[tilespmem:$0x14E80] =	vst v63  }
.Ltmp4:
0x1ed: {  	s30 =	spop (v2sf);
	(pc) =	sbr.rel .LBB2_6-.Ltmp4, $4  }
0x1ee: {  	s25 =	sand.u32 $0xFFFFF80, s30  }
0x1ef: {  	s25 =	sadd.s32 s2, s25  }
0x1f0: {  	[tilespmem:s0], [sflag:$0x1] =	stream.strided.gather [hbm4b:s25+s16], $0x800, s14, s16, $0x38;
	[tilespmem:$0x14E80] =	vst v63  }
0x1f1: {  	s26 =	simm.s32 $0x12500;
	s25 =	simm.s32 $0x0  }
.LBB2_8:
0x1f2: {  	_ =	swait.ge [sflag:s22], $0x800  }
0x1f3: {  	[sflag:s22] =	ssyncset.done $0x0  }
0x1f4: {  	[sflag:s22] =	ssyncadd.s32 $0xFFFFF800  }
0x1f5: {  	_ =	swait.ge [sflag:s22], $0x800  }
0x1f6: {  	[sflag:s22] =	ssyncset.done $0x0  }
0x1f7: {  	[sflag:s22] =	ssyncadd.s32 $0xFFFFF800  }
0x1f8: {  	_ =	swait.ge [sflag:s22], $0x800  }
0x1f9: {  	[sflag:s22] =	ssyncset.done $0x0  }
0x1fa: {  	[sflag:s22] =	ssyncadd.s32 $0xFFFFF800  }
0x1fb: {  	_ =	swait.ge [sflag:s22], $0x800  }
0x1fc: {  	[sflag:s22] =	ssyncset.done $0x0  }
0x1fd: {  	[sflag:s22] =	ssyncadd.s32 $0xFFFFF800  }
0x1fe: {  	_ =	swait.ge [sflag:s22], $0x800  }
0x1ff: {  	[sflag:s22] =	ssyncset.done $0x0  }
0x200: {  	[sflag:s22] =	ssyncadd.s32 $0xFFFFF800  }
0x201: {  	_ =	swait.ge [sflag:s22], $0x800  }
0x202: {  	[sflag:s22] =	ssyncset.done $0x0  }
0x203: {  	[sflag:s22] =	ssyncadd.s32 $0xFFFFF800  }
0x204: {  	_ =	swait.ge [sflag:s22], $0x800  }
0x205: {  	[sflag:s22] =	ssyncset.done $0x0  }
0x206: {  	[sflag:s22] =	ssyncadd.s32 $0xFFFFF800  }
0x207: {  	_ =	swait.ge [sflag:s22], $0x800  }
0x208: {  	[sflag:s22] =	ssyncset.done $0x0  }
0x209: {  	[sflag:s22] =	ssyncadd.s32 $0xFFFFF800  }
0x20a: {  	_ =	swait.ge [sflag:s22], $0x800  }
0x20b: {  	[sflag:s22] =	ssyncset.done $0x0  }
0x20c: {  	[sflag:s22] =	ssyncadd.s32 $0xFFFFF800  }
0x20d: {  	_ =	swait.ge [sflag:s22], $0x800  }
0x20e: {  	[sflag:s22] =	ssyncset.done $0x0  }
0x20f: {  	[sflag:s22] =	ssyncadd.s32 $0xFFFFF800  }
0x210: {  	_ =	swait.ge [sflag:s22], $0x800  }
0x211: {  	[sflag:s22] =	ssyncset.done $0x0  }
0x212: {  	[sflag:s22] =	ssyncadd.s32 $0xFFFFF800  }
0x213: {  	_ =	swait.ge [sflag:s22], $0x800  }
0x214: {  	[sflag:s22] =	ssyncset.done $0x0  }
0x215: {  	[sflag:s22] =	ssyncadd.s32 $0xFFFFF800  }
0x216: {  	_ =	swait.ge [sflag:s22], $0x800  }
0x217: {  	[sflag:s22] =	ssyncset.done $0x0  }
0x218: {  	[sflag:s22] =	ssyncadd.s32 $0xFFFFF800  }
0x219: {  	_ =	swait.ge [sflag:s22], $0x800  }
0x21a: {  	[sflag:s22] =	ssyncset.done $0x0  }
0x21b: {  	[sflag:s22] =	ssyncadd.s32 $0xFFFFF800  }
0x21c: {  	_ =	swait.ge [sflag:s22], $0x800  }
0x21d: {  	[sflag:s22] =	ssyncset.done $0x0  }
0x21e: {  	[sflag:s22] =	ssyncadd.s32 $0xFFFFF800  }
0x21f: {  	_ =	swait.ge [sflag:s22], $0x800  }
0x220: {  	[sflag:s22] =	ssyncset.done $0x0  }
0x221: {  	[sflag:s22] =	ssyncadd.s32 $0xFFFFF800  }
0x222: {  	v0 =	vld [tilespmem:s28+$0x210];
	_ =	sdelay $0x4  }
0x223: {  	v0 =	vand.u32 $0x7F, v0  }
0x224: {  	v1 =	vbroadcast v0, $0x0;
	_ =	sdelay $0x1  }
0x225: {  	v1 =	vor.u32 v19, v1;
	_ =	sdelay $0x3  }
0x226: {  	v2 =	vbroadcast v0, $0x1  }
0x227: {  	v1 =	vld.idx.msk [tilespmem:v1+s16+$0x0], $0xffff  }
0x228: {  	v2 =	vor.u32 v20, v2;
	_ =	sdelay $0x3  }
0x229: {  	[tilespmem:s26+$0x0] =	vst v1;
	v1 =	vbroadcast v0, $0x2  }
0x22a: {  	v2 =	vld.idx.msk [tilespmem:v2+s16+$0x0], $0xffff  }
0x22b: {  	v1 =	vor.u32 v21, v1;
	_ =	sdelay $0x3  }
0x22c: {  	[tilespmem:s26+$0x10] =	vst v2;
	v2 =	vbroadcast v0, $0x3  }
0x22d: {  	v1 =	vld.idx.msk [tilespmem:v1+s16+$0x0], $0xffff  }
0x22e: {  	v2 =	vor.u32 v22, v2;
	_ =	sdelay $0x3  }
0x22f: {  	[tilespmem:s26+$0x20] =	vst v1;
	v1 =	vbroadcast v0, $0x4  }
0x230: {  	v2 =	vld.idx.msk [tilespmem:v2+s16+$0x0], $0xffff  }
0x231: {  	v1 =	vor.u32 v23, v1;
	_ =	sdelay $0x3  }
0x232: {  	[tilespmem:s26+$0x30] =	vst v2;
	v2 =	vbroadcast v0, $0x5  }
0x233: {  	v1 =	vld.idx.msk [tilespmem:v1+s16+$0x0], $0xffff  }
0x234: {  	v2 =	vor.u32 v24, v2;
	_ =	sdelay $0x3  }
0x235: {  	[tilespmem:s26+$0x40] =	vst v1;
	v1 =	vbroadcast v0, $0x6  }
0x236: {  	v2 =	vld.idx.msk [tilespmem:v2+s16+$0x0], $0xffff  }
0x237: {  	v1 =	vor.u32 v25, v1;
	_ =	sdelay $0x3  }
0x238: {  	[tilespmem:s26+$0x50] =	vst v2;
	v2 =	vbroadcast v0, $0x7  }
0x239: {  	v1 =	vld.idx.msk [tilespmem:v1+s16+$0x0], $0xffff  }
0x23a: {  	v2 =	vor.u32 v26, v2;
	_ =	sdelay $0x3  }
0x23b: {  	[tilespmem:s26+$0x60] =	vst v1;
	v1 =	vbroadcast v0, $0x8  }
0x23c: {  	v2 =	vld.idx.msk [tilespmem:v2+s16+$0x0], $0xffff  }
0x23d: {  	v1 =	vor.u32 v27, v1;
	_ =	sdelay $0x3  }
0x23e: {  	[tilespmem:s26+$0x70] =	vst v2;
	v2 =	vbroadcast v0, $0x9  }
0x23f: {  	v1 =	vld.idx.msk [tilespmem:v1+s16+$0x0], $0xffff  }
0x240: {  	v2 =	vor.u32 v28, v2;
	_ =	sdelay $0x3  }
0x241: {  	[tilespmem:s26+$0x80] =	vst v1;
	v1 =	vbroadcast v0, $0xA  }
0x242: {  	v2 =	vld.idx.msk [tilespmem:v2+s16+$0x0], $0xffff  }
0x243: {  	v1 =	vor.u32 v49, v1;
	_ =	sdelay $0x3  }
0x244: {  	[tilespmem:s26+$0x90] =	vst v2;
	v2 =	vbroadcast v0, $0xB  }
0x245: {  	v1 =	vld.idx.msk [tilespmem:v1+s16+$0x0], $0xffff  }
0x246: {  	v2 =	vor.u32 v50, v2;
	_ =	sdelay $0x3  }
0x247: {  	[tilespmem:s26+$0xA0] =	vst v1;
	v1 =	vbroadcast v0, $0xC  }
0x248: {  	v2 =	vld.idx.msk [tilespmem:v2+s16+$0x0], $0xffff  }
0x249: {  	v1 =	vor.u32 v51, v1;
	_ =	sdelay $0x3  }
0x24a: {  	[tilespmem:s26+$0xB0] =	vst v2;
	v2 =	vbroadcast v0, $0xD  }
0x24b: {  	v1 =	vld.idx.msk [tilespmem:v1+s16+$0x0], $0xffff  }
0x24c: {  	v2 =	vor.u32 v29, v2;
	_ =	sdelay $0x3  }
0x24d: {  	[tilespmem:s26+$0xC0] =	vst v1;
	v1 =	vbroadcast v0, $0xE  }
0x24e: {  	v2 =	vld.idx.msk [tilespmem:v2+s16+$0x0], $0xffff  }
0x24f: {  	v1 =	vor.u32 v31, v1;
	_ =	sdelay $0x3  }
0x250: {  	v0 =	vbroadcast v0, $0xF;
	[tilespmem:s26+$0xD0] =	vst v2  }
0x251: {  	v1 =	vld.idx.msk [tilespmem:v1+s16+$0x0], $0xffff  }
0x252: {  	v0 =	vor.u32 v32, v0;
	_ =	sdelay $0x3  }
0x253: {  	s25 =	sadd.s32 $0x80, s25;
	[tilespmem:s26+$0xE0] =	vst v1  }
0x254: {  	p0 =	sne.s32 s25, $0x800;
	v0 =	vld.idx.msk [tilespmem:v0+s16+$0x0], $0xffff  }
.Ltmp5:
0x255: {  	_ = 	snop;
	(pc) =	sbr.rel @!p0 .LBB2_9-.Ltmp5, $2  }
0x256: {  	_ =	sdelay $0x2  }
0x257: {  	[tilespmem:s26+$0xF0] =	vst v0;
	s26 =	sadd.s32 $0x200, s26  }
.LBB2_6:
0x258: {  	s28 =	sshra.s32 s25, $0x2  }
0x259: {  	v0 =	vld [tilespmem:s28+$0x210];
	_ =	sdelay $0x4  }
0x25a: {  	(v2sf) =	vpush v0, $0x0;
	_ =	sdelay $0x1  }
0x25b: {  	(v2sf) =	vpush v0, $0x1;
	_ =	sdelay $0x2  }
0x25c: {  	(v2sf) =	vpush v0, $0x2;
	_ =	sdelay $0x2  }
0x25d: {  	(v2sf) =	vpush v0, $0x3;
	_ =	sdelay $0x6  }
0x25e: {  	s29 =	spop (v2sf);
	(v2sf) =	vpush v0, $0x4;
	_ =	sdelay $0x1  }
0x25f: {  	s29 =	sand.u32 $0xFFFFF80, s29;
	s30 =	spop (v2sf);
	(v2sf) =	vpush v0, $0x5  }
0x260: {  	s29 =	sadd.s32 s2, s29  }
0x261: {  	[tilespmem:s4], [sflag:$0x2] =	stream.strided.gather [hbm4b:s29+s16], $0x800, s14, s16, $0x38;
	[tilespmem:$0x14E80] =	vst v63  }
0x262: {  	s29 =	sand.u32 $0xFFFFF80, s30;
	s30 =	spop (v2sf);
	(v2sf) =	vpush v0, $0x6  }
0x263: {  	s29 =	sadd.s32 s2, s29  }
0x264: {  	[tilespmem:s11], [sflag:$0x2] =	stream.strided.gather [hbm4b:s29+s16], $0x800, s14, s16, $0x38;
	[tilespmem:$0x14E80] =	vst v63  }
0x265: {  	s29 =	sand.u32 $0xFFFFF80, s30;
	s30 =	spop (v2sf);
	(v2sf) =	vpush v0, $0x7;
	_ =	sdelay $0x3  }
0x266: {  	s29 =	sadd.s32 s2, s29  }
0x267: {  	[tilespmem:s13], [sflag:$0x2] =	stream.strided.gather [hbm4b:s29+s16], $0x800, s14, s16, $0x38;
	[tilespmem:$0x14E80] =	vst v63  }
0x268: {  	s29 =	sand.u32 $0xFFFFF80, s30  }
0x269: {  	s29 =	sadd.s32 s2, s29;
	s30 =	spop (v2sf);
	(v2sf) =	vpush v0, $0x8  }
0x26a: {  	[tilespmem:s15], [sflag:$0x2] =	stream.strided.gather [hbm4b:s29+s16], $0x800, s14, s16, $0x38;
	[tilespmem:$0x14E80] =	vst v63  }
0x26b: {  	s29 =	sand.u32 $0xFFFFF80, s30;
	s30 =	spop (v2sf);
	(v2sf) =	vpush v0, $0x9  }
0x26c: {  	s29 =	sadd.s32 s2, s29  }
0x26d: {  	[tilespmem:s5], [sflag:$0x2] =	stream.strided.gather [hbm4b:s29+s16], $0x800, s14, s16, $0x38;
	[tilespmem:$0x14E80] =	vst v63  }
0x26e: {  	s29 =	sand.u32 $0xFFFFF80, s30;
	s30 =	spop (v2sf);
	(v2sf) =	vpush v0, $0xA  }
0x26f: {  	s29 =	sadd.s32 s2, s29  }
0x270: {  	[tilespmem:s6], [sflag:$0x2] =	stream.strided.gather [hbm4b:s29+s16], $0x800, s14, s16, $0x38;
	[tilespmem:$0x14E80] =	vst v63  }
0x271: {  	s29 =	sand.u32 $0xFFFFF80, s30;
	s30 =	spop (v2sf);
	(v2sf) =	vpush v0, $0xB;
	_ =	sdelay $0x3  }
0x272: {  	s29 =	sadd.s32 s2, s29  }
0x273: {  	[tilespmem:s7], [sflag:$0x2] =	stream.strided.gather [hbm4b:s29+s16], $0x800, s14, s16, $0x38;
	[tilespmem:$0x14E80] =	vst v63  }
0x274: {  	s29 =	sand.u32 $0xFFFFF80, s30  }
0x275: {  	s29 =	sadd.s32 s2, s29;
	s30 =	spop (v2sf);
	(v2sf) =	vpush v0, $0xC  }
0x276: {  	[tilespmem:s8], [sflag:$0x2] =	stream.strided.gather [hbm4b:s29+s16], $0x800, s14, s16, $0x38;
	[tilespmem:$0x14E80] =	vst v63  }
0x277: {  	s29 =	sand.u32 $0xFFFFF80, s30;
	s30 =	spop (v2sf);
	(v2sf) =	vpush v0, $0xD  }
0x278: {  	s29 =	sadd.s32 s2, s29  }
0x279: {  	[tilespmem:s9], [sflag:$0x2] =	stream.strided.gather [hbm4b:s29+s16], $0x800, s14, s16, $0x38;
	[tilespmem:$0x14E80] =	vst v63  }
0x27a: {  	s29 =	sand.u32 $0xFFFFF80, s30;
	s30 =	spop (v2sf);
	(v2sf) =	vpush v0, $0xE  }
0x27b: {  	s29 =	sadd.s32 s2, s29  }
0x27c: {  	[tilespmem:s10], [sflag:$0x2] =	stream.strided.gather [hbm4b:s29+s16], $0x800, s14, s16, $0x38;
	[tilespmem:$0x14E80] =	vst v63  }
0x27d: {  	s29 =	sand.u32 $0xFFFFF80, s30;
	s30 =	spop (v2sf);
	(v2sf) =	vpush v0, $0xF;
	_ =	sdelay $0x1  }
0x27e: {  	s29 =	sadd.s32 s2, s29  }
0x27f: {  	[tilespmem:s3], [sflag:$0x2] =	stream.strided.gather [hbm4b:s29+s16], $0x800, s14, s16, $0x38;
	[tilespmem:$0x14E80] =	vst v63  }
0x280: {  	s29 =	sand.u32 $0xFFFFF80, s30  }
0x281: {  	s29 =	sadd.s32 s2, s29  }
0x282: {  	[tilespmem:s12], [sflag:$0x2] =	stream.strided.gather [hbm4b:s29+s16], $0x800, s14, s16, $0x38;
	[tilespmem:$0x14E80] =	vst v63  }
0x283: {  	s30 =	spop (v2sf)  }
0x284: {  	s29 =	sand.u32 $0xFFFFF80, s30  }
0x285: {  	s30 =	spop (v2sf);
	s29 =	sadd.s32 s2, s29  }
0x286: {  	[tilespmem:s17], [sflag:$0x2] =	stream.strided.gather [hbm4b:s29+s16], $0x800, s14, s16, $0x38;
	[tilespmem:$0x14E80] =	vst v63  }
0x287: {  	s29 =	sand.u32 $0xFFFFF80, s30  }
0x288: {  	s30 =	spop (v2sf);
	s29 =	sadd.s32 s2, s29  }
0x289: {  	[tilespmem:s18], [sflag:$0x2] =	stream.strided.gather [hbm4b:s29+s16], $0x800, s14, s16, $0x38;
	[tilespmem:$0x14E80] =	vst v63  }
0x28a: {  	s29 =	sand.u32 $0xFFFFF80, s30  }
0x28b: {  	s30 =	spop (v2sf);
	s29 =	sadd.s32 s2, s29  }
0x28c: {  	[tilespmem:s19], [sflag:$0x2] =	stream.strided.gather [hbm4b:s29+s16], $0x800, s14, s16, $0x38;
	[tilespmem:$0x14E80] =	vst v63  }
0x28d: {  	s29 =	sand.u32 $0xFFFFF80, s30  }
0x28e: {  	s29 =	sadd.s32 s2, s29  }
0x28f: {  	[tilespmem:s20], [sflag:$0x2] =	stream.strided.gather [hbm4b:s29+s16], $0x800, s14, s16, $0x38;
	[tilespmem:$0x14E80] =	vst v63  }
0x290: {  	_ =	swait.ge [sflag:s21], $0x800  }
0x291: {  	[sflag:s21] =	ssyncset.done $0x0  }
0x292: {  	[sflag:s21] =	ssyncadd.s32 $0xFFFFF800  }
0x293: {  	_ =	swait.ge [sflag:s21], $0x800  }
0x294: {  	[sflag:s21] =	ssyncset.done $0x0  }
0x295: {  	[sflag:s21] =	ssyncadd.s32 $0xFFFFF800  }
0x296: {  	_ =	swait.ge [sflag:s21], $0x800  }
0x297: {  	[sflag:s21] =	ssyncset.done $0x0  }
0x298: {  	[sflag:s21] =	ssyncadd.s32 $0xFFFFF800  }
0x299: {  	_ =	swait.ge [sflag:s21], $0x800  }
0x29a: {  	[sflag:s21] =	ssyncset.done $0x0  }
0x29b: {  	[sflag:s21] =	ssyncadd.s32 $0xFFFFF800  }
0x29c: {  	_ =	swait.ge [sflag:s21], $0x800  }
0x29d: {  	[sflag:s21] =	ssyncset.done $0x0  }
0x29e: {  	[sflag:s21] =	ssyncadd.s32 $0xFFFFF800  }
0x29f: {  	_ =	swait.ge [sflag:s21], $0x800  }
0x2a0: {  	[sflag:s21] =	ssyncset.done $0x0  }
0x2a1: {  	[sflag:s21] =	ssyncadd.s32 $0xFFFFF800  }
0x2a2: {  	_ =	swait.ge [sflag:s21], $0x800  }
0x2a3: {  	[sflag:s21] =	ssyncset.done $0x0  }
0x2a4: {  	[sflag:s21] =	ssyncadd.s32 $0xFFFFF800  }
0x2a5: {  	_ =	swait.ge [sflag:s21], $0x800  }
0x2a6: {  	[sflag:s21] =	ssyncset.done $0x0  }
0x2a7: {  	[sflag:s21] =	ssyncadd.s32 $0xFFFFF800  }
0x2a8: {  	_ =	swait.ge [sflag:s21], $0x800  }
0x2a9: {  	[sflag:s21] =	ssyncset.done $0x0  }
0x2aa: {  	[sflag:s21] =	ssyncadd.s32 $0xFFFFF800  }
0x2ab: {  	_ =	swait.ge [sflag:s21], $0x800  }
0x2ac: {  	[sflag:s21] =	ssyncset.done $0x0  }
0x2ad: {  	[sflag:s21] =	ssyncadd.s32 $0xFFFFF800  }
0x2ae: {  	_ =	swait.ge [sflag:s21], $0x800  }
0x2af: {  	[sflag:s21] =	ssyncset.done $0x0  }
0x2b0: {  	[sflag:s21] =	ssyncadd.s32 $0xFFFFF800  }
0x2b1: {  	_ =	swait.ge [sflag:s21], $0x800  }
0x2b2: {  	[sflag:s21] =	ssyncset.done $0x0  }
0x2b3: {  	[sflag:s21] =	ssyncadd.s32 $0xFFFFF800  }
0x2b4: {  	_ =	swait.ge [sflag:s21], $0x800  }
0x2b5: {  	[sflag:s21] =	ssyncset.done $0x0  }
0x2b6: {  	[sflag:s21] =	ssyncadd.s32 $0xFFFFF800  }
0x2b7: {  	_ =	swait.ge [sflag:s21], $0x800  }
0x2b8: {  	[sflag:s21] =	ssyncset.done $0x0  }
0x2b9: {  	[sflag:s21] =	ssyncadd.s32 $0xFFFFF800  }
0x2ba: {  	_ =	swait.ge [sflag:s21], $0x800  }
0x2bb: {  	[sflag:s21] =	ssyncset.done $0x0  }
0x2bc: {  	[sflag:s21] =	ssyncadd.s32 $0xFFFFF800  }
0x2bd: {  	_ =	swait.ge [sflag:s21], $0x800  }
0x2be: {  	[sflag:s21] =	ssyncset.done $0x0  }
0x2bf: {  	[sflag:s21] =	ssyncadd.s32 $0xFFFFF800  }
0x2c0: {  	v0 =	vld [tilespmem:s28+$0x200];
	_ =	sdelay $0x4  }
0x2c1: {  	v0 =	vand.u32 $0x7F, v0  }
0x2c2: {  	v1 =	vbroadcast v0, $0x0;
	_ =	sdelay $0x1  }
0x2c3: {  	v1 =	vor.u32 v3, v1;
	_ =	sdelay $0x3  }
0x2c4: {  	v2 =	vbroadcast v0, $0x1  }
0x2c5: {  	v1 =	vld.idx.msk [tilespmem:v1+s16+$0x0], $0xffff  }
0x2c6: {  	v2 =	vor.u32 v4, v2;
	_ =	sdelay $0x3  }
0x2c7: {  	[tilespmem:s26+$0xFFFFFF00] =	vst v1;
	v1 =	vbroadcast v0, $0x2  }
0x2c8: {  	v2 =	vld.idx.msk [tilespmem:v2+s16+$0x0], $0xffff  }
0x2c9: {  	v1 =	vor.u32 v5, v1;
	_ =	sdelay $0x3  }
0x2ca: {  	[tilespmem:s26+$0xFFFFFF10] =	vst v2;
	v2 =	vbroadcast v0, $0x3  }
0x2cb: {  	v1 =	vld.idx.msk [tilespmem:v1+s16+$0x0], $0xffff  }
0x2cc: {  	v2 =	vor.u32 v6, v2;
	_ =	sdelay $0x3  }
0x2cd: {  	[tilespmem:s26+$0xFFFFFF20] =	vst v1;
	v1 =	vbroadcast v0, $0x4  }
0x2ce: {  	v2 =	vld.idx.msk [tilespmem:v2+s16+$0x0], $0xffff  }
0x2cf: {  	v1 =	vor.u32 v7, v1;
	_ =	sdelay $0x3  }
0x2d0: {  	[tilespmem:s26+$0xFFFFFF30] =	vst v2;
	v2 =	vbroadcast v0, $0x5  }
0x2d1: {  	v1 =	vld.idx.msk [tilespmem:v1+s16+$0x0], $0xffff  }
0x2d2: {  	v2 =	vor.u32 v8, v2;
	_ =	sdelay $0x3  }
0x2d3: {  	[tilespmem:s26+$0xFFFFFF40] =	vst v1;
	v1 =	vbroadcast v0, $0x6  }
0x2d4: {  	v2 =	vld.idx.msk [tilespmem:v2+s16+$0x0], $0xffff  }
0x2d5: {  	v1 =	vor.u32 v9, v1;
	_ =	sdelay $0x3  }
0x2d6: {  	[tilespmem:s26+$0xFFFFFF50] =	vst v2;
	v2 =	vbroadcast v0, $0x7  }
0x2d7: {  	v1 =	vld.idx.msk [tilespmem:v1+s16+$0x0], $0xffff  }
0x2d8: {  	v2 =	vor.u32 v10, v2;
	_ =	sdelay $0x3  }
0x2d9: {  	[tilespmem:s26+$0xFFFFFF60] =	vst v1;
	v1 =	vbroadcast v0, $0x8  }
0x2da: {  	v2 =	vld.idx.msk [tilespmem:v2+s16+$0x0], $0xffff  }
0x2db: {  	v1 =	vor.u32 v11, v1;
	_ =	sdelay $0x3  }
0x2dc: {  	[tilespmem:s26+$0xFFFFFF70] =	vst v2;
	v2 =	vbroadcast v0, $0x9  }
0x2dd: {  	v1 =	vld.idx.msk [tilespmem:v1+s16+$0x0], $0xffff  }
0x2de: {  	v2 =	vor.u32 v12, v2;
	_ =	sdelay $0x3  }
0x2df: {  	[tilespmem:s26+$0xFFFFFF80] =	vst v1;
	v1 =	vbroadcast v0, $0xA  }
0x2e0: {  	v2 =	vld.idx.msk [tilespmem:v2+s16+$0x0], $0xffff  }
0x2e1: {  	v1 =	vor.u32 v13, v1;
	_ =	sdelay $0x3  }
0x2e2: {  	[tilespmem:s26+$0xFFFFFF90] =	vst v2;
	v2 =	vbroadcast v0, $0xB  }
0x2e3: {  	v1 =	vld.idx.msk [tilespmem:v1+s16+$0x0], $0xffff  }
0x2e4: {  	v2 =	vor.u32 v14, v2;
	_ =	sdelay $0x3  }
0x2e5: {  	[tilespmem:s26+$0xFFFFFFA0] =	vst v1;
	v1 =	vbroadcast v0, $0xC  }
0x2e6: {  	v2 =	vld.idx.msk [tilespmem:v2+s16+$0x0], $0xffff  }
0x2e7: {  	v1 =	vor.u32 v15, v1;
	_ =	sdelay $0x3  }
0x2e8: {  	[tilespmem:s26+$0xFFFFFFB0] =	vst v2;
	v2 =	vbroadcast v0, $0xD  }
0x2e9: {  	v1 =	vld.idx.msk [tilespmem:v1+s16+$0x0], $0xffff  }
0x2ea: {  	v2 =	vor.u32 v16, v2;
	_ =	sdelay $0x3  }
0x2eb: {  	[tilespmem:s26+$0xFFFFFFC0] =	vst v1;
	v1 =	vbroadcast v0, $0xE  }
0x2ec: {  	v2 =	vld.idx.msk [tilespmem:v2+s16+$0x0], $0xffff  }
0x2ed: {  	v1 =	vor.u32 v17, v1;
	_ =	sdelay $0x3  }
0x2ee: {  	v0 =	vbroadcast v0, $0xF;
	[tilespmem:s26+$0xFFFFFFD0] =	vst v2  }
0x2ef: {  	v1 =	vld.idx.msk [tilespmem:v1+s16+$0x0], $0xffff  }
0x2f0: {  	v0 =	vor.u32 v18, v0;
	_ =	sdelay $0x3  }
0x2f1: {  	[tilespmem:s26+$0xFFFFFFE0] =	vst v1  }
0x2f2: {  	p0 =	seq.s32 s25, $0x780;
	v0 =	vld.idx.msk [tilespmem:v0+s16+$0x0], $0xffff  }
.Ltmp6:
0x2f3: {  	_ = 	snop;
	(pc) =	sbr.rel @p0 .LBB2_8-.Ltmp6, $2  }
0x2f4: {  	_ =	sdelay $0x2  }
0x2f5: {  	[tilespmem:s26+$0xFFFFFFF0] =	vst v0  }
0x2f6: {  	v0 =	vld [tilespmem:s28+$0x220];
	_ =	sdelay $0x4  }
0x2f7: {  	(v2sf) =	vpush v0, $0x0;
	_ =	sdelay $0x1  }
0x2f8: {  	(v2sf) =	vpush v0, $0x1;
	_ =	sdelay $0x4  }
0x2f9: {  	(v2sf) =	vpush v0, $0x2;
	_ =	sdelay $0x3  }
0x2fa: {  	(v2sf) =	vpush v0, $0x3;
	_ =	sdelay $0x3  }
0x2fb: {  	s29 =	spop (v2sf);
	(v2sf) =	vpush v0, $0x4  }
0x2fc: {  	s29 =	sand.u32 $0xFFFFF80, s29  }
0x2fd: {  	s30 =	spop (v2sf);
	s29 =	sadd.s32 s2, s29  }
0x2fe: {  	[tilespmem:s16], [sflag:$0x1] =	stream.strided.gather [hbm4b:s29+s16], $0x800, s14, s16, $0x38;
	[tilespmem:$0x14E80] =	vst v63  }
0x2ff: {  	(v2sf) =	vpush v0, $0x5;
	s29 =	sand.u32 $0xFFFFF80, s30  }
0x300: {  	s30 =	simm.s32 $0xC00;
	s29 =	sadd.s32 s2, s29  }
0x301: {  	[tilespmem:s30], [sflag:$0x1] =	stream.strided.gather [hbm4b:s29+s16], $0x800, s14, s16, $0x38;
	[tilespmem:$0x14E80] =	vst v63  }
0x302: {  	s30 =	spop (v2sf)  }
0x303: {  	(v2sf) =	vpush v0, $0x6;
	s29 =	sand.u32 $0xFFFFF80, s30  }
0x304: {  	s30 =	simm.s32 $0x1400;
	s29 =	sadd.s32 s2, s29  }
0x305: {  	[tilespmem:s30], [sflag:$0x1] =	stream.strided.gather [hbm4b:s29+s16], $0x800, s14, s16, $0x38;
	[tilespmem:$0x14E80] =	vst v63  }
0x306: {  	s30 =	spop (v2sf)  }
0x307: {  	(v2sf) =	vpush v0, $0x7;
	s29 =	sand.u32 $0xFFFFF80, s30  }
0x308: {  	s30 =	simm.s32 $0x1C00;
	s29 =	sadd.s32 s2, s29  }
0x309: {  	[tilespmem:s30], [sflag:$0x1] =	stream.strided.gather [hbm4b:s29+s16], $0x800, s14, s16, $0x38;
	[tilespmem:$0x14E80] =	vst v63  }
0x30a: {  	s30 =	spop (v2sf)  }
0x30b: {  	(v2sf) =	vpush v0, $0x8;
	s29 =	sand.u32 $0xFFFFF80, s30  }
0x30c: {  	s30 =	simm.s32 $0x2400;
	s29 =	sadd.s32 s2, s29  }
0x30d: {  	[tilespmem:s30], [sflag:$0x1] =	stream.strided.gather [hbm4b:s29+s16], $0x800, s14, s16, $0x38;
	[tilespmem:$0x14E80] =	vst v63  }
0x30e: {  	s30 =	spop (v2sf)  }
0x30f: {  	(v2sf) =	vpush v0, $0x9;
	s29 =	sand.u32 $0xFFFFF80, s30  }
0x310: {  	s30 =	simm.s32 $0x2C00;
	s29 =	sadd.s32 s2, s29  }
0x311: {  	[tilespmem:s30], [sflag:$0x1] =	stream.strided.gather [hbm4b:s29+s16], $0x800, s14, s16, $0x38;
	[tilespmem:$0x14E80] =	vst v63  }
0x312: {  	s30 =	spop (v2sf)  }
0x313: {  	(v2sf) =	vpush v0, $0xA;
	s29 =	sand.u32 $0xFFFFF80, s30  }
0x314: {  	s30 =	simm.s32 $0x3400;
	s29 =	sadd.s32 s2, s29  }
0x315: {  	[tilespmem:s30], [sflag:$0x1] =	stream.strided.gather [hbm4b:s29+s16], $0x800, s14, s16, $0x38;
	[tilespmem:$0x14E80] =	vst v63  }
0x316: {  	s30 =	spop (v2sf)  }
0x317: {  	(v2sf) =	vpush v0, $0xB;
	s29 =	sand.u32 $0xFFFFF80, s30  }
0x318: {  	s30 =	simm.s32 $0x3C00;
	s29 =	sadd.s32 s2, s29  }
0x319: {  	[tilespmem:s30], [sflag:$0x1] =	stream.strided.gather [hbm4b:s29+s16], $0x800, s14, s16, $0x38;
	[tilespmem:$0x14E80] =	vst v63  }
0x31a: {  	s30 =	spop (v2sf)  }
0x31b: {  	(v2sf) =	vpush v0, $0xC;
	s29 =	sand.u32 $0xFFFFF80, s30  }
0x31c: {  	s30 =	simm.s32 $0x4400;
	s29 =	sadd.s32 s2, s29  }
0x31d: {  	[tilespmem:s30], [sflag:$0x1] =	stream.strided.gather [hbm4b:s29+s16], $0x800, s14, s16, $0x38;
	[tilespmem:$0x14E80] =	vst v63  }
0x31e: {  	s30 =	spop (v2sf)  }
0x31f: {  	(v2sf) =	vpush v0, $0xD;
	s29 =	sand.u32 $0xFFFFF80, s30  }
0x320: {  	s30 =	simm.s32 $0x4C00;
	s29 =	sadd.s32 s2, s29  }
0x321: {  	[tilespmem:s30], [sflag:$0x1] =	stream.strided.gather [hbm4b:s29+s16], $0x800, s14, s16, $0x38;
	[tilespmem:$0x14E80] =	vst v63  }
0x322: {  	s30 =	spop (v2sf)  }
0x323: {  	(v2sf) =	vpush v0, $0xE;
	s29 =	sand.u32 $0xFFFFF80, s30  }
0x324: {  	s30 =	simm.s32 $0x5400;
	s29 =	sadd.s32 s2, s29  }
0x325: {  	[tilespmem:s30], [sflag:$0x1] =	stream.strided.gather [hbm4b:s29+s16], $0x800, s14, s16, $0x38;
	[tilespmem:$0x14E80] =	vst v63  }
0x326: {  	s30 =	spop (v2sf)  }
0x327: {  	s29 =	sand.u32 $0xFFFFF80, s30  }
0x328: {  	(v2sf) =	vpush v0, $0xF;
	s30 =	simm.s32 $0x5C00;
	s29 =	sadd.s32 s2, s29  }
0x329: {  	[tilespmem:s30], [sflag:$0x1] =	stream.strided.gather [hbm4b:s29+s16], $0x800, s14, s16, $0x38;
	[tilespmem:$0x14E80] =	vst v63  }
0x32a: {  	s30 =	spop (v2sf)  }
0x32b: {  	s29 =	sand.u32 $0xFFFFF80, s30  }
0x32c: {  	s30 =	simm.s32 $0x6400;
	s29 =	sadd.s32 s2, s29  }
0x32d: {  	[tilespmem:s30], [sflag:$0x1] =	stream.strided.gather [hbm4b:s29+s16], $0x800, s14, s16, $0x38;
	[tilespmem:$0x14E80] =	vst v63  }
0x32e: {  	s30 =	spop (v2sf)  }
0x32f: {  	s29 =	sand.u32 $0xFFFFF80, s30  }
0x330: {  	s30 =	simm.s32 $0x6C00;
	s29 =	sadd.s32 s2, s29  }
0x331: {  	[tilespmem:s30], [sflag:$0x1] =	stream.strided.gather [hbm4b:s29+s16], $0x800, s14, s16, $0x38;
	[tilespmem:$0x14E80] =	vst v63  }
0x332: {  	s30 =	spop (v2sf)  }
0x333: {  	s29 =	sand.u32 $0xFFFFF80, s30  }
0x334: {  	s29 =	sadd.s32 s2, s29  }
0x335: {  	[tilespmem:s31], [sflag:$0x1] =	stream.strided.gather [hbm4b:s29+s16], $0x800, s14, s16, $0x38;
	[tilespmem:$0x14E80] =	vst v63  }
.Ltmp7:
0x336: {  	_ = 	snop;
	(pc) =	sbr.rel .LBB2_8-.Ltmp7, $4  }
0x337: {  	s30 =	spop (v2sf)  }
0x338: {  	s29 =	sand.u32 $0xFFFFF80, s30  }
0x339: {  	s29 =	sadd.s32 s2, s29  }
0x33a: {  	[tilespmem:s0], [sflag:$0x1] =	stream.strided.gather [hbm4b:s29+s16], $0x800, s14, s16, $0x38;
	[tilespmem:$0x14E80] =	vst v63  }
.LBB2_9:
0x33b: {  	v49 =	vld [tilespmem:$0x14E00]  }
0x33c: {  	v50 =	vld [tilespmem:$0x14600]  }
0x33d: {  	v51 =	vld [tilespmem:$0x14680]  }
0x33e: {  	v52 =	vld [tilespmem:$0x14700]  }
0x33f: {  	v53 =	vld [tilespmem:$0x14780]  }
0x340: {  	v54 =	vld [tilespmem:$0x14800]  }
0x341: {  	v55 =	vld [tilespmem:$0x14880]  }
0x342: {  	v56 =	vld [tilespmem:$0x14900]  }
0x343: {  	v57 =	vld [tilespmem:$0x14980];
	s25 =	simm.s32 $0x0  }
0x344: {  	v58 =	vld [tilespmem:$0x14A00];
	v21 =	vor.u32 s25, v48  }
0x345: {  	v59 =	vld [tilespmem:$0x14A80];
	v23 =	vor.u32 s25, v47  }
0x346: {  	v60 =	vld [tilespmem:$0x14B00];
	v3 =	vor.u32 s25, v43  }
0x347: {  	v61 =	vld [tilespmem:$0x14B80]  }
0x348: {  	v62 =	vld [tilespmem:$0x14C00];
	v5 =	vor.u32 s25, v44  }
0x349: {  	v0 =	vld.idx.msk [tilespmem:v21+s23+$0x0], $0xffff  }
0x34a: {  	v9 =	vor.u32 s25, v42;
	v20 =	vld.idx.msk [tilespmem:v23+s24+$0x0], $0xffff  }
0x34b: {  	v18 =	vld.idx.msk [tilespmem:v3+s24+$0x0], $0xffff  }
0x34c: {  	v11 =	vor.u32 s25, v40;
	v28 =	vld.idx.msk [tilespmem:v3+s23+$0x0], $0xffff  }
0x34d: {  	v12 =	vor.u32 s25, v38;
	v7 =	vld.idx.msk [tilespmem:v5+s24+$0x0], $0xffff  }
0x34e: {  	v5 =	vld.idx.msk [tilespmem:v5+s23+$0x0], $0xffff  }
0x34f: {  	v15 =	vor.u32 s25, v34;
	v8 =	vld.idx.msk [tilespmem:v9+s24+$0x0], $0xffff  }
0x350: {  	v16 =	vor.u32 s25, v35;
	v9 =	vld.idx.msk [tilespmem:v9+s23+$0x0], $0xffff  }
0x351: {  	v14 =	vor.u32 s25, v30;
	v2 =	vld.idx.msk [tilespmem:v11+s24+$0x0], $0xffff  }
0x352: {  	v14 =	vand.u32 v33, v14;
	v1 =	vld.idx.msk [tilespmem:v12+s23+$0x0], $0xffff  }
0x353: {  	v12 =	vld.idx.msk [tilespmem:v12+s24+$0x0], $0xffff  }
0x354: {  	v13 =	vor.u32 s25, v36;
	v3 =	vld.idx.msk [tilespmem:v15+s23+$0x0], $0xffff  }
0x355: {  	v19 =	vld.idx.msk [tilespmem:v16+s23+$0x0], $0xffff  }
0x356: {  	v15 =	vld.idx.msk [tilespmem:v15+s24+$0x0], $0xffff  }
0x357: {  	v10 =	vor.u32 s25, v37;
	v4 =	vld.idx.msk [tilespmem:v14+s23+$0x0], $0xffff  }
0x358: {  	v14 =	vld.idx.msk [tilespmem:v14+s24+$0x0], $0xffff  }
0x359: {  	v17 =	vld.idx.msk [tilespmem:v13+s23+$0x0], $0xffff  }
0x35a: {  	v13 =	vld.idx.msk [tilespmem:v13+s24+$0x0], $0xffff  }
0x35b: {  	v25 =	vor.u32 s25, v45;
	v11 =	vld.idx.msk [tilespmem:v11+s23+$0x0], $0xffff  }
0x35c: {  	v27 =	vld.idx.msk [tilespmem:v10+s24+$0x0], $0xffff;
	[tilespmem:$0x1FE20] =	vst v0;
	v0 =	vor.u32 s25, v39;
	v1 =	vmul.f32 v12, v1;
	v3 =	vmul.f32 v15, v3  }
0x35d: {  	[tilespmem:$0x1FE10] =	vst v19;
	v8 =	vmul.f32 v8, v9;
	v9 =	vld.idx.msk [tilespmem:v16+s24+$0x0], $0xffff;
	v4 =	vmul.f32 v14, v4  }
0x35e: {  	v6 =	vor.u32 s25, v41;
	v14 =	vmul.f32 v1, v55;
	v1 =	vmul.f32 v3, v51;
	v3 =	vld [tilespmem:$0x1FE10]  }
0x35f: {  	v10 =	vld.idx.msk [tilespmem:v10+s23+$0x0], $0xffff;
	v13 =	vmul.f32 v13, v17  }
0x360: {  	v22 =	vld.idx.msk [tilespmem:v25+s24+$0x0], $0xffff;
	v2 =	vmul.f32 v2, v11  }
0x361: {  	v11 =	vmul.f32 v13, v53;
	v26 =	vld.idx.msk [tilespmem:v0+s24+$0x0], $0xffff  }
0x362: {  	v5 =	vmul.f32 v7, v5;
	v7 =	vor.u32 s25, v46;
	v2 =	vmul.f32 v2, v57;
	v0 =	vld.idx.msk [tilespmem:v0+s23+$0x0], $0xffff  }
0x363: {  	v24 =	vld.idx.msk [tilespmem:v6+s24+$0x0], $0xffff;
	v8 =	vmul.f32 v8, v59;
	v11 =	vadd.f32 $0.0e+00, v11;
	v3 =	vmul.f32 v9, v3  }
0x364: {  	v6 =	vld.idx.msk [tilespmem:v6+s23+$0x0], $0xffff;
	v4 =	vmul.f32 v4, v50;
	v9 =	vmul.f32 v27, v10  }
0x365: {  	v15 =	vld.idx.msk [tilespmem:v25+s23+$0x0], $0xffff;
	v2 =	vadd.f32 v2, v11;
	v11 =	vadd.f32 $0.0e+00, v1;
	v3 =	vmul.f32 v3, v52  }
0x366: {  	v25 =	vld.idx.msk [tilespmem:v21+s24+$0x0], $0xffff;
	v5 =	vmul.f32 v5, v61;
	v4 =	vadd.f32 v4, v49;
	v9 =	vmul.f32 v9, v54  }
0x367: {  	v13 =	vld.idx.msk [tilespmem:v7+s23+$0x0], $0xffff;
	v0 =	vmul.f32 v26, v0;
	v26 =	vadd.f32 $0.0e+00, v3;
	v3 =	vadd.f32 v14, v11  }
0x368: {  	v7 =	vld.idx.msk [tilespmem:v7+s24+$0x0], $0xffff;
	v9 =	vadd.f32 v9, v4  }
0x369: {  	v4 =	vadd.f32 v8, v3;
	v3 =	vadd.f32 v5, v2;
	v2 =	vld [tilespmem:$0x1FE20]  }
0x36a: {  	v18 =	vmul.f32 v18, v28;
	v10 =	vld.idx.msk [tilespmem:v23+s23+$0x0], $0xffff  }
0x36b: {  	v63 =	vld [tilespmem:$0x14C80];
	v6 =	vmul.f32 v24, v6  }
0x36c: {  	v12 =	vmul.f32 v18, v60;
	v1 =	vld [tilespmem:$0x14D00]  }
0x36d: {  	v6 =	vmul.f32 v6, v58;
	v0 =	vmul.f32 v0, v56  }
0x36e: {  	v7 =	vmul.f32 v7, v13;
	v8 =	vmul.f32 v25, v2;
	v2 =	vld [tilespmem:$0x14D80]  }
0x36f: {  	v11 =	vmul.f32 v22, v15;
	v10 =	vmul.f32 v20, v10;
	v0 =	vadd.f32 v0, v26  }
0x370: {  	v7 =	vmul.f32 v7, v63;
	v5 =	vadd.f32 v6, v9  }
0x371: {  	s26 =	simm.s32 $0x14400;
	s28 =	simm.s32 $0x100;
	s25 =	simm.s32 $0x14400;
	v9 =	vmul.f32 v10, v1;
	v6 =	vadd.f32 v12, v0;
	v0 =	vmul.f32 v11, v62  }
.LBB2_10:
0x372: {  	p0 =	sne.s32 s28, $0x1F00  }
0x373: {  	v4 =	vadd.f32 v7, v4;
	v7 =	vmul.f32 v8, v2;
	s26 =	sadd.s32 $0x10, s26;
	s29 =	smov.u32 s28;
	s28 =	sadd.s32 $0x100, s28  }
0x374: {  	v0 =	vadd.f32 v0, v5;
	v5 =	vadd.f32 v9, v6  }
0x375: {  	v3 =	vadd.f32 v7, v3  }
0x376: {  	v6 =	vor.u32 s29, v45;
	v7 =	vor.u32 s29, v47  }
0x377: {  	v8 =	vor.u32 s29, v48;
	v0 =	vadd.f32 v4, v0;
	v3 =	vadd.f32 v3, v5;
	_ =	sdelay $0x1  }
0x378: {  	v4 =	vor.u32 s29, v46;
	v0 =	vadd.f32 v3, v0  }
0x379: {  	v3 =	vor.u32 s29, v43  }
0x37a: {  	[tilespmem:s25+$0x0] =	vst v0;
	s25 =	smov.u32 s26  }
0x37b: {  	v0 =	vor.u32 s29, v41;
	v9 =	vld.idx.msk [tilespmem:v8+s23+$0x0], $0xffff  }
0x37c: {  	v5 =	vor.u32 s29, v44;
	v10 =	vld.idx.msk [tilespmem:v7+s24+$0x0], $0xffff  }
0x37d: {  	v11 =	vld.idx.msk [tilespmem:v6+s24+$0x0], $0xffff  }
0x37e: {  	v12 =	vor.u32 s29, v42;
	v13 =	vld.idx.msk [tilespmem:v3+s24+$0x0], $0xffff  }
0x37f: {  	v3 =	vld.idx.msk [tilespmem:v3+s23+$0x0], $0xffff  }
0x380: {  	v14 =	vor.u32 s29, v39;
	v15 =	vld.idx.msk [tilespmem:v0+s24+$0x0], $0xffff  }
0x381: {  	v16 =	vor.u32 s29, v37;
	v17 =	vld.idx.msk [tilespmem:v5+s24+$0x0], $0xffff  }
0x382: {  	v18 =	vor.u32 s29, v40;
	v5 =	vld.idx.msk [tilespmem:v5+s23+$0x0], $0xffff  }
0x383: {  	v19 =	vld.idx.msk [tilespmem:v12+s24+$0x0], $0xffff  }
0x384: {  	v20 =	vor.u32 s29, v38;
	v12 =	vld.idx.msk [tilespmem:v12+s23+$0x0], $0xffff  }
0x385: {  	v21 =	vor.u32 s29, v36;
	v3 =	vmul.f32 v13, v3;
	v22 =	vld.idx.msk [tilespmem:v14+s24+$0x0], $0xffff  }
0x386: {  	v13 =	vor.u32 s29, v30;
	v23 =	vld.idx.msk [tilespmem:v16+s24+$0x0], $0xffff  }
0x387: {  	v24 =	vor.u32 s29, v34;
	v13 =	vand.u32 v33, v13;
	v25 =	vld.idx.msk [tilespmem:v18+s24+$0x0], $0xffff  }
0x388: {  	v5 =	vmul.f32 v17, v5;
	v18 =	vld.idx.msk [tilespmem:v18+s23+$0x0], $0xffff  }
0x389: {  	v17 =	vor.u32 s29, v35;
	v26 =	vld.idx.msk [tilespmem:v20+s23+$0x0], $0xffff  }
0x38a: {  	v12 =	vmul.f32 v19, v12;
	v27 =	vld.idx.msk [tilespmem:v21+s23+$0x0], $0xffff  }
0x38b: {  	v19 =	vld.idx.msk [tilespmem:v21+s24+$0x0], $0xffff  }
0x38c: {  	v20 =	vld.idx.msk [tilespmem:v20+s24+$0x0], $0xffff  }
0x38d: {  	v21 =	vld.idx.msk [tilespmem:v24+s23+$0x0], $0xffff  }
0x38e: {  	v18 =	vmul.f32 v25, v18;
	v28 =	vld.idx.msk [tilespmem:v13+s23+$0x0], $0xffff  }
0x38f: {  	v25 =	vld.idx.msk [tilespmem:v17+s23+$0x0], $0xffff  }
0x390: {  	v24 =	vld.idx.msk [tilespmem:v24+s24+$0x0], $0xffff  }
0x391: {  	v19 =	vmul.f32 v19, v27;
	v13 =	vld.idx.msk [tilespmem:v13+s24+$0x0], $0xffff  }
0x392: {  	v20 =	vmul.f32 v20, v26;
	v17 =	vld.idx.msk [tilespmem:v17+s24+$0x0], $0xffff  }
0x393: {  	v19 =	vmul.f32 v19, v53;
	v16 =	vld.idx.msk [tilespmem:v16+s23+$0x0], $0xffff  }
0x394: {  	v26 =	vmul.f32 v3, v60;
	v14 =	vld.idx.msk [tilespmem:v14+s23+$0x0], $0xffff  }
0x395: {  	v12 =	vmul.f32 v12, v59;
	v18 =	vmul.f32 v18, v57;
	v3 =	vadd.f32 $0.0e+00, v19;
	v0 =	vld.idx.msk [tilespmem:v0+s23+$0x0], $0xffff  }
0x396: {  	v5 =	vmul.f32 v5, v61;
	v19 =	vmul.f32 v24, v21;
	v21 =	vld.idx.msk [tilespmem:v4+s23+$0x0], $0xffff  }
0x397: {  	v20 =	vmul.f32 v20, v55;
	v13 =	vmul.f32 v13, v28;
	v3 =	vadd.f32 v18, v3;
	v6 =	vld.idx.msk [tilespmem:v6+s23+$0x0], $0xffff  }
0x398: {  	v18 =	vmul.f32 v19, v51;
	v17 =	vmul.f32 v17, v25;
	v19 =	vld.idx.msk [tilespmem:v4+s24+$0x0], $0xffff  }
0x399: {  	v4 =	vmul.f32 v13, v50;
	v13 =	vmul.f32 v23, v16;
	v7 =	vld.idx.msk [tilespmem:v7+s23+$0x0], $0xffff  }
0x39a: {  	v16 =	vadd.f32 $0.0e+00, v18;
	v17 =	vmul.f32 v17, v52;
	v14 =	vmul.f32 v22, v14;
	v8 =	vld.idx.msk [tilespmem:v8+s24+$0x0], $0xffff  }
0x39b: {  	v4 =	vadd.f32 v4, v49;
	v13 =	vmul.f32 v13, v54;
	v0 =	vmul.f32 v15, v0  }
0x39c: {  	v15 =	vadd.f32 $0.0e+00, v17;
	v16 =	vadd.f32 v20, v16;
	v14 =	vmul.f32 v14, v56  }
.Ltmp8:
0x39d: {  	v13 =	vadd.f32 v13, v4;
	v0 =	vmul.f32 v0, v58;
	v11 =	vmul.f32 v11, v6;
	(pc) =	sbr.rel @p0 .LBB2_10-.Ltmp8, $4  }
0x39e: {  	v3 =	vadd.f32 v5, v3;
	v4 =	vadd.f32 v12, v16;
	v6 =	vmul.f32 v19, v21  }
0x39f: {  	v12 =	vadd.f32 v14, v15;
	v5 =	vadd.f32 v0, v13;
	v10 =	vmul.f32 v10, v7  }
0x3a0: {  	v7 =	vmul.f32 v6, v63;
	v8 =	vmul.f32 v8, v9  }
0x3a1: {  	v0 =	vmul.f32 v11, v62;
	v6 =	vadd.f32 v26, v12;
	v9 =	vmul.f32 v10, v1  }
0x3a2: {  	v1 =	vmul.f32 v8, v2  }
0x3a3: {  	v2 =	vadd.f32 v7, v4;
	v0 =	vadd.f32 v0, v5  }
0x3a4: {  	v4 =	vadd.f32 v9, v6;
	v1 =	vadd.f32 v1, v3;
	_ =	sdelay $0x1  }
0x3a5: {  	v0 =	vadd.f32 v2, v0;
	v1 =	vadd.f32 v1, v4;
	_ =	sdelay $0x1  }
0x3a6: {  	v0 =	vadd.f32 v1, v0  }
0x3a7: {  	s26 =	rddreg [dreg:$0xb]  }
0x3a8: {  	s28 =	simm.s32 $0x14400;
	s29 =	simm.s32 $0x3;
	[tilespmem:s25+$0x0] =	vst v0;
	s25 =	simm.s32 $0x0  }
0x3a9: {  	[hbm4b:s26+s25] =	stream.linear.scatter [tilespmem:s28], [sflag:$0x3], $0x200, $0x38;
	[tilespmem:$0x14E80] =	vst v63  }
0x3aa: {  	_ =	swait.ge [sflag:s29], $0x200  }
0x3ab: {  	v3 =	vld [tilespmem:$0x1FE30]  }
0x3ac: {  	v4 =	vld [tilespmem:$0x1FE40]  }
0x3ad: {  	v5 =	vld [tilespmem:$0x1FE50]  }
0x3ae: {  	v6 =	vld [tilespmem:$0x1FE60]  }
0x3af: {  	v7 =	vld [tilespmem:$0x1FE70]  }
0x3b0: {  	v8 =	vld [tilespmem:$0x1FE80]  }
0x3b1: {  	v9 =	vld [tilespmem:$0x1FE90]  }
0x3b2: {  	v10 =	vld [tilespmem:$0x1FEA0]  }
0x3b3: {  	v11 =	vld [tilespmem:$0x1FEB0]  }
0x3b4: {  	v12 =	vld [tilespmem:$0x1FEC0]  }
0x3b5: {  	v13 =	vld [tilespmem:$0x1FED0]  }
0x3b6: {  	v14 =	vld [tilespmem:$0x1FEE0]  }
0x3b7: {  	v15 =	vld [tilespmem:$0x1FEF0]  }
0x3b8: {  	v16 =	vld [tilespmem:$0x1FF00]  }
0x3b9: {  	v17 =	vld [tilespmem:$0x1FF10]  }
0x3ba: {  	v18 =	vld [tilespmem:$0x1FF20]  }
0x3bb: {  	v19 =	vld [tilespmem:$0x1FF30]  }
0x3bc: {  	v20 =	vld [tilespmem:$0x1FF40]  }
0x3bd: {  	v21 =	vld [tilespmem:$0x1FF50]  }
0x3be: {  	v22 =	vld [tilespmem:$0x1FF60]  }
0x3bf: {  	v23 =	vld [tilespmem:$0x1FF70]  }
0x3c0: {  	s28 =	rddreg [dreg:$0xd];
	v24 =	vld [tilespmem:$0x1FF80]  }
0x3c1: {  	s30 =	rddreg [dreg:$0xc];
	v25 =	vld [tilespmem:$0x1FF90];
	s28 =	sadd.s32 $0x1, s28  }
0x3c2: {  	v26 =	vld [tilespmem:$0x1FFA0];
	p0 =	sne.s32 s28, s30  }
.Ltmp9:
0x3c3: {  	v27 =	vld [tilespmem:$0x1FFB0];
	(pc) =	sbr.rel @p0 .LBB2_1-.Ltmp9, $4  }
0x3c4: {  	v28 =	vld [tilespmem:$0x1FFC0]  }
0x3c5: {  	v49 =	vld [tilespmem:$0x1FFD0]  }
0x3c6: {  	[sflag:s29] =	ssyncset.done $0x0;
	v50 =	vld [tilespmem:$0x1FFE0]  }
0x3c7: {  	v51 =	vld [tilespmem:$0x1FFF0];
	[sflag:s29] =	ssyncadd.s32 $0xFFFFFE00  }
0x3c8: {  	_ =	sfence.sel $0x180000  }
0x3c9: {  	[bflag:$0x0] =	sbarrier.arrive $0xFFFF  }
0x3ca: {  	_ =	strace $0x90000047  }
0x3cb: {  	s0 =	stileid.u32;
	[bflag:$0x2] =	sbarrier.arrive $0xFFFF  }
0x3cc: {  	p0 =	sne.s32 s0, $0x0;
	s0 =	rddreg [dreg:$0x6]  }
0x3cd: {  	s0 =	sadd.s32 @!p0 $0x100000, s0  }
0x3ce: {  	[sflag:s0] =	ssyncadd.tile.s32 @!p0 $0x1;
	_ =	shalt  }
.Lfunc_end2:
_tile_overlayer_lowered:
.L_overlay_start_2:
0x3cf: {  	(tag) =	ssettag $0x2  }
0x3d0: {  	s0 =	rddreg [dreg:$0x0];
	s2 =	stileid.u32  }
0x3d1: {  	s1 =	rddreg [dreg:$0x1];
	p0 =	sne.s32 s2, $0x0  }
0x3d2: {  	s3 =	rddreg [dreg:$0x2];
	[bflag:$0x3] =	sbarrier.arrive $0xFFFF;
	s2 =	simm.s32 @!p0 $0x1C03  }
0x3d3: {  	[timem:s3], [sflag:s2] =	dma.local @!p0 [hbm:s0], s1  }
0x3d4: {  	s0 =	simm.s32 @!p0 $0x3  }
0x3d5: {  	_ =	swait.ge @!p0 [sflag:s0], s1  }
0x3d6: {  	s1 =	ssub.s32 @!p0 $0x0, s1;
	[sflag:s0] =	ssyncset.done @!p0 $0x0  }
0x3d7: {  	[sflag:s0] =	ssyncadd.s32 @!p0 s1  }
0x3d8: {  	[bflag:$0x3] =	sbarrier.arrive $0xFFFF  }
0x3d9: {  	_ =	shalt  }

</sc_bundles>
